<compile_context>
chip_gen: v7x
topology: tpu7x:2x2x1
jax: 0.10.2.dev20260603
libtpu: 0.0.44.dev20260713+nightly
codegen_flags: <defaults>
</compile_context>

<pallas_src>
import functools

import jax
import jax.numpy as jnp
from jax import lax
from jax.experimental import pallas as pl
from jax.experimental.pallas import tpu as pltpu
from jax.experimental.pallas import tpu_sc as plsc

N = 50000
D = 64
DH = 32
E = 800000
NC = 2
NS = 16
NW = NC * NS
C = 128
BC = 2
CPW = ((E + NW * C - 1) // (NW * C))
EPW = CPW * C
E2 = EPW * NW
NCH = E2 // C
BCH = 4
NBLK = CPW // BCH
CPT = (E2 // C) // NS
NBLK2 = CPT // BC
PAD_N = 51200
RPT = PAD_N // NS
DUMMY = N
ZR = 64

_mesh = plsc.VectorSubcoreMesh(core_axis_name="c", subcore_axis_name="s",
                               num_cores=NC, num_subcores=NS)
_cparams = pltpu.CompilerParams(use_tc_tiling_on_sc=False)


def _fill(ref, rows, width, value):
    @pl.loop(0, rows)
    def _(i):
        @pl.loop(0, width, step=16)
        def _(c):
            ref.at[pl.ds(i, 1), pl.ds(c, 16)][...] = jnp.full(
                (1, 16), value, jnp.float32)


@functools.partial(
    pl.kernel,
    out_type=jax.ShapeDtypeStruct((NC, PAD_N, 16), jnp.float32),
    mesh=_mesh,
    scratch_types=[
        pltpu.VMEM_SHARED((PAD_N, 16), jnp.float32),
        pltpu.VMEM((BCH, C), jnp.int32),
        pltpu.VMEM((C, 16), jnp.float32),
        pltpu.VMEM((ZR, 16), jnp.float32),
    ],
    compiler_params=_cparams,
)
def _sc_degree(col_hbm, out_hbm, acc, colb, oneb, zerob):
    cid = lax.axis_index("c")
    sid = lax.axis_index("s")
    wid = sid * NC + cid
    _fill(zerob, ZR, 16, 0.0)
    _fill(oneb, C, 16, 1.0)
    rbase = sid * RPT

    @pl.loop(0, RPT, step=ZR)
    def _(r):
        pltpu.sync_copy(zerob, acc.at[pl.ds(rbase + r, ZR)])

    plsc.subcore_barrier()
    cbase = wid * CPW

    @pl.loop(0, NBLK)
    def _(b):
        pltpu.sync_copy(col_hbm.at[pl.ds(cbase + b * BCH, BCH)], colb)
        for j in range(BCH):
            pltpu.sync_copy(oneb, acc.at[colb.at[j]], add=True)

    plsc.subcore_barrier()
    pltpu.sync_copy(acc.at[pl.ds(rbase, RPT)],
                    out_hbm.at[cid, pl.ds(rbase, RPT)])


@functools.partial(
    pl.kernel,
    out_type=jax.ShapeDtypeStruct((NC, PAD_N, DH), jnp.float32),
    mesh=_mesh,
    scratch_types=[
        pltpu.VMEM_SHARED((PAD_N, DH), jnp.float32),
        pltpu.VMEM((BC, C), jnp.int32),
        pltpu.VMEM((BC, C), jnp.int32),
        pltpu.VMEM((BC * C, DH), jnp.float32),
        pltpu.VMEM((BC, C), jnp.int32),
        pltpu.VMEM((BC, C), jnp.int32),
        pltpu.VMEM((BC * C, DH), jnp.float32),
        pltpu.VMEM((ZR, DH), jnp.float32),
        pltpu.SemaphoreType.DMA,
        pltpu.SemaphoreType.DMA,
    ],
    compiler_params=_cparams,
)
def _sc_propagate(ya_hbm, yb_hbm, row_hbm, col_hbm, out_hbm,
                  acc, rowb0, colb0, gbuf0, rowb1, colb1, gbuf1,
                  zerob, sem0, sem1):
    cid = lax.axis_index("c")
    sid = lax.axis_index("s")
    _fill(zerob, ZR, DH, 0.0)
    rbase = sid * RPT

    @pl.loop(0, RPT, step=ZR)
    def _(r):
        pltpu.sync_copy(zerob, acc.at[pl.ds(rbase + r, ZR)])

    plsc.subcore_barrier()
    cbase = sid * CPT
    sets = ((rowb0, colb0, gbuf0, sem0), (rowb1, colb1, gbuf1, sem1))

    def run(y_hbm):
        def fire(b, s):
            rowb, colb, gbuf, sem = sets[s]
            pltpu.sync_copy(row_hbm.at[pl.ds(cbase + b * BC, BC)], rowb)
            pltpu.sync_copy(col_hbm.at[pl.ds(cbase + b * BC, BC)], colb)
            for j in range(BC):
                pltpu.async_copy(y_hbm.at[rowb.at[j]],
                                 gbuf.at[pl.ds(j * C, C)], sem)

        def drain(s):
            rowb, colb, gbuf, sem = sets[s]
            for j in range(BC):
                pltpu.make_async_copy(y_hbm.at[rowb.at[j]],
                                      gbuf.at[pl.ds(j * C, C)], sem).wait()
            for j in range(BC):
                pltpu.sync_copy(gbuf.at[pl.ds(j * C, C)],
                                acc.at[colb.at[j]], add=True)

        assert NBLK2 % 2 == 0
        fire(0, 0)

        @pl.loop(0, NBLK2 // 2 - 1)
        def _(k):
            b = 2 * k
            fire(b + 1, 1)
            drain(0)
            fire(b + 2, 0)
            drain(1)

        fire(NBLK2 - 1, 1)
        drain(0)
        drain(1)

    @pl.when(cid == 0)
    def _():
        run(ya_hbm)

    @pl.when(cid == 1)
    def _():
        run(yb_hbm)

    plsc.subcore_barrier()
    pltpu.sync_copy(acc.at[pl.ds(rbase, RPT)],
                    out_hbm.at[cid, pl.ds(rbase, RPT)])


def kernel(x, edge_index):
    row = edge_index[0]
    col = edge_index[1]
    pad = E2 - E
    rowp = jnp.concatenate(
        [row, jnp.zeros((pad,), jnp.int32)]).reshape(NCH, C)
    colp = jnp.concatenate(
        [col, jnp.full((pad,), DUMMY, jnp.int32)]).reshape(NCH, C)

    degp = _sc_degree(colp)
    deg = degp[0, :N, 0] + degp[1, :N, 0]
    dis = jnp.where(deg > 0, lax.rsqrt(jnp.maximum(deg, 1.0)), 0.0)
    d1 = dis[:, None]
    d2 = d1 * d1

    xa = x[:, :DH]
    xb = x[:, DH:]
    t1 = _sc_propagate(d1 * xa, d1 * xb, rowp, colp)
    t1a = t1[0, :N]
    t1b = t1[1, :N]
    t2 = _sc_propagate(d2 * t1a, d2 * t1b, rowp, colp)
    e2a = d1 * t2[0, :N]
    e2b = d1 * t2[1, :N]
    outa = (xa + d1 * t1a + e2a) * (1.0 / 3.0)
    outb = (xb + d1 * t1b + e2b) * (1.0 / 3.0)
    return jnp.concatenate([outa, outb], axis=1)

# --- scband reference (transcript-rebuilt; emitter-appended) ---
"""Pipeline reference for scband-sim-gcl-68410239091163 (READ-ONLY COPY).

The authoritative reference and input builder live on the scoring server;
editing this copy changes nothing except your own understanding.
"""

import jax, jax.numpy as jnp
import numpy as np

N = 50000
E = 800000
D = 64


def setup_inputs(seed: int = 0) -> dict:
    key = jax.random.key(seed)
    k1, k2 = jax.random.split(key)
    x = jax.random.normal(k1, (N, D), dtype=jnp.float32)
    edge_index = jax.random.randint(k2, (2, E), 0, N, dtype=jnp.int32)
    return {"x": x, "edge_index": edge_index}


def _lgconv(x, edge_index):
    # PyG LGConv: gcn_norm without self-loops, then scatter-add propagation
    row = edge_index[0]
    col = edge_index[1]
    n = x.shape[0]
    edge_weight = jnp.ones((edge_index.shape[1],), dtype=x.dtype)
    deg = jnp.zeros((n,), dtype=x.dtype).at[col].add(edge_weight)
    deg_inv_sqrt = jnp.where(deg > 0, 1.0 / jnp.sqrt(jnp.where(deg > 0, deg, 1.0)), 0.0)
    norm = deg_inv_sqrt[row] * edge_weight * deg_inv_sqrt[col]
    msgs = norm[:, None] * jnp.take(x, row, axis=0)
    out = jnp.zeros_like(x).at[col].add(msgs)
    return out


def reference(x, edge_index):
    # SimGCL.forward with perturbed=False, return_all_emb=False
    emb_0 = x
    emb_1 = _lgconv(emb_0, edge_index)
    emb_2 = _lgconv(emb_1, edge_index)
    all_embs = jnp.stack([emb_0, emb_1, emb_2], axis=1)
    out = jnp.mean(all_embs, axis=1)
    return out

if __name__ == "__main__":
    import jax
    _d = setup_inputs()
    print(jax.jit(kernel)(*tuple(_d.values())))

</pallas_src>

<mosaic_0001>
#map = affine_map<(d0, d1) -> (0, 0)>
#map1 = affine_map<(d0, d1) -> (0, 0, 0)>
module attributes {stable_mosaic.version = 14 : i64} {
  func.func @_sc_propagate(%arg0: i32, %arg1: i32, %arg2: memref<50000x32xf32, #tpu.memory_space<hbm>>, %arg3: memref<50000x32xf32, #tpu.memory_space<hbm>>, %arg4: memref<6272x128xi32, #tpu.memory_space<hbm>>, %arg5: memref<6272x128xi32, #tpu.memory_space<hbm>>, %arg6: memref<2x51200x32xf32, #tpu.memory_space<hbm>>, %arg7: memref<51200x32xf32, #tpu.memory_space<vmem_shared>>, %arg8: memref<2x128xi32, #tpu.memory_space<vmem>>, %arg9: memref<2x128xi32, #tpu.memory_space<vmem>>, %arg10: memref<256x32xf32, #tpu.memory_space<vmem>>, %arg11: memref<2x128xi32, #tpu.memory_space<vmem>>, %arg12: memref<2x128xi32, #tpu.memory_space<vmem>>, %arg13: memref<256x32xf32, #tpu.memory_space<vmem>>, %arg14: memref<64x32xf32, #tpu.memory_space<vmem>>, %arg15: memref<!tpu.dma_semaphore, #tpu.memory_space<semaphore_mem>>, %arg16: memref<!tpu.dma_semaphore, #tpu.memory_space<semaphore_mem>>) attributes {dimension_semantics = [#tpu.dimension_semantics<core_parallel>, #tpu.dimension_semantics<subcore_parallel>], iteration_bounds = array<i64: 2, 16>, scalar_prefetch = 0 : i64, scratch_operands = 10 : i64, tpu.core_type = #tpu.core_type<sc_vector_subcore>, window_params = [{transform_indices = #map}, {transform_indices = #map}, {transform_indices = #map}, {transform_indices = #map}, {transform_indices = #map1}]} {
    %scan3A = arith.constant 0 : i32
    %scan3A_0 = arith.constant 64 : i32
    %scan3A_1 = arith.addi %scan3A, %scan3A_0 : i32
    %scan3A_2 = arith.constant 1 : i32
    scf.for %scan3A_20 = %scan3A to %scan3A_1 step %scan3A_2  : i32 {
      %mul3A_21 = arith.constant 1 : i32
      %mul3A_22 = arith.muli %scan3A_20, %mul3A_21 : i32
      %add3A = arith.constant 0 : i32
      %add3A_23 = arith.addi %add3A, %mul3A_22 : i32
      %scan3A_24 = arith.constant 0 : i32
      %scan3A_25 = arith.constant 2 : i32
      %scan3A_26 = arith.addi %scan3A_24, %scan3A_25 : i32
      %scan3A_27 = arith.constant 1 : i32
      scf.for %scan3A_29 = %scan3A_24 to %scan3A_26 step %scan3A_27  : i32 {
        %mul3A_30 = arith.constant 16 : i32
        %mul3A_31 = arith.muli %scan3A_29, %mul3A_30 : i32
        %add3A_32 = arith.constant 0 : i32
        %add3A_33 = arith.addi %add3A_32, %mul3A_31 : i32
        %broadcast_in_dim3A = arith.constant 0.000000e+00 : f32
        %broadcast_in_dim3A_34 = vector.broadcast %broadcast_in_dim3A : f32 to vector<1x16xf32>
        %swap3A = arith.index_cast %add3A_23 : i32 to index
        %swap3A_35 = arith.index_cast %add3A_33 : i32 to index
        %swap3A_36 = tpu.vector_load %arg14[%swap3A, %swap3A_35] {strides = array<i32>} : memref<64x32xf32, #tpu.memory_space<vmem>>, vector<1x16xf32>,
        %swap3A_37 = vector.shape_cast %swap3A_36 : vector<1x16xf32> to vector<1x16xf32>
        %swap3A_38 = vector.shape_cast %broadcast_in_dim3A_34 : vector<1x16xf32> to vector<1x16xf32>
        tpu.vector_store %arg14[%swap3A, %swap3A_35], %swap3A_38 {strides = array<i32>} : memref<64x32xf32, #tpu.memory_space<vmem>>, vector<1x16xf32>,
      }
      %scan3A_28 = arith.constant 2 : i32
    }
    %scan3A_3 = arith.constant 64 : i32
    %mul3A = arith.constant 3200 : i32
    %mul3A_4 = arith.muli %arg1, %mul3A : i32
    %scan3A_5 = arith.constant 0 : i32
    %scan3A_6 = arith.constant 50 : i32
    %scan3A_7 = arith.addi %scan3A_5, %scan3A_6 : i32
    %scan3A_8 = arith.constant 1 : i32
    scf.for %scan3A_20 = %scan3A_5 to %scan3A_7 step %scan3A_8  : i32 {
      %mul3A_21 = arith.constant 64 : i32
      %mul3A_22 = arith.muli %scan3A_20, %mul3A_21 : i32
      %add3A = arith.constant 0 : i32
      %add3A_23 = arith.addi %add3A, %mul3A_22 : i32
      %add3A_24 = arith.addi %mul3A_4, %add3A_23 : i32
      "tpu.region"() ({
        %run_scoped3A = tpu.sem_alloc : memref<!tpu.dma_semaphore, #tpu.memory_space<semaphore_mem>>
        %dma_start3A = arith.constant 0 : i32
        %dma_start3A_25 = tpu.memref_slice %arg7[%add3A_24, %dma_start3A] : memref<51200x32xf32, #tpu.memory_space<vmem_shared>> -> memref<64x32xf32, #tpu.memory_space<vmem_shared>>
        %dma_start3A_26 = arith.constant 0 : i32
        %dma_start3A_27 = tpu.memref_slice %arg7[%add3A_24, %dma_start3A_26] : memref<51200x32xf32, #tpu.memory_space<vmem_shared>> -> memref<64x32xf32, #tpu.memory_space<vmem_shared>>
        tpu.enqueue_dma source(%arg14 : memref<64x32xf32, #tpu.memory_space<vmem>>) target(%dma_start3A_27 : memref<64x32xf32, #tpu.memory_space<vmem_shared>>) target_semaphore(%run_scoped3A : memref<!tpu.dma_semaphore, #tpu.memory_space<semaphore_mem>>)
        %dma_wait3A = arith.constant 0 : i32
        %dma_wait3A_28 = tpu.memref_slice %arg7[%add3A_24, %dma_wait3A] : memref<51200x32xf32, #tpu.memory_space<vmem_shared>> -> memref<64x32xf32, #tpu.memory_space<vmem_shared>>
        %dma_wait3A_29 = arith.constant 0 : i32
        %dma_wait3A_30 = tpu.memref_slice %arg7[%add3A_24, %dma_wait3A_29] : memref<51200x32xf32, #tpu.memory_space<vmem_shared>> -> memref<64x32xf32, #tpu.memory_space<vmem_shared>>
        tpu.wait_dma2 semaphore(%run_scoped3A : memref<!tpu.dma_semaphore, #tpu.memory_space<semaphore_mem>>) src(%arg14 : memref<64x32xf32, #tpu.memory_space<vmem>>) dst(%dma_wait3A_30 : memref<64x32xf32, #tpu.memory_space<vmem_shared>>)
        tpu.yield
      }) : () -> ()
    }
    %scan3A_9 = arith.constant 50 : i32
    %barrier3A = arith.constant 0 : index
    tpu.barrier barrier_id(%barrier3A)
    %mul3A_10 = arith.constant 392 : i32
    %mul3A_11 = arith.muli %arg1, %mul3A_10 : i32
    %eq3A = arith.constant 0 : i32
    %eq3A_12 = arith.cmpi eq, %arg0, %eq3A : i32
    %convert_element_type3A = arith.extui %eq3A_12 : i1 to i32
    %cond3A = arith.constant 0 : i32
    %cond3A_13 = arith.cmpi ne, %convert_element_type3A, %cond3A : i32
    scf.if %cond3A_13 {
      %add3A = arith.constant 0 : i32
      %add3A_20 = arith.addi %mul3A_11, %add3A : i32
      "tpu.region"() ({
        %run_scoped3A_113 = tpu.sem_alloc : memref<!tpu.dma_semaphore, #tpu.memory_space<semaphore_mem>>
        %dma_start3A_114 = arith.constant 0 : i32
        %dma_start3A_115 = tpu.memref_slice %arg4[%add3A_20, %dma_start3A_114] : memref<6272x128xi32, #tpu.memory_space<hbm>> -> memref<2x128xi32, #tpu.memory_space<hbm>>
        %dma_start3A_116 = arith.constant 0 : i32
        %dma_start3A_117 = tpu.memref_slice %arg4[%add3A_20, %dma_start3A_116] : memref<6272x128xi32, #tpu.memory_space<hbm>> -> memref<2x128xi32, #tpu.memory_space<hbm>>
        tpu.enqueue_dma source(%dma_start3A_117 : memref<2x128xi32, #tpu.memory_space<hbm>>) target(%arg8 : memref<2x128xi32, #tpu.memory_space<vmem>>) target_semaphore(%run_scoped3A_113 : memref<!tpu.dma_semaphore, #tpu.memory_space<semaphore_mem>>)
        %dma_wait3A_118 = arith.constant 0 : i32
        %dma_wait3A_119 = tpu.memref_slice %arg4[%add3A_20, %dma_wait3A_118] : memref<6272x128xi32, #tpu.memory_space<hbm>> -> memref<2x128xi32, #tpu.memory_space<hbm>>
        %dma_wait3A_120 = arith.constant 0 : i32
        %dma_wait3A_121 = tpu.memref_slice %arg4[%add3A_20, %dma_wait3A_120] : memref<6272x128xi32, #tpu.memory_space<hbm>> -> memref<2x128xi32, #tpu.memory_space<hbm>>
        tpu.wait_dma2 semaphore(%run_scoped3A_113 : memref<!tpu.dma_semaphore, #tpu.memory_space<semaphore_mem>>) src(%dma_wait3A_121 : memref<2x128xi32, #tpu.memory_space<hbm>>) dst(%arg8 : memref<2x128xi32, #tpu.memory_space<vmem>>)
        tpu.yield
      }) : () -> ()
      %add3A_21 = arith.constant 0 : i32
      %add3A_22 = arith.addi %mul3A_11, %add3A_21 : i32
      "tpu.region"() ({
        %run_scoped3A_113 = tpu.sem_alloc : memref<!tpu.dma_semaphore, #tpu.memory_space<semaphore_mem>>
        %dma_start3A_114 = arith.constant 0 : i32
        %dma_start3A_115 = tpu.memref_slice %arg5[%add3A_22, %dma_start3A_114] : memref<6272x128xi32, #tpu.memory_space<hbm>> -> memref<2x128xi32, #tpu.memory_space<hbm>>
        %dma_start3A_116 = arith.constant 0 : i32
        %dma_start3A_117 = tpu.memref_slice %arg5[%add3A_22, %dma_start3A_116] : memref<6272x128xi32, #tpu.memory_space<hbm>> -> memref<2x128xi32, #tpu.memory_space<hbm>>
        tpu.enqueue_dma source(%dma_start3A_117 : memref<2x128xi32, #tpu.memory_space<hbm>>) target(%arg9 : memref<2x128xi32, #tpu.memory_space<vmem>>) target_semaphore(%run_scoped3A_113 : memref<!tpu.dma_semaphore, #tpu.memory_space<semaphore_mem>>)
        %dma_wait3A_118 = arith.constant 0 : i32
        %dma_wait3A_119 = tpu.memref_slice %arg5[%add3A_22, %dma_wait3A_118] : memref<6272x128xi32, #tpu.memory_space<hbm>> -> memref<2x128xi32, #tpu.memory_space<hbm>>
        %dma_wait3A_120 = arith.constant 0 : i32
        %dma_wait3A_121 = tpu.memref_slice %arg5[%add3A_22, %dma_wait3A_120] : memref<6272x128xi32, #tpu.memory_space<hbm>> -> memref<2x128xi32, #tpu.memory_space<hbm>>
        tpu.wait_dma2 semaphore(%run_scoped3A_113 : memref<!tpu.dma_semaphore, #tpu.memory_space<semaphore_mem>>) src(%dma_wait3A_121 : memref<2x128xi32, #tpu.memory_space<hbm>>) dst(%arg9 : memref<2x128xi32, #tpu.memory_space<vmem>>)
        tpu.yield
      }) : () -> ()
      %dma_start3A = arith.constant 0 : i32
      %dma_start3A_23 = arith.constant 0 : i32
      %dma_start3A_24 = arith.constant 0 : i32
      %dma_start3A_25 = tpu.memref_slice %arg10[%dma_start3A_23, %dma_start3A_24] : memref<256x32xf32, #tpu.memory_space<vmem>> -> memref<128x32xf32, #tpu.memory_space<vmem>>
      %dma_start3A_26 = arith.constant 0 : i32
      %dma_start3A_27 = tpu.memref_slice %arg8[%dma_start3A, %dma_start3A_26] : memref<2x128xi32, #tpu.memory_space<vmem>> -> memref<1x128xi32, #tpu.memory_space<vmem>>
      %dma_start3A_28 = tpu.memref_squeeze %dma_start3A_27 : memref<1x128xi32, #tpu.memory_space<vmem>> -> memref<128xi32, #tpu.memory_space<vmem>>
      %dma_start3A_29 = arith.constant 0 : i32
      %dma_start3A_30 = arith.constant 0 : i32
      %dma_start3A_31 = tpu.memref_slice %arg2[%dma_start3A_29, %dma_start3A_30] : memref<50000x32xf32, #tpu.memory_space<hbm>> -> memref<50000x32xf32, #tpu.memory_space<hbm>>
      tpu.enqueue_indirect_dma source(%dma_start3A_31 : memref<50000x32xf32, #tpu.memory_space<hbm>>) target(%dma_start3A_25 : memref<128x32xf32, #tpu.memory_space<vmem>>) offsets(%dma_start3A_28 : memref<128xi32, #tpu.memory_space<vmem>>) semaphore(%arg15 : memref<!tpu.dma_semaphore, #tpu.memory_space<semaphore_mem>>)
      %dma_start3A_32 = arith.constant 1 : i32
      %dma_start3A_33 = arith.constant 128 : i32
      %dma_start3A_34 = arith.constant 0 : i32
      %dma_start3A_35 = tpu.memref_slice %arg10[%dma_start3A_33, %dma_start3A_34] : memref<256x32xf32, #tpu.memory_space<vmem>> -> memref<128x32xf32, #tpu.memory_space<vmem>>
      %dma_start3A_36 = arith.constant 0 : i32
      %dma_start3A_37 = tpu.memref_slice %arg8[%dma_start3A_32, %dma_start3A_36] : memref<2x128xi32, #tpu.memory_space<vmem>> -> memref<1x128xi32, #tpu.memory_space<vmem>>
      %dma_start3A_38 = tpu.memref_squeeze %dma_start3A_37 : memref<1x128xi32, #tpu.memory_space<vmem>> -> memref<128xi32, #tpu.memory_space<vmem>>
      %dma_start3A_39 = arith.constant 0 : i32
      %dma_start3A_40 = arith.constant 0 : i32
      %dma_start3A_41 = tpu.memref_slice %arg2[%dma_start3A_39, %dma_start3A_40] : memref<50000x32xf32, #tpu.memory_space<hbm>> -> memref<50000x32xf32, #tpu.memory_space<hbm>>
      tpu.enqueue_indirect_dma source(%dma_start3A_41 : memref<50000x32xf32, #tpu.memory_space<hbm>>) target(%dma_start3A_35 : memref<128x32xf32, #tpu.memory_space<vmem>>) offsets(%dma_start3A_38 : memref<128xi32, #tpu.memory_space<vmem>>) semaphore(%arg15 : memref<!tpu.dma_semaphore, #tpu.memory_space<semaphore_mem>>)
      %scan3A_42 = arith.constant 0 : i32
      %scan3A_43 = arith.constant 97 : i32
      %scan3A_44 = arith.addi %scan3A_42, %scan3A_43 : i32
      %scan3A_45 = arith.constant 1 : i32
      scf.for %scan3A_113 = %scan3A_42 to %scan3A_44 step %scan3A_45  : i32 {
        %mul3A_114 = arith.constant 1 : i32
        %mul3A_115 = arith.muli %scan3A_113, %mul3A_114 : i32
        %add3A_116 = arith.constant 0 : i32
        %add3A_117 = arith.addi %add3A_116, %mul3A_115 : i32
        %mul3A_118 = arith.constant 2 : i32
        %mul3A_119 = arith.muli %mul3A_118, %add3A_117 : i32
        %add3A_120 = arith.constant 1 : i32
        %add3A_121 = arith.addi %mul3A_119, %add3A_120 : i32
        %mul3A_122 = arith.constant 2 : i32
        %mul3A_123 = arith.muli %add3A_121, %mul3A_122 : i32
        %add3A_124 = arith.addi %mul3A_11, %mul3A_123 : i32
        "tpu.region"() ({
          %run_scoped3A_220 = tpu.sem_alloc : memref<!tpu.dma_semaphore, #tpu.memory_space<semaphore_mem>>
          %dma_start3A_221 = arith.constant 0 : i32
          %dma_start3A_222 = tpu.memref_slice %arg4[%add3A_124, %dma_start3A_221] : memref<6272x128xi32, #tpu.memory_space<hbm>> -> memref<2x128xi32, #tpu.memory_space<hbm>>
          %dma_start3A_223 = arith.constant 0 : i32
          %dma_start3A_224 = tpu.memref_slice %arg4[%add3A_124, %dma_start3A_223] : memref<6272x128xi32, #tpu.memory_space<hbm>> -> memref<2x128xi32, #tpu.memory_space<hbm>>
          tpu.enqueue_dma source(%dma_start3A_224 : memref<2x128xi32, #tpu.memory_space<hbm>>) target(%arg11 : memref<2x128xi32, #tpu.memory_space<vmem>>) target_semaphore(%run_scoped3A_220 : memref<!tpu.dma_semaphore, #tpu.memory_space<semaphore_mem>>)
          %dma_wait3A_225 = arith.constant 0 : i32
          %dma_wait3A_226 = tpu.memref_slice %arg4[%add3A_124, %dma_wait3A_225] : memref<6272x128xi32, #tpu.memory_space<hbm>> -> memref<2x128xi32, #tpu.memory_space<hbm>>
          %dma_wait3A_227 = arith.constant 0 : i32
          %dma_wait3A_228 = tpu.memref_slice %arg4[%add3A_124, %dma_wait3A_227] : memref<6272x128xi32, #tpu.memory_space<hbm>> -> memref<2x128xi32, #tpu.memory_space<hbm>>
          tpu.wait_dma2 semaphore(%run_scoped3A_220 : memref<!tpu.dma_semaphore, #tpu.memory_space<semaphore_mem>>) src(%dma_wait3A_228 : memref<2x128xi32, #tpu.memory_space<hbm>>) dst(%arg11 : memref<2x128xi32, #tpu.memory_space<vmem>>)
          tpu.yield
        }) : () -> ()
        %mul3A_125 = arith.constant 2 : i32
        %mul3A_126 = arith.muli %add3A_121, %mul3A_125 : i32
        %add3A_127 = arith.addi %mul3A_11, %mul3A_126 : i32
        "tpu.region"() ({
          %run_scoped3A_220 = tpu.sem_alloc : memref<!tpu.dma_semaphore, #tpu.memory_space<semaphore_mem>>
          %dma_start3A_221 = arith.constant 0 : i32
          %dma_start3A_222 = tpu.memref_slice %arg5[%add3A_127, %dma_start3A_221] : memref<6272x128xi32, #tpu.memory_space<hbm>> -> memref<2x128xi32, #tpu.memory_space<hbm>>
          %dma_start3A_223 = arith.constant 0 : i32
          %dma_start3A_224 = tpu.memref_slice %arg5[%add3A_127, %dma_start3A_223] : memref<6272x128xi32, #tpu.memory_space<hbm>> -> memref<2x128xi32, #tpu.memory_space<hbm>>
          tpu.enqueue_dma source(%dma_start3A_224 : memref<2x128xi32, #tpu.memory_space<hbm>>) target(%arg12 : memref<2x128xi32, #tpu.memory_space<vmem>>) target_semaphore(%run_scoped3A_220 : memref<!tpu.dma_semaphore, #tpu.memory_space<semaphore_mem>>)
          %dma_wait3A_225 = arith.constant 0 : i32
          %dma_wait3A_226 = tpu.memref_slice %arg5[%add3A_127, %dma_wait3A_225] : memref<6272x128xi32, #tpu.memory_space<hbm>> -> memref<2x128xi32, #tpu.memory_space<hbm>>
          %dma_wait3A_227 = arith.constant 0 : i32
          %dma_wait3A_228 = tpu.memref_slice %arg5[%add3A_127, %dma_wait3A_227] : memref<6272x128xi32, #tpu.memory_space<hbm>> -> memref<2x128xi32, #tpu.memory_space<hbm>>
          tpu.wait_dma2 semaphore(%run_scoped3A_220 : memref<!tpu.dma_semaphore, #tpu.memory_space<semaphore_mem>>) src(%dma_wait3A_228 : memref<2x128xi32, #tpu.memory_space<hbm>>) dst(%arg12 : memref<2x128xi32, #tpu.memory_space<vmem>>)
          tpu.yield
        }) : () -> ()
        %dma_start3A_128 = arith.constant 0 : i32
        %dma_start3A_129 = arith.constant 0 : i32
        %dma_start3A_130 = arith.constant 0 : i32
        %dma_start3A_131 = tpu.memref_slice %arg13[%dma_start3A_129, %dma_start3A_130] : memref<256x32xf32, #tpu.memory_space<vmem>> -> memref<128x32xf32, #tpu.memory_space<vmem>>
        %dma_start3A_132 = arith.constant 0 : i32
        %dma_start3A_133 = tpu.memref_slice %arg11[%dma_start3A_128, %dma_start3A_132] : memref<2x128xi32, #tpu.memory_space<vmem>> -> memref<1x128xi32, #tpu.memory_space<vmem>>
        %dma_start3A_134 = tpu.memref_squeeze %dma_start3A_133 : memref<1x128xi32, #tpu.memory_space<vmem>> -> memref<128xi32, #tpu.memory_space<vmem>>
        %dma_start3A_135 = arith.constant 0 : i32
        %dma_start3A_136 = arith.constant 0 : i32
        %dma_start3A_137 = tpu.memref_slice %arg2[%dma_start3A_135, %dma_start3A_136] : memref<50000x32xf32, #tpu.memory_space<hbm>> -> memref<50000x32xf32, #tpu.memory_space<hbm>>
        tpu.enqueue_indirect_dma source(%dma_start3A_137 : memref<50000x32xf32, #tpu.memory_space<hbm>>) target(%dma_start3A_131 : memref<128x32xf32, #tpu.memory_space<vmem>>) offsets(%dma_start3A_134 : memref<128xi32, #tpu.memory_space<vmem>>) semaphore(%arg16 : memref<!tpu.dma_semaphore, #tpu.memory_space<semaphore_mem>>)
        %dma_start3A_138 = arith.constant 1 : i32
        %dma_start3A_139 = arith.constant 128 : i32
        %dma_start3A_140 = arith.constant 0 : i32
        %dma_start3A_141 = tpu.memref_slice %arg13[%dma_start3A_139, %dma_start3A_140] : memref<256x32xf32, #tpu.memory_space<vmem>> -> memref<128x32xf32, #tpu.memory_space<vmem>>
        %dma_start3A_142 = arith.constant 0 : i32
        %dma_start3A_143 = tpu.memref_slice %arg11[%dma_start3A_138, %dma_start3A_142] : memref<2x128xi32, #tpu.memory_space<vmem>> -> memref<1x128xi32, #tpu.memory_space<vmem>>
        %dma_start3A_144 = tpu.memref_squeeze %dma_start3A_143 : memref<1x128xi32, #tpu.memory_space<vmem>> -> memref<128xi32, #tpu.memory_space<vmem>>
        %dma_start3A_145 = arith.constant 0 : i32
        %dma_start3A_146 = arith.constant 0 : i32
        %dma_start3A_147 = tpu.memref_slice %arg2[%dma_start3A_145, %dma_start3A_146] : memref<50000x32xf32, #tpu.memory_space<hbm>> -> memref<50000x32xf32, #tpu.memory_space<hbm>>
        tpu.enqueue_indirect_dma source(%dma_start3A_147 : memref<50000x32xf32, #tpu.memory_space<hbm>>) target(%dma_start3A_141 : memref<128x32xf32, #tpu.memory_space<vmem>>) offsets(%dma_start3A_144 : memref<128xi32, #tpu.memory_space<vmem>>) semaphore(%arg16 : memref<!tpu.dma_semaphore, #tpu.memory_space<semaphore_mem>>)
        %dma_wait3A_148 = arith.constant 0 : i32
        %dma_wait3A_149 = arith.constant 0 : i32
        %dma_wait3A_150 = arith.constant 0 : i32
        %dma_wait3A_151 = tpu.memref_slice %arg10[%dma_wait3A_149, %dma_wait3A_150] : memref<256x32xf32, #tpu.memory_space<vmem>> -> memref<128x32xf32, #tpu.memory_space<vmem>>
        %dma_wait3A_152 = arith.constant 0 : i32
        %dma_wait3A_153 = tpu.memref_slice %arg8[%dma_wait3A_148, %dma_wait3A_152] : memref<2x128xi32, #tpu.memory_space<vmem>> -> memref<1x128xi32, #tpu.memory_space<vmem>>
        %dma_wait3A_154 = tpu.memref_squeeze %dma_wait3A_153 : memref<1x128xi32, #tpu.memory_space<vmem>> -> memref<128xi32, #tpu.memory_space<vmem>>
        %dma_wait3A_155 = arith.constant 0 : i32
        %dma_wait3A_156 = arith.constant 0 : i32
        %dma_wait3A_157 = tpu.memref_slice %arg2[%dma_wait3A_155, %dma_wait3A_156] : memref<50000x32xf32, #tpu.memory_space<hbm>> -> memref<50000x32xf32, #tpu.memory_space<hbm>>
        tpu.wait_indirect_dma semaphore(%arg15 : memref<!tpu.dma_semaphore, #tpu.memory_space<semaphore_mem>>) src(%dma_wait3A_157 : memref<50000x32xf32, #tpu.memory_space<hbm>>) dst(%dma_wait3A_151 : memref<128x32xf32, #tpu.memory_space<vmem>>)
        %dma_wait3A_158 = arith.constant 1 : i32
        %dma_wait3A_159 = arith.constant 128 : i32
        %dma_wait3A_160 = arith.constant 0 : i32
        %dma_wait3A_161 = tpu.memref_slice %arg10[%dma_wait3A_159, %dma_wait3A_160] : memref<256x32xf32, #tpu.memory_space<vmem>> -> memref<128x32xf32, #tpu.memory_space<vmem>>
        %dma_wait3A_162 = arith.constant 0 : i32
        %dma_wait3A_163 = tpu.memref_slice %arg8[%dma_wait3A_158, %dma_wait3A_162] : memref<2x128xi32, #tpu.memory_space<vmem>> -> memref<1x128xi32, #tpu.memory_space<vmem>>
        %dma_wait3A_164 = tpu.memref_squeeze %dma_wait3A_163 : memref<1x128xi32, #tpu.memory_space<vmem>> -> memref<128xi32, #tpu.memory_space<vmem>>
        %dma_wait3A_165 = arith.constant 0 : i32
        %dma_wait3A_166 = arith.constant 0 : i32
        %dma_wait3A_167 = tpu.memref_slice %arg2[%dma_wait3A_165, %dma_wait3A_166] : memref<50000x32xf32, #tpu.memory_space<hbm>> -> memref<50000x32xf32, #tpu.memory_space<hbm>>
        tpu.wait_indirect_dma semaphore(%arg15 : memref<!tpu.dma_semaphore, #tpu.memory_space<semaphore_mem>>) src(%dma_wait3A_167 : memref<50000x32xf32, #tpu.memory_space<hbm>>) dst(%dma_wait3A_161 : memref<128x32xf32, #tpu.memory_space<vmem>>)
        %run_scoped3A_168 = arith.constant 0 : i32
        "tpu.region"() ({
          %run_scoped3A_220 = tpu.sem_alloc : memref<!tpu.dma_semaphore, #tpu.memory_space<semaphore_mem>>
          %dma_start3A_221 = arith.constant 0 : i32
          %dma_start3A_222 = arith.constant 0 : i32
          %dma_start3A_223 = tpu.memref_slice %arg10[%dma_start3A_221, %dma_start3A_222] : memref<256x32xf32, #tpu.memory_space<vmem>> -> memref<128x32xf32, #tpu.memory_space<vmem>>
          %dma_start3A_224 = arith.constant 0 : i32
          %dma_start3A_225 = tpu.memref_slice %arg9[%run_scoped3A_168, %dma_start3A_224] : memref<2x128xi32, #tpu.memory_space<vmem>> -> memref<1x128xi32, #tpu.memory_space<vmem>>
          %dma_start3A_226 = tpu.memref_squeeze %dma_start3A_225 : memref<1x128xi32, #tpu.memory_space<vmem>> -> memref<128xi32, #tpu.memory_space<vmem>>
          %dma_start3A_227 = arith.constant 0 : i32
          %dma_start3A_228 = arith.constant 0 : i32
          %dma_start3A_229 = tpu.memref_slice %arg7[%dma_start3A_227, %dma_start3A_228] : memref<51200x32xf32, #tpu.memory_space<vmem_shared>> -> memref<51200x32xf32, #tpu.memory_space<vmem_shared>>
          tpu.enqueue_indirect_dma source(%dma_start3A_223 : memref<128x32xf32, #tpu.memory_space<vmem>>) target(%dma_start3A_229 : memref<51200x32xf32, #tpu.memory_space<vmem_shared>>) offsets(%dma_start3A_226 : memref<128xi32, #tpu.memory_space<vmem>>) semaphore(%run_scoped3A_220 : memref<!tpu.dma_semaphore, #tpu.memory_space<semaphore_mem>>) {add = true}
          %dma_wait3A_230 = arith.constant 0 : i32
          %dma_wait3A_231 = arith.constant 0 : i32
          %dma_wait3A_232 = tpu.memref_slice %arg10[%dma_wait3A_230, %dma_wait3A_231] : memref<256x32xf32, #tpu.memory_space<vmem>> -> memref<128x32xf32, #tpu.memory_space<vmem>>
          %dma_wait3A_233 = arith.constant 0 : i32
          %dma_wait3A_234 = tpu.memref_slice %arg9[%run_scoped3A_168, %dma_wait3A_233] : memref<2x128xi32, #tpu.memory_space<vmem>> -> memref<1x128xi32, #tpu.memory_space<vmem>>
          %dma_wait3A_235 = tpu.memref_squeeze %dma_wait3A_234 : memref<1x128xi32, #tpu.memory_space<vmem>> -> memref<128xi32, #tpu.memory_space<vmem>>
          %dma_wait3A_236 = arith.constant 0 : i32
          %dma_wait3A_237 = arith.constant 0 : i32
          %dma_wait3A_238 = tpu.memref_slice %arg7[%dma_wait3A_236, %dma_wait3A_237] : memref<51200x32xf32, #tpu.memory_space<vmem_shared>> -> memref<51200x32xf32, #tpu.memory_space<vmem_shared>>
          tpu.wait_indirect_dma semaphore(%run_scoped3A_220 : memref<!tpu.dma_semaphore, #tpu.memory_space<semaphore_mem>>) src(%dma_wait3A_232 : memref<128x32xf32, #tpu.memory_space<vmem>>) dst(%dma_wait3A_238 : memref<51200x32xf32, #tpu.memory_space<vmem_shared>>)
          tpu.yield
        }) : () -> ()
        %run_scoped3A_169 = arith.constant 1 : i32
        "tpu.region"() ({
          %run_scoped3A_220 = tpu.sem_alloc : memref<!tpu.dma_semaphore, #tpu.memory_space<semaphore_mem>>
          %dma_start3A_221 = arith.constant 128 : i32
          %dma_start3A_222 = arith.constant 0 : i32
          %dma_start3A_223 = tpu.memref_slice %arg10[%dma_start3A_221, %dma_start3A_222] : memref<256x32xf32, #tpu.memory_space<vmem>> -> memref<128x32xf32, #tpu.memory_space<vmem>>
          %dma_start3A_224 = arith.constant 0 : i32
          %dma_start3A_225 = tpu.memref_slice %arg9[%run_scoped3A_169, %dma_start3A_224] : memref<2x128xi32, #tpu.memory_space<vmem>> -> memref<1x128xi32, #tpu.memory_space<vmem>>
          %dma_start3A_226 = tpu.memref_squeeze %dma_start3A_225 : memref<1x128xi32, #tpu.memory_space<vmem>> -> memref<128xi32, #tpu.memory_space<vmem>>
          %dma_start3A_227 = arith.constant 0 : i32
          %dma_start3A_228 = arith.constant 0 : i32
          %dma_start3A_229 = tpu.memref_slice %arg7[%dma_start3A_227, %dma_start3A_228] : memref<51200x32xf32, #tpu.memory_space<vmem_shared>> -> memref<51200x32xf32, #tpu.memory_space<vmem_shared>>
          tpu.enqueue_indirect_dma source(%dma_start3A_223 : memref<128x32xf32, #tpu.memory_space<vmem>>) target(%dma_start3A_229 : memref<51200x32xf32, #tpu.memory_space<vmem_shared>>) offsets(%dma_start3A_226 : memref<128xi32, #tpu.memory_space<vmem>>) semaphore(%run_scoped3A_220 : memref<!tpu.dma_semaphore, #tpu.memory_space<semaphore_mem>>) {add = true}
          %dma_wait3A_230 = arith.constant 128 : i32
          %dma_wait3A_231 = arith.constant 0 : i32
          %dma_wait3A_232 = tpu.memref_slice %arg10[%dma_wait3A_230, %dma_wait3A_231] : memref<256x32xf32, #tpu.memory_space<vmem>> -> memref<128x32xf32, #tpu.memory_space<vmem>>
          %dma_wait3A_233 = arith.constant 0 : i32
          %dma_wait3A_234 = tpu.memref_slice %arg9[%run_scoped3A_169, %dma_wait3A_233] : memref<2x128xi32, #tpu.memory_space<vmem>> -> memref<1x128xi32, #tpu.memory_space<vmem>>
          %dma_wait3A_235 = tpu.memref_squeeze %dma_wait3A_234 : memref<1x128xi32, #tpu.memory_space<vmem>> -> memref<128xi32, #tpu.memory_space<vmem>>
          %dma_wait3A_236 = arith.constant 0 : i32
          %dma_wait3A_237 = arith.constant 0 : i32
          %dma_wait3A_238 = tpu.memref_slice %arg7[%dma_wait3A_236, %dma_wait3A_237] : memref<51200x32xf32, #tpu.memory_space<vmem_shared>> -> memref<51200x32xf32, #tpu.memory_space<vmem_shared>>
          tpu.wait_indirect_dma semaphore(%run_scoped3A_220 : memref<!tpu.dma_semaphore, #tpu.memory_space<semaphore_mem>>) src(%dma_wait3A_232 : memref<128x32xf32, #tpu.memory_space<vmem>>) dst(%dma_wait3A_238 : memref<51200x32xf32, #tpu.memory_space<vmem_shared>>)
          tpu.yield
        }) : () -> ()
        %add3A_170 = arith.constant 2 : i32
        %add3A_171 = arith.addi %mul3A_119, %add3A_170 : i32
        %mul3A_172 = arith.constant 2 : i32
        %mul3A_173 = arith.muli %add3A_171, %mul3A_172 : i32
        %add3A_174 = arith.addi %mul3A_11, %mul3A_173 : i32
        "tpu.region"() ({
          %run_scoped3A_220 = tpu.sem_alloc : memref<!tpu.dma_semaphore, #tpu.memory_space<semaphore_mem>>
          %dma_start3A_221 = arith.constant 0 : i32
          %dma_start3A_222 = tpu.memref_slice %arg4[%add3A_174, %dma_start3A_221] : memref<6272x128xi32, #tpu.memory_space<hbm>> -> memref<2x128xi32, #tpu.memory_space<hbm>>
          %dma_start3A_223 = arith.constant 0 : i32
          %dma_start3A_224 = tpu.memref_slice %arg4[%add3A_174, %dma_start3A_223] : memref<6272x128xi32, #tpu.memory_space<hbm>> -> memref<2x128xi32, #tpu.memory_space<hbm>>
          tpu.enqueue_dma source(%dma_start3A_224 : memref<2x128xi32, #tpu.memory_space<hbm>>) target(%arg8 : memref<2x128xi32, #tpu.memory_space<vmem>>) target_semaphore(%run_scoped3A_220 : memref<!tpu.dma_semaphore, #tpu.memory_space<semaphore_mem>>)
          %dma_wait3A_225 = arith.constant 0 : i32
          %dma_wait3A_226 = tpu.memref_slice %arg4[%add3A_174, %dma_wait3A_225] : memref<6272x128xi32, #tpu.memory_space<hbm>> -> memref<2x128xi32, #tpu.memory_space<hbm>>
          %dma_wait3A_227 = arith.constant 0 : i32
          %dma_wait3A_228 = tpu.memref_slice %arg4[%add3A_174, %dma_wait3A_227] : memref<6272x128xi32, #tpu.memory_space<hbm>> -> memref<2x128xi32, #tpu.memory_space<hbm>>
          tpu.wait_dma2 semaphore(%run_scoped3A_220 : memref<!tpu.dma_semaphore, #tpu.memory_space<semaphore_mem>>) src(%dma_wait3A_228 : memref<2x128xi32, #tpu.memory_space<hbm>>) dst(%arg8 : memref<2x128xi32, #tpu.memory_space<vmem>>)
          tpu.yield
        }) : () -> ()
        %mul3A_175 = arith.constant 2 : i32
        %mul3A_176 = arith.muli %add3A_171, %mul3A_175 : i32
        %add3A_177 = arith.addi %mul3A_11, %mul3A_176 : i32
        "tpu.region"() ({
          %run_scoped3A_220 = tpu.sem_alloc : memref<!tpu.dma_semaphore, #tpu.memory_space<semaphore_mem>>
          %dma_start3A_221 = arith.constant 0 : i32
          %dma_start3A_222 = tpu.memref_slice %arg5[%add3A_177, %dma_start3A_221] : memref<6272x128xi32, #tpu.memory_space<hbm>> -> memref<2x128xi32, #tpu.memory_space<hbm>>
          %dma_start3A_223 = arith.constant 0 : i32
          %dma_start3A_224 = tpu.memref_slice %arg5[%add3A_177, %dma_start3A_223] : memref<6272x128xi32, #tpu.memory_space<hbm>> -> memref<2x128xi32, #tpu.memory_space<hbm>>
          tpu.enqueue_dma source(%dma_start3A_224 : memref<2x128xi32, #tpu.memory_space<hbm>>) target(%arg9 : memref<2x128xi32, #tpu.memory_space<vmem>>) target_semaphore(%run_scoped3A_220 : memref<!tpu.dma_semaphore, #tpu.memory_space<semaphore_mem>>)
          %dma_wait3A_225 = arith.constant 0 : i32
          %dma_wait3A_226 = tpu.memref_slice %arg5[%add3A_177, %dma_wait3A_225] : memref<6272x128xi32, #tpu.memory_space<hbm>> -> memref<2x128xi32, #tpu.memory_space<hbm>>
          %dma_wait3A_227 = arith.constant 0 : i32
          %dma_wait3A_228 = tpu.memref_slice %arg5[%add3A_177, %dma_wait3A_227] : memref<6272x128xi32, #tpu.memory_space<hbm>> -> memref<2x128xi32, #tpu.memory_space<hbm>>
          tpu.wait_dma2 semaphore(%run_scoped3A_220 : memref<!tpu.dma_semaphore, #tpu.memory_space<semaphore_mem>>) src(%dma_wait3A_228 : memref<2x128xi32, #tpu.memory_space<hbm>>) dst(%arg9 : memref<2x128xi32, #tpu.memory_space<vmem>>)
          tpu.yield
        }) : () -> ()
        %dma_start3A_178 = arith.constant 0 : i32
        %dma_start3A_179 = arith.constant 0 : i32
        %dma_start3A_180 = arith.constant 0 : i32
        %dma_start3A_181 = tpu.memref_slice %arg10[%dma_start3A_179, %dma_start3A_180] : memref<256x32xf32, #tpu.memory_space<vmem>> -> memref<128x32xf32, #tpu.memory_space<vmem>>
        %dma_start3A_182 = arith.constant 0 : i32
        %dma_start3A_183 = tpu.memref_slice %arg8[%dma_start3A_178, %dma_start3A_182] : memref<2x128xi32, #tpu.memory_space<vmem>> -> memref<1x128xi32, #tpu.memory_space<vmem>>
        %dma_start3A_184 = tpu.memref_squeeze %dma_start3A_183 : memref<1x128xi32, #tpu.memory_space<vmem>> -> memref<128xi32, #tpu.memory_space<vmem>>
        %dma_start3A_185 = arith.constant 0 : i32
        %dma_start3A_186 = arith.constant 0 : i32
        %dma_start3A_187 = tpu.memref_slice %arg2[%dma_start3A_185, %dma_start3A_186] : memref<50000x32xf32, #tpu.memory_space<hbm>> -> memref<50000x32xf32, #tpu.memory_space<hbm>>
        tpu.enqueue_indirect_dma source(%dma_start3A_187 : memref<50000x32xf32, #tpu.memory_space<hbm>>) target(%dma_start3A_181 : memref<128x32xf32, #tpu.memory_space<vmem>>) offsets(%dma_start3A_184 : memref<128xi32, #tpu.memory_space<vmem>>) semaphore(%arg15 : memref<!tpu.dma_semaphore, #tpu.memory_space<semaphore_mem>>)
        %dma_start3A_188 = arith.constant 1 : i32
        %dma_start3A_189 = arith.constant 128 : i32
        %dma_start3A_190 = arith.constant 0 : i32
        %dma_start3A_191 = tpu.memref_slice %arg10[%dma_start3A_189, %dma_start3A_190] : memref<256x32xf32, #tpu.memory_space<vmem>> -> memref<128x32xf32, #tpu.memory_space<vmem>>
        %dma_start3A_192 = arith.constant 0 : i32
        %dma_start3A_193 = tpu.memref_slice %arg8[%dma_start3A_188, %dma_start3A_192] : memref<2x128xi32, #tpu.memory_space<vmem>> -> memref<1x128xi32, #tpu.memory_space<vmem>>
        %dma_start3A_194 = tpu.memref_squeeze %dma_start3A_193 : memref<1x128xi32, #tpu.memory_space<vmem>> -> memref<128xi32, #tpu.memory_space<vmem>>
        %dma_start3A_195 = arith.constant 0 : i32
        %dma_start3A_196 = arith.constant 0 : i32
        %dma_start3A_197 = tpu.memref_slice %arg2[%dma_start3A_195, %dma_start3A_196] : memref<50000x32xf32, #tpu.memory_space<hbm>> -> memref<50000x32xf32, #tpu.memory_space<hbm>>
        tpu.enqueue_indirect_dma source(%dma_start3A_197 : memref<50000x32xf32, #tpu.memory_space<hbm>>) target(%dma_start3A_191 : memref<128x32xf32, #tpu.memory_space<vmem>>) offsets(%dma_start3A_194 : memref<128xi32, #tpu.memory_space<vmem>>) semaphore(%arg15 : memref<!tpu.dma_semaphore, #tpu.memory_space<semaphore_mem>>)
        %dma_wait3A_198 = arith.constant 0 : i32
        %dma_wait3A_199 = arith.constant 0 : i32
        %dma_wait3A_200 = arith.constant 0 : i32
        %dma_wait3A_201 = tpu.memref_slice %arg13[%dma_wait3A_199, %dma_wait3A_200] : memref<256x32xf32, #tpu.memory_space<vmem>> -> memref<128x32xf32, #tpu.memory_space<vmem>>
        %dma_wait3A_202 = arith.constant 0 : i32
        %dma_wait3A_203 = tpu.memref_slice %arg11[%dma_wait3A_198, %dma_wait3A_202] : memref<2x128xi32, #tpu.memory_space<vmem>> -> memref<1x128xi32, #tpu.memory_space<vmem>>
        %dma_wait3A_204 = tpu.memref_squeeze %dma_wait3A_203 : memref<1x128xi32, #tpu.memory_space<vmem>> -> memref<128xi32, #tpu.memory_space<vmem>>
        %dma_wait3A_205 = arith.constant 0 : i32
        %dma_wait3A_206 = arith.constant 0 : i32
        %dma_wait3A_207 = tpu.memref_slice %arg2[%dma_wait3A_205, %dma_wait3A_206] : memref<50000x32xf32, #tpu.memory_space<hbm>> -> memref<50000x32xf32, #tpu.memory_space<hbm>>
        tpu.wait_indirect_dma semaphore(%arg16 : memref<!tpu.dma_semaphore, #tpu.memory_space<semaphore_mem>>) src(%dma_wait3A_207 : memref<50000x32xf32, #tpu.memory_space<hbm>>) dst(%dma_wait3A_201 : memref<128x32xf32, #tpu.memory_space<vmem>>)
        %dma_wait3A_208 = arith.constant 1 : i32
        %dma_wait3A_209 = arith.constant 128 : i32
        %dma_wait3A_210 = arith.constant 0 : i32
        %dma_wait3A_211 = tpu.memref_slice %arg13[%dma_wait3A_209, %dma_wait3A_210] : memref<256x32xf32, #tpu.memory_space<vmem>> -> memref<128x32xf32, #tpu.memory_space<vmem>>
        %dma_wait3A_212 = arith.constant 0 : i32
        %dma_wait3A_213 = tpu.memref_slice %arg11[%dma_wait3A_208, %dma_wait3A_212] : memref<2x128xi32, #tpu.memory_space<vmem>> -> memref<1x128xi32, #tpu.memory_space<vmem>>
        %dma_wait3A_214 = tpu.memref_squeeze %dma_wait3A_213 : memref<1x128xi32, #tpu.memory_space<vmem>> -> memref<128xi32, #tpu.memory_space<vmem>>
        %dma_wait3A_215 = arith.constant 0 : i32
        %dma_wait3A_216 = arith.constant 0 : i32
        %dma_wait3A_217 = tpu.memref_slice %arg2[%dma_wait3A_215, %dma_wait3A_216] : memref<50000x32xf32, #tpu.memory_space<hbm>> -> memref<50000x32xf32, #tpu.memory_space<hbm>>
        tpu.wait_indirect_dma semaphore(%arg16 : memref<!tpu.dma_semaphore, #tpu.memory_space<semaphore_mem>>) src(%dma_wait3A_217 : memref<50000x32xf32, #tpu.memory_space<hbm>>) dst(%dma_wait3A_211 : memref<128x32xf32, #tpu.memory_space<vmem>>)
        %run_scoped3A_218 = arith.constant 0 : i32
        "tpu.region"() ({
          %run_scoped3A_220 = tpu.sem_alloc : memref<!tpu.dma_semaphore, #tpu.memory_space<semaphore_mem>>
          %dma_start3A_221 = arith.constant 0 : i32
          %dma_start3A_222 = arith.constant 0 : i32
          %dma_start3A_223 = tpu.memref_slice %arg13[%dma_start3A_221, %dma_start3A_222] : memref<256x32xf32, #tpu.memory_space<vmem>> -> memref<128x32xf32, #tpu.memory_space<vmem>>
          %dma_start3A_224 = arith.constant 0 : i32
          %dma_start3A_225 = tpu.memref_slice %arg12[%run_scoped3A_218, %dma_start3A_224] : memref<2x128xi32, #tpu.memory_space<vmem>> -> memref<1x128xi32, #tpu.memory_space<vmem>>
          %dma_start3A_226 = tpu.memref_squeeze %dma_start3A_225 : memref<1x128xi32, #tpu.memory_space<vmem>> -> memref<128xi32, #tpu.memory_space<vmem>>
          %dma_start3A_227 = arith.constant 0 : i32
          %dma_start3A_228 = arith.constant 0 : i32
          %dma_start3A_229 = tpu.memref_slice %arg7[%dma_start3A_227, %dma_start3A_228] : memref<51200x32xf32, #tpu.memory_space<vmem_shared>> -> memref<51200x32xf32, #tpu.memory_space<vmem_shared>>
          tpu.enqueue_indirect_dma source(%dma_start3A_223 : memref<128x32xf32, #tpu.memory_space<vmem>>) target(%dma_start3A_229 : memref<51200x32xf32, #tpu.memory_space<vmem_shared>>) offsets(%dma_start3A_226 : memref<128xi32, #tpu.memory_space<vmem>>) semaphore(%run_scoped3A_220 : memref<!tpu.dma_semaphore, #tpu.memory_space<semaphore_mem>>) {add = true}
          %dma_wait3A_230 = arith.constant 0 : i32
          %dma_wait3A_231 = arith.constant 0 : i32
          %dma_wait3A_232 = tpu.memref_slice %arg13[%dma_wait3A_230, %dma_wait3A_231] : memref<256x32xf32, #tpu.memory_space<vmem>> -> memref<128x32xf32, #tpu.memory_space<vmem>>
          %dma_wait3A_233 = arith.constant 0 : i32
          %dma_wait3A_234 = tpu.memref_slice %arg12[%run_scoped3A_218, %dma_wait3A_233] : memref<2x128xi32, #tpu.memory_space<vmem>> -> memref<1x128xi32, #tpu.memory_space<vmem>>
          %dma_wait3A_235 = tpu.memref_squeeze %dma_wait3A_234 : memref<1x128xi32, #tpu.memory_space<vmem>> -> memref<128xi32, #tpu.memory_space<vmem>>
          %dma_wait3A_236 = arith.constant 0 : i32
          %dma_wait3A_237 = arith.constant 0 : i32
          %dma_wait3A_238 = tpu.memref_slice %arg7[%dma_wait3A_236, %dma_wait3A_237] : memref<51200x32xf32, #tpu.memory_space<vmem_shared>> -> memref<51200x32xf32, #tpu.memory_space<vmem_shared>>
          tpu.wait_indirect_dma semaphore(%run_scoped3A_220 : memref<!tpu.dma_semaphore, #tpu.memory_space<semaphore_mem>>) src(%dma_wait3A_232 : memref<128x32xf32, #tpu.memory_space<vmem>>) dst(%dma_wait3A_238 : memref<51200x32xf32, #tpu.memory_space<vmem_shared>>)
          tpu.yield
        }) : () -> ()
        %run_scoped3A_219 = arith.constant 1 : i32
        "tpu.region"() ({
          %run_scoped3A_220 = tpu.sem_alloc : memref<!tpu.dma_semaphore, #tpu.memory_space<semaphore_mem>>
          %dma_start3A_221 = arith.constant 128 : i32
          %dma_start3A_222 = arith.constant 0 : i32
          %dma_start3A_223 = tpu.memref_slice %arg13[%dma_start3A_221, %dma_start3A_222] : memref<256x32xf32, #tpu.memory_space<vmem>> -> memref<128x32xf32, #tpu.memory_space<vmem>>
          %dma_start3A_224 = arith.constant 0 : i32
          %dma_start3A_225 = tpu.memref_slice %arg12[%run_scoped3A_219, %dma_start3A_224] : memref<2x128xi32, #tpu.memory_space<vmem>> -> memref<1x128xi32, #tpu.memory_space<vmem>>
          %dma_start3A_226 = tpu.memref_squeeze %dma_start3A_225 : memref<1x128xi32, #tpu.memory_space<vmem>> -> memref<128xi32, #tpu.memory_space<vmem>>
          %dma_start3A_227 = arith.constant 0 : i32
          %dma_start3A_228 = arith.constant 0 : i32
          %dma_start3A_229 = tpu.memref_slice %arg7[%dma_start3A_227, %dma_start3A_228] : memref<51200x32xf32, #tpu.memory_space<vmem_shared>> -> memref<51200x32xf32, #tpu.memory_space<vmem_shared>>
          tpu.enqueue_indirect_dma source(%dma_start3A_223 : memref<128x32xf32, #tpu.memory_space<vmem>>) target(%dma_start3A_229 : memref<51200x32xf32, #tpu.memory_space<vmem_shared>>) offsets(%dma_start3A_226 : memref<128xi32, #tpu.memory_space<vmem>>) semaphore(%run_scoped3A_220 : memref<!tpu.dma_semaphore, #tpu.memory_space<semaphore_mem>>) {add = true}
          %dma_wait3A_230 = arith.constant 128 : i32
          %dma_wait3A_231 = arith.constant 0 : i32
          %dma_wait3A_232 = tpu.memref_slice %arg13[%dma_wait3A_230, %dma_wait3A_231] : memref<256x32xf32, #tpu.memory_space<vmem>> -> memref<128x32xf32, #tpu.memory_space<vmem>>
          %dma_wait3A_233 = arith.constant 0 : i32
          %dma_wait3A_234 = tpu.memref_slice %arg12[%run_scoped3A_219, %dma_wait3A_233] : memref<2x128xi32, #tpu.memory_space<vmem>> -> memref<1x128xi32, #tpu.memory_space<vmem>>
          %dma_wait3A_235 = tpu.memref_squeeze %dma_wait3A_234 : memref<1x128xi32, #tpu.memory_space<vmem>> -> memref<128xi32, #tpu.memory_space<vmem>>
          %dma_wait3A_236 = arith.constant 0 : i32
          %dma_wait3A_237 = arith.constant 0 : i32
          %dma_wait3A_238 = tpu.memref_slice %arg7[%dma_wait3A_236, %dma_wait3A_237] : memref<51200x32xf32, #tpu.memory_space<vmem_shared>> -> memref<51200x32xf32, #tpu.memory_space<vmem_shared>>
          tpu.wait_indirect_dma semaphore(%run_scoped3A_220 : memref<!tpu.dma_semaphore, #tpu.memory_space<semaphore_mem>>) src(%dma_wait3A_232 : memref<128x32xf32, #tpu.memory_space<vmem>>) dst(%dma_wait3A_238 : memref<51200x32xf32, #tpu.memory_space<vmem_shared>>)
          tpu.yield
        }) : () -> ()
      }
      %scan3A_46 = arith.constant 97 : i32
      %add3A_47 = arith.constant 390 : i32
      %add3A_48 = arith.addi %mul3A_11, %add3A_47 : i32
      "tpu.region"() ({
        %run_scoped3A_113 = tpu.sem_alloc : memref<!tpu.dma_semaphore, #tpu.memory_space<semaphore_mem>>
        %dma_start3A_114 = arith.constant 0 : i32
        %dma_start3A_115 = tpu.memref_slice %arg4[%add3A_48, %dma_start3A_114] : memref<6272x128xi32, #tpu.memory_space<hbm>> -> memref<2x128xi32, #tpu.memory_space<hbm>>
        %dma_start3A_116 = arith.constant 0 : i32
        %dma_start3A_117 = tpu.memref_slice %arg4[%add3A_48, %dma_start3A_116] : memref<6272x128xi32, #tpu.memory_space<hbm>> -> memref<2x128xi32, #tpu.memory_space<hbm>>
        tpu.enqueue_dma source(%dma_start3A_117 : memref<2x128xi32, #tpu.memory_space<hbm>>) target(%arg11 : memref<2x128xi32, #tpu.memory_space<vmem>>) target_semaphore(%run_scoped3A_113 : memref<!tpu.dma_semaphore, #tpu.memory_space<semaphore_mem>>)
        %dma_wait3A_118 = arith.constant 0 : i32
        %dma_wait3A_119 = tpu.memref_slice %arg4[%add3A_48, %dma_wait3A_118] : memref<6272x128xi32, #tpu.memory_space<hbm>> -> memref<2x128xi32, #tpu.memory_space<hbm>>
        %dma_wait3A_120 = arith.constant 0 : i32
        %dma_wait3A_121 = tpu.memref_slice %arg4[%add3A_48, %dma_wait3A_120] : memref<6272x128xi32, #tpu.memory_space<hbm>> -> memref<2x128xi32, #tpu.memory_space<hbm>>
        tpu.wait_dma2 semaphore(%run_scoped3A_113 : memref<!tpu.dma_semaphore, #tpu.memory_space<semaphore_mem>>) src(%dma_wait3A_121 : memref<2x128xi32, #tpu.memory_space<hbm>>) dst(%arg11 : memref<2x128xi32, #tpu.memory_space<vmem>>)
        tpu.yield
      }) : () -> ()
      %add3A_49 = arith.constant 390 : i32
      %add3A_50 = arith.addi %mul3A_11, %add3A_49 : i32
      "tpu.region"() ({
        %run_scoped3A_113 = tpu.sem_alloc : memref<!tpu.dma_semaphore, #tpu.memory_space<semaphore_mem>>
        %dma_start3A_114 = arith.constant 0 : i32
        %dma_start3A_115 = tpu.memref_slice %arg5[%add3A_50, %dma_start3A_114] : memref<6272x128xi32, #tpu.memory_space<hbm>> -> memref<2x128xi32, #tpu.memory_space<hbm>>
        %dma_start3A_116 = arith.constant 0 : i32
        %dma_start3A_117 = tpu.memref_slice %arg5[%add3A_50, %dma_start3A_116] : memref<6272x128xi32, #tpu.memory_space<hbm>> -> memref<2x128xi32, #tpu.memory_space<hbm>>
        tpu.enqueue_dma source(%dma_start3A_117 : memref<2x128xi32, #tpu.memory_space<hbm>>) target(%arg12 : memref<2x128xi32, #tpu.memory_space<vmem>>) target_semaphore(%run_scoped3A_113 : memref<!tpu.dma_semaphore, #tpu.memory_space<semaphore_mem>>)
        %dma_wait3A_118 = arith.constant 0 : i32
        %dma_wait3A_119 = tpu.memref_slice %arg5[%add3A_50, %dma_wait3A_118] : memref<6272x128xi32, #tpu.memory_space<hbm>> -> memref<2x128xi32, #tpu.memory_space<hbm>>
        %dma_wait3A_120 = arith.constant 0 : i32
        %dma_wait3A_121 = tpu.memref_slice %arg5[%add3A_50, %dma_wait3A_120] : memref<6272x128xi32, #tpu.memory_space<hbm>> -> memref<2x128xi32, #tpu.memory_space<hbm>>
        tpu.wait_dma2 semaphore(%run_scoped3A_113 : memref<!tpu.dma_semaphore, #tpu.memory_space<semaphore_mem>>) src(%dma_wait3A_121 : memref<2x128xi32, #tpu.memory_space<hbm>>) dst(%arg12 : memref<2x128xi32, #tpu.memory_space<vmem>>)
        tpu.yield
      }) : () -> ()
      %dma_start3A_51 = arith.constant 0 : i32
      %dma_start3A_52 = arith.constant 0 : i32
      %dma_start3A_53 = arith.constant 0 : i32
      %dma_start3A_54 = tpu.memref_slice %arg13[%dma_start3A_52, %dma_start3A_53] : memref<256x32xf32, #tpu.memory_space<vmem>> -> memref<128x32xf32, #tpu.memory_space<vmem>>
      %dma_start3A_55 = arith.constant 0 : i32
      %dma_start3A_56 = tpu.memref_slice %arg11[%dma_start3A_51, %dma_start3A_55] : memref<2x128xi32, #tpu.memory_space<vmem>> -> memref<1x128xi32, #tpu.memory_space<vmem>>
      %dma_start3A_57 = tpu.memref_squeeze %dma_start3A_56 : memref<1x128xi32, #tpu.memory_space<vmem>> -> memref<128xi32, #tpu.memory_space<vmem>>
      %dma_start3A_58 = arith.constant 0 : i32
      %dma_start3A_59 = arith.constant 0 : i32
      %dma_start3A_60 = tpu.memref_slice %arg2[%dma_start3A_58, %dma_start3A_59] : memref<50000x32xf32, #tpu.memory_space<hbm>> -> memref<50000x32xf32, #tpu.memory_space<hbm>>
      tpu.enqueue_indirect_dma source(%dma_start3A_60 : memref<50000x32xf32, #tpu.memory_space<hbm>>) target(%dma_start3A_54 : memref<128x32xf32, #tpu.memory_space<vmem>>) offsets(%dma_start3A_57 : memref<128xi32, #tpu.memory_space<vmem>>) semaphore(%arg16 : memref<!tpu.dma_semaphore, #tpu.memory_space<semaphore_mem>>)
      %dma_start3A_61 = arith.constant 1 : i32
      %dma_start3A_62 = arith.constant 128 : i32
      %dma_start3A_63 = arith.constant 0 : i32
      %dma_start3A_64 = tpu.memref_slice %arg13[%dma_start3A_62, %dma_start3A_63] : memref<256x32xf32, #tpu.memory_space<vmem>> -> memref<128x32xf32, #tpu.memory_space<vmem>>
      %dma_start3A_65 = arith.constant 0 : i32
      %dma_start3A_66 = tpu.memref_slice %arg11[%dma_start3A_61, %dma_start3A_65] : memref<2x128xi32, #tpu.memory_space<vmem>> -> memref<1x128xi32, #tpu.memory_space<vmem>>
      %dma_start3A_67 = tpu.memref_squeeze %dma_start3A_66 : memref<1x128xi32, #tpu.memory_space<vmem>> -> memref<128xi32, #tpu.memory_space<vmem>>
      %dma_start3A_68 = arith.constant 0 : i32
      %dma_start3A_69 = arith.constant 0 : i32
      %dma_start3A_70 = tpu.memref_slice %arg2[%dma_start3A_68, %dma_start3A_69] : memref<50000x32xf32, #tpu.memory_space<hbm>> -> memref<50000x32xf32, #tpu.memory_space<hbm>>
      tpu.enqueue_indirect_dma source(%dma_start3A_70 : memref<50000x32xf32, #tpu.memory_space<hbm>>) target(%dma_start3A_64 : memref<128x32xf32, #tpu.memory_space<vmem>>) offsets(%dma_start3A_67 : memref<128xi32, #tpu.memory_space<vmem>>) semaphore(%arg16 : memref<!tpu.dma_semaphore, #tpu.memory_space<semaphore_mem>>)
      %dma_wait3A = arith.constant 0 : i32
      %dma_wait3A_71 = arith.constant 0 : i32
      %dma_wait3A_72 = arith.constant 0 : i32
      %dma_wait3A_73 = tpu.memref_slice %arg10[%dma_wait3A_71, %dma_wait3A_72] : memref<256x32xf32, #tpu.memory_space<vmem>> -> memref<128x32xf32, #tpu.memory_space<vmem>>
      %dma_wait3A_74 = arith.constant 0 : i32
      %dma_wait3A_75 = tpu.memref_slice %arg8[%dma_wait3A, %dma_wait3A_74] : memref<2x128xi32, #tpu.memory_space<vmem>> -> memref<1x128xi32, #tpu.memory_space<vmem>>
      %dma_wait3A_76 = tpu.memref_squeeze %dma_wait3A_75 : memref<1x128xi32, #tpu.memory_space<vmem>> -> memref<128xi32, #tpu.memory_space<vmem>>
      %dma_wait3A_77 = arith.constant 0 : i32
      %dma_wait3A_78 = arith.constant 0 : i32
      %dma_wait3A_79 = tpu.memref_slice %arg2[%dma_wait3A_77, %dma_wait3A_78] : memref<50000x32xf32, #tpu.memory_space<hbm>> -> memref<50000x32xf32, #tpu.memory_space<hbm>>
      tpu.wait_indirect_dma semaphore(%arg15 : memref<!tpu.dma_semaphore, #tpu.memory_space<semaphore_mem>>) src(%dma_wait3A_79 : memref<50000x32xf32, #tpu.memory_space<hbm>>) dst(%dma_wait3A_73 : memref<128x32xf32, #tpu.memory_space<vmem>>)
      %dma_wait3A_80 = arith.constant 1 : i32
      %dma_wait3A_81 = arith.constant 128 : i32
      %dma_wait3A_82 = arith.constant 0 : i32
      %dma_wait3A_83 = tpu.memref_slice %arg10[%dma_wait3A_81, %dma_wait3A_82] : memref<256x32xf32, #tpu.memory_space<vmem>> -> memref<128x32xf32, #tpu.memory_space<vmem>>
      %dma_wait3A_84 = arith.constant 0 : i32
      %dma_wait3A_85 = tpu.memref_slice %arg8[%dma_wait3A_80, %dma_wait3A_84] : memref<2x128xi32, #tpu.memory_space<vmem>> -> memref<1x128xi32, #tpu.memory_space<vmem>>
      %dma_wait3A_86 = tpu.memref_squeeze %dma_wait3A_85 : memref<1x128xi32, #tpu.memory_space<vmem>> -> memref<128xi32, #tpu.memory_space<vmem>>
      %dma_wait3A_87 = arith.constant 0 : i32
      %dma_wait3A_88 = arith.constant 0 : i32
      %dma_wait3A_89 = tpu.memref_slice %arg2[%dma_wait3A_87, %dma_wait3A_88] : memref<50000x32xf32, #tpu.memory_space<hbm>> -> memref<50000x32xf32, #tpu.memory_space<hbm>>
      tpu.wait_indirect_dma semaphore(%arg15 : memref<!tpu.dma_semaphore, #tpu.memory_space<semaphore_mem>>) src(%dma_wait3A_89 : memref<50000x32xf32, #tpu.memory_space<hbm>>) dst(%dma_wait3A_83 : memref<128x32xf32, #tpu.memory_space<vmem>>)
      %run_scoped3A = arith.constant 0 : i32
      "tpu.region"() ({
        %run_scoped3A_113 = tpu.sem_alloc : memref<!tpu.dma_semaphore, #tpu.memory_space<semaphore_mem>>
        %dma_start3A_114 = arith.constant 0 : i32
        %dma_start3A_115 = arith.constant 0 : i32
        %dma_start3A_116 = tpu.memref_slice %arg10[%dma_start3A_114, %dma_start3A_115] : memref<256x32xf32, #tpu.memory_space<vmem>> -> memref<128x32xf32, #tpu.memory_space<vmem>>
        %dma_start3A_117 = arith.constant 0 : i32
        %dma_start3A_118 = tpu.memref_slice %arg9[%run_scoped3A, %dma_start3A_117] : memref<2x128xi32, #tpu.memory_space<vmem>> -> memref<1x128xi32, #tpu.memory_space<vmem>>
        %dma_start3A_119 = tpu.memref_squeeze %dma_start3A_118 : memref<1x128xi32, #tpu.memory_space<vmem>> -> memref<128xi32, #tpu.memory_space<vmem>>
        %dma_start3A_120 = arith.constant 0 : i32
        %dma_start3A_121 = arith.constant 0 : i32
        %dma_start3A_122 = tpu.memref_slice %arg7[%dma_start3A_120, %dma_start3A_121] : memref<51200x32xf32, #tpu.memory_space<vmem_shared>> -> memref<51200x32xf32, #tpu.memory_space<vmem_shared>>
        tpu.enqueue_indirect_dma source(%dma_start3A_116 : memref<128x32xf32, #tpu.memory_space<vmem>>) target(%dma_start3A_122 : memref<51200x32xf32, #tpu.memory_space<vmem_shared>>) offsets(%dma_start3A_119 : memref<128xi32, #tpu.memory_space<vmem>>) semaphore(%run_scoped3A_113 : memref<!tpu.dma_semaphore, #tpu.memory_space<semaphore_mem>>) {add = true}
        %dma_wait3A_123 = arith.constant 0 : i32
        %dma_wait3A_124 = arith.constant 0 : i32
        %dma_wait3A_125 = tpu.memref_slice %arg10[%dma_wait3A_123, %dma_wait3A_124] : memref<256x32xf32, #tpu.memory_space<vmem>> -> memref<128x32xf32, #tpu.memory_space<vmem>>
        %dma_wait3A_126 = arith.constant 0 : i32
        %dma_wait3A_127 = tpu.memref_slice %arg9[%run_scoped3A, %dma_wait3A_126] : memref<2x128xi32, #tpu.memory_space<vmem>> -> memref<1x128xi32, #tpu.memory_space<vmem>>
        %dma_wait3A_128 = tpu.memref_squeeze %dma_wait3A_127 : memref<1x128xi32, #tpu.memory_space<vmem>> -> memref<128xi32, #tpu.memory_space<vmem>>
        %dma_wait3A_129 = arith.constant 0 : i32
        %dma_wait3A_130 = arith.constant 0 : i32
        %dma_wait3A_131 = tpu.memref_slice %arg7[%dma_wait3A_129, %dma_wait3A_130] : memref<51200x32xf32, #tpu.memory_space<vmem_shared>> -> memref<51200x32xf32, #tpu.memory_space<vmem_shared>>
        tpu.wait_indirect_dma semaphore(%run_scoped3A_113 : memref<!tpu.dma_semaphore, #tpu.memory_space<semaphore_mem>>) src(%dma_wait3A_125 : memref<128x32xf32, #tpu.memory_space<vmem>>) dst(%dma_wait3A_131 : memref<51200x32xf32, #tpu.memory_space<vmem_shared>>)
        tpu.yield
      }) : () -> ()
      %run_scoped3A_90 = arith.constant 1 : i32
      "tpu.region"() ({
        %run_scoped3A_113 = tpu.sem_alloc : memref<!tpu.dma_semaphore, #tpu.memory_space<semaphore_mem>>
        %dma_start3A_114 = arith.constant 128 : i32
        %dma_start3A_115 = arith.constant 0 : i32
        %dma_start3A_116 = tpu.memref_slice %arg10[%dma_start3A_114, %dma_start3A_115] : memref<256x32xf32, #tpu.memory_space<vmem>> -> memref<128x32xf32, #tpu.memory_space<vmem>>
        %dma_start3A_117 = arith.constant 0 : i32
        %dma_start3A_118 = tpu.memref_slice %arg9[%run_scoped3A_90, %dma_start3A_117] : memref<2x128xi32, #tpu.memory_space<vmem>> -> memref<1x128xi32, #tpu.memory_space<vmem>>
        %dma_start3A_119 = tpu.memref_squeeze %dma_start3A_118 : memref<1x128xi32, #tpu.memory_space<vmem>> -> memref<128xi32, #tpu.memory_space<vmem>>
        %dma_start3A_120 = arith.constant 0 : i32
        %dma_start3A_121 = arith.constant 0 : i32
        %dma_start3A_122 = tpu.memref_slice %arg7[%dma_start3A_120, %dma_start3A_121] : memref<51200x32xf32, #tpu.memory_space<vmem_shared>> -> memref<51200x32xf32, #tpu.memory_space<vmem_shared>>
        tpu.enqueue_indirect_dma source(%dma_start3A_116 : memref<128x32xf32, #tpu.memory_space<vmem>>) target(%dma_start3A_122 : memref<51200x32xf32, #tpu.memory_space<vmem_shared>>) offsets(%dma_start3A_119 : memref<128xi32, #tpu.memory_space<vmem>>) semaphore(%run_scoped3A_113 : memref<!tpu.dma_semaphore, #tpu.memory_space<semaphore_mem>>) {add = true}
        %dma_wait3A_123 = arith.constant 128 : i32
        %dma_wait3A_124 = arith.constant 0 : i32
        %dma_wait3A_125 = tpu.memref_slice %arg10[%dma_wait3A_123, %dma_wait3A_124] : memref<256x32xf32, #tpu.memory_space<vmem>> -> memref<128x32xf32, #tpu.memory_space<vmem>>
        %dma_wait3A_126 = arith.constant 0 : i32
        %dma_wait3A_127 = tpu.memref_slice %arg9[%run_scoped3A_90, %dma_wait3A_126] : memref<2x128xi32, #tpu.memory_space<vmem>> -> memref<1x128xi32, #tpu.memory_space<vmem>>
        %dma_wait3A_128 = tpu.memref_squeeze %dma_wait3A_127 : memref<1x128xi32, #tpu.memory_space<vmem>> -> memref<128xi32, #tpu.memory_space<vmem>>
        %dma_wait3A_129 = arith.constant 0 : i32
        %dma_wait3A_130 = arith.constant 0 : i32
        %dma_wait3A_131 = tpu.memref_slice %arg7[%dma_wait3A_129, %dma_wait3A_130] : memref<51200x32xf32, #tpu.memory_space<vmem_shared>> -> memref<51200x32xf32, #tpu.memory_space<vmem_shared>>
        tpu.wait_indirect_dma semaphore(%run_scoped3A_113 : memref<!tpu.dma_semaphore, #tpu.memory_space<semaphore_mem>>) src(%dma_wait3A_125 : memref<128x32xf32, #tpu.memory_space<vmem>>) dst(%dma_wait3A_131 : memref<51200x32xf32, #tpu.memory_space<vmem_shared>>)
        tpu.yield
      }) : () -> ()
      %dma_wait3A_91 = arith.constant 0 : i32
      %dma_wait3A_92 = arith.constant 0 : i32
      %dma_wait3A_93 = arith.constant 0 : i32
      %dma_wait3A_94 = tpu.memref_slice %arg13[%dma_wait3A_92, %dma_wait3A_93] : memref<256x32xf32, #tpu.memory_space<vmem>> -> memref<128x32xf32, #tpu.memory_space<vmem>>
      %dma_wait3A_95 = arith.constant 0 : i32
      %dma_wait3A_96 = tpu.memref_slice %arg11[%dma_wait3A_91, %dma_wait3A_95] : memref<2x128xi32, #tpu.memory_space<vmem>> -> memref<1x128xi32, #tpu.memory_space<vmem>>
      %dma_wait3A_97 = tpu.memref_squeeze %dma_wait3A_96 : memref<1x128xi32, #tpu.memory_space<vmem>> -> memref<128xi32, #tpu.memory_space<vmem>>
      %dma_wait3A_98 = arith.constant 0 : i32
      %dma_wait3A_99 = arith.constant 0 : i32
      %dma_wait3A_100 = tpu.memref_slice %arg2[%dma_wait3A_98, %dma_wait3A_99] : memref<50000x32xf32, #tpu.memory_space<hbm>> -> memref<50000x32xf32, #tpu.memory_space<hbm>>
      tpu.wait_indirect_dma semaphore(%arg16 : memref<!tpu.dma_semaphore, #tpu.memory_space<semaphore_mem>>) src(%dma_wait3A_100 : memref<50000x32xf32, #tpu.memory_space<hbm>>) dst(%dma_wait3A_94 : memref<128x32xf32, #tpu.memory_space<vmem>>)
      %dma_wait3A_101 = arith.constant 1 : i32
      %dma_wait3A_102 = arith.constant 128 : i32
      %dma_wait3A_103 = arith.constant 0 : i32
      %dma_wait3A_104 = tpu.memref_slice %arg13[%dma_wait3A_102, %dma_wait3A_103] : memref<256x32xf32, #tpu.memory_space<vmem>> -> memref<128x32xf32, #tpu.memory_space<vmem>>
      %dma_wait3A_105 = arith.constant 0 : i32
      %dma_wait3A_106 = tpu.memref_slice %arg11[%dma_wait3A_101, %dma_wait3A_105] : memref<2x128xi32, #tpu.memory_space<vmem>> -> memref<1x128xi32, #tpu.memory_space<vmem>>
      %dma_wait3A_107 = tpu.memref_squeeze %dma_wait3A_106 : memref<1x128xi32, #tpu.memory_space<vmem>> -> memref<128xi32, #tpu.memory_space<vmem>>
      %dma_wait3A_108 = arith.constant 0 : i32
      %dma_wait3A_109 = arith.constant 0 : i32
      %dma_wait3A_110 = tpu.memref_slice %arg2[%dma_wait3A_108, %dma_wait3A_109] : memref<50000x32xf32, #tpu.memory_space<hbm>> -> memref<50000x32xf32, #tpu.memory_space<hbm>>
      tpu.wait_indirect_dma semaphore(%arg16 : memref<!tpu.dma_semaphore, #tpu.memory_space<semaphore_mem>>) src(%dma_wait3A_110 : memref<50000x32xf32, #tpu.memory_space<hbm>>) dst(%dma_wait3A_104 : memref<128x32xf32, #tpu.memory_space<vmem>>)
      %run_scoped3A_111 = arith.constant 0 : i32
      "tpu.region"() ({
        %run_scoped3A_113 = tpu.sem_alloc : memref<!tpu.dma_semaphore, #tpu.memory_space<semaphore_mem>>
        %dma_start3A_114 = arith.constant 0 : i32
        %dma_start3A_115 = arith.constant 0 : i32
        %dma_start3A_116 = tpu.memref_slice %arg13[%dma_start3A_114, %dma_start3A_115] : memref<256x32xf32, #tpu.memory_space<vmem>> -> memref<128x32xf32, #tpu.memory_space<vmem>>
        %dma_start3A_117 = arith.constant 0 : i32
        %dma_start3A_118 = tpu.memref_slice %arg12[%run_scoped3A_111, %dma_start3A_117] : memref<2x128xi32, #tpu.memory_space<vmem>> -> memref<1x128xi32, #tpu.memory_space<vmem>>
        %dma_start3A_119 = tpu.memref_squeeze %dma_start3A_118 : memref<1x128xi32, #tpu.memory_space<vmem>> -> memref<128xi32, #tpu.memory_space<vmem>>
        %dma_start3A_120 = arith.constant 0 : i32
        %dma_start3A_121 = arith.constant 0 : i32
        %dma_start3A_122 = tpu.memref_slice %arg7[%dma_start3A_120, %dma_start3A_121] : memref<51200x32xf32, #tpu.memory_space<vmem_shared>> -> memref<51200x32xf32, #tpu.memory_space<vmem_shared>>
        tpu.enqueue_indirect_dma source(%dma_start3A_116 : memref<128x32xf32, #tpu.memory_space<vmem>>) target(%dma_start3A_122 : memref<51200x32xf32, #tpu.memory_space<vmem_shared>>) offsets(%dma_start3A_119 : memref<128xi32, #tpu.memory_space<vmem>>) semaphore(%run_scoped3A_113 : memref<!tpu.dma_semaphore, #tpu.memory_space<semaphore_mem>>) {add = true}
        %dma_wait3A_123 = arith.constant 0 : i32
        %dma_wait3A_124 = arith.constant 0 : i32
        %dma_wait3A_125 = tpu.memref_slice %arg13[%dma_wait3A_123, %dma_wait3A_124] : memref<256x32xf32, #tpu.memory_space<vmem>> -> memref<128x32xf32, #tpu.memory_space<vmem>>
        %dma_wait3A_126 = arith.constant 0 : i32
        %dma_wait3A_127 = tpu.memref_slice %arg12[%run_scoped3A_111, %dma_wait3A_126] : memref<2x128xi32, #tpu.memory_space<vmem>> -> memref<1x128xi32, #tpu.memory_space<vmem>>
        %dma_wait3A_128 = tpu.memref_squeeze %dma_wait3A_127 : memref<1x128xi32, #tpu.memory_space<vmem>> -> memref<128xi32, #tpu.memory_space<vmem>>
        %dma_wait3A_129 = arith.constant 0 : i32
        %dma_wait3A_130 = arith.constant 0 : i32
        %dma_wait3A_131 = tpu.memref_slice %arg7[%dma_wait3A_129, %dma_wait3A_130] : memref<51200x32xf32, #tpu.memory_space<vmem_shared>> -> memref<51200x32xf32, #tpu.memory_space<vmem_shared>>
        tpu.wait_indirect_dma semaphore(%run_scoped3A_113 : memref<!tpu.dma_semaphore, #tpu.memory_space<semaphore_mem>>) src(%dma_wait3A_125 : memref<128x32xf32, #tpu.memory_space<vmem>>) dst(%dma_wait3A_131 : memref<51200x32xf32, #tpu.memory_space<vmem_shared>>)
        tpu.yield
      }) : () -> ()
      %run_scoped3A_112 = arith.constant 1 : i32
      "tpu.region"() ({
        %run_scoped3A_113 = tpu.sem_alloc : memref<!tpu.dma_semaphore, #tpu.memory_space<semaphore_mem>>
        %dma_start3A_114 = arith.constant 128 : i32
        %dma_start3A_115 = arith.constant 0 : i32
        %dma_start3A_116 = tpu.memref_slice %arg13[%dma_start3A_114, %dma_start3A_115] : memref<256x32xf32, #tpu.memory_space<vmem>> -> memref<128x32xf32, #tpu.memory_space<vmem>>
        %dma_start3A_117 = arith.constant 0 : i32
        %dma_start3A_118 = tpu.memref_slice %arg12[%run_scoped3A_112, %dma_start3A_117] : memref<2x128xi32, #tpu.memory_space<vmem>> -> memref<1x128xi32, #tpu.memory_space<vmem>>
        %dma_start3A_119 = tpu.memref_squeeze %dma_start3A_118 : memref<1x128xi32, #tpu.memory_space<vmem>> -> memref<128xi32, #tpu.memory_space<vmem>>
        %dma_start3A_120 = arith.constant 0 : i32
        %dma_start3A_121 = arith.constant 0 : i32
        %dma_start3A_122 = tpu.memref_slice %arg7[%dma_start3A_120, %dma_start3A_121] : memref<51200x32xf32, #tpu.memory_space<vmem_shared>> -> memref<51200x32xf32, #tpu.memory_space<vmem_shared>>
        tpu.enqueue_indirect_dma source(%dma_start3A_116 : memref<128x32xf32, #tpu.memory_space<vmem>>) target(%dma_start3A_122 : memref<51200x32xf32, #tpu.memory_space<vmem_shared>>) offsets(%dma_start3A_119 : memref<128xi32, #tpu.memory_space<vmem>>) semaphore(%run_scoped3A_113 : memref<!tpu.dma_semaphore, #tpu.memory_space<semaphore_mem>>) {add = true}
        %dma_wait3A_123 = arith.constant 128 : i32
        %dma_wait3A_124 = arith.constant 0 : i32
        %dma_wait3A_125 = tpu.memref_slice %arg13[%dma_wait3A_123, %dma_wait3A_124] : memref<256x32xf32, #tpu.memory_space<vmem>> -> memref<128x32xf32, #tpu.memory_space<vmem>>
        %dma_wait3A_126 = arith.constant 0 : i32
        %dma_wait3A_127 = tpu.memref_slice %arg12[%run_scoped3A_112, %dma_wait3A_126] : memref<2x128xi32, #tpu.memory_space<vmem>> -> memref<1x128xi32, #tpu.memory_space<vmem>>
        %dma_wait3A_128 = tpu.memref_squeeze %dma_wait3A_127 : memref<1x128xi32, #tpu.memory_space<vmem>> -> memref<128xi32, #tpu.memory_space<vmem>>
        %dma_wait3A_129 = arith.constant 0 : i32
        %dma_wait3A_130 = arith.constant 0 : i32
        %dma_wait3A_131 = tpu.memref_slice %arg7[%dma_wait3A_129, %dma_wait3A_130] : memref<51200x32xf32, #tpu.memory_space<vmem_shared>> -> memref<51200x32xf32, #tpu.memory_space<vmem_shared>>
        tpu.wait_indirect_dma semaphore(%run_scoped3A_113 : memref<!tpu.dma_semaphore, #tpu.memory_space<semaphore_mem>>) src(%dma_wait3A_125 : memref<128x32xf32, #tpu.memory_space<vmem>>) dst(%dma_wait3A_131 : memref<51200x32xf32, #tpu.memory_space<vmem_shared>>)
        tpu.yield
      }) : () -> ()
    } else {
    }
    %eq3A_14 = arith.constant 1 : i32
    %eq3A_15 = arith.cmpi eq, %arg0, %eq3A_14 : i32
    %convert_element_type3A_16 = arith.extui %eq3A_15 : i1 to i32
    %cond3A_17 = arith.constant 0 : i32
    %cond3A_18 = arith.cmpi ne, %convert_element_type3A_16, %cond3A_17 : i32
    scf.if %cond3A_18 {
      %add3A = arith.constant 0 : i32
      %add3A_20 = arith.addi %mul3A_11, %add3A : i32
      "tpu.region"() ({
        %run_scoped3A_113 = tpu.sem_alloc : memref<!tpu.dma_semaphore, #tpu.memory_space<semaphore_mem>>
        %dma_start3A_114 = arith.constant 0 : i32
        %dma_start3A_115 = tpu.memref_slice %arg4[%add3A_20, %dma_start3A_114] : memref<6272x128xi32, #tpu.memory_space<hbm>> -> memref<2x128xi32, #tpu.memory_space<hbm>>
        %dma_start3A_116 = arith.constant 0 : i32
        %dma_start3A_117 = tpu.memref_slice %arg4[%add3A_20, %dma_start3A_116] : memref<6272x128xi32, #tpu.memory_space<hbm>> -> memref<2x128xi32, #tpu.memory_space<hbm>>
        tpu.enqueue_dma source(%dma_start3A_117 : memref<2x128xi32, #tpu.memory_space<hbm>>) target(%arg8 : memref<2x128xi32, #tpu.memory_space<vmem>>) target_semaphore(%run_scoped3A_113 : memref<!tpu.dma_semaphore, #tpu.memory_space<semaphore_mem>>)
        %dma_wait3A_118 = arith.constant 0 : i32
        %dma_wait3A_119 = tpu.memref_slice %arg4[%add3A_20, %dma_wait3A_118] : memref<6272x128xi32, #tpu.memory_space<hbm>> -> memref<2x128xi32, #tpu.memory_space<hbm>>
        %dma_wait3A_120 = arith.constant 0 : i32
        %dma_wait3A_121 = tpu.memref_slice %arg4[%add3A_20, %dma_wait3A_120] : memref<6272x128xi32, #tpu.memory_space<hbm>> -> memref<2x128xi32, #tpu.memory_space<hbm>>
        tpu.wait_dma2 semaphore(%run_scoped3A_113 : memref<!tpu.dma_semaphore, #tpu.memory_space<semaphore_mem>>) src(%dma_wait3A_121 : memref<2x128xi32, #tpu.memory_space<hbm>>) dst(%arg8 : memref<2x128xi32, #tpu.memory_space<vmem>>)
        tpu.yield
      }) : () -> ()
      %add3A_21 = arith.constant 0 : i32
      %add3A_22 = arith.addi %mul3A_11, %add3A_21 : i32
      "tpu.region"() ({
        %run_scoped3A_113 = tpu.sem_alloc : memref<!tpu.dma_semaphore, #tpu.memory_space<semaphore_mem>>
        %dma_start3A_114 = arith.constant 0 : i32
        %dma_start3A_115 = tpu.memref_slice %arg5[%add3A_22, %dma_start3A_114] : memref<6272x128xi32, #tpu.memory_space<hbm>> -> memref<2x128xi32, #tpu.memory_space<hbm>>
        %dma_start3A_116 = arith.constant 0 : i32
        %dma_start3A_117 = tpu.memref_slice %arg5[%add3A_22, %dma_start3A_116] : memref<6272x128xi32, #tpu.memory_space<hbm>> -> memref<2x128xi32, #tpu.memory_space<hbm>>
        tpu.enqueue_dma source(%dma_start3A_117 : memref<2x128xi32, #tpu.memory_space<hbm>>) target(%arg9 : memref<2x128xi32, #tpu.memory_space<vmem>>) target_semaphore(%run_scoped3A_113 : memref<!tpu.dma_semaphore, #tpu.memory_space<semaphore_mem>>)
        %dma_wait3A_118 = arith.constant 0 : i32
        %dma_wait3A_119 = tpu.memref_slice %arg5[%add3A_22, %dma_wait3A_118] : memref<6272x128xi32, #tpu.memory_space<hbm>> -> memref<2x128xi32, #tpu.memory_space<hbm>>
        %dma_wait3A_120 = arith.constant 0 : i32
        %dma_wait3A_121 = tpu.memref_slice %arg5[%add3A_22, %dma_wait3A_120] : memref<6272x128xi32, #tpu.memory_space<hbm>> -> memref<2x128xi32, #tpu.memory_space<hbm>>
        tpu.wait_dma2 semaphore(%run_scoped3A_113 : memref<!tpu.dma_semaphore, #tpu.memory_space<semaphore_mem>>) src(%dma_wait3A_121 : memref<2x128xi32, #tpu.memory_space<hbm>>) dst(%arg9 : memref<2x128xi32, #tpu.memory_space<vmem>>)
        tpu.yield
      }) : () -> ()
      %dma_start3A = arith.constant 0 : i32
      %dma_start3A_23 = arith.constant 0 : i32
      %dma_start3A_24 = arith.constant 0 : i32
      %dma_start3A_25 = tpu.memref_slice %arg10[%dma_start3A_23, %dma_start3A_24] : memref<256x32xf32, #tpu.memory_space<vmem>> -> memref<128x32xf32, #tpu.memory_space<vmem>>
      %dma_start3A_26 = arith.constant 0 : i32
      %dma_start3A_27 = tpu.memref_slice %arg8[%dma_start3A, %dma_start3A_26] : memref<2x128xi32, #tpu.memory_space<vmem>> -> memref<1x128xi32, #tpu.memory_space<vmem>>
      %dma_start3A_28 = tpu.memref_squeeze %dma_start3A_27 : memref<1x128xi32, #tpu.memory_space<vmem>> -> memref<128xi32, #tpu.memory_space<vmem>>
      %dma_start3A_29 = arith.constant 0 : i32
      %dma_start3A_30 = arith.constant 0 : i32
      %dma_start3A_31 = tpu.memref_slice %arg3[%dma_start3A_29, %dma_start3A_30] : memref<50000x32xf32, #tpu.memory_space<hbm>> -> memref<50000x32xf32, #tpu.memory_space<hbm>>
      tpu.enqueue_indirect_dma source(%dma_start3A_31 : memref<50000x32xf32, #tpu.memory_space<hbm>>) target(%dma_start3A_25 : memref<128x32xf32, #tpu.memory_space<vmem>>) offsets(%dma_start3A_28 : memref<128xi32, #tpu.memory_space<vmem>>) semaphore(%arg15 : memref<!tpu.dma_semaphore, #tpu.memory_space<semaphore_mem>>)
      %dma_start3A_32 = arith.constant 1 : i32
      %dma_start3A_33 = arith.constant 128 : i32
      %dma_start3A_34 = arith.constant 0 : i32
      %dma_start3A_35 = tpu.memref_slice %arg10[%dma_start3A_33, %dma_start3A_34] : memref<256x32xf32, #tpu.memory_space<vmem>> -> memref<128x32xf32, #tpu.memory_space<vmem>>
      %dma_start3A_36 = arith.constant 0 : i32
      %dma_start3A_37 = tpu.memref_slice %arg8[%dma_start3A_32, %dma_start3A_36] : memref<2x128xi32, #tpu.memory_space<vmem>> -> memref<1x128xi32, #tpu.memory_space<vmem>>
      %dma_start3A_38 = tpu.memref_squeeze %dma_start3A_37 : memref<1x128xi32, #tpu.memory_space<vmem>> -> memref<128xi32, #tpu.memory_space<vmem>>
      %dma_start3A_39 = arith.constant 0 : i32
      %dma_start3A_40 = arith.constant 0 : i32
      %dma_start3A_41 = tpu.memref_slice %arg3[%dma_start3A_39, %dma_start3A_40] : memref<50000x32xf32, #tpu.memory_space<hbm>> -> memref<50000x32xf32, #tpu.memory_space<hbm>>
      tpu.enqueue_indirect_dma source(%dma_start3A_41 : memref<50000x32xf32, #tpu.memory_space<hbm>>) target(%dma_start3A_35 : memref<128x32xf32, #tpu.memory_space<vmem>>) offsets(%dma_start3A_38 : memref<128xi32, #tpu.memory_space<vmem>>) semaphore(%arg15 : memref<!tpu.dma_semaphore, #tpu.memory_space<semaphore_mem>>)
      %scan3A_42 = arith.constant 0 : i32
      %scan3A_43 = arith.constant 97 : i32
      %scan3A_44 = arith.addi %scan3A_42, %scan3A_43 : i32
      %scan3A_45 = arith.constant 1 : i32
      scf.for %scan3A_113 = %scan3A_42 to %scan3A_44 step %scan3A_45  : i32 {
        %mul3A_114 = arith.constant 1 : i32
        %mul3A_115 = arith.muli %scan3A_113, %mul3A_114 : i32
        %add3A_116 = arith.constant 0 : i32
        %add3A_117 = arith.addi %add3A_116, %mul3A_115 : i32
        %mul3A_118 = arith.constant 2 : i32
        %mul3A_119 = arith.muli %mul3A_118, %add3A_117 : i32
        %add3A_120 = arith.constant 1 : i32
        %add3A_121 = arith.addi %mul3A_119, %add3A_120 : i32
        %mul3A_122 = arith.constant 2 : i32
        %mul3A_123 = arith.muli %add3A_121, %mul3A_122 : i32
        %add3A_124 = arith.addi %mul3A_11, %mul3A_123 : i32
        "tpu.region"() ({
          %run_scoped3A_220 = tpu.sem_alloc : memref<!tpu.dma_semaphore, #tpu.memory_space<semaphore_mem>>
          %dma_start3A_221 = arith.constant 0 : i32
          %dma_start3A_222 = tpu.memref_slice %arg4[%add3A_124, %dma_start3A_221] : memref<6272x128xi32, #tpu.memory_space<hbm>> -> memref<2x128xi32, #tpu.memory_space<hbm>>
          %dma_start3A_223 = arith.constant 0 : i32
          %dma_start3A_224 = tpu.memref_slice %arg4[%add3A_124, %dma_start3A_223] : memref<6272x128xi32, #tpu.memory_space<hbm>> -> memref<2x128xi32, #tpu.memory_space<hbm>>
          tpu.enqueue_dma source(%dma_start3A_224 : memref<2x128xi32, #tpu.memory_space<hbm>>) target(%arg11 : memref<2x128xi32, #tpu.memory_space<vmem>>) target_semaphore(%run_scoped3A_220 : memref<!tpu.dma_semaphore, #tpu.memory_space<semaphore_mem>>)
          %dma_wait3A_225 = arith.constant 0 : i32
          %dma_wait3A_226 = tpu.memref_slice %arg4[%add3A_124, %dma_wait3A_225] : memref<6272x128xi32, #tpu.memory_space<hbm>> -> memref<2x128xi32, #tpu.memory_space<hbm>>
          %dma_wait3A_227 = arith.constant 0 : i32
          %dma_wait3A_228 = tpu.memref_slice %arg4[%add3A_124, %dma_wait3A_227] : memref<6272x128xi32, #tpu.memory_space<hbm>> -> memref<2x128xi32, #tpu.memory_space<hbm>>
          tpu.wait_dma2 semaphore(%run_scoped3A_220 : memref<!tpu.dma_semaphore, #tpu.memory_space<semaphore_mem>>) src(%dma_wait3A_228 : memref<2x128xi32, #tpu.memory_space<hbm>>) dst(%arg11 : memref<2x128xi32, #tpu.memory_space<vmem>>)
          tpu.yield
        }) : () -> ()
        %mul3A_125 = arith.constant 2 : i32
        %mul3A_126 = arith.muli %add3A_121, %mul3A_125 : i32
        %add3A_127 = arith.addi %mul3A_11, %mul3A_126 : i32
        "tpu.region"() ({
          %run_scoped3A_220 = tpu.sem_alloc : memref<!tpu.dma_semaphore, #tpu.memory_space<semaphore_mem>>
          %dma_start3A_221 = arith.constant 0 : i32
          %dma_start3A_222 = tpu.memref_slice %arg5[%add3A_127, %dma_start3A_221] : memref<6272x128xi32, #tpu.memory_space<hbm>> -> memref<2x128xi32, #tpu.memory_space<hbm>>
          %dma_start3A_223 = arith.constant 0 : i32
          %dma_start3A_224 = tpu.memref_slice %arg5[%add3A_127, %dma_start3A_223] : memref<6272x128xi32, #tpu.memory_space<hbm>> -> memref<2x128xi32, #tpu.memory_space<hbm>>
          tpu.enqueue_dma source(%dma_start3A_224 : memref<2x128xi32, #tpu.memory_space<hbm>>) target(%arg12 : memref<2x128xi32, #tpu.memory_space<vmem>>) target_semaphore(%run_scoped3A_220 : memref<!tpu.dma_semaphore, #tpu.memory_space<semaphore_mem>>)
          %dma_wait3A_225 = arith.constant 0 : i32
          %dma_wait3A_226 = tpu.memref_slice %arg5[%add3A_127, %dma_wait3A_225] : memref<6272x128xi32, #tpu.memory_space<hbm>> -> memref<2x128xi32, #tpu.memory_space<hbm>>
          %dma_wait3A_227 = arith.constant 0 : i32
          %dma_wait3A_228 = tpu.memref_slice %arg5[%add3A_127, %dma_wait3A_227] : memref<6272x128xi32, #tpu.memory_space<hbm>> -> memref<2x128xi32, #tpu.memory_space<hbm>>
          tpu.wait_dma2 semaphore(%run_scoped3A_220 : memref<!tpu.dma_semaphore, #tpu.memory_space<semaphore_mem>>) src(%dma_wait3A_228 : memref<2x128xi32, #tpu.memory_space<hbm>>) dst(%arg12 : memref<2x128xi32, #tpu.memory_space<vmem>>)
          tpu.yield
        }) : () -> ()
        %dma_start3A_128 = arith.constant 0 : i32
        %dma_start3A_129 = arith.constant 0 : i32
        %dma_start3A_130 = arith.constant 0 : i32
        %dma_start3A_131 = tpu.memref_slice %arg13[%dma_start3A_129, %dma_start3A_130] : memref<256x32xf32, #tpu.memory_space<vmem>> -> memref<128x32xf32, #tpu.memory_space<vmem>>
        %dma_start3A_132 = arith.constant 0 : i32
        %dma_start3A_133 = tpu.memref_slice %arg11[%dma_start3A_128, %dma_start3A_132] : memref<2x128xi32, #tpu.memory_space<vmem>> -> memref<1x128xi32, #tpu.memory_space<vmem>>
        %dma_start3A_134 = tpu.memref_squeeze %dma_start3A_133 : memref<1x128xi32, #tpu.memory_space<vmem>> -> memref<128xi32, #tpu.memory_space<vmem>>
        %dma_start3A_135 = arith.constant 0 : i32
        %dma_start3A_136 = arith.constant 0 : i32
        %dma_start3A_137 = tpu.memref_slice %arg3[%dma_start3A_135, %dma_start3A_136] : memref<50000x32xf32, #tpu.memory_space<hbm>> -> memref<50000x32xf32, #tpu.memory_space<hbm>>
        tpu.enqueue_indirect_dma source(%dma_start3A_137 : memref<50000x32xf32, #tpu.memory_space<hbm>>) target(%dma_start3A_131 : memref<128x32xf32, #tpu.memory_space<vmem>>) offsets(%dma_start3A_134 : memref<128xi32, #tpu.memory_space<vmem>>) semaphore(%arg16 : memref<!tpu.dma_semaphore, #tpu.memory_space<semaphore_mem>>)
        %dma_start3A_138 = arith.constant 1 : i32
        %dma_start3A_139 = arith.constant 128 : i32
        %dma_start3A_140 = arith.constant 0 : i32
        %dma_start3A_141 = tpu.memref_slice %arg13[%dma_start3A_139, %dma_start3A_140] : memref<256x32xf32, #tpu.memory_space<vmem>> -> memref<128x32xf32, #tpu.memory_space<vmem>>
        %dma_start3A_142 = arith.constant 0 : i32
        %dma_start3A_143 = tpu.memref_slice %arg11[%dma_start3A_138, %dma_start3A_142] : memref<2x128xi32, #tpu.memory_space<vmem>> -> memref<1x128xi32, #tpu.memory_space<vmem>>
        %dma_start3A_144 = tpu.memref_squeeze %dma_start3A_143 : memref<1x128xi32, #tpu.memory_space<vmem>> -> memref<128xi32, #tpu.memory_space<vmem>>
        %dma_start3A_145 = arith.constant 0 : i32
        %dma_start3A_146 = arith.constant 0 : i32
        %dma_start3A_147 = tpu.memref_slice %arg3[%dma_start3A_145, %dma_start3A_146] : memref<50000x32xf32, #tpu.memory_space<hbm>> -> memref<50000x32xf32, #tpu.memory_space<hbm>>
        tpu.enqueue_indirect_dma source(%dma_start3A_147 : memref<50000x32xf32, #tpu.memory_space<hbm>>) target(%dma_start3A_141 : memref<128x32xf32, #tpu.memory_space<vmem>>) offsets(%dma_start3A_144 : memref<128xi32, #tpu.memory_space<vmem>>) semaphore(%arg16 : memref<!tpu.dma_semaphore, #tpu.memory_space<semaphore_mem>>)
        %dma_wait3A_148 = arith.constant 0 : i32
        %dma_wait3A_149 = arith.constant 0 : i32
        %dma_wait3A_150 = arith.constant 0 : i32
        %dma_wait3A_151 = tpu.memref_slice %arg10[%dma_wait3A_149, %dma_wait3A_150] : memref<256x32xf32, #tpu.memory_space<vmem>> -> memref<128x32xf32, #tpu.memory_space<vmem>>
        %dma_wait3A_152 = arith.constant 0 : i32
        %dma_wait3A_153 = tpu.memref_slice %arg8[%dma_wait3A_148, %dma_wait3A_152] : memref<2x128xi32, #tpu.memory_space<vmem>> -> memref<1x128xi32, #tpu.memory_space<vmem>>
        %dma_wait3A_154 = tpu.memref_squeeze %dma_wait3A_153 : memref<1x128xi32, #tpu.memory_space<vmem>> -> memref<128xi32, #tpu.memory_space<vmem>>
        %dma_wait3A_155 = arith.constant 0 : i32
        %dma_wait3A_156 = arith.constant 0 : i32
        %dma_wait3A_157 = tpu.memref_slice %arg3[%dma_wait3A_155, %dma_wait3A_156] : memref<50000x32xf32, #tpu.memory_space<hbm>> -> memref<50000x32xf32, #tpu.memory_space<hbm>>
        tpu.wait_indirect_dma semaphore(%arg15 : memref<!tpu.dma_semaphore, #tpu.memory_space<semaphore_mem>>) src(%dma_wait3A_157 : memref<50000x32xf32, #tpu.memory_space<hbm>>) dst(%dma_wait3A_151 : memref<128x32xf32, #tpu.memory_space<vmem>>)
        %dma_wait3A_158 = arith.constant 1 : i32
        %dma_wait3A_159 = arith.constant 128 : i32
        %dma_wait3A_160 = arith.constant 0 : i32
        %dma_wait3A_161 = tpu.memref_slice %arg10[%dma_wait3A_159, %dma_wait3A_160] : memref<256x32xf32, #tpu.memory_space<vmem>> -> memref<128x32xf32, #tpu.memory_space<vmem>>
        %dma_wait3A_162 = arith.constant 0 : i32
        %dma_wait3A_163 = tpu.memref_slice %arg8[%dma_wait3A_158, %dma_wait3A_162] : memref<2x128xi32, #tpu.memory_space<vmem>> -> memref<1x128xi32, #tpu.memory_space<vmem>>
        %dma_wait3A_164 = tpu.memref_squeeze %dma_wait3A_163 : memref<1x128xi32, #tpu.memory_space<vmem>> -> memref<128xi32, #tpu.memory_space<vmem>>
        %dma_wait3A_165 = arith.constant 0 : i32
        %dma_wait3A_166 = arith.constant 0 : i32
        %dma_wait3A_167 = tpu.memref_slice %arg3[%dma_wait3A_165, %dma_wait3A_166] : memref<50000x32xf32, #tpu.memory_space<hbm>> -> memref<50000x32xf32, #tpu.memory_space<hbm>>
        tpu.wait_indirect_dma semaphore(%arg15 : memref<!tpu.dma_semaphore, #tpu.memory_space<semaphore_mem>>) src(%dma_wait3A_167 : memref<50000x32xf32, #tpu.memory_space<hbm>>) dst(%dma_wait3A_161 : memref<128x32xf32, #tpu.memory_space<vmem>>)
        %run_scoped3A_168 = arith.constant 0 : i32
        "tpu.region"() ({
          %run_scoped3A_220 = tpu.sem_alloc : memref<!tpu.dma_semaphore, #tpu.memory_space<semaphore_mem>>
          %dma_start3A_221 = arith.constant 0 : i32
          %dma_start3A_222 = arith.constant 0 : i32
          %dma_start3A_223 = tpu.memref_slice %arg10[%dma_start3A_221, %dma_start3A_222] : memref<256x32xf32, #tpu.memory_space<vmem>> -> memref<128x32xf32, #tpu.memory_space<vmem>>
          %dma_start3A_224 = arith.constant 0 : i32
          %dma_start3A_225 = tpu.memref_slice %arg9[%run_scoped3A_168, %dma_start3A_224] : memref<2x128xi32, #tpu.memory_space<vmem>> -> memref<1x128xi32, #tpu.memory_space<vmem>>
          %dma_start3A_226 = tpu.memref_squeeze %dma_start3A_225 : memref<1x128xi32, #tpu.memory_space<vmem>> -> memref<128xi32, #tpu.memory_space<vmem>>
          %dma_start3A_227 = arith.constant 0 : i32
          %dma_start3A_228 = arith.constant 0 : i32
          %dma_start3A_229 = tpu.memref_slice %arg7[%dma_start3A_227, %dma_start3A_228] : memref<51200x32xf32, #tpu.memory_space<vmem_shared>> -> memref<51200x32xf32, #tpu.memory_space<vmem_shared>>
          tpu.enqueue_indirect_dma source(%dma_start3A_223 : memref<128x32xf32, #tpu.memory_space<vmem>>) target(%dma_start3A_229 : memref<51200x32xf32, #tpu.memory_space<vmem_shared>>) offsets(%dma_start3A_226 : memref<128xi32, #tpu.memory_space<vmem>>) semaphore(%run_scoped3A_220 : memref<!tpu.dma_semaphore, #tpu.memory_space<semaphore_mem>>) {add = true}
          %dma_wait3A_230 = arith.constant 0 : i32
          %dma_wait3A_231 = arith.constant 0 : i32
          %dma_wait3A_232 = tpu.memref_slice %arg10[%dma_wait3A_230, %dma_wait3A_231] : memref<256x32xf32, #tpu.memory_space<vmem>> -> memref<128x32xf32, #tpu.memory_space<vmem>>
          %dma_wait3A_233 = arith.constant 0 : i32
          %dma_wait3A_234 = tpu.memref_slice %arg9[%run_scoped3A_168, %dma_wait3A_233] : memref<2x128xi32, #tpu.memory_space<vmem>> -> memref<1x128xi32, #tpu.memory_space<vmem>>
          %dma_wait3A_235 = tpu.memref_squeeze %dma_wait3A_234 : memref<1x128xi32, #tpu.memory_space<vmem>> -> memref<128xi32, #tpu.memory_space<vmem>>
          %dma_wait3A_236 = arith.constant 0 : i32
          %dma_wait3A_237 = arith.constant 0 : i32
          %dma_wait3A_238 = tpu.memref_slice %arg7[%dma_wait3A_236, %dma_wait3A_237] : memref<51200x32xf32, #tpu.memory_space<vmem_shared>> -> memref<51200x32xf32, #tpu.memory_space<vmem_shared>>
          tpu.wait_indirect_dma semaphore(%run_scoped3A_220 : memref<!tpu.dma_semaphore, #tpu.memory_space<semaphore_mem>>) src(%dma_wait3A_232 : memref<128x32xf32, #tpu.memory_space<vmem>>) dst(%dma_wait3A_238 : memref<51200x32xf32, #tpu.memory_space<vmem_shared>>)
          tpu.yield
        }) : () -> ()
        %run_scoped3A_169 = arith.constant 1 : i32
        "tpu.region"() ({
          %run_scoped3A_220 = tpu.sem_alloc : memref<!tpu.dma_semaphore, #tpu.memory_space<semaphore_mem>>
          %dma_start3A_221 = arith.constant 128 : i32
          %dma_start3A_222 = arith.constant 0 : i32
          %dma_start3A_223 = tpu.memref_slice %arg10[%dma_start3A_221, %dma_start3A_222] : memref<256x32xf32, #tpu.memory_space<vmem>> -> memref<128x32xf32, #tpu.memory_space<vmem>>
          %dma_start3A_224 = arith.constant 0 : i32
          %dma_start3A_225 = tpu.memref_slice %arg9[%run_scoped3A_169, %dma_start3A_224] : memref<2x128xi32, #tpu.memory_space<vmem>> -> memref<1x128xi32, #tpu.memory_space<vmem>>
          %dma_start3A_226 = tpu.memref_squeeze %dma_start3A_225 : memref<1x128xi32, #tpu.memory_space<vmem>> -> memref<128xi32, #tpu.memory_space<vmem>>
          %dma_start3A_227 = arith.constant 0 : i32
          %dma_start3A_228 = arith.constant 0 : i32
          %dma_start3A_229 = tpu.memref_slice %arg7[%dma_start3A_227, %dma_start3A_228] : memref<51200x32xf32, #tpu.memory_space<vmem_shared>> -> memref<51200x32xf32, #tpu.memory_space<vmem_shared>>
          tpu.enqueue_indirect_dma source(%dma_start3A_223 : memref<128x32xf32, #tpu.memory_space<vmem>>) target(%dma_start3A_229 : memref<51200x32xf32, #tpu.memory_space<vmem_shared>>) offsets(%dma_start3A_226 : memref<128xi32, #tpu.memory_space<vmem>>) semaphore(%run_scoped3A_220 : memref<!tpu.dma_semaphore, #tpu.memory_space<semaphore_mem>>) {add = true}
          %dma_wait3A_230 = arith.constant 128 : i32
          %dma_wait3A_231 = arith.constant 0 : i32
          %dma_wait3A_232 = tpu.memref_slice %arg10[%dma_wait3A_230, %dma_wait3A_231] : memref<256x32xf32, #tpu.memory_space<vmem>> -> memref<128x32xf32, #tpu.memory_space<vmem>>
          %dma_wait3A_233 = arith.constant 0 : i32
          %dma_wait3A_234 = tpu.memref_slice %arg9[%run_scoped3A_169, %dma_wait3A_233] : memref<2x128xi32, #tpu.memory_space<vmem>> -> memref<1x128xi32, #tpu.memory_space<vmem>>
          %dma_wait3A_235 = tpu.memref_squeeze %dma_wait3A_234 : memref<1x128xi32, #tpu.memory_space<vmem>> -> memref<128xi32, #tpu.memory_space<vmem>>
          %dma_wait3A_236 = arith.constant 0 : i32
          %dma_wait3A_237 = arith.constant 0 : i32
          %dma_wait3A_238 = tpu.memref_slice %arg7[%dma_wait3A_236, %dma_wait3A_237] : memref<51200x32xf32, #tpu.memory_space<vmem_shared>> -> memref<51200x32xf32, #tpu.memory_space<vmem_shared>>
          tpu.wait_indirect_dma semaphore(%run_scoped3A_220 : memref<!tpu.dma_semaphore, #tpu.memory_space<semaphore_mem>>) src(%dma_wait3A_232 : memref<128x32xf32, #tpu.memory_space<vmem>>) dst(%dma_wait3A_238 : memref<51200x32xf32, #tpu.memory_space<vmem_shared>>)
          tpu.yield
        }) : () -> ()
        %add3A_170 = arith.constant 2 : i32
        %add3A_171 = arith.addi %mul3A_119, %add3A_170 : i32
        %mul3A_172 = arith.constant 2 : i32
        %mul3A_173 = arith.muli %add3A_171, %mul3A_172 : i32
        %add3A_174 = arith.addi %mul3A_11, %mul3A_173 : i32
        "tpu.region"() ({
          %run_scoped3A_220 = tpu.sem_alloc : memref<!tpu.dma_semaphore, #tpu.memory_space<semaphore_mem>>
          %dma_start3A_221 = arith.constant 0 : i32
          %dma_start3A_222 = tpu.memref_slice %arg4[%add3A_174, %dma_start3A_221] : memref<6272x128xi32, #tpu.memory_space<hbm>> -> memref<2x128xi32, #tpu.memory_space<hbm>>
          %dma_start3A_223 = arith.constant 0 : i32
          %dma_start3A_224 = tpu.memref_slice %arg4[%add3A_174, %dma_start3A_223] : memref<6272x128xi32, #tpu.memory_space<hbm>> -> memref<2x128xi32, #tpu.memory_space<hbm>>
          tpu.enqueue_dma source(%dma_start3A_224 : memref<2x128xi32, #tpu.memory_space<hbm>>) target(%arg8 : memref<2x128xi32, #tpu.memory_space<vmem>>) target_semaphore(%run_scoped3A_220 : memref<!tpu.dma_semaphore, #tpu.memory_space<semaphore_mem>>)
          %dma_wait3A_225 = arith.constant 0 : i32
          %dma_wait3A_226 = tpu.memref_slice %arg4[%add3A_174, %dma_wait3A_225] : memref<6272x128xi32, #tpu.memory_space<hbm>> -> memref<2x128xi32, #tpu.memory_space<hbm>>
          %dma_wait3A_227 = arith.constant 0 : i32
          %dma_wait3A_228 = tpu.memref_slice %arg4[%add3A_174, %dma_wait3A_227] : memref<6272x128xi32, #tpu.memory_space<hbm>> -> memref<2x128xi32, #tpu.memory_space<hbm>>
          tpu.wait_dma2 semaphore(%run_scoped3A_220 : memref<!tpu.dma_semaphore, #tpu.memory_space<semaphore_mem>>) src(%dma_wait3A_228 : memref<2x128xi32, #tpu.memory_space<hbm>>) dst(%arg8 : memref<2x128xi32, #tpu.memory_space<vmem>>)
          tpu.yield
        }) : () -> ()
        %mul3A_175 = arith.constant 2 : i32
        %mul3A_176 = arith.muli %add3A_171, %mul3A_175 : i32
        %add3A_177 = arith.addi %mul3A_11, %mul3A_176 : i32
        "tpu.region"() ({
          %run_scoped3A_220 = tpu.sem_alloc : memref<!tpu.dma_semaphore, #tpu.memory_space<semaphore_mem>>
          %dma_start3A_221 = arith.constant 0 : i32
          %dma_start3A_222 = tpu.memref_slice %arg5[%add3A_177, %dma_start3A_221] : memref<6272x128xi32, #tpu.memory_space<hbm>> -> memref<2x128xi32, #tpu.memory_space<hbm>>
          %dma_start3A_223 = arith.constant 0 : i32
          %dma_start3A_224 = tpu.memref_slice %arg5[%add3A_177, %dma_start3A_223] : memref<6272x128xi32, #tpu.memory_space<hbm>> -> memref<2x128xi32, #tpu.memory_space<hbm>>
          tpu.enqueue_dma source(%dma_start3A_224 : memref<2x128xi32, #tpu.memory_space<hbm>>) target(%arg9 : memref<2x128xi32, #tpu.memory_space<vmem>>) target_semaphore(%run_scoped3A_220 : memref<!tpu.dma_semaphore, #tpu.memory_space<semaphore_mem>>)
          %dma_wait3A_225 = arith.constant 0 : i32
          %dma_wait3A_226 = tpu.memref_slice %arg5[%add3A_177, %dma_wait3A_225] : memref<6272x128xi32, #tpu.memory_space<hbm>> -> memref<2x128xi32, #tpu.memory_space<hbm>>
          %dma_wait3A_227 = arith.constant 0 : i32
          %dma_wait3A_228 = tpu.memref_slice %arg5[%add3A_177, %dma_wait3A_227] : memref<6272x128xi32, #tpu.memory_space<hbm>> -> memref<2x128xi32, #tpu.memory_space<hbm>>
          tpu.wait_dma2 semaphore(%run_scoped3A_220 : memref<!tpu.dma_semaphore, #tpu.memory_space<semaphore_mem>>) src(%dma_wait3A_228 : memref<2x128xi32, #tpu.memory_space<hbm>>) dst(%arg9 : memref<2x128xi32, #tpu.memory_space<vmem>>)
          tpu.yield
        }) : () -> ()
        %dma_start3A_178 = arith.constant 0 : i32
        %dma_start3A_179 = arith.constant 0 : i32
        %dma_start3A_180 = arith.constant 0 : i32
        %dma_start3A_181 = tpu.memref_slice %arg10[%dma_start3A_179, %dma_start3A_180] : memref<256x32xf32, #tpu.memory_space<vmem>> -> memref<128x32xf32, #tpu.memory_space<vmem>>
        %dma_start3A_182 = arith.constant 0 : i32
        %dma_start3A_183 = tpu.memref_slice %arg8[%dma_start3A_178, %dma_start3A_182] : memref<2x128xi32, #tpu.memory_space<vmem>> -> memref<1x128xi32, #tpu.memory_space<vmem>>
        %dma_start3A_184 = tpu.memref_squeeze %dma_start3A_183 : memref<1x128xi32, #tpu.memory_space<vmem>> -> memref<128xi32, #tpu.memory_space<vmem>>
        %dma_start3A_185 = arith.constant 0 : i32
        %dma_start3A_186 = arith.constant 0 : i32
        %dma_start3A_187 = tpu.memref_slice %arg3[%dma_start3A_185, %dma_start3A_186] : memref<50000x32xf32, #tpu.memory_space<hbm>> -> memref<50000x32xf32, #tpu.memory_space<hbm>>
        tpu.enqueue_indirect_dma source(%dma_start3A_187 : memref<50000x32xf32, #tpu.memory_space<hbm>>) target(%dma_start3A_181 : memref<128x32xf32, #tpu.memory_space<vmem>>) offsets(%dma_start3A_184 : memref<128xi32, #tpu.memory_space<vmem>>) semaphore(%arg15 : memref<!tpu.dma_semaphore, #tpu.memory_space<semaphore_mem>>)
        %dma_start3A_188 = arith.constant 1 : i32
        %dma_start3A_189 = arith.constant 128 : i32
        %dma_start3A_190 = arith.constant 0 : i32
        %dma_start3A_191 = tpu.memref_slice %arg10[%dma_start3A_189, %dma_start3A_190] : memref<256x32xf32, #tpu.memory_space<vmem>> -> memref<128x32xf32, #tpu.memory_space<vmem>>
        %dma_start3A_192 = arith.constant 0 : i32
        %dma_start3A_193 = tpu.memref_slice %arg8[%dma_start3A_188, %dma_start3A_192] : memref<2x128xi32, #tpu.memory_space<vmem>> -> memref<1x128xi32, #tpu.memory_space<vmem>>
        %dma_start3A_194 = tpu.memref_squeeze %dma_start3A_193 : memref<1x128xi32, #tpu.memory_space<vmem>> -> memref<128xi32, #tpu.memory_space<vmem>>
        %dma_start3A_195 = arith.constant 0 : i32
        %dma_start3A_196 = arith.constant 0 : i32
        %dma_start3A_197 = tpu.memref_slice %arg3[%dma_start3A_195, %dma_start3A_196] : memref<50000x32xf32, #tpu.memory_space<hbm>> -> memref<50000x32xf32, #tpu.memory_space<hbm>>
        tpu.enqueue_indirect_dma source(%dma_start3A_197 : memref<50000x32xf32, #tpu.memory_space<hbm>>) target(%dma_start3A_191 : memref<128x32xf32, #tpu.memory_space<vmem>>) offsets(%dma_start3A_194 : memref<128xi32, #tpu.memory_space<vmem>>) semaphore(%arg15 : memref<!tpu.dma_semaphore, #tpu.memory_space<semaphore_mem>>)
        %dma_wait3A_198 = arith.constant 0 : i32
        %dma_wait3A_199 = arith.constant 0 : i32
        %dma_wait3A_200 = arith.constant 0 : i32
        %dma_wait3A_201 = tpu.memref_slice %arg13[%dma_wait3A_199, %dma_wait3A_200] : memref<256x32xf32, #tpu.memory_space<vmem>> -> memref<128x32xf32, #tpu.memory_space<vmem>>
        %dma_wait3A_202 = arith.constant 0 : i32
        %dma_wait3A_203 = tpu.memref_slice %arg11[%dma_wait3A_198, %dma_wait3A_202] : memref<2x128xi32, #tpu.memory_space<vmem>> -> memref<1x128xi32, #tpu.memory_space<vmem>>
        %dma_wait3A_204 = tpu.memref_squeeze %dma_wait3A_203 : memref<1x128xi32, #tpu.memory_space<vmem>> -> memref<128xi32, #tpu.memory_space<vmem>>
        %dma_wait3A_205 = arith.constant 0 : i32
        %dma_wait3A_206 = arith.constant 0 : i32
        %dma_wait3A_207 = tpu.memref_slice %arg3[%dma_wait3A_205, %dma_wait3A_206] : memref<50000x32xf32, #tpu.memory_space<hbm>> -> memref<50000x32xf32, #tpu.memory_space<hbm>>
        tpu.wait_indirect_dma semaphore(%arg16 : memref<!tpu.dma_semaphore, #tpu.memory_space<semaphore_mem>>) src(%dma_wait3A_207 : memref<50000x32xf32, #tpu.memory_space<hbm>>) dst(%dma_wait3A_201 : memref<128x32xf32, #tpu.memory_space<vmem>>)
        %dma_wait3A_208 = arith.constant 1 : i32
        %dma_wait3A_209 = arith.constant 128 : i32
        %dma_wait3A_210 = arith.constant 0 : i32
        %dma_wait3A_211 = tpu.memref_slice %arg13[%dma_wait3A_209, %dma_wait3A_210] : memref<256x32xf32, #tpu.memory_space<vmem>> -> memref<128x32xf32, #tpu.memory_space<vmem>>
        %dma_wait3A_212 = arith.constant 0 : i32
        %dma_wait3A_213 = tpu.memref_slice %arg11[%dma_wait3A_208, %dma_wait3A_212] : memref<2x128xi32, #tpu.memory_space<vmem>> -> memref<1x128xi32, #tpu.memory_space<vmem>>
        %dma_wait3A_214 = tpu.memref_squeeze %dma_wait3A_213 : memref<1x128xi32, #tpu.memory_space<vmem>> -> memref<128xi32, #tpu.memory_space<vmem>>
        %dma_wait3A_215 = arith.constant 0 : i32
        %dma_wait3A_216 = arith.constant 0 : i32
        %dma_wait3A_217 = tpu.memref_slice %arg3[%dma_wait3A_215, %dma_wait3A_216] : memref<50000x32xf32, #tpu.memory_space<hbm>> -> memref<50000x32xf32, #tpu.memory_space<hbm>>
        tpu.wait_indirect_dma semaphore(%arg16 : memref<!tpu.dma_semaphore, #tpu.memory_space<semaphore_mem>>) src(%dma_wait3A_217 : memref<50000x32xf32, #tpu.memory_space<hbm>>) dst(%dma_wait3A_211 : memref<128x32xf32, #tpu.memory_space<vmem>>)
        %run_scoped3A_218 = arith.constant 0 : i32
        "tpu.region"() ({
          %run_scoped3A_220 = tpu.sem_alloc : memref<!tpu.dma_semaphore, #tpu.memory_space<semaphore_mem>>
          %dma_start3A_221 = arith.constant 0 : i32
          %dma_start3A_222 = arith.constant 0 : i32
          %dma_start3A_223 = tpu.memref_slice %arg13[%dma_start3A_221, %dma_start3A_222] : memref<256x32xf32, #tpu.memory_space<vmem>> -> memref<128x32xf32, #tpu.memory_space<vmem>>
          %dma_start3A_224 = arith.constant 0 : i32
          %dma_start3A_225 = tpu.memref_slice %arg12[%run_scoped3A_218, %dma_start3A_224] : memref<2x128xi32, #tpu.memory_space<vmem>> -> memref<1x128xi32, #tpu.memory_space<vmem>>
          %dma_start3A_226 = tpu.memref_squeeze %dma_start3A_225 : memref<1x128xi32, #tpu.memory_space<vmem>> -> memref<128xi32, #tpu.memory_space<vmem>>
          %dma_start3A_227 = arith.constant 0 : i32
          %dma_start3A_228 = arith.constant 0 : i32
          %dma_start3A_229 = tpu.memref_slice %arg7[%dma_start3A_227, %dma_start3A_228] : memref<51200x32xf32, #tpu.memory_space<vmem_shared>> -> memref<51200x32xf32, #tpu.memory_space<vmem_shared>>
          tpu.enqueue_indirect_dma source(%dma_start3A_223 : memref<128x32xf32, #tpu.memory_space<vmem>>) target(%dma_start3A_229 : memref<51200x32xf32, #tpu.memory_space<vmem_shared>>) offsets(%dma_start3A_226 : memref<128xi32, #tpu.memory_space<vmem>>) semaphore(%run_scoped3A_220 : memref<!tpu.dma_semaphore, #tpu.memory_space<semaphore_mem>>) {add = true}
          %dma_wait3A_230 = arith.constant 0 : i32
          %dma_wait3A_231 = arith.constant 0 : i32
          %dma_wait3A_232 = tpu.memref_slice %arg13[%dma_wait3A_230, %dma_wait3A_231] : memref<256x32xf32, #tpu.memory_space<vmem>> -> memref<128x32xf32, #tpu.memory_space<vmem>>
          %dma_wait3A_233 = arith.constant 0 : i32
          %dma_wait3A_234 = tpu.memref_slice %arg12[%run_scoped3A_218, %dma_wait3A_233] : memref<2x128xi32, #tpu.memory_space<vmem>> -> memref<1x128xi32, #tpu.memory_space<vmem>>
          %dma_wait3A_235 = tpu.memref_squeeze %dma_wait3A_234 : memref<1x128xi32, #tpu.memory_space<vmem>> -> memref<128xi32, #tpu.memory_space<vmem>>
          %dma_wait3A_236 = arith.constant 0 : i32
          %dma_wait3A_237 = arith.constant 0 : i32
          %dma_wait3A_238 = tpu.memref_slice %arg7[%dma_wait3A_236, %dma_wait3A_237] : memref<51200x32xf32, #tpu.memory_space<vmem_shared>> -> memref<51200x32xf32, #tpu.memory_space<vmem_shared>>
          tpu.wait_indirect_dma semaphore(%run_scoped3A_220 : memref<!tpu.dma_semaphore, #tpu.memory_space<semaphore_mem>>) src(%dma_wait3A_232 : memref<128x32xf32, #tpu.memory_space<vmem>>) dst(%dma_wait3A_238 : memref<51200x32xf32, #tpu.memory_space<vmem_shared>>)
          tpu.yield
        }) : () -> ()
        %run_scoped3A_219 = arith.constant 1 : i32
        "tpu.region"() ({
          %run_scoped3A_220 = tpu.sem_alloc : memref<!tpu.dma_semaphore, #tpu.memory_space<semaphore_mem>>
          %dma_start3A_221 = arith.constant 128 : i32
          %dma_start3A_222 = arith.constant 0 : i32
          %dma_start3A_223 = tpu.memref_slice %arg13[%dma_start3A_221, %dma_start3A_222] : memref<256x32xf32, #tpu.memory_space<vmem>> -> memref<128x32xf32, #tpu.memory_space<vmem>>
          %dma_start3A_224 = arith.constant 0 : i32
          %dma_start3A_225 = tpu.memref_slice %arg12[%run_scoped3A_219, %dma_start3A_224] : memref<2x128xi32, #tpu.memory_space<vmem>> -> memref<1x128xi32, #tpu.memory_space<vmem>>
          %dma_start3A_226 = tpu.memref_squeeze %dma_start3A_225 : memref<1x128xi32, #tpu.memory_space<vmem>> -> memref<128xi32, #tpu.memory_space<vmem>>
          %dma_start3A_227 = arith.constant 0 : i32
          %dma_start3A_228 = arith.constant 0 : i32
          %dma_start3A_229 = tpu.memref_slice %arg7[%dma_start3A_227, %dma_start3A_228] : memref<51200x32xf32, #tpu.memory_space<vmem_shared>> -> memref<51200x32xf32, #tpu.memory_space<vmem_shared>>
          tpu.enqueue_indirect_dma source(%dma_start3A_223 : memref<128x32xf32, #tpu.memory_space<vmem>>) target(%dma_start3A_229 : memref<51200x32xf32, #tpu.memory_space<vmem_shared>>) offsets(%dma_start3A_226 : memref<128xi32, #tpu.memory_space<vmem>>) semaphore(%run_scoped3A_220 : memref<!tpu.dma_semaphore, #tpu.memory_space<semaphore_mem>>) {add = true}
          %dma_wait3A_230 = arith.constant 128 : i32
          %dma_wait3A_231 = arith.constant 0 : i32
          %dma_wait3A_232 = tpu.memref_slice %arg13[%dma_wait3A_230, %dma_wait3A_231] : memref<256x32xf32, #tpu.memory_space<vmem>> -> memref<128x32xf32, #tpu.memory_space<vmem>>
          %dma_wait3A_233 = arith.constant 0 : i32
          %dma_wait3A_234 = tpu.memref_slice %arg12[%run_scoped3A_219, %dma_wait3A_233] : memref<2x128xi32, #tpu.memory_space<vmem>> -> memref<1x128xi32, #tpu.memory_space<vmem>>
          %dma_wait3A_235 = tpu.memref_squeeze %dma_wait3A_234 : memref<1x128xi32, #tpu.memory_space<vmem>> -> memref<128xi32, #tpu.memory_space<vmem>>
          %dma_wait3A_236 = arith.constant 0 : i32
          %dma_wait3A_237 = arith.constant 0 : i32
          %dma_wait3A_238 = tpu.memref_slice %arg7[%dma_wait3A_236, %dma_wait3A_237] : memref<51200x32xf32, #tpu.memory_space<vmem_shared>> -> memref<51200x32xf32, #tpu.memory_space<vmem_shared>>
          tpu.wait_indirect_dma semaphore(%run_scoped3A_220 : memref<!tpu.dma_semaphore, #tpu.memory_space<semaphore_mem>>) src(%dma_wait3A_232 : memref<128x32xf32, #tpu.memory_space<vmem>>) dst(%dma_wait3A_238 : memref<51200x32xf32, #tpu.memory_space<vmem_shared>>)
          tpu.yield
        }) : () -> ()
      }
      %scan3A_46 = arith.constant 97 : i32
      %add3A_47 = arith.constant 390 : i32
      %add3A_48 = arith.addi %mul3A_11, %add3A_47 : i32
      "tpu.region"() ({
        %run_scoped3A_113 = tpu.sem_alloc : memref<!tpu.dma_semaphore, #tpu.memory_space<semaphore_mem>>
        %dma_start3A_114 = arith.constant 0 : i32
        %dma_start3A_115 = tpu.memref_slice %arg4[%add3A_48, %dma_start3A_114] : memref<6272x128xi32, #tpu.memory_space<hbm>> -> memref<2x128xi32, #tpu.memory_space<hbm>>
        %dma_start3A_116 = arith.constant 0 : i32
        %dma_start3A_117 = tpu.memref_slice %arg4[%add3A_48, %dma_start3A_116] : memref<6272x128xi32, #tpu.memory_space<hbm>> -> memref<2x128xi32, #tpu.memory_space<hbm>>
        tpu.enqueue_dma source(%dma_start3A_117 : memref<2x128xi32, #tpu.memory_space<hbm>>) target(%arg11 : memref<2x128xi32, #tpu.memory_space<vmem>>) target_semaphore(%run_scoped3A_113 : memref<!tpu.dma_semaphore, #tpu.memory_space<semaphore_mem>>)
        %dma_wait3A_118 = arith.constant 0 : i32
        %dma_wait3A_119 = tpu.memref_slice %arg4[%add3A_48, %dma_wait3A_118] : memref<6272x128xi32, #tpu.memory_space<hbm>> -> memref<2x128xi32, #tpu.memory_space<hbm>>
        %dma_wait3A_120 = arith.constant 0 : i32
        %dma_wait3A_121 = tpu.memref_slice %arg4[%add3A_48, %dma_wait3A_120] : memref<6272x128xi32, #tpu.memory_space<hbm>> -> memref<2x128xi32, #tpu.memory_space<hbm>>
        tpu.wait_dma2 semaphore(%run_scoped3A_113 : memref<!tpu.dma_semaphore, #tpu.memory_space<semaphore_mem>>) src(%dma_wait3A_121 : memref<2x128xi32, #tpu.memory_space<hbm>>) dst(%arg11 : memref<2x128xi32, #tpu.memory_space<vmem>>)
        tpu.yield
      }) : () -> ()
      %add3A_49 = arith.constant 390 : i32
      %add3A_50 = arith.addi %mul3A_11, %add3A_49 : i32
      "tpu.region"() ({
        %run_scoped3A_113 = tpu.sem_alloc : memref<!tpu.dma_semaphore, #tpu.memory_space<semaphore_mem>>
        %dma_start3A_114 = arith.constant 0 : i32
        %dma_start3A_115 = tpu.memref_slice %arg5[%add3A_50, %dma_start3A_114] : memref<6272x128xi32, #tpu.memory_space<hbm>> -> memref<2x128xi32, #tpu.memory_space<hbm>>
        %dma_start3A_116 = arith.constant 0 : i32
        %dma_start3A_117 = tpu.memref_slice %arg5[%add3A_50, %dma_start3A_116] : memref<6272x128xi32, #tpu.memory_space<hbm>> -> memref<2x128xi32, #tpu.memory_space<hbm>>
        tpu.enqueue_dma source(%dma_start3A_117 : memref<2x128xi32, #tpu.memory_space<hbm>>) target(%arg12 : memref<2x128xi32, #tpu.memory_space<vmem>>) target_semaphore(%run_scoped3A_113 : memref<!tpu.dma_semaphore, #tpu.memory_space<semaphore_mem>>)
        %dma_wait3A_118 = arith.constant 0 : i32
        %dma_wait3A_119 = tpu.memref_slice %arg5[%add3A_50, %dma_wait3A_118] : memref<6272x128xi32, #tpu.memory_space<hbm>> -> memref<2x128xi32, #tpu.memory_space<hbm>>
        %dma_wait3A_120 = arith.constant 0 : i32
        %dma_wait3A_121 = tpu.memref_slice %arg5[%add3A_50, %dma_wait3A_120] : memref<6272x128xi32, #tpu.memory_space<hbm>> -> memref<2x128xi32, #tpu.memory_space<hbm>>
        tpu.wait_dma2 semaphore(%run_scoped3A_113 : memref<!tpu.dma_semaphore, #tpu.memory_space<semaphore_mem>>) src(%dma_wait3A_121 : memref<2x128xi32, #tpu.memory_space<hbm>>) dst(%arg12 : memref<2x128xi32, #tpu.memory_space<vmem>>)
        tpu.yield
      }) : () -> ()
      %dma_start3A_51 = arith.constant 0 : i32
      %dma_start3A_52 = arith.constant 0 : i32
      %dma_start3A_53 = arith.constant 0 : i32
      %dma_start3A_54 = tpu.memref_slice %arg13[%dma_start3A_52, %dma_start3A_53] : memref<256x32xf32, #tpu.memory_space<vmem>> -> memref<128x32xf32, #tpu.memory_space<vmem>>
      %dma_start3A_55 = arith.constant 0 : i32
      %dma_start3A_56 = tpu.memref_slice %arg11[%dma_start3A_51, %dma_start3A_55] : memref<2x128xi32, #tpu.memory_space<vmem>> -> memref<1x128xi32, #tpu.memory_space<vmem>>
      %dma_start3A_57 = tpu.memref_squeeze %dma_start3A_56 : memref<1x128xi32, #tpu.memory_space<vmem>> -> memref<128xi32, #tpu.memory_space<vmem>>
      %dma_start3A_58 = arith.constant 0 : i32
      %dma_start3A_59 = arith.constant 0 : i32
      %dma_start3A_60 = tpu.memref_slice %arg3[%dma_start3A_58, %dma_start3A_59] : memref<50000x32xf32, #tpu.memory_space<hbm>> -> memref<50000x32xf32, #tpu.memory_space<hbm>>
      tpu.enqueue_indirect_dma source(%dma_start3A_60 : memref<50000x32xf32, #tpu.memory_space<hbm>>) target(%dma_start3A_54 : memref<128x32xf32, #tpu.memory_space<vmem>>) offsets(%dma_start3A_57 : memref<128xi32, #tpu.memory_space<vmem>>) semaphore(%arg16 : memref<!tpu.dma_semaphore, #tpu.memory_space<semaphore_mem>>)
      %dma_start3A_61 = arith.constant 1 : i32
      %dma_start3A_62 = arith.constant 128 : i32
      %dma_start3A_63 = arith.constant 0 : i32
      %dma_start3A_64 = tpu.memref_slice %arg13[%dma_start3A_62, %dma_start3A_63] : memref<256x32xf32, #tpu.memory_space<vmem>> -> memref<128x32xf32, #tpu.memory_space<vmem>>
      %dma_start3A_65 = arith.constant 0 : i32
      %dma_start3A_66 = tpu.memref_slice %arg11[%dma_start3A_61, %dma_start3A_65] : memref<2x128xi32, #tpu.memory_space<vmem>> -> memref<1x128xi32, #tpu.memory_space<vmem>>
      %dma_start3A_67 = tpu.memref_squeeze %dma_start3A_66 : memref<1x128xi32, #tpu.memory_space<vmem>> -> memref<128xi32, #tpu.memory_space<vmem>>
      %dma_start3A_68 = arith.constant 0 : i32
      %dma_start3A_69 = arith.constant 0 : i32
      %dma_start3A_70 = tpu.memref_slice %arg3[%dma_start3A_68, %dma_start3A_69] : memref<50000x32xf32, #tpu.memory_space<hbm>> -> memref<50000x32xf32, #tpu.memory_space<hbm>>
      tpu.enqueue_indirect_dma source(%dma_start3A_70 : memref<50000x32xf32, #tpu.memory_space<hbm>>) target(%dma_start3A_64 : memref<128x32xf32, #tpu.memory_space<vmem>>) offsets(%dma_start3A_67 : memref<128xi32, #tpu.memory_space<vmem>>) semaphore(%arg16 : memref<!tpu.dma_semaphore, #tpu.memory_space<semaphore_mem>>)
      %dma_wait3A = arith.constant 0 : i32
      %dma_wait3A_71 = arith.constant 0 : i32
      %dma_wait3A_72 = arith.constant 0 : i32
      %dma_wait3A_73 = tpu.memref_slice %arg10[%dma_wait3A_71, %dma_wait3A_72] : memref<256x32xf32, #tpu.memory_space<vmem>> -> memref<128x32xf32, #tpu.memory_space<vmem>>
      %dma_wait3A_74 = arith.constant 0 : i32
      %dma_wait3A_75 = tpu.memref_slice %arg8[%dma_wait3A, %dma_wait3A_74] : memref<2x128xi32, #tpu.memory_space<vmem>> -> memref<1x128xi32, #tpu.memory_space<vmem>>
      %dma_wait3A_76 = tpu.memref_squeeze %dma_wait3A_75 : memref<1x128xi32, #tpu.memory_space<vmem>> -> memref<128xi32, #tpu.memory_space<vmem>>
      %dma_wait3A_77 = arith.constant 0 : i32
      %dma_wait3A_78 = arith.constant 0 : i32
      %dma_wait3A_79 = tpu.memref_slice %arg3[%dma_wait3A_77, %dma_wait3A_78] : memref<50000x32xf32, #tpu.memory_space<hbm>> -> memref<50000x32xf32, #tpu.memory_space<hbm>>
      tpu.wait_indirect_dma semaphore(%arg15 : memref<!tpu.dma_semaphore, #tpu.memory_space<semaphore_mem>>) src(%dma_wait3A_79 : memref<50000x32xf32, #tpu.memory_space<hbm>>) dst(%dma_wait3A_73 : memref<128x32xf32, #tpu.memory_space<vmem>>)
      %dma_wait3A_80 = arith.constant 1 : i32
      %dma_wait3A_81 = arith.constant 128 : i32
      %dma_wait3A_82 = arith.constant 0 : i32
      %dma_wait3A_83 = tpu.memref_slice %arg10[%dma_wait3A_81, %dma_wait3A_82] : memref<256x32xf32, #tpu.memory_space<vmem>> -> memref<128x32xf32, #tpu.memory_space<vmem>>
      %dma_wait3A_84 = arith.constant 0 : i32
      %dma_wait3A_85 = tpu.memref_slice %arg8[%dma_wait3A_80, %dma_wait3A_84] : memref<2x128xi32, #tpu.memory_space<vmem>> -> memref<1x128xi32, #tpu.memory_space<vmem>>
      %dma_wait3A_86 = tpu.memref_squeeze %dma_wait3A_85 : memref<1x128xi32, #tpu.memory_space<vmem>> -> memref<128xi32, #tpu.memory_space<vmem>>
      %dma_wait3A_87 = arith.constant 0 : i32
      %dma_wait3A_88 = arith.constant 0 : i32
      %dma_wait3A_89 = tpu.memref_slice %arg3[%dma_wait3A_87, %dma_wait3A_88] : memref<50000x32xf32, #tpu.memory_space<hbm>> -> memref<50000x32xf32, #tpu.memory_space<hbm>>
      tpu.wait_indirect_dma semaphore(%arg15 : memref<!tpu.dma_semaphore, #tpu.memory_space<semaphore_mem>>) src(%dma_wait3A_89 : memref<50000x32xf32, #tpu.memory_space<hbm>>) dst(%dma_wait3A_83 : memref<128x32xf32, #tpu.memory_space<vmem>>)
      %run_scoped3A = arith.constant 0 : i32
      "tpu.region"() ({
        %run_scoped3A_113 = tpu.sem_alloc : memref<!tpu.dma_semaphore, #tpu.memory_space<semaphore_mem>>
        %dma_start3A_114 = arith.constant 0 : i32
        %dma_start3A_115 = arith.constant 0 : i32
        %dma_start3A_116 = tpu.memref_slice %arg10[%dma_start3A_114, %dma_start3A_115] : memref<256x32xf32, #tpu.memory_space<vmem>> -> memref<128x32xf32, #tpu.memory_space<vmem>>
        %dma_start3A_117 = arith.constant 0 : i32
        %dma_start3A_118 = tpu.memref_slice %arg9[%run_scoped3A, %dma_start3A_117] : memref<2x128xi32, #tpu.memory_space<vmem>> -> memref<1x128xi32, #tpu.memory_space<vmem>>
        %dma_start3A_119 = tpu.memref_squeeze %dma_start3A_118 : memref<1x128xi32, #tpu.memory_space<vmem>> -> memref<128xi32, #tpu.memory_space<vmem>>
        %dma_start3A_120 = arith.constant 0 : i32
        %dma_start3A_121 = arith.constant 0 : i32
        %dma_start3A_122 = tpu.memref_slice %arg7[%dma_start3A_120, %dma_start3A_121] : memref<51200x32xf32, #tpu.memory_space<vmem_shared>> -> memref<51200x32xf32, #tpu.memory_space<vmem_shared>>
        tpu.enqueue_indirect_dma source(%dma_start3A_116 : memref<128x32xf32, #tpu.memory_space<vmem>>) target(%dma_start3A_122 : memref<51200x32xf32, #tpu.memory_space<vmem_shared>>) offsets(%dma_start3A_119 : memref<128xi32, #tpu.memory_space<vmem>>) semaphore(%run_scoped3A_113 : memref<!tpu.dma_semaphore, #tpu.memory_space<semaphore_mem>>) {add = true}
        %dma_wait3A_123 = arith.constant 0 : i32
        %dma_wait3A_124 = arith.constant 0 : i32
        %dma_wait3A_125 = tpu.memref_slice %arg10[%dma_wait3A_123, %dma_wait3A_124] : memref<256x32xf32, #tpu.memory_space<vmem>> -> memref<128x32xf32, #tpu.memory_space<vmem>>
        %dma_wait3A_126 = arith.constant 0 : i32
        %dma_wait3A_127 = tpu.memref_slice %arg9[%run_scoped3A, %dma_wait3A_126] : memref<2x128xi32, #tpu.memory_space<vmem>> -> memref<1x128xi32, #tpu.memory_space<vmem>>
        %dma_wait3A_128 = tpu.memref_squeeze %dma_wait3A_127 : memref<1x128xi32, #tpu.memory_space<vmem>> -> memref<128xi32, #tpu.memory_space<vmem>>
        %dma_wait3A_129 = arith.constant 0 : i32
        %dma_wait3A_130 = arith.constant 0 : i32
        %dma_wait3A_131 = tpu.memref_slice %arg7[%dma_wait3A_129, %dma_wait3A_130] : memref<51200x32xf32, #tpu.memory_space<vmem_shared>> -> memref<51200x32xf32, #tpu.memory_space<vmem_shared>>
        tpu.wait_indirect_dma semaphore(%run_scoped3A_113 : memref<!tpu.dma_semaphore, #tpu.memory_space<semaphore_mem>>) src(%dma_wait3A_125 : memref<128x32xf32, #tpu.memory_space<vmem>>) dst(%dma_wait3A_131 : memref<51200x32xf32, #tpu.memory_space<vmem_shared>>)
        tpu.yield
      }) : () -> ()
      %run_scoped3A_90 = arith.constant 1 : i32
      "tpu.region"() ({
        %run_scoped3A_113 = tpu.sem_alloc : memref<!tpu.dma_semaphore, #tpu.memory_space<semaphore_mem>>
        %dma_start3A_114 = arith.constant 128 : i32
        %dma_start3A_115 = arith.constant 0 : i32
        %dma_start3A_116 = tpu.memref_slice %arg10[%dma_start3A_114, %dma_start3A_115] : memref<256x32xf32, #tpu.memory_space<vmem>> -> memref<128x32xf32, #tpu.memory_space<vmem>>
        %dma_start3A_117 = arith.constant 0 : i32
        %dma_start3A_118 = tpu.memref_slice %arg9[%run_scoped3A_90, %dma_start3A_117] : memref<2x128xi32, #tpu.memory_space<vmem>> -> memref<1x128xi32, #tpu.memory_space<vmem>>
        %dma_start3A_119 = tpu.memref_squeeze %dma_start3A_118 : memref<1x128xi32, #tpu.memory_space<vmem>> -> memref<128xi32, #tpu.memory_space<vmem>>
        %dma_start3A_120 = arith.constant 0 : i32
        %dma_start3A_121 = arith.constant 0 : i32
        %dma_start3A_122 = tpu.memref_slice %arg7[%dma_start3A_120, %dma_start3A_121] : memref<51200x32xf32, #tpu.memory_space<vmem_shared>> -> memref<51200x32xf32, #tpu.memory_space<vmem_shared>>
        tpu.enqueue_indirect_dma source(%dma_start3A_116 : memref<128x32xf32, #tpu.memory_space<vmem>>) target(%dma_start3A_122 : memref<51200x32xf32, #tpu.memory_space<vmem_shared>>) offsets(%dma_start3A_119 : memref<128xi32, #tpu.memory_space<vmem>>) semaphore(%run_scoped3A_113 : memref<!tpu.dma_semaphore, #tpu.memory_space<semaphore_mem>>) {add = true}
        %dma_wait3A_123 = arith.constant 128 : i32
        %dma_wait3A_124 = arith.constant 0 : i32
        %dma_wait3A_125 = tpu.memref_slice %arg10[%dma_wait3A_123, %dma_wait3A_124] : memref<256x32xf32, #tpu.memory_space<vmem>> -> memref<128x32xf32, #tpu.memory_space<vmem>>
        %dma_wait3A_126 = arith.constant 0 : i32
        %dma_wait3A_127 = tpu.memref_slice %arg9[%run_scoped3A_90, %dma_wait3A_126] : memref<2x128xi32, #tpu.memory_space<vmem>> -> memref<1x128xi32, #tpu.memory_space<vmem>>
        %dma_wait3A_128 = tpu.memref_squeeze %dma_wait3A_127 : memref<1x128xi32, #tpu.memory_space<vmem>> -> memref<128xi32, #tpu.memory_space<vmem>>
        %dma_wait3A_129 = arith.constant 0 : i32
        %dma_wait3A_130 = arith.constant 0 : i32
        %dma_wait3A_131 = tpu.memref_slice %arg7[%dma_wait3A_129, %dma_wait3A_130] : memref<51200x32xf32, #tpu.memory_space<vmem_shared>> -> memref<51200x32xf32, #tpu.memory_space<vmem_shared>>
        tpu.wait_indirect_dma semaphore(%run_scoped3A_113 : memref<!tpu.dma_semaphore, #tpu.memory_space<semaphore_mem>>) src(%dma_wait3A_125 : memref<128x32xf32, #tpu.memory_space<vmem>>) dst(%dma_wait3A_131 : memref<51200x32xf32, #tpu.memory_space<vmem_shared>>)
        tpu.yield
      }) : () -> ()
      %dma_wait3A_91 = arith.constant 0 : i32
      %dma_wait3A_92 = arith.constant 0 : i32
      %dma_wait3A_93 = arith.constant 0 : i32
      %dma_wait3A_94 = tpu.memref_slice %arg13[%dma_wait3A_92, %dma_wait3A_93] : memref<256x32xf32, #tpu.memory_space<vmem>> -> memref<128x32xf32, #tpu.memory_space<vmem>>
      %dma_wait3A_95 = arith.constant 0 : i32
      %dma_wait3A_96 = tpu.memref_slice %arg11[%dma_wait3A_91, %dma_wait3A_95] : memref<2x128xi32, #tpu.memory_space<vmem>> -> memref<1x128xi32, #tpu.memory_space<vmem>>
      %dma_wait3A_97 = tpu.memref_squeeze %dma_wait3A_96 : memref<1x128xi32, #tpu.memory_space<vmem>> -> memref<128xi32, #tpu.memory_space<vmem>>
      %dma_wait3A_98 = arith.constant 0 : i32
      %dma_wait3A_99 = arith.constant 0 : i32
      %dma_wait3A_100 = tpu.memref_slice %arg3[%dma_wait3A_98, %dma_wait3A_99] : memref<50000x32xf32, #tpu.memory_space<hbm>> -> memref<50000x32xf32, #tpu.memory_space<hbm>>
      tpu.wait_indirect_dma semaphore(%arg16 : memref<!tpu.dma_semaphore, #tpu.memory_space<semaphore_mem>>) src(%dma_wait3A_100 : memref<50000x32xf32, #tpu.memory_space<hbm>>) dst(%dma_wait3A_94 : memref<128x32xf32, #tpu.memory_space<vmem>>)
      %dma_wait3A_101 = arith.constant 1 : i32
      %dma_wait3A_102 = arith.constant 128 : i32
      %dma_wait3A_103 = arith.constant 0 : i32
      %dma_wait3A_104 = tpu.memref_slice %arg13[%dma_wait3A_102, %dma_wait3A_103] : memref<256x32xf32, #tpu.memory_space<vmem>> -> memref<128x32xf32, #tpu.memory_space<vmem>>
      %dma_wait3A_105 = arith.constant 0 : i32
      %dma_wait3A_106 = tpu.memref_slice %arg11[%dma_wait3A_101, %dma_wait3A_105] : memref<2x128xi32, #tpu.memory_space<vmem>> -> memref<1x128xi32, #tpu.memory_space<vmem>>
      %dma_wait3A_107 = tpu.memref_squeeze %dma_wait3A_106 : memref<1x128xi32, #tpu.memory_space<vmem>> -> memref<128xi32, #tpu.memory_space<vmem>>
      %dma_wait3A_108 = arith.constant 0 : i32
      %dma_wait3A_109 = arith.constant 0 : i32
      %dma_wait3A_110 = tpu.memref_slice %arg3[%dma_wait3A_108, %dma_wait3A_109] : memref<50000x32xf32, #tpu.memory_space<hbm>> -> memref<50000x32xf32, #tpu.memory_space<hbm>>
      tpu.wait_indirect_dma semaphore(%arg16 : memref<!tpu.dma_semaphore, #tpu.memory_space<semaphore_mem>>) src(%dma_wait3A_110 : memref<50000x32xf32, #tpu.memory_space<hbm>>) dst(%dma_wait3A_104 : memref<128x32xf32, #tpu.memory_space<vmem>>)
      %run_scoped3A_111 = arith.constant 0 : i32
      "tpu.region"() ({
        %run_scoped3A_113 = tpu.sem_alloc : memref<!tpu.dma_semaphore, #tpu.memory_space<semaphore_mem>>
        %dma_start3A_114 = arith.constant 0 : i32
        %dma_start3A_115 = arith.constant 0 : i32
        %dma_start3A_116 = tpu.memref_slice %arg13[%dma_start3A_114, %dma_start3A_115] : memref<256x32xf32, #tpu.memory_space<vmem>> -> memref<128x32xf32, #tpu.memory_space<vmem>>
        %dma_start3A_117 = arith.constant 0 : i32
        %dma_start3A_118 = tpu.memref_slice %arg12[%run_scoped3A_111, %dma_start3A_117] : memref<2x128xi32, #tpu.memory_space<vmem>> -> memref<1x128xi32, #tpu.memory_space<vmem>>
        %dma_start3A_119 = tpu.memref_squeeze %dma_start3A_118 : memref<1x128xi32, #tpu.memory_space<vmem>> -> memref<128xi32, #tpu.memory_space<vmem>>
        %dma_start3A_120 = arith.constant 0 : i32
        %dma_start3A_121 = arith.constant 0 : i32
        %dma_start3A_122 = tpu.memref_slice %arg7[%dma_start3A_120, %dma_start3A_121] : memref<51200x32xf32, #tpu.memory_space<vmem_shared>> -> memref<51200x32xf32, #tpu.memory_space<vmem_shared>>
        tpu.enqueue_indirect_dma source(%dma_start3A_116 : memref<128x32xf32, #tpu.memory_space<vmem>>) target(%dma_start3A_122 : memref<51200x32xf32, #tpu.memory_space<vmem_shared>>) offsets(%dma_start3A_119 : memref<128xi32, #tpu.memory_space<vmem>>) semaphore(%run_scoped3A_113 : memref<!tpu.dma_semaphore, #tpu.memory_space<semaphore_mem>>) {add = true}
        %dma_wait3A_123 = arith.constant 0 : i32
        %dma_wait3A_124 = arith.constant 0 : i32
        %dma_wait3A_125 = tpu.memref_slice %arg13[%dma_wait3A_123, %dma_wait3A_124] : memref<256x32xf32, #tpu.memory_space<vmem>> -> memref<128x32xf32, #tpu.memory_space<vmem>>
        %dma_wait3A_126 = arith.constant 0 : i32
        %dma_wait3A_127 = tpu.memref_slice %arg12[%run_scoped3A_111, %dma_wait3A_126] : memref<2x128xi32, #tpu.memory_space<vmem>> -> memref<1x128xi32, #tpu.memory_space<vmem>>
        %dma_wait3A_128 = tpu.memref_squeeze %dma_wait3A_127 : memref<1x128xi32, #tpu.memory_space<vmem>> -> memref<128xi32, #tpu.memory_space<vmem>>
        %dma_wait3A_129 = arith.constant 0 : i32
        %dma_wait3A_130 = arith.constant 0 : i32
        %dma_wait3A_131 = tpu.memref_slice %arg7[%dma_wait3A_129, %dma_wait3A_130] : memref<51200x32xf32, #tpu.memory_space<vmem_shared>> -> memref<51200x32xf32, #tpu.memory_space<vmem_shared>>
        tpu.wait_indirect_dma semaphore(%run_scoped3A_113 : memref<!tpu.dma_semaphore, #tpu.memory_space<semaphore_mem>>) src(%dma_wait3A_125 : memref<128x32xf32, #tpu.memory_space<vmem>>) dst(%dma_wait3A_131 : memref<51200x32xf32, #tpu.memory_space<vmem_shared>>)
        tpu.yield
      }) : () -> ()
      %run_scoped3A_112 = arith.constant 1 : i32
      "tpu.region"() ({
        %run_scoped3A_113 = tpu.sem_alloc : memref<!tpu.dma_semaphore, #tpu.memory_space<semaphore_mem>>
        %dma_start3A_114 = arith.constant 128 : i32
        %dma_start3A_115 = arith.constant 0 : i32
        %dma_start3A_116 = tpu.memref_slice %arg13[%dma_start3A_114, %dma_start3A_115] : memref<256x32xf32, #tpu.memory_space<vmem>> -> memref<128x32xf32, #tpu.memory_space<vmem>>
        %dma_start3A_117 = arith.constant 0 : i32
        %dma_start3A_118 = tpu.memref_slice %arg12[%run_scoped3A_112, %dma_start3A_117] : memref<2x128xi32, #tpu.memory_space<vmem>> -> memref<1x128xi32, #tpu.memory_space<vmem>>
        %dma_start3A_119 = tpu.memref_squeeze %dma_start3A_118 : memref<1x128xi32, #tpu.memory_space<vmem>> -> memref<128xi32, #tpu.memory_space<vmem>>
        %dma_start3A_120 = arith.constant 0 : i32
        %dma_start3A_121 = arith.constant 0 : i32
        %dma_start3A_122 = tpu.memref_slice %arg7[%dma_start3A_120, %dma_start3A_121] : memref<51200x32xf32, #tpu.memory_space<vmem_shared>> -> memref<51200x32xf32, #tpu.memory_space<vmem_shared>>
        tpu.enqueue_indirect_dma source(%dma_start3A_116 : memref<128x32xf32, #tpu.memory_space<vmem>>) target(%dma_start3A_122 : memref<51200x32xf32, #tpu.memory_space<vmem_shared>>) offsets(%dma_start3A_119 : memref<128xi32, #tpu.memory_space<vmem>>) semaphore(%run_scoped3A_113 : memref<!tpu.dma_semaphore, #tpu.memory_space<semaphore_mem>>) {add = true}
        %dma_wait3A_123 = arith.constant 128 : i32
        %dma_wait3A_124 = arith.constant 0 : i32
        %dma_wait3A_125 = tpu.memref_slice %arg13[%dma_wait3A_123, %dma_wait3A_124] : memref<256x32xf32, #tpu.memory_space<vmem>> -> memref<128x32xf32, #tpu.memory_space<vmem>>
        %dma_wait3A_126 = arith.constant 0 : i32
        %dma_wait3A_127 = tpu.memref_slice %arg12[%run_scoped3A_112, %dma_wait3A_126] : memref<2x128xi32, #tpu.memory_space<vmem>> -> memref<1x128xi32, #tpu.memory_space<vmem>>
        %dma_wait3A_128 = tpu.memref_squeeze %dma_wait3A_127 : memref<1x128xi32, #tpu.memory_space<vmem>> -> memref<128xi32, #tpu.memory_space<vmem>>
        %dma_wait3A_129 = arith.constant 0 : i32
        %dma_wait3A_130 = arith.constant 0 : i32
        %dma_wait3A_131 = tpu.memref_slice %arg7[%dma_wait3A_129, %dma_wait3A_130] : memref<51200x32xf32, #tpu.memory_space<vmem_shared>> -> memref<51200x32xf32, #tpu.memory_space<vmem_shared>>
        tpu.wait_indirect_dma semaphore(%run_scoped3A_113 : memref<!tpu.dma_semaphore, #tpu.memory_space<semaphore_mem>>) src(%dma_wait3A_125 : memref<128x32xf32, #tpu.memory_space<vmem>>) dst(%dma_wait3A_131 : memref<51200x32xf32, #tpu.memory_space<vmem_shared>>)
        tpu.yield
      }) : () -> ()
    } else {
    }
    %barrier3A_19 = arith.constant 0 : index
    tpu.barrier barrier_id(%barrier3A_19)
    "tpu.region"() ({
      %run_scoped3A = tpu.sem_alloc : memref<!tpu.dma_semaphore, #tpu.memory_space<semaphore_mem>>
      %dma_start3A = arith.constant 0 : i32
      %dma_start3A_20 = tpu.memref_slice %arg6[%arg0, %mul3A_4, %dma_start3A] : memref<2x51200x32xf32, #tpu.memory_space<hbm>> -> memref<1x3200x32xf32, #tpu.memory_space<hbm>>
      %dma_start3A_21 = tpu.memref_squeeze %dma_start3A_20 : memref<1x3200x32xf32, #tpu.memory_space<hbm>> -> memref<3200x32xf32, #tpu.memory_space<hbm>>
      %dma_start3A_22 = arith.constant 0 : i32
      %dma_start3A_23 = tpu.memref_slice %arg7[%mul3A_4, %dma_start3A_22] : memref<51200x32xf32, #tpu.memory_space<vmem_shared>> -> memref<3200x32xf32, #tpu.memory_space<vmem_shared>>
      tpu.enqueue_dma source(%dma_start3A_23 : memref<3200x32xf32, #tpu.memory_space<vmem_shared>>) target(%dma_start3A_21 : memref<3200x32xf32, #tpu.memory_space<hbm>>) target_semaphore(%run_scoped3A : memref<!tpu.dma_semaphore, #tpu.memory_space<semaphore_mem>>)
      %dma_wait3A = arith.constant 0 : i32
      %dma_wait3A_24 = tpu.memref_slice %arg6[%arg0, %mul3A_4, %dma_wait3A] : memref<2x51200x32xf32, #tpu.memory_space<hbm>> -> memref<1x3200x32xf32, #tpu.memory_space<hbm>>
      %dma_wait3A_25 = tpu.memref_squeeze %dma_wait3A_24 : memref<1x3200x32xf32, #tpu.memory_space<hbm>> -> memref<3200x32xf32, #tpu.memory_space<hbm>>
      %dma_wait3A_26 = arith.constant 0 : i32
      %dma_wait3A_27 = tpu.memref_slice %arg7[%mul3A_4, %dma_wait3A_26] : memref<51200x32xf32, #tpu.memory_space<vmem_shared>> -> memref<3200x32xf32, #tpu.memory_space<vmem_shared>>
      tpu.wait_dma2 semaphore(%run_scoped3A : memref<!tpu.dma_semaphore, #tpu.memory_space<semaphore_mem>>) src(%dma_wait3A_27 : memref<3200x32xf32, #tpu.memory_space<vmem_shared>>) dst(%dma_wait3A_25 : memref<3200x32xf32, #tpu.memory_space<hbm>>)
      tpu.yield
    }) : () -> ()
    return
  }
}

#map = affine_map<(d0, d1) -> (0, 0)>
#map1 = affine_map<(d0, d1) -> (0, 0, 0)>
module attributes {stable_mosaic.version = 14 : i64} {
  func.func @_sc_degree(%arg0: i32, %arg1: i32, %arg2: memref<6272x128xi32, #tpu.memory_space<hbm>>, %arg3: memref<2x51200x16xf32, #tpu.memory_space<hbm>>, %arg4: memref<51200x16xf32, #tpu.memory_space<vmem_shared>>, %arg5: memref<4x128xi32, #tpu.memory_space<vmem>>, %arg6: memref<128x16xf32, #tpu.memory_space<vmem>>, %arg7: memref<64x16xf32, #tpu.memory_space<vmem>>) attributes {dimension_semantics = [#tpu.dimension_semantics<core_parallel>, #tpu.dimension_semantics<subcore_parallel>], iteration_bounds = array<i64: 2, 16>, scalar_prefetch = 0 : i64, scratch_operands = 4 : i64, tpu.core_type = #tpu.core_type<sc_vector_subcore>, window_params = [{transform_indices = #map}, {transform_indices = #map1}]} {
    %mul3A = arith.constant 2 : i32
    %mul3A_0 = arith.muli %arg1, %mul3A : i32
    %add3A = arith.addi %mul3A_0, %arg0 : i32
    %scan3A = arith.constant 0 : i32
    %scan3A_1 = arith.constant 64 : i32
    %scan3A_2 = arith.addi %scan3A, %scan3A_1 : i32
    %scan3A_3 = arith.constant 1 : i32
    scf.for %scan3A_25 = %scan3A to %scan3A_2 step %scan3A_3  : i32 {
      %mul3A_26 = arith.constant 1 : i32
      %mul3A_27 = arith.muli %scan3A_25, %mul3A_26 : i32
      %add3A_28 = arith.constant 0 : i32
      %add3A_29 = arith.addi %add3A_28, %mul3A_27 : i32
      %scan3A_30 = arith.constant 0 : i32
      %mul3A_31 = arith.constant 16 : i32
      %mul3A_32 = arith.muli %scan3A_30, %mul3A_31 : i32
      %add3A_33 = arith.constant 0 : i32
      %add3A_34 = arith.addi %add3A_33, %mul3A_32 : i32
      %broadcast_in_dim3A = arith.constant 0.000000e+00 : f32
      %broadcast_in_dim3A_35 = vector.broadcast %broadcast_in_dim3A : f32 to vector<1x16xf32>
      %swap3A = arith.index_cast %add3A_29 : i32 to index
      %swap3A_36 = arith.index_cast %add3A_34 : i32 to index
      %swap3A_37 = tpu.vector_load %arg7[%swap3A, %swap3A_36] {strides = array<i32>} : memref<64x16xf32, #tpu.memory_space<vmem>>, vector<1x16xf32>,
      %swap3A_38 = vector.shape_cast %swap3A_37 : vector<1x16xf32> to vector<1x16xf32>
      %swap3A_39 = vector.shape_cast %broadcast_in_dim3A_35 : vector<1x16xf32> to vector<1x16xf32>
      tpu.vector_store %arg7[%swap3A, %swap3A_36], %swap3A_39 {strides = array<i32>} : memref<64x16xf32, #tpu.memory_space<vmem>>, vector<1x16xf32>,
      %scan3A_40 = arith.constant 1 : i32
    }
    %scan3A_4 = arith.constant 64 : i32
    %scan3A_5 = arith.constant 0 : i32
    %scan3A_6 = arith.constant 128 : i32
    %scan3A_7 = arith.addi %scan3A_5, %scan3A_6 : i32
    %scan3A_8 = arith.constant 1 : i32
    scf.for %scan3A_25 = %scan3A_5 to %scan3A_7 step %scan3A_8  : i32 {
      %mul3A_26 = arith.constant 1 : i32
      %mul3A_27 = arith.muli %scan3A_25, %mul3A_26 : i32
      %add3A_28 = arith.constant 0 : i32
      %add3A_29 = arith.addi %add3A_28, %mul3A_27 : i32
      %scan3A_30 = arith.constant 0 : i32
      %mul3A_31 = arith.constant 16 : i32
      %mul3A_32 = arith.muli %scan3A_30, %mul3A_31 : i32
      %add3A_33 = arith.constant 0 : i32
      %add3A_34 = arith.addi %add3A_33, %mul3A_32 : i32
      %broadcast_in_dim3A = arith.constant 1.000000e+00 : f32
      %broadcast_in_dim3A_35 = vector.broadcast %broadcast_in_dim3A : f32 to vector<1x16xf32>
      %swap3A = arith.index_cast %add3A_29 : i32 to index
      %swap3A_36 = arith.index_cast %add3A_34 : i32 to index
      %swap3A_37 = tpu.vector_load %arg6[%swap3A, %swap3A_36] {strides = array<i32>} : memref<128x16xf32, #tpu.memory_space<vmem>>, vector<1x16xf32>,
      %swap3A_38 = vector.shape_cast %swap3A_37 : vector<1x16xf32> to vector<1x16xf32>
      %swap3A_39 = vector.shape_cast %broadcast_in_dim3A_35 : vector<1x16xf32> to vector<1x16xf32>
      tpu.vector_store %arg6[%swap3A, %swap3A_36], %swap3A_39 {strides = array<i32>} : memref<128x16xf32, #tpu.memory_space<vmem>>, vector<1x16xf32>,
      %scan3A_40 = arith.constant 1 : i32
    }
    %scan3A_9 = arith.constant 128 : i32
    %mul3A_10 = arith.constant 3200 : i32
    %mul3A_11 = arith.muli %arg1, %mul3A_10 : i32
    %scan3A_12 = arith.constant 0 : i32
    %scan3A_13 = arith.constant 50 : i32
    %scan3A_14 = arith.addi %scan3A_12, %scan3A_13 : i32
    %scan3A_15 = arith.constant 1 : i32
    scf.for %scan3A_25 = %scan3A_12 to %scan3A_14 step %scan3A_15  : i32 {
      %mul3A_26 = arith.constant 64 : i32
      %mul3A_27 = arith.muli %scan3A_25, %mul3A_26 : i32
      %add3A_28 = arith.constant 0 : i32
      %add3A_29 = arith.addi %add3A_28, %mul3A_27 : i32
      %add3A_30 = arith.addi %mul3A_11, %add3A_29 : i32
      "tpu.region"() ({
        %run_scoped3A = tpu.sem_alloc : memref<!tpu.dma_semaphore, #tpu.memory_space<semaphore_mem>>
        %dma_start3A = arith.constant 0 : i32
        %dma_start3A_31 = tpu.memref_slice %arg4[%add3A_30, %dma_start3A] : memref<51200x16xf32, #tpu.memory_space<vmem_shared>> -> memref<64x16xf32, #tpu.memory_space<vmem_shared>>
        %dma_start3A_32 = arith.constant 0 : i32
        %dma_start3A_33 = tpu.memref_slice %arg4[%add3A_30, %dma_start3A_32] : memref<51200x16xf32, #tpu.memory_space<vmem_shared>> -> memref<64x16xf32, #tpu.memory_space<vmem_shared>>
        tpu.enqueue_dma source(%arg7 : memref<64x16xf32, #tpu.memory_space<vmem>>) target(%dma_start3A_33 : memref<64x16xf32, #tpu.memory_space<vmem_shared>>) target_semaphore(%run_scoped3A : memref<!tpu.dma_semaphore, #tpu.memory_space<semaphore_mem>>)
        %dma_wait3A = arith.constant 0 : i32
        %dma_wait3A_34 = tpu.memref_slice %arg4[%add3A_30, %dma_wait3A] : memref<51200x16xf32, #tpu.memory_space<vmem_shared>> -> memref<64x16xf32, #tpu.memory_space<vmem_shared>>
        %dma_wait3A_35 = arith.constant 0 : i32
        %dma_wait3A_36 = tpu.memref_slice %arg4[%add3A_30, %dma_wait3A_35] : memref<51200x16xf32, #tpu.memory_space<vmem_shared>> -> memref<64x16xf32, #tpu.memory_space<vmem_shared>>
        tpu.wait_dma2 semaphore(%run_scoped3A : memref<!tpu.dma_semaphore, #tpu.memory_space<semaphore_mem>>) src(%arg7 : memref<64x16xf32, #tpu.memory_space<vmem>>) dst(%dma_wait3A_36 : memref<64x16xf32, #tpu.memory_space<vmem_shared>>)
        tpu.yield
      }) : () -> ()
    }
    %scan3A_16 = arith.constant 50 : i32
    %barrier3A = arith.constant 0 : index
    tpu.barrier barrier_id(%barrier3A)
    %mul3A_17 = arith.constant 196 : i32
    %mul3A_18 = arith.muli %add3A, %mul3A_17 : i32
    %scan3A_19 = arith.constant 0 : i32
    %scan3A_20 = arith.constant 49 : i32
    %scan3A_21 = arith.addi %scan3A_19, %scan3A_20 : i32
    %scan3A_22 = arith.constant 1 : i32
    scf.for %scan3A_25 = %scan3A_19 to %scan3A_21 step %scan3A_22  : i32 {
      %mul3A_26 = arith.constant 1 : i32
      %mul3A_27 = arith.muli %scan3A_25, %mul3A_26 : i32
      %add3A_28 = arith.constant 0 : i32
      %add3A_29 = arith.addi %add3A_28, %mul3A_27 : i32
      %mul3A_30 = arith.constant 4 : i32
      %mul3A_31 = arith.muli %add3A_29, %mul3A_30 : i32
      %add3A_32 = arith.addi %mul3A_18, %mul3A_31 : i32
      "tpu.region"() ({
        %run_scoped3A_36 = tpu.sem_alloc : memref<!tpu.dma_semaphore, #tpu.memory_space<semaphore_mem>>
        %dma_start3A = arith.constant 0 : i32
        %dma_start3A_37 = tpu.memref_slice %arg2[%add3A_32, %dma_start3A] : memref<6272x128xi32, #tpu.memory_space<hbm>> -> memref<4x128xi32, #tpu.memory_space<hbm>>
        %dma_start3A_38 = arith.constant 0 : i32
        %dma_start3A_39 = tpu.memref_slice %arg2[%add3A_32, %dma_start3A_38] : memref<6272x128xi32, #tpu.memory_space<hbm>> -> memref<4x128xi32, #tpu.memory_space<hbm>>
        tpu.enqueue_dma source(%dma_start3A_39 : memref<4x128xi32, #tpu.memory_space<hbm>>) target(%arg5 : memref<4x128xi32, #tpu.memory_space<vmem>>) target_semaphore(%run_scoped3A_36 : memref<!tpu.dma_semaphore, #tpu.memory_space<semaphore_mem>>)
        %dma_wait3A = arith.constant 0 : i32
        %dma_wait3A_40 = tpu.memref_slice %arg2[%add3A_32, %dma_wait3A] : memref<6272x128xi32, #tpu.memory_space<hbm>> -> memref<4x128xi32, #tpu.memory_space<hbm>>
        %dma_wait3A_41 = arith.constant 0 : i32
        %dma_wait3A_42 = tpu.memref_slice %arg2[%add3A_32, %dma_wait3A_41] : memref<6272x128xi32, #tpu.memory_space<hbm>> -> memref<4x128xi32, #tpu.memory_space<hbm>>
        tpu.wait_dma2 semaphore(%run_scoped3A_36 : memref<!tpu.dma_semaphore, #tpu.memory_space<semaphore_mem>>) src(%dma_wait3A_42 : memref<4x128xi32, #tpu.memory_space<hbm>>) dst(%arg5 : memref<4x128xi32, #tpu.memory_space<vmem>>)
        tpu.yield
      }) : () -> ()
      %run_scoped3A = arith.constant 0 : i32
      "tpu.region"() ({
        %run_scoped3A_36 = tpu.sem_alloc : memref<!tpu.dma_semaphore, #tpu.memory_space<semaphore_mem>>
        %dma_start3A = arith.constant 0 : i32
        %dma_start3A_37 = tpu.memref_slice %arg5[%run_scoped3A, %dma_start3A] : memref<4x128xi32, #tpu.memory_space<vmem>> -> memref<1x128xi32, #tpu.memory_space<vmem>>
        %dma_start3A_38 = tpu.memref_squeeze %dma_start3A_37 : memref<1x128xi32, #tpu.memory_space<vmem>> -> memref<128xi32, #tpu.memory_space<vmem>>
        %dma_start3A_39 = arith.constant 0 : i32
        %dma_start3A_40 = arith.constant 0 : i32
        %dma_start3A_41 = tpu.memref_slice %arg4[%dma_start3A_39, %dma_start3A_40] : memref<51200x16xf32, #tpu.memory_space<vmem_shared>> -> memref<51200x16xf32, #tpu.memory_space<vmem_shared>>
        tpu.enqueue_indirect_dma source(%arg6 : memref<128x16xf32, #tpu.memory_space<vmem>>) target(%dma_start3A_41 : memref<51200x16xf32, #tpu.memory_space<vmem_shared>>) offsets(%dma_start3A_38 : memref<128xi32, #tpu.memory_space<vmem>>) semaphore(%run_scoped3A_36 : memref<!tpu.dma_semaphore, #tpu.memory_space<semaphore_mem>>) {add = true}
        %dma_wait3A = arith.constant 0 : i32
        %dma_wait3A_42 = tpu.memref_slice %arg5[%run_scoped3A, %dma_wait3A] : memref<4x128xi32, #tpu.memory_space<vmem>> -> memref<1x128xi32, #tpu.memory_space<vmem>>
        %dma_wait3A_43 = tpu.memref_squeeze %dma_wait3A_42 : memref<1x128xi32, #tpu.memory_space<vmem>> -> memref<128xi32, #tpu.memory_space<vmem>>
        %dma_wait3A_44 = arith.constant 0 : i32
        %dma_wait3A_45 = arith.constant 0 : i32
        %dma_wait3A_46 = tpu.memref_slice %arg4[%dma_wait3A_44, %dma_wait3A_45] : memref<51200x16xf32, #tpu.memory_space<vmem_shared>> -> memref<51200x16xf32, #tpu.memory_space<vmem_shared>>
        tpu.wait_indirect_dma semaphore(%run_scoped3A_36 : memref<!tpu.dma_semaphore, #tpu.memory_space<semaphore_mem>>) src(%arg6 : memref<128x16xf32, #tpu.memory_space<vmem>>) dst(%dma_wait3A_46 : memref<51200x16xf32, #tpu.memory_space<vmem_shared>>)
        tpu.yield
      }) : () -> ()
      %run_scoped3A_33 = arith.constant 1 : i32
      "tpu.region"() ({
        %run_scoped3A_36 = tpu.sem_alloc : memref<!tpu.dma_semaphore, #tpu.memory_space<semaphore_mem>>
        %dma_start3A = arith.constant 0 : i32
        %dma_start3A_37 = tpu.memref_slice %arg5[%run_scoped3A_33, %dma_start3A] : memref<4x128xi32, #tpu.memory_space<vmem>> -> memref<1x128xi32, #tpu.memory_space<vmem>>
        %dma_start3A_38 = tpu.memref_squeeze %dma_start3A_37 : memref<1x128xi32, #tpu.memory_space<vmem>> -> memref<128xi32, #tpu.memory_space<vmem>>
        %dma_start3A_39 = arith.constant 0 : i32
        %dma_start3A_40 = arith.constant 0 : i32
        %dma_start3A_41 = tpu.memref_slice %arg4[%dma_start3A_39, %dma_start3A_40] : memref<51200x16xf32, #tpu.memory_space<vmem_shared>> -> memref<51200x16xf32, #tpu.memory_space<vmem_shared>>
        tpu.enqueue_indirect_dma source(%arg6 : memref<128x16xf32, #tpu.memory_space<vmem>>) target(%dma_start3A_41 : memref<51200x16xf32, #tpu.memory_space<vmem_shared>>) offsets(%dma_start3A_38 : memref<128xi32, #tpu.memory_space<vmem>>) semaphore(%run_scoped3A_36 : memref<!tpu.dma_semaphore, #tpu.memory_space<semaphore_mem>>) {add = true}
        %dma_wait3A = arith.constant 0 : i32
        %dma_wait3A_42 = tpu.memref_slice %arg5[%run_scoped3A_33, %dma_wait3A] : memref<4x128xi32, #tpu.memory_space<vmem>> -> memref<1x128xi32, #tpu.memory_space<vmem>>
        %dma_wait3A_43 = tpu.memref_squeeze %dma_wait3A_42 : memref<1x128xi32, #tpu.memory_space<vmem>> -> memref<128xi32, #tpu.memory_space<vmem>>
        %dma_wait3A_44 = arith.constant 0 : i32
        %dma_wait3A_45 = arith.constant 0 : i32
        %dma_wait3A_46 = tpu.memref_slice %arg4[%dma_wait3A_44, %dma_wait3A_45] : memref<51200x16xf32, #tpu.memory_space<vmem_shared>> -> memref<51200x16xf32, #tpu.memory_space<vmem_shared>>
        tpu.wait_indirect_dma semaphore(%run_scoped3A_36 : memref<!tpu.dma_semaphore, #tpu.memory_space<semaphore_mem>>) src(%arg6 : memref<128x16xf32, #tpu.memory_space<vmem>>) dst(%dma_wait3A_46 : memref<51200x16xf32, #tpu.memory_space<vmem_shared>>)
        tpu.yield
      }) : () -> ()
      %run_scoped3A_34 = arith.constant 2 : i32
      "tpu.region"() ({
        %run_scoped3A_36 = tpu.sem_alloc : memref<!tpu.dma_semaphore, #tpu.memory_space<semaphore_mem>>
        %dma_start3A = arith.constant 0 : i32
        %dma_start3A_37 = tpu.memref_slice %arg5[%run_scoped3A_34, %dma_start3A] : memref<4x128xi32, #tpu.memory_space<vmem>> -> memref<1x128xi32, #tpu.memory_space<vmem>>
        %dma_start3A_38 = tpu.memref_squeeze %dma_start3A_37 : memref<1x128xi32, #tpu.memory_space<vmem>> -> memref<128xi32, #tpu.memory_space<vmem>>
        %dma_start3A_39 = arith.constant 0 : i32
        %dma_start3A_40 = arith.constant 0 : i32
        %dma_start3A_41 = tpu.memref_slice %arg4[%dma_start3A_39, %dma_start3A_40] : memref<51200x16xf32, #tpu.memory_space<vmem_shared>> -> memref<51200x16xf32, #tpu.memory_space<vmem_shared>>
        tpu.enqueue_indirect_dma source(%arg6 : memref<128x16xf32, #tpu.memory_space<vmem>>) target(%dma_start3A_41 : memref<51200x16xf32, #tpu.memory_space<vmem_shared>>) offsets(%dma_start3A_38 : memref<128xi32, #tpu.memory_space<vmem>>) semaphore(%run_scoped3A_36 : memref<!tpu.dma_semaphore, #tpu.memory_space<semaphore_mem>>) {add = true}
        %dma_wait3A = arith.constant 0 : i32
        %dma_wait3A_42 = tpu.memref_slice %arg5[%run_scoped3A_34, %dma_wait3A] : memref<4x128xi32, #tpu.memory_space<vmem>> -> memref<1x128xi32, #tpu.memory_space<vmem>>
        %dma_wait3A_43 = tpu.memref_squeeze %dma_wait3A_42 : memref<1x128xi32, #tpu.memory_space<vmem>> -> memref<128xi32, #tpu.memory_space<vmem>>
        %dma_wait3A_44 = arith.constant 0 : i32
        %dma_wait3A_45 = arith.constant 0 : i32
        %dma_wait3A_46 = tpu.memref_slice %arg4[%dma_wait3A_44, %dma_wait3A_45] : memref<51200x16xf32, #tpu.memory_space<vmem_shared>> -> memref<51200x16xf32, #tpu.memory_space<vmem_shared>>
        tpu.wait_indirect_dma semaphore(%run_scoped3A_36 : memref<!tpu.dma_semaphore, #tpu.memory_space<semaphore_mem>>) src(%arg6 : memref<128x16xf32, #tpu.memory_space<vmem>>) dst(%dma_wait3A_46 : memref<51200x16xf32, #tpu.memory_space<vmem_shared>>)
        tpu.yield
      }) : () -> ()
      %run_scoped3A_35 = arith.constant 3 : i32
      "tpu.region"() ({
        %run_scoped3A_36 = tpu.sem_alloc : memref<!tpu.dma_semaphore, #tpu.memory_space<semaphore_mem>>
        %dma_start3A = arith.constant 0 : i32
        %dma_start3A_37 = tpu.memref_slice %arg5[%run_scoped3A_35, %dma_start3A] : memref<4x128xi32, #tpu.memory_space<vmem>> -> memref<1x128xi32, #tpu.memory_space<vmem>>
        %dma_start3A_38 = tpu.memref_squeeze %dma_start3A_37 : memref<1x128xi32, #tpu.memory_space<vmem>> -> memref<128xi32, #tpu.memory_space<vmem>>
        %dma_start3A_39 = arith.constant 0 : i32
        %dma_start3A_40 = arith.constant 0 : i32
        %dma_start3A_41 = tpu.memref_slice %arg4[%dma_start3A_39, %dma_start3A_40] : memref<51200x16xf32, #tpu.memory_space<vmem_shared>> -> memref<51200x16xf32, #tpu.memory_space<vmem_shared>>
        tpu.enqueue_indirect_dma source(%arg6 : memref<128x16xf32, #tpu.memory_space<vmem>>) target(%dma_start3A_41 : memref<51200x16xf32, #tpu.memory_space<vmem_shared>>) offsets(%dma_start3A_38 : memref<128xi32, #tpu.memory_space<vmem>>) semaphore(%run_scoped3A_36 : memref<!tpu.dma_semaphore, #tpu.memory_space<semaphore_mem>>) {add = true}
        %dma_wait3A = arith.constant 0 : i32
        %dma_wait3A_42 = tpu.memref_slice %arg5[%run_scoped3A_35, %dma_wait3A] : memref<4x128xi32, #tpu.memory_space<vmem>> -> memref<1x128xi32, #tpu.memory_space<vmem>>
        %dma_wait3A_43 = tpu.memref_squeeze %dma_wait3A_42 : memref<1x128xi32, #tpu.memory_space<vmem>> -> memref<128xi32, #tpu.memory_space<vmem>>
        %dma_wait3A_44 = arith.constant 0 : i32
        %dma_wait3A_45 = arith.constant 0 : i32
        %dma_wait3A_46 = tpu.memref_slice %arg4[%dma_wait3A_44, %dma_wait3A_45] : memref<51200x16xf32, #tpu.memory_space<vmem_shared>> -> memref<51200x16xf32, #tpu.memory_space<vmem_shared>>
        tpu.wait_indirect_dma semaphore(%run_scoped3A_36 : memref<!tpu.dma_semaphore, #tpu.memory_space<semaphore_mem>>) src(%arg6 : memref<128x16xf32, #tpu.memory_space<vmem>>) dst(%dma_wait3A_46 : memref<51200x16xf32, #tpu.memory_space<vmem_shared>>)
        tpu.yield
      }) : () -> ()
    }
    %scan3A_23 = arith.constant 49 : i32
    %barrier3A_24 = arith.constant 0 : index
    tpu.barrier barrier_id(%barrier3A_24)
    "tpu.region"() ({
      %run_scoped3A = tpu.sem_alloc : memref<!tpu.dma_semaphore, #tpu.memory_space<semaphore_mem>>
      %dma_start3A = arith.constant 0 : i32
      %dma_start3A_25 = tpu.memref_slice %arg3[%arg0, %mul3A_11, %dma_start3A] : memref<2x51200x16xf32, #tpu.memory_space<hbm>> -> memref<1x3200x16xf32, #tpu.memory_space<hbm>>
      %dma_start3A_26 = tpu.memref_squeeze %dma_start3A_25 : memref<1x3200x16xf32, #tpu.memory_space<hbm>> -> memref<3200x16xf32, #tpu.memory_space<hbm>>
      %dma_start3A_27 = arith.constant 0 : i32
      %dma_start3A_28 = tpu.memref_slice %arg4[%mul3A_11, %dma_start3A_27] : memref<51200x16xf32, #tpu.memory_space<vmem_shared>> -> memref<3200x16xf32, #tpu.memory_space<vmem_shared>>
      tpu.enqueue_dma source(%dma_start3A_28 : memref<3200x16xf32, #tpu.memory_space<vmem_shared>>) target(%dma_start3A_26 : memref<3200x16xf32, #tpu.memory_space<hbm>>) target_semaphore(%run_scoped3A : memref<!tpu.dma_semaphore, #tpu.memory_space<semaphore_mem>>)
      %dma_wait3A = arith.constant 0 : i32
      %dma_wait3A_29 = tpu.memref_slice %arg3[%arg0, %mul3A_11, %dma_wait3A] : memref<2x51200x16xf32, #tpu.memory_space<hbm>> -> memref<1x3200x16xf32, #tpu.memory_space<hbm>>
      %dma_wait3A_30 = tpu.memref_squeeze %dma_wait3A_29 : memref<1x3200x16xf32, #tpu.memory_space<hbm>> -> memref<3200x16xf32, #tpu.memory_space<hbm>>
      %dma_wait3A_31 = arith.constant 0 : i32
      %dma_wait3A_32 = tpu.memref_slice %arg4[%mul3A_11, %dma_wait3A_31] : memref<51200x16xf32, #tpu.memory_space<vmem_shared>> -> memref<3200x16xf32, #tpu.memory_space<vmem_shared>>
      tpu.wait_dma2 semaphore(%run_scoped3A : memref<!tpu.dma_semaphore, #tpu.memory_space<semaphore_mem>>) src(%dma_wait3A_32 : memref<3200x16xf32, #tpu.memory_space<vmem_shared>>) dst(%dma_wait3A_30 : memref<3200x16xf32, #tpu.memory_space<hbm>>)
      tpu.yield
    }) : () -> ()
    return
  }
}

#map = affine_map<(d0, d1) -> (0, 0)>
#map1 = affine_map<(d0, d1) -> (0, 0, 0)>
module attributes {stable_mosaic.version = 14 : i64} {
  func.func @_sc_propagate(%arg0: i32, %arg1: i32, %arg2: memref<50000x32xf32, #tpu.memory_space<hbm>>, %arg3: memref<50000x32xf32, #tpu.memory_space<hbm>>, %arg4: memref<6272x128xi32, #tpu.memory_space<hbm>>, %arg5: memref<6272x128xi32, #tpu.memory_space<hbm>>, %arg6: memref<2x51200x32xf32, #tpu.memory_space<hbm>>, %arg7: memref<51200x32xf32, #tpu.memory_space<vmem_shared>>, %arg8: memref<2x128xi32, #tpu.memory_space<vmem>>, %arg9: memref<2x128xi32, #tpu.memory_space<vmem>>, %arg10: memref<256x32xf32, #tpu.memory_space<vmem>>, %arg11: memref<2x128xi32, #tpu.memory_space<vmem>>, %arg12: memref<2x128xi32, #tpu.memory_space<vmem>>, %arg13: memref<256x32xf32, #tpu.memory_space<vmem>>, %arg14: memref<64x32xf32, #tpu.memory_space<vmem>>, %arg15: memref<!tpu.dma_semaphore, #tpu.memory_space<semaphore_mem>>, %arg16: memref<!tpu.dma_semaphore, #tpu.memory_space<semaphore_mem>>) attributes {dimension_semantics = [#tpu.dimension_semantics<core_parallel>, #tpu.dimension_semantics<subcore_parallel>], iteration_bounds = array<i64: 2, 16>, scalar_prefetch = 0 : i64, scratch_operands = 10 : i64, tpu.core_type = #tpu.core_type<sc_vector_subcore>, window_params = [{transform_indices = #map}, {transform_indices = #map}, {transform_indices = #map}, {transform_indices = #map}, {transform_indices = #map1}]} {
    %scan3A = arith.constant 0 : i32
    %scan3A_0 = arith.constant 64 : i32
    %scan3A_1 = arith.addi %scan3A, %scan3A_0 : i32
    %scan3A_2 = arith.constant 1 : i32
    scf.for %scan3A_20 = %scan3A to %scan3A_1 step %scan3A_2  : i32 {
      %mul3A_21 = arith.constant 1 : i32
      %mul3A_22 = arith.muli %scan3A_20, %mul3A_21 : i32
      %add3A = arith.constant 0 : i32
      %add3A_23 = arith.addi %add3A, %mul3A_22 : i32
      %scan3A_24 = arith.constant 0 : i32
      %scan3A_25 = arith.constant 2 : i32
      %scan3A_26 = arith.addi %scan3A_24, %scan3A_25 : i32
      %scan3A_27 = arith.constant 1 : i32
      scf.for %scan3A_29 = %scan3A_24 to %scan3A_26 step %scan3A_27  : i32 {
        %mul3A_30 = arith.constant 16 : i32
        %mul3A_31 = arith.muli %scan3A_29, %mul3A_30 : i32
        %add3A_32 = arith.constant 0 : i32
        %add3A_33 = arith.addi %add3A_32, %mul3A_31 : i32
        %broadcast_in_dim3A = arith.constant 0.000000e+00 : f32
        %broadcast_in_dim3A_34 = vector.broadcast %broadcast_in_dim3A : f32 to vector<1x16xf32>
        %swap3A = arith.index_cast %add3A_23 : i32 to index
        %swap3A_35 = arith.index_cast %add3A_33 : i32 to index
        %swap3A_36 = tpu.vector_load %arg14[%swap3A, %swap3A_35] {strides = array<i32>} : memref<64x32xf32, #tpu.memory_space<vmem>>, vector<1x16xf32>,
        %swap3A_37 = vector.shape_cast %swap3A_36 : vector<1x16xf32> to vector<1x16xf32>
        %swap3A_38 = vector.shape_cast %broadcast_in_dim3A_34 : vector<1x16xf32> to vector<1x16xf32>
        tpu.vector_store %arg14[%swap3A, %swap3A_35], %swap3A_38 {strides = array<i32>} : memref<64x32xf32, #tpu.memory_space<vmem>>, vector<1x16xf32>,
      }
      %scan3A_28 = arith.constant 2 : i32
    }
    %scan3A_3 = arith.constant 64 : i32
    %mul3A = arith.constant 3200 : i32
    %mul3A_4 = arith.muli %arg1, %mul3A : i32
    %scan3A_5 = arith.constant 0 : i32
    %scan3A_6 = arith.constant 50 : i32
    %scan3A_7 = arith.addi %scan3A_5, %scan3A_6 : i32
    %scan3A_8 = arith.constant 1 : i32
    scf.for %scan3A_20 = %scan3A_5 to %scan3A_7 step %scan3A_8  : i32 {
      %mul3A_21 = arith.constant 64 : i32
      %mul3A_22 = arith.muli %scan3A_20, %mul3A_21 : i32
      %add3A = arith.constant 0 : i32
      %add3A_23 = arith.addi %add3A, %mul3A_22 : i32
      %add3A_24 = arith.addi %mul3A_4, %add3A_23 : i32
      "tpu.region"() ({
        %run_scoped3A = tpu.sem_alloc : memref<!tpu.dma_semaphore, #tpu.memory_space<semaphore_mem>>
        %dma_start3A = arith.constant 0 : i32
        %dma_start3A_25 = tpu.memref_slice %arg7[%add3A_24, %dma_start3A] : memref<51200x32xf32, #tpu.memory_space<vmem_shared>> -> memref<64x32xf32, #tpu.memory_space<vmem_shared>>
        %dma_start3A_26 = arith.constant 0 : i32
        %dma_start3A_27 = tpu.memref_slice %arg7[%add3A_24, %dma_start3A_26] : memref<51200x32xf32, #tpu.memory_space<vmem_shared>> -> memref<64x32xf32, #tpu.memory_space<vmem_shared>>
        tpu.enqueue_dma source(%arg14 : memref<64x32xf32, #tpu.memory_space<vmem>>) target(%dma_start3A_27 : memref<64x32xf32, #tpu.memory_space<vmem_shared>>) target_semaphore(%run_scoped3A : memref<!tpu.dma_semaphore, #tpu.memory_space<semaphore_mem>>)
        %dma_wait3A = arith.constant 0 : i32
        %dma_wait3A_28 = tpu.memref_slice %arg7[%add3A_24, %dma_wait3A] : memref<51200x32xf32, #tpu.memory_space<vmem_shared>> -> memref<64x32xf32, #tpu.memory_space<vmem_shared>>
        %dma_wait3A_29 = arith.constant 0 : i32
        %dma_wait3A_30 = tpu.memref_slice %arg7[%add3A_24, %dma_wait3A_29] : memref<51200x32xf32, #tpu.memory_space<vmem_shared>> -> memref<64x32xf32, #tpu.memory_space<vmem_shared>>
        tpu.wait_dma2 semaphore(%run_scoped3A : memref<!tpu.dma_semaphore, #tpu.memory_space<semaphore_mem>>) src(%arg14 : memref<64x32xf32, #tpu.memory_space<vmem>>) dst(%dma_wait3A_30 : memref<64x32xf32, #tpu.memory_space<vmem_shared>>)
        tpu.yield
      }) : () -> ()
    }
    %scan3A_9 = arith.constant 50 : i32
    %barrier3A = arith.constant 0 : index
    tpu.barrier barrier_id(%barrier3A)
    %mul3A_10 = arith.constant 392 : i32
    %mul3A_11 = arith.muli %arg1, %mul3A_10 : i32
    %eq3A = arith.constant 0 : i32
    %eq3A_12 = arith.cmpi eq, %arg0, %eq3A : i32
    %convert_element_type3A = arith.extui %eq3A_12 : i1 to i32
    %cond3A = arith.constant 0 : i32
    %cond3A_13 = arith.cmpi ne, %convert_element_type3A, %cond3A : i32
    scf.if %cond3A_13 {
      %add3A = arith.constant 0 : i32
      %add3A_20 = arith.addi %mul3A_11, %add3A : i32
      "tpu.region"() ({
        %run_scoped3A_113 = tpu.sem_alloc : memref<!tpu.dma_semaphore, #tpu.memory_space<semaphore_mem>>
        %dma_start3A_114 = arith.constant 0 : i32
        %dma_start3A_115 = tpu.memref_slice %arg4[%add3A_20, %dma_start3A_114] : memref<6272x128xi32, #tpu.memory_space<hbm>> -> memref<2x128xi32, #tpu.memory_space<hbm>>
        %dma_start3A_116 = arith.constant 0 : i32
        %dma_start3A_117 = tpu.memref_slice %arg4[%add3A_20, %dma_start3A_116] : memref<6272x128xi32, #tpu.memory_space<hbm>> -> memref<2x128xi32, #tpu.memory_space<hbm>>
        tpu.enqueue_dma source(%dma_start3A_117 : memref<2x128xi32, #tpu.memory_space<hbm>>) target(%arg8 : memref<2x128xi32, #tpu.memory_space<vmem>>) target_semaphore(%run_scoped3A_113 : memref<!tpu.dma_semaphore, #tpu.memory_space<semaphore_mem>>)
        %dma_wait3A_118 = arith.constant 0 : i32
        %dma_wait3A_119 = tpu.memref_slice %arg4[%add3A_20, %dma_wait3A_118] : memref<6272x128xi32, #tpu.memory_space<hbm>> -> memref<2x128xi32, #tpu.memory_space<hbm>>
        %dma_wait3A_120 = arith.constant 0 : i32
        %dma_wait3A_121 = tpu.memref_slice %arg4[%add3A_20, %dma_wait3A_120] : memref<6272x128xi32, #tpu.memory_space<hbm>> -> memref<2x128xi32, #tpu.memory_space<hbm>>
        tpu.wait_dma2 semaphore(%run_scoped3A_113 : memref<!tpu.dma_semaphore, #tpu.memory_space<semaphore_mem>>) src(%dma_wait3A_121 : memref<2x128xi32, #tpu.memory_space<hbm>>) dst(%arg8 : memref<2x128xi32, #tpu.memory_space<vmem>>)
        tpu.yield
      }) : () -> ()
      %add3A_21 = arith.constant 0 : i32
      %add3A_22 = arith.addi %mul3A_11, %add3A_21 : i32
      "tpu.region"() ({
        %run_scoped3A_113 = tpu.sem_alloc : memref<!tpu.dma_semaphore, #tpu.memory_space<semaphore_mem>>
        %dma_start3A_114 = arith.constant 0 : i32
        %dma_start3A_115 = tpu.memref_slice %arg5[%add3A_22, %dma_start3A_114] : memref<6272x128xi32, #tpu.memory_space<hbm>> -> memref<2x128xi32, #tpu.memory_space<hbm>>
        %dma_start3A_116 = arith.constant 0 : i32
        %dma_start3A_117 = tpu.memref_slice %arg5[%add3A_22, %dma_start3A_116] : memref<6272x128xi32, #tpu.memory_space<hbm>> -> memref<2x128xi32, #tpu.memory_space<hbm>>
        tpu.enqueue_dma source(%dma_start3A_117 : memref<2x128xi32, #tpu.memory_space<hbm>>) target(%arg9 : memref<2x128xi32, #tpu.memory_space<vmem>>) target_semaphore(%run_scoped3A_113 : memref<!tpu.dma_semaphore, #tpu.memory_space<semaphore_mem>>)
        %dma_wait3A_118 = arith.constant 0 : i32
        %dma_wait3A_119 = tpu.memref_slice %arg5[%add3A_22, %dma_wait3A_118] : memref<6272x128xi32, #tpu.memory_space<hbm>> -> memref<2x128xi32, #tpu.memory_space<hbm>>
        %dma_wait3A_120 = arith.constant 0 : i32
        %dma_wait3A_121 = tpu.memref_slice %arg5[%add3A_22, %dma_wait3A_120] : memref<6272x128xi32, #tpu.memory_space<hbm>> -> memref<2x128xi32, #tpu.memory_space<hbm>>
        tpu.wait_dma2 semaphore(%run_scoped3A_113 : memref<!tpu.dma_semaphore, #tpu.memory_space<semaphore_mem>>) src(%dma_wait3A_121 : memref<2x128xi32, #tpu.memory_space<hbm>>) dst(%arg9 : memref<2x128xi32, #tpu.memory_space<vmem>>)
        tpu.yield
      }) : () -> ()
      %dma_start3A = arith.constant 0 : i32
      %dma_start3A_23 = arith.constant 0 : i32
      %dma_start3A_24 = arith.constant 0 : i32
      %dma_start3A_25 = tpu.memref_slice %arg10[%dma_start3A_23, %dma_start3A_24] : memref<256x32xf32, #tpu.memory_space<vmem>> -> memref<128x32xf32, #tpu.memory_space<vmem>>
      %dma_start3A_26 = arith.constant 0 : i32
      %dma_start3A_27 = tpu.memref_slice %arg8[%dma_start3A, %dma_start3A_26] : memref<2x128xi32, #tpu.memory_space<vmem>> -> memref<1x128xi32, #tpu.memory_space<vmem>>
      %dma_start3A_28 = tpu.memref_squeeze %dma_start3A_27 : memref<1x128xi32, #tpu.memory_space<vmem>> -> memref<128xi32, #tpu.memory_space<vmem>>
      %dma_start3A_29 = arith.constant 0 : i32
      %dma_start3A_30 = arith.constant 0 : i32
      %dma_start3A_31 = tpu.memref_slice %arg2[%dma_start3A_29, %dma_start3A_30] : memref<50000x32xf32, #tpu.memory_space<hbm>> -> memref<50000x32xf32, #tpu.memory_space<hbm>>
      tpu.enqueue_indirect_dma source(%dma_start3A_31 : memref<50000x32xf32, #tpu.memory_space<hbm>>) target(%dma_start3A_25 : memref<128x32xf32, #tpu.memory_space<vmem>>) offsets(%dma_start3A_28 : memref<128xi32, #tpu.memory_space<vmem>>) semaphore(%arg15 : memref<!tpu.dma_semaphore, #tpu.memory_space<semaphore_mem>>)
      %dma_start3A_32 = arith.constant 1 : i32
      %dma_start3A_33 = arith.constant 128 : i32
      %dma_start3A_34 = arith.constant 0 : i32
      %dma_start3A_35 = tpu.memref_slice %arg10[%dma_start3A_33, %dma_start3A_34] : memref<256x32xf32, #tpu.memory_space<vmem>> -> memref<128x32xf32, #tpu.memory_space<vmem>>
      %dma_start3A_36 = arith.constant 0 : i32
      %dma_start3A_37 = tpu.memref_slice %arg8[%dma_start3A_32, %dma_start3A_36] : memref<2x128xi32, #tpu.memory_space<vmem>> -> memref<1x128xi32, #tpu.memory_space<vmem>>
      %dma_start3A_38 = tpu.memref_squeeze %dma_start3A_37 : memref<1x128xi32, #tpu.memory_space<vmem>> -> memref<128xi32, #tpu.memory_space<vmem>>
      %dma_start3A_39 = arith.constant 0 : i32
      %dma_start3A_40 = arith.constant 0 : i32
      %dma_start3A_41 = tpu.memref_slice %arg2[%dma_start3A_39, %dma_start3A_40] : memref<50000x32xf32, #tpu.memory_space<hbm>> -> memref<50000x32xf32, #tpu.memory_space<hbm>>
      tpu.enqueue_indirect_dma source(%dma_start3A_41 : memref<50000x32xf32, #tpu.memory_space<hbm>>) target(%dma_start3A_35 : memref<128x32xf32, #tpu.memory_space<vmem>>) offsets(%dma_start3A_38 : memref<128xi32, #tpu.memory_space<vmem>>) semaphore(%arg15 : memref<!tpu.dma_semaphore, #tpu.memory_space<semaphore_mem>>)
      %scan3A_42 = arith.constant 0 : i32
      %scan3A_43 = arith.constant 97 : i32
      %scan3A_44 = arith.addi %scan3A_42, %scan3A_43 : i32
      %scan3A_45 = arith.constant 1 : i32
      scf.for %scan3A_113 = %scan3A_42 to %scan3A_44 step %scan3A_45  : i32 {
        %mul3A_114 = arith.constant 1 : i32
        %mul3A_115 = arith.muli %scan3A_113, %mul3A_114 : i32
        %add3A_116 = arith.constant 0 : i32
        %add3A_117 = arith.addi %add3A_116, %mul3A_115 : i32
        %mul3A_118 = arith.constant 2 : i32
        %mul3A_119 = arith.muli %mul3A_118, %add3A_117 : i32
        %add3A_120 = arith.constant 1 : i32
        %add3A_121 = arith.addi %mul3A_119, %add3A_120 : i32
        %mul3A_122 = arith.constant 2 : i32
        %mul3A_123 = arith.muli %add3A_121, %mul3A_122 : i32
        %add3A_124 = arith.addi %mul3A_11, %mul3A_123 : i32
        "tpu.region"() ({
          %run_scoped3A_220 = tpu.sem_alloc : memref<!tpu.dma_semaphore, #tpu.memory_space<semaphore_mem>>
          %dma_start3A_221 = arith.constant 0 : i32
          %dma_start3A_222 = tpu.memref_slice %arg4[%add3A_124, %dma_start3A_221] : memref<6272x128xi32, #tpu.memory_space<hbm>> -> memref<2x128xi32, #tpu.memory_space<hbm>>
          %dma_start3A_223 = arith.constant 0 : i32
          %dma_start3A_224 = tpu.memref_slice %arg4[%add3A_124, %dma_start3A_223] : memref<6272x128xi32, #tpu.memory_space<hbm>> -> memref<2x128xi32, #tpu.memory_space<hbm>>
          tpu.enqueue_dma source(%dma_start3A_224 : memref<2x128xi32, #tpu.memory_space<hbm>>) target(%arg11 : memref<2x128xi32, #tpu.memory_space<vmem>>) target_semaphore(%run_scoped3A_220 : memref<!tpu.dma_semaphore, #tpu.memory_space<semaphore_mem>>)
          %dma_wait3A_225 = arith.constant 0 : i32
          %dma_wait3A_226 = tpu.memref_slice %arg4[%add3A_124, %dma_wait3A_225] : memref<6272x128xi32, #tpu.memory_space<hbm>> -> memref<2x128xi32, #tpu.memory_space<hbm>>
          %dma_wait3A_227 = arith.constant 0 : i32
          %dma_wait3A_228 = tpu.memref_slice %arg4[%add3A_124, %dma_wait3A_227] : memref<6272x128xi32, #tpu.memory_space<hbm>> -> memref<2x128xi32, #tpu.memory_space<hbm>>
          tpu.wait_dma2 semaphore(%run_scoped3A_220 : memref<!tpu.dma_semaphore, #tpu.memory_space<semaphore_mem>>) src(%dma_wait3A_228 : memref<2x128xi32, #tpu.memory_space<hbm>>) dst(%arg11 : memref<2x128xi32, #tpu.memory_space<vmem>>)
          tpu.yield
        }) : () -> ()
        %mul3A_125 = arith.constant 2 : i32
        %mul3A_126 = arith.muli %add3A_121, %mul3A_125 : i32
        %add3A_127 = arith.addi %mul3A_11, %mul3A_126 : i32
        "tpu.region"() ({
          %run_scoped3A_220 = tpu.sem_alloc : memref<!tpu.dma_semaphore, #tpu.memory_space<semaphore_mem>>
          %dma_start3A_221 = arith.constant 0 : i32
          %dma_start3A_222 = tpu.memref_slice %arg5[%add3A_127, %dma_start3A_221] : memref<6272x128xi32, #tpu.memory_space<hbm>> -> memref<2x128xi32, #tpu.memory_space<hbm>>
          %dma_start3A_223 = arith.constant 0 : i32
          %dma_start3A_224 = tpu.memref_slice %arg5[%add3A_127, %dma_start3A_223] : memref<6272x128xi32, #tpu.memory_space<hbm>> -> memref<2x128xi32, #tpu.memory_space<hbm>>
          tpu.enqueue_dma source(%dma_start3A_224 : memref<2x128xi32, #tpu.memory_space<hbm>>) target(%arg12 : memref<2x128xi32, #tpu.memory_space<vmem>>) target_semaphore(%run_scoped3A_220 : memref<!tpu.dma_semaphore, #tpu.memory_space<semaphore_mem>>)
          %dma_wait3A_225 = arith.constant 0 : i32
          %dma_wait3A_226 = tpu.memref_slice %arg5[%add3A_127, %dma_wait3A_225] : memref<6272x128xi32, #tpu.memory_space<hbm>> -> memref<2x128xi32, #tpu.memory_space<hbm>>
          %dma_wait3A_227 = arith.constant 0 : i32
          %dma_wait3A_228 = tpu.memref_slice %arg5[%add3A_127, %dma_wait3A_227] : memref<6272x128xi32, #tpu.memory_space<hbm>> -> memref<2x128xi32, #tpu.memory_space<hbm>>
          tpu.wait_dma2 semaphore(%run_scoped3A_220 : memref<!tpu.dma_semaphore, #tpu.memory_space<semaphore_mem>>) src(%dma_wait3A_228 : memref<2x128xi32, #tpu.memory_space<hbm>>) dst(%arg12 : memref<2x128xi32, #tpu.memory_space<vmem>>)
          tpu.yield
        }) : () -> ()
        %dma_start3A_128 = arith.constant 0 : i32
        %dma_start3A_129 = arith.constant 0 : i32
        %dma_start3A_130 = arith.constant 0 : i32
        %dma_start3A_131 = tpu.memref_slice %arg13[%dma_start3A_129, %dma_start3A_130] : memref<256x32xf32, #tpu.memory_space<vmem>> -> memref<128x32xf32, #tpu.memory_space<vmem>>
        %dma_start3A_132 = arith.constant 0 : i32
        %dma_start3A_133 = tpu.memref_slice %arg11[%dma_start3A_128, %dma_start3A_132] : memref<2x128xi32, #tpu.memory_space<vmem>> -> memref<1x128xi32, #tpu.memory_space<vmem>>
        %dma_start3A_134 = tpu.memref_squeeze %dma_start3A_133 : memref<1x128xi32, #tpu.memory_space<vmem>> -> memref<128xi32, #tpu.memory_space<vmem>>
        %dma_start3A_135 = arith.constant 0 : i32
        %dma_start3A_136 = arith.constant 0 : i32
        %dma_start3A_137 = tpu.memref_slice %arg2[%dma_start3A_135, %dma_start3A_136] : memref<50000x32xf32, #tpu.memory_space<hbm>> -> memref<50000x32xf32, #tpu.memory_space<hbm>>
        tpu.enqueue_indirect_dma source(%dma_start3A_137 : memref<50000x32xf32, #tpu.memory_space<hbm>>) target(%dma_start3A_131 : memref<128x32xf32, #tpu.memory_space<vmem>>) offsets(%dma_start3A_134 : memref<128xi32, #tpu.memory_space<vmem>>) semaphore(%arg16 : memref<!tpu.dma_semaphore, #tpu.memory_space<semaphore_mem>>)
        %dma_start3A_138 = arith.constant 1 : i32
        %dma_start3A_139 = arith.constant 128 : i32
        %dma_start3A_140 = arith.constant 0 : i32
        %dma_start3A_141 = tpu.memref_slice %arg13[%dma_start3A_139, %dma_start3A_140] : memref<256x32xf32, #tpu.memory_space<vmem>> -> memref<128x32xf32, #tpu.memory_space<vmem>>
        %dma_start3A_142 = arith.constant 0 : i32
        %dma_start3A_143 = tpu.memref_slice %arg11[%dma_start3A_138, %dma_start3A_142] : memref<2x128xi32, #tpu.memory_space<vmem>> -> memref<1x128xi32, #tpu.memory_space<vmem>>
        %dma_start3A_144 = tpu.memref_squeeze %dma_start3A_143 : memref<1x128xi32, #tpu.memory_space<vmem>> -> memref<128xi32, #tpu.memory_space<vmem>>
        %dma_start3A_145 = arith.constant 0 : i32
        %dma_start3A_146 = arith.constant 0 : i32
        %dma_start3A_147 = tpu.memref_slice %arg2[%dma_start3A_145, %dma_start3A_146] : memref<50000x32xf32, #tpu.memory_space<hbm>> -> memref<50000x32xf32, #tpu.memory_space<hbm>>
        tpu.enqueue_indirect_dma source(%dma_start3A_147 : memref<50000x32xf32, #tpu.memory_space<hbm>>) target(%dma_start3A_141 : memref<128x32xf32, #tpu.memory_space<vmem>>) offsets(%dma_start3A_144 : memref<128xi32, #tpu.memory_space<vmem>>) semaphore(%arg16 : memref<!tpu.dma_semaphore, #tpu.memory_space<semaphore_mem>>)
        %dma_wait3A_148 = arith.constant 0 : i32
        %dma_wait3A_149 = arith.constant 0 : i32
        %dma_wait3A_150 = arith.constant 0 : i32
        %dma_wait3A_151 = tpu.memref_slice %arg10[%dma_wait3A_149, %dma_wait3A_150] : memref<256x32xf32, #tpu.memory_space<vmem>> -> memref<128x32xf32, #tpu.memory_space<vmem>>
        %dma_wait3A_152 = arith.constant 0 : i32
        %dma_wait3A_153 = tpu.memref_slice %arg8[%dma_wait3A_148, %dma_wait3A_152] : memref<2x128xi32, #tpu.memory_space<vmem>> -> memref<1x128xi32, #tpu.memory_space<vmem>>
        %dma_wait3A_154 = tpu.memref_squeeze %dma_wait3A_153 : memref<1x128xi32, #tpu.memory_space<vmem>> -> memref<128xi32, #tpu.memory_space<vmem>>
        %dma_wait3A_155 = arith.constant 0 : i32
        %dma_wait3A_156 = arith.constant 0 : i32
        %dma_wait3A_157 = tpu.memref_slice %arg2[%dma_wait3A_155, %dma_wait3A_156] : memref<50000x32xf32, #tpu.memory_space<hbm>> -> memref<50000x32xf32, #tpu.memory_space<hbm>>
        tpu.wait_indirect_dma semaphore(%arg15 : memref<!tpu.dma_semaphore, #tpu.memory_space<semaphore_mem>>) src(%dma_wait3A_157 : memref<50000x32xf32, #tpu.memory_space<hbm>>) dst(%dma_wait3A_151 : memref<128x32xf32, #tpu.memory_space<vmem>>)
        %dma_wait3A_158 = arith.constant 1 : i32
        %dma_wait3A_159 = arith.constant 128 : i32
        %dma_wait3A_160 = arith.constant 0 : i32
        %dma_wait3A_161 = tpu.memref_slice %arg10[%dma_wait3A_159, %dma_wait3A_160] : memref<256x32xf32, #tpu.memory_space<vmem>> -> memref<128x32xf32, #tpu.memory_space<vmem>>
        %dma_wait3A_162 = arith.constant 0 : i32
        %dma_wait3A_163 = tpu.memref_slice %arg8[%dma_wait3A_158, %dma_wait3A_162] : memref<2x128xi32, #tpu.memory_space<vmem>> -> memref<1x128xi32, #tpu.memory_space<vmem>>
        %dma_wait3A_164 = tpu.memref_squeeze %dma_wait3A_163 : memref<1x128xi32, #tpu.memory_space<vmem>> -> memref<128xi32, #tpu.memory_space<vmem>>
        %dma_wait3A_165 = arith.constant 0 : i32
        %dma_wait3A_166 = arith.constant 0 : i32
        %dma_wait3A_167 = tpu.memref_slice %arg2[%dma_wait3A_165, %dma_wait3A_166] : memref<50000x32xf32, #tpu.memory_space<hbm>> -> memref<50000x32xf32, #tpu.memory_space<hbm>>
        tpu.wait_indirect_dma semaphore(%arg15 : memref<!tpu.dma_semaphore, #tpu.memory_space<semaphore_mem>>) src(%dma_wait3A_167 : memref<50000x32xf32, #tpu.memory_space<hbm>>) dst(%dma_wait3A_161 : memref<128x32xf32, #tpu.memory_space<vmem>>)
        %run_scoped3A_168 = arith.constant 0 : i32
        "tpu.region"() ({
          %run_scoped3A_220 = tpu.sem_alloc : memref<!tpu.dma_semaphore, #tpu.memory_space<semaphore_mem>>
          %dma_start3A_221 = arith.constant 0 : i32
          %dma_start3A_222 = arith.constant 0 : i32
          %dma_start3A_223 = tpu.memref_slice %arg10[%dma_start3A_221, %dma_start3A_222] : memref<256x32xf32, #tpu.memory_space<vmem>> -> memref<128x32xf32, #tpu.memory_space<vmem>>
          %dma_start3A_224 = arith.constant 0 : i32
          %dma_start3A_225 = tpu.memref_slice %arg9[%run_scoped3A_168, %dma_start3A_224] : memref<2x128xi32, #tpu.memory_space<vmem>> -> memref<1x128xi32, #tpu.memory_space<vmem>>
          %dma_start3A_226 = tpu.memref_squeeze %dma_start3A_225 : memref<1x128xi32, #tpu.memory_space<vmem>> -> memref<128xi32, #tpu.memory_space<vmem>>
          %dma_start3A_227 = arith.constant 0 : i32
          %dma_start3A_228 = arith.constant 0 : i32
          %dma_start3A_229 = tpu.memref_slice %arg7[%dma_start3A_227, %dma_start3A_228] : memref<51200x32xf32, #tpu.memory_space<vmem_shared>> -> memref<51200x32xf32, #tpu.memory_space<vmem_shared>>
          tpu.enqueue_indirect_dma source(%dma_start3A_223 : memref<128x32xf32, #tpu.memory_space<vmem>>) target(%dma_start3A_229 : memref<51200x32xf32, #tpu.memory_space<vmem_shared>>) offsets(%dma_start3A_226 : memref<128xi32, #tpu.memory_space<vmem>>) semaphore(%run_scoped3A_220 : memref<!tpu.dma_semaphore, #tpu.memory_space<semaphore_mem>>) {add = true}
          %dma_wait3A_230 = arith.constant 0 : i32
          %dma_wait3A_231 = arith.constant 0 : i32
          %dma_wait3A_232 = tpu.memref_slice %arg10[%dma_wait3A_230, %dma_wait3A_231] : memref<256x32xf32, #tpu.memory_space<vmem>> -> memref<128x32xf32, #tpu.memory_space<vmem>>
          %dma_wait3A_233 = arith.constant 0 : i32
          %dma_wait3A_234 = tpu.memref_slice %arg9[%run_scoped3A_168, %dma_wait3A_233] : memref<2x128xi32, #tpu.memory_space<vmem>> -> memref<1x128xi32, #tpu.memory_space<vmem>>
          %dma_wait3A_235 = tpu.memref_squeeze %dma_wait3A_234 : memref<1x128xi32, #tpu.memory_space<vmem>> -> memref<128xi32, #tpu.memory_space<vmem>>
          %dma_wait3A_236 = arith.constant 0 : i32
          %dma_wait3A_237 = arith.constant 0 : i32
          %dma_wait3A_238 = tpu.memref_slice %arg7[%dma_wait3A_236, %dma_wait3A_237] : memref<51200x32xf32, #tpu.memory_space<vmem_shared>> -> memref<51200x32xf32, #tpu.memory_space<vmem_shared>>
          tpu.wait_indirect_dma semaphore(%run_scoped3A_220 : memref<!tpu.dma_semaphore, #tpu.memory_space<semaphore_mem>>) src(%dma_wait3A_232 : memref<128x32xf32, #tpu.memory_space<vmem>>) dst(%dma_wait3A_238 : memref<51200x32xf32, #tpu.memory_space<vmem_shared>>)
          tpu.yield
        }) : () -> ()
        %run_scoped3A_169 = arith.constant 1 : i32
        "tpu.region"() ({
          %run_scoped3A_220 = tpu.sem_alloc : memref<!tpu.dma_semaphore, #tpu.memory_space<semaphore_mem>>
          %dma_start3A_221 = arith.constant 128 : i32
          %dma_start3A_222 = arith.constant 0 : i32
          %dma_start3A_223 = tpu.memref_slice %arg10[%dma_start3A_221, %dma_start3A_222] : memref<256x32xf32, #tpu.memory_space<vmem>> -> memref<128x32xf32, #tpu.memory_space<vmem>>
          %dma_start3A_224 = arith.constant 0 : i32
          %dma_start3A_225 = tpu.memref_slice %arg9[%run_scoped3A_169, %dma_start3A_224] : memref<2x128xi32, #tpu.memory_space<vmem>> -> memref<1x128xi32, #tpu.memory_space<vmem>>
          %dma_start3A_226 = tpu.memref_squeeze %dma_start3A_225 : memref<1x128xi32, #tpu.memory_space<vmem>> -> memref<128xi32, #tpu.memory_space<vmem>>
          %dma_start3A_227 = arith.constant 0 : i32
          %dma_start3A_228 = arith.constant 0 : i32
          %dma_start3A_229 = tpu.memref_slice %arg7[%dma_start3A_227, %dma_start3A_228] : memref<51200x32xf32, #tpu.memory_space<vmem_shared>> -> memref<51200x32xf32, #tpu.memory_space<vmem_shared>>
          tpu.enqueue_indirect_dma source(%dma_start3A_223 : memref<128x32xf32, #tpu.memory_space<vmem>>) target(%dma_start3A_229 : memref<51200x32xf32, #tpu.memory_space<vmem_shared>>) offsets(%dma_start3A_226 : memref<128xi32, #tpu.memory_space<vmem>>) semaphore(%run_scoped3A_220 : memref<!tpu.dma_semaphore, #tpu.memory_space<semaphore_mem>>) {add = true}
          %dma_wait3A_230 = arith.constant 128 : i32
          %dma_wait3A_231 = arith.constant 0 : i32
          %dma_wait3A_232 = tpu.memref_slice %arg10[%dma_wait3A_230, %dma_wait3A_231] : memref<256x32xf32, #tpu.memory_space<vmem>> -> memref<128x32xf32, #tpu.memory_space<vmem>>
          %dma_wait3A_233 = arith.constant 0 : i32
          %dma_wait3A_234 = tpu.memref_slice %arg9[%run_scoped3A_169, %dma_wait3A_233] : memref<2x128xi32, #tpu.memory_space<vmem>> -> memref<1x128xi32, #tpu.memory_space<vmem>>
          %dma_wait3A_235 = tpu.memref_squeeze %dma_wait3A_234 : memref<1x128xi32, #tpu.memory_space<vmem>> -> memref<128xi32, #tpu.memory_space<vmem>>
          %dma_wait3A_236 = arith.constant 0 : i32
          %dma_wait3A_237 = arith.constant 0 : i32
          %dma_wait3A_238 = tpu.memref_slice %arg7[%dma_wait3A_236, %dma_wait3A_237] : memref<51200x32xf32, #tpu.memory_space<vmem_shared>> -> memref<51200x32xf32, #tpu.memory_space<vmem_shared>>
          tpu.wait_indirect_dma semaphore(%run_scoped3A_220 : memref<!tpu.dma_semaphore, #tpu.memory_space<semaphore_mem>>) src(%dma_wait3A_232 : memref<128x32xf32, #tpu.memory_space<vmem>>) dst(%dma_wait3A_238 : memref<51200x32xf32, #tpu.memory_space<vmem_shared>>)
          tpu.yield
        }) : () -> ()
        %add3A_170 = arith.constant 2 : i32
        %add3A_171 = arith.addi %mul3A_119, %add3A_170 : i32
        %mul3A_172 = arith.constant 2 : i32
        %mul3A_173 = arith.muli %add3A_171, %mul3A_172 : i32
        %add3A_174 = arith.addi %mul3A_11, %mul3A_173 : i32
        "tpu.region"() ({
          %run_scoped3A_220 = tpu.sem_alloc : memref<!tpu.dma_semaphore, #tpu.memory_space<semaphore_mem>>
          %dma_start3A_221 = arith.constant 0 : i32
          %dma_start3A_222 = tpu.memref_slice %arg4[%add3A_174, %dma_start3A_221] : memref<6272x128xi32, #tpu.memory_space<hbm>> -> memref<2x128xi32, #tpu.memory_space<hbm>>
          %dma_start3A_223 = arith.constant 0 : i32
          %dma_start3A_224 = tpu.memref_slice %arg4[%add3A_174, %dma_start3A_223] : memref<6272x128xi32, #tpu.memory_space<hbm>> -> memref<2x128xi32, #tpu.memory_space<hbm>>
          tpu.enqueue_dma source(%dma_start3A_224 : memref<2x128xi32, #tpu.memory_space<hbm>>) target(%arg8 : memref<2x128xi32, #tpu.memory_space<vmem>>) target_semaphore(%run_scoped3A_220 : memref<!tpu.dma_semaphore, #tpu.memory_space<semaphore_mem>>)
          %dma_wait3A_225 = arith.constant 0 : i32
          %dma_wait3A_226 = tpu.memref_slice %arg4[%add3A_174, %dma_wait3A_225] : memref<6272x128xi32, #tpu.memory_space<hbm>> -> memref<2x128xi32, #tpu.memory_space<hbm>>
          %dma_wait3A_227 = arith.constant 0 : i32
          %dma_wait3A_228 = tpu.memref_slice %arg4[%add3A_174, %dma_wait3A_227] : memref<6272x128xi32, #tpu.memory_space<hbm>> -> memref<2x128xi32, #tpu.memory_space<hbm>>
          tpu.wait_dma2 semaphore(%run_scoped3A_220 : memref<!tpu.dma_semaphore, #tpu.memory_space<semaphore_mem>>) src(%dma_wait3A_228 : memref<2x128xi32, #tpu.memory_space<hbm>>) dst(%arg8 : memref<2x128xi32, #tpu.memory_space<vmem>>)
          tpu.yield
        }) : () -> ()
        %mul3A_175 = arith.constant 2 : i32
        %mul3A_176 = arith.muli %add3A_171, %mul3A_175 : i32
        %add3A_177 = arith.addi %mul3A_11, %mul3A_176 : i32
        "tpu.region"() ({
          %run_scoped3A_220 = tpu.sem_alloc : memref<!tpu.dma_semaphore, #tpu.memory_space<semaphore_mem>>
          %dma_start3A_221 = arith.constant 0 : i32
          %dma_start3A_222 = tpu.memref_slice %arg5[%add3A_177, %dma_start3A_221] : memref<6272x128xi32, #tpu.memory_space<hbm>> -> memref<2x128xi32, #tpu.memory_space<hbm>>
          %dma_start3A_223 = arith.constant 0 : i32
          %dma_start3A_224 = tpu.memref_slice %arg5[%add3A_177, %dma_start3A_223] : memref<6272x128xi32, #tpu.memory_space<hbm>> -> memref<2x128xi32, #tpu.memory_space<hbm>>
          tpu.enqueue_dma source(%dma_start3A_224 : memref<2x128xi32, #tpu.memory_space<hbm>>) target(%arg9 : memref<2x128xi32, #tpu.memory_space<vmem>>) target_semaphore(%run_scoped3A_220 : memref<!tpu.dma_semaphore, #tpu.memory_space<semaphore_mem>>)
          %dma_wait3A_225 = arith.constant 0 : i32
          %dma_wait3A_226 = tpu.memref_slice %arg5[%add3A_177, %dma_wait3A_225] : memref<6272x128xi32, #tpu.memory_space<hbm>> -> memref<2x128xi32, #tpu.memory_space<hbm>>
          %dma_wait3A_227 = arith.constant 0 : i32
          %dma_wait3A_228 = tpu.memref_slice %arg5[%add3A_177, %dma_wait3A_227] : memref<6272x128xi32, #tpu.memory_space<hbm>> -> memref<2x128xi32, #tpu.memory_space<hbm>>
          tpu.wait_dma2 semaphore(%run_scoped3A_220 : memref<!tpu.dma_semaphore, #tpu.memory_space<semaphore_mem>>) src(%dma_wait3A_228 : memref<2x128xi32, #tpu.memory_space<hbm>>) dst(%arg9 : memref<2x128xi32, #tpu.memory_space<vmem>>)
          tpu.yield
        }) : () -> ()
        %dma_start3A_178 = arith.constant 0 : i32
        %dma_start3A_179 = arith.constant 0 : i32
        %dma_start3A_180 = arith.constant 0 : i32
        %dma_start3A_181 = tpu.memref_slice %arg10[%dma_start3A_179, %dma_start3A_180] : memref<256x32xf32, #tpu.memory_space<vmem>> -> memref<128x32xf32, #tpu.memory_space<vmem>>
        %dma_start3A_182 = arith.constant 0 : i32
        %dma_start3A_183 = tpu.memref_slice %arg8[%dma_start3A_178, %dma_start3A_182] : memref<2x128xi32, #tpu.memory_space<vmem>> -> memref<1x128xi32, #tpu.memory_space<vmem>>
        %dma_start3A_184 = tpu.memref_squeeze %dma_start3A_183 : memref<1x128xi32, #tpu.memory_space<vmem>> -> memref<128xi32, #tpu.memory_space<vmem>>
        %dma_start3A_185 = arith.constant 0 : i32
        %dma_start3A_186 = arith.constant 0 : i32
        %dma_start3A_187 = tpu.memref_slice %arg2[%dma_start3A_185, %dma_start3A_186] : memref<50000x32xf32, #tpu.memory_space<hbm>> -> memref<50000x32xf32, #tpu.memory_space<hbm>>
        tpu.enqueue_indirect_dma source(%dma_start3A_187 : memref<50000x32xf32, #tpu.memory_space<hbm>>) target(%dma_start3A_181 : memref<128x32xf32, #tpu.memory_space<vmem>>) offsets(%dma_start3A_184 : memref<128xi32, #tpu.memory_space<vmem>>) semaphore(%arg15 : memref<!tpu.dma_semaphore, #tpu.memory_space<semaphore_mem>>)
        %dma_start3A_188 = arith.constant 1 : i32
        %dma_start3A_189 = arith.constant 128 : i32
        %dma_start3A_190 = arith.constant 0 : i32
        %dma_start3A_191 = tpu.memref_slice %arg10[%dma_start3A_189, %dma_start3A_190] : memref<256x32xf32, #tpu.memory_space<vmem>> -> memref<128x32xf32, #tpu.memory_space<vmem>>
        %dma_start3A_192 = arith.constant 0 : i32
        %dma_start3A_193 = tpu.memref_slice %arg8[%dma_start3A_188, %dma_start3A_192] : memref<2x128xi32, #tpu.memory_space<vmem>> -> memref<1x128xi32, #tpu.memory_space<vmem>>
        %dma_start3A_194 = tpu.memref_squeeze %dma_start3A_193 : memref<1x128xi32, #tpu.memory_space<vmem>> -> memref<128xi32, #tpu.memory_space<vmem>>
        %dma_start3A_195 = arith.constant 0 : i32
        %dma_start3A_196 = arith.constant 0 : i32
        %dma_start3A_197 = tpu.memref_slice %arg2[%dma_start3A_195, %dma_start3A_196] : memref<50000x32xf32, #tpu.memory_space<hbm>> -> memref<50000x32xf32, #tpu.memory_space<hbm>>
        tpu.enqueue_indirect_dma source(%dma_start3A_197 : memref<50000x32xf32, #tpu.memory_space<hbm>>) target(%dma_start3A_191 : memref<128x32xf32, #tpu.memory_space<vmem>>) offsets(%dma_start3A_194 : memref<128xi32, #tpu.memory_space<vmem>>) semaphore(%arg15 : memref<!tpu.dma_semaphore, #tpu.memory_space<semaphore_mem>>)
        %dma_wait3A_198 = arith.constant 0 : i32
        %dma_wait3A_199 = arith.constant 0 : i32
        %dma_wait3A_200 = arith.constant 0 : i32
        %dma_wait3A_201 = tpu.memref_slice %arg13[%dma_wait3A_199, %dma_wait3A_200] : memref<256x32xf32, #tpu.memory_space<vmem>> -> memref<128x32xf32, #tpu.memory_space<vmem>>
        %dma_wait3A_202 = arith.constant 0 : i32
        %dma_wait3A_203 = tpu.memref_slice %arg11[%dma_wait3A_198, %dma_wait3A_202] : memref<2x128xi32, #tpu.memory_space<vmem>> -> memref<1x128xi32, #tpu.memory_space<vmem>>
        %dma_wait3A_204 = tpu.memref_squeeze %dma_wait3A_203 : memref<1x128xi32, #tpu.memory_space<vmem>> -> memref<128xi32, #tpu.memory_space<vmem>>
        %dma_wait3A_205 = arith.constant 0 : i32
        %dma_wait3A_206 = arith.constant 0 : i32
        %dma_wait3A_207 = tpu.memref_slice %arg2[%dma_wait3A_205, %dma_wait3A_206] : memref<50000x32xf32, #tpu.memory_space<hbm>> -> memref<50000x32xf32, #tpu.memory_space<hbm>>
        tpu.wait_indirect_dma semaphore(%arg16 : memref<!tpu.dma_semaphore, #tpu.memory_space<semaphore_mem>>) src(%dma_wait3A_207 : memref<50000x32xf32, #tpu.memory_space<hbm>>) dst(%dma_wait3A_201 : memref<128x32xf32, #tpu.memory_space<vmem>>)
        %dma_wait3A_208 = arith.constant 1 : i32
        %dma_wait3A_209 = arith.constant 128 : i32
        %dma_wait3A_210 = arith.constant 0 : i32
        %dma_wait3A_211 = tpu.memref_slice %arg13[%dma_wait3A_209, %dma_wait3A_210] : memref<256x32xf32, #tpu.memory_space<vmem>> -> memref<128x32xf32, #tpu.memory_space<vmem>>
        %dma_wait3A_212 = arith.constant 0 : i32
        %dma_wait3A_213 = tpu.memref_slice %arg11[%dma_wait3A_208, %dma_wait3A_212] : memref<2x128xi32, #tpu.memory_space<vmem>> -> memref<1x128xi32, #tpu.memory_space<vmem>>
        %dma_wait3A_214 = tpu.memref_squeeze %dma_wait3A_213 : memref<1x128xi32, #tpu.memory_space<vmem>> -> memref<128xi32, #tpu.memory_space<vmem>>
        %dma_wait3A_215 = arith.constant 0 : i32
        %dma_wait3A_216 = arith.constant 0 : i32
        %dma_wait3A_217 = tpu.memref_slice %arg2[%dma_wait3A_215, %dma_wait3A_216] : memref<50000x32xf32, #tpu.memory_space<hbm>> -> memref<50000x32xf32, #tpu.memory_space<hbm>>
        tpu.wait_indirect_dma semaphore(%arg16 : memref<!tpu.dma_semaphore, #tpu.memory_space<semaphore_mem>>) src(%dma_wait3A_217 : memref<50000x32xf32, #tpu.memory_space<hbm>>) dst(%dma_wait3A_211 : memref<128x32xf32, #tpu.memory_space<vmem>>)
        %run_scoped3A_218 = arith.constant 0 : i32
        "tpu.region"() ({
          %run_scoped3A_220 = tpu.sem_alloc : memref<!tpu.dma_semaphore, #tpu.memory_space<semaphore_mem>>
          %dma_start3A_221 = arith.constant 0 : i32
          %dma_start3A_222 = arith.constant 0 : i32
          %dma_start3A_223 = tpu.memref_slice %arg13[%dma_start3A_221, %dma_start3A_222] : memref<256x32xf32, #tpu.memory_space<vmem>> -> memref<128x32xf32, #tpu.memory_space<vmem>>
          %dma_start3A_224 = arith.constant 0 : i32
          %dma_start3A_225 = tpu.memref_slice %arg12[%run_scoped3A_218, %dma_start3A_224] : memref<2x128xi32, #tpu.memory_space<vmem>> -> memref<1x128xi32, #tpu.memory_space<vmem>>
          %dma_start3A_226 = tpu.memref_squeeze %dma_start3A_225 : memref<1x128xi32, #tpu.memory_space<vmem>> -> memref<128xi32, #tpu.memory_space<vmem>>
          %dma_start3A_227 = arith.constant 0 : i32
          %dma_start3A_228 = arith.constant 0 : i32
          %dma_start3A_229 = tpu.memref_slice %arg7[%dma_start3A_227, %dma_start3A_228] : memref<51200x32xf32, #tpu.memory_space<vmem_shared>> -> memref<51200x32xf32, #tpu.memory_space<vmem_shared>>
          tpu.enqueue_indirect_dma source(%dma_start3A_223 : memref<128x32xf32, #tpu.memory_space<vmem>>) target(%dma_start3A_229 : memref<51200x32xf32, #tpu.memory_space<vmem_shared>>) offsets(%dma_start3A_226 : memref<128xi32, #tpu.memory_space<vmem>>) semaphore(%run_scoped3A_220 : memref<!tpu.dma_semaphore, #tpu.memory_space<semaphore_mem>>) {add = true}
          %dma_wait3A_230 = arith.constant 0 : i32
          %dma_wait3A_231 = arith.constant 0 : i32
          %dma_wait3A_232 = tpu.memref_slice %arg13[%dma_wait3A_230, %dma_wait3A_231] : memref<256x32xf32, #tpu.memory_space<vmem>> -> memref<128x32xf32, #tpu.memory_space<vmem>>
          %dma_wait3A_233 = arith.constant 0 : i32
          %dma_wait3A_234 = tpu.memref_slice %arg12[%run_scoped3A_218, %dma_wait3A_233] : memref<2x128xi32, #tpu.memory_space<vmem>> -> memref<1x128xi32, #tpu.memory_space<vmem>>
          %dma_wait3A_235 = tpu.memref_squeeze %dma_wait3A_234 : memref<1x128xi32, #tpu.memory_space<vmem>> -> memref<128xi32, #tpu.memory_space<vmem>>
          %dma_wait3A_236 = arith.constant 0 : i32
          %dma_wait3A_237 = arith.constant 0 : i32
          %dma_wait3A_238 = tpu.memref_slice %arg7[%dma_wait3A_236, %dma_wait3A_237] : memref<51200x32xf32, #tpu.memory_space<vmem_shared>> -> memref<51200x32xf32, #tpu.memory_space<vmem_shared>>
          tpu.wait_indirect_dma semaphore(%run_scoped3A_220 : memref<!tpu.dma_semaphore, #tpu.memory_space<semaphore_mem>>) src(%dma_wait3A_232 : memref<128x32xf32, #tpu.memory_space<vmem>>) dst(%dma_wait3A_238 : memref<51200x32xf32, #tpu.memory_space<vmem_shared>>)
          tpu.yield
        }) : () -> ()
        %run_scoped3A_219 = arith.constant 1 : i32
        "tpu.region"() ({
          %run_scoped3A_220 = tpu.sem_alloc : memref<!tpu.dma_semaphore, #tpu.memory_space<semaphore_mem>>
          %dma_start3A_221 = arith.constant 128 : i32
          %dma_start3A_222 = arith.constant 0 : i32
          %dma_start3A_223 = tpu.memref_slice %arg13[%dma_start3A_221, %dma_start3A_222] : memref<256x32xf32, #tpu.memory_space<vmem>> -> memref<128x32xf32, #tpu.memory_space<vmem>>
          %dma_start3A_224 = arith.constant 0 : i32
          %dma_start3A_225 = tpu.memref_slice %arg12[%run_scoped3A_219, %dma_start3A_224] : memref<2x128xi32, #tpu.memory_space<vmem>> -> memref<1x128xi32, #tpu.memory_space<vmem>>
          %dma_start3A_226 = tpu.memref_squeeze %dma_start3A_225 : memref<1x128xi32, #tpu.memory_space<vmem>> -> memref<128xi32, #tpu.memory_space<vmem>>
          %dma_start3A_227 = arith.constant 0 : i32
          %dma_start3A_228 = arith.constant 0 : i32
          %dma_start3A_229 = tpu.memref_slice %arg7[%dma_start3A_227, %dma_start3A_228] : memref<51200x32xf32, #tpu.memory_space<vmem_shared>> -> memref<51200x32xf32, #tpu.memory_space<vmem_shared>>
          tpu.enqueue_indirect_dma source(%dma_start3A_223 : memref<128x32xf32, #tpu.memory_space<vmem>>) target(%dma_start3A_229 : memref<51200x32xf32, #tpu.memory_space<vmem_shared>>) offsets(%dma_start3A_226 : memref<128xi32, #tpu.memory_space<vmem>>) semaphore(%run_scoped3A_220 : memref<!tpu.dma_semaphore, #tpu.memory_space<semaphore_mem>>) {add = true}
          %dma_wait3A_230 = arith.constant 128 : i32
          %dma_wait3A_231 = arith.constant 0 : i32
          %dma_wait3A_232 = tpu.memref_slice %arg13[%dma_wait3A_230, %dma_wait3A_231] : memref<256x32xf32, #tpu.memory_space<vmem>> -> memref<128x32xf32, #tpu.memory_space<vmem>>
          %dma_wait3A_233 = arith.constant 0 : i32
          %dma_wait3A_234 = tpu.memref_slice %arg12[%run_scoped3A_219, %dma_wait3A_233] : memref<2x128xi32, #tpu.memory_space<vmem>> -> memref<1x128xi32, #tpu.memory_space<vmem>>
          %dma_wait3A_235 = tpu.memref_squeeze %dma_wait3A_234 : memref<1x128xi32, #tpu.memory_space<vmem>> -> memref<128xi32, #tpu.memory_space<vmem>>
          %dma_wait3A_236 = arith.constant 0 : i32
          %dma_wait3A_237 = arith.constant 0 : i32
          %dma_wait3A_238 = tpu.memref_slice %arg7[%dma_wait3A_236, %dma_wait3A_237] : memref<51200x32xf32, #tpu.memory_space<vmem_shared>> -> memref<51200x32xf32, #tpu.memory_space<vmem_shared>>
          tpu.wait_indirect_dma semaphore(%run_scoped3A_220 : memref<!tpu.dma_semaphore, #tpu.memory_space<semaphore_mem>>) src(%dma_wait3A_232 : memref<128x32xf32, #tpu.memory_space<vmem>>) dst(%dma_wait3A_238 : memref<51200x32xf32, #tpu.memory_space<vmem_shared>>)
          tpu.yield
        }) : () -> ()
      }
      %scan3A_46 = arith.constant 97 : i32
      %add3A_47 = arith.constant 390 : i32
      %add3A_48 = arith.addi %mul3A_11, %add3A_47 : i32
      "tpu.region"() ({
        %run_scoped3A_113 = tpu.sem_alloc : memref<!tpu.dma_semaphore, #tpu.memory_space<semaphore_mem>>
        %dma_start3A_114 = arith.constant 0 : i32
        %dma_start3A_115 = tpu.memref_slice %arg4[%add3A_48, %dma_start3A_114] : memref<6272x128xi32, #tpu.memory_space<hbm>> -> memref<2x128xi32, #tpu.memory_space<hbm>>
        %dma_start3A_116 = arith.constant 0 : i32
        %dma_start3A_117 = tpu.memref_slice %arg4[%add3A_48, %dma_start3A_116] : memref<6272x128xi32, #tpu.memory_space<hbm>> -> memref<2x128xi32, #tpu.memory_space<hbm>>
        tpu.enqueue_dma source(%dma_start3A_117 : memref<2x128xi32, #tpu.memory_space<hbm>>) target(%arg11 : memref<2x128xi32, #tpu.memory_space<vmem>>) target_semaphore(%run_scoped3A_113 : memref<!tpu.dma_semaphore, #tpu.memory_space<semaphore_mem>>)
        %dma_wait3A_118 = arith.constant 0 : i32
        %dma_wait3A_119 = tpu.memref_slice %arg4[%add3A_48, %dma_wait3A_118] : memref<6272x128xi32, #tpu.memory_space<hbm>> -> memref<2x128xi32, #tpu.memory_space<hbm>>
        %dma_wait3A_120 = arith.constant 0 : i32
        %dma_wait3A_121 = tpu.memref_slice %arg4[%add3A_48, %dma_wait3A_120] : memref<6272x128xi32, #tpu.memory_space<hbm>> -> memref<2x128xi32, #tpu.memory_space<hbm>>
        tpu.wait_dma2 semaphore(%run_scoped3A_113 : memref<!tpu.dma_semaphore, #tpu.memory_space<semaphore_mem>>) src(%dma_wait3A_121 : memref<2x128xi32, #tpu.memory_space<hbm>>) dst(%arg11 : memref<2x128xi32, #tpu.memory_space<vmem>>)
        tpu.yield
      }) : () -> ()
      %add3A_49 = arith.constant 390 : i32
      %add3A_50 = arith.addi %mul3A_11, %add3A_49 : i32
      "tpu.region"() ({
        %run_scoped3A_113 = tpu.sem_alloc : memref<!tpu.dma_semaphore, #tpu.memory_space<semaphore_mem>>
        %dma_start3A_114 = arith.constant 0 : i32
        %dma_start3A_115 = tpu.memref_slice %arg5[%add3A_50, %dma_start3A_114] : memref<6272x128xi32, #tpu.memory_space<hbm>> -> memref<2x128xi32, #tpu.memory_space<hbm>>
        %dma_start3A_116 = arith.constant 0 : i32
        %dma_start3A_117 = tpu.memref_slice %arg5[%add3A_50, %dma_start3A_116] : memref<6272x128xi32, #tpu.memory_space<hbm>> -> memref<2x128xi32, #tpu.memory_space<hbm>>
        tpu.enqueue_dma source(%dma_start3A_117 : memref<2x128xi32, #tpu.memory_space<hbm>>) target(%arg12 : memref<2x128xi32, #tpu.memory_space<vmem>>) target_semaphore(%run_scoped3A_113 : memref<!tpu.dma_semaphore, #tpu.memory_space<semaphore_mem>>)
        %dma_wait3A_118 = arith.constant 0 : i32
        %dma_wait3A_119 = tpu.memref_slice %arg5[%add3A_50, %dma_wait3A_118] : memref<6272x128xi32, #tpu.memory_space<hbm>> -> memref<2x128xi32, #tpu.memory_space<hbm>>
        %dma_wait3A_120 = arith.constant 0 : i32
        %dma_wait3A_121 = tpu.memref_slice %arg5[%add3A_50, %dma_wait3A_120] : memref<6272x128xi32, #tpu.memory_space<hbm>> -> memref<2x128xi32, #tpu.memory_space<hbm>>
        tpu.wait_dma2 semaphore(%run_scoped3A_113 : memref<!tpu.dma_semaphore, #tpu.memory_space<semaphore_mem>>) src(%dma_wait3A_121 : memref<2x128xi32, #tpu.memory_space<hbm>>) dst(%arg12 : memref<2x128xi32, #tpu.memory_space<vmem>>)
        tpu.yield
      }) : () -> ()
      %dma_start3A_51 = arith.constant 0 : i32
      %dma_start3A_52 = arith.constant 0 : i32
      %dma_start3A_53 = arith.constant 0 : i32
      %dma_start3A_54 = tpu.memref_slice %arg13[%dma_start3A_52, %dma_start3A_53] : memref<256x32xf32, #tpu.memory_space<vmem>> -> memref<128x32xf32, #tpu.memory_space<vmem>>
      %dma_start3A_55 = arith.constant 0 : i32
      %dma_start3A_56 = tpu.memref_slice %arg11[%dma_start3A_51, %dma_start3A_55] : memref<2x128xi32, #tpu.memory_space<vmem>> -> memref<1x128xi32, #tpu.memory_space<vmem>>
      %dma_start3A_57 = tpu.memref_squeeze %dma_start3A_56 : memref<1x128xi32, #tpu.memory_space<vmem>> -> memref<128xi32, #tpu.memory_space<vmem>>
      %dma_start3A_58 = arith.constant 0 : i32
      %dma_start3A_59 = arith.constant 0 : i32
      %dma_start3A_60 = tpu.memref_slice %arg2[%dma_start3A_58, %dma_start3A_59] : memref<50000x32xf32, #tpu.memory_space<hbm>> -> memref<50000x32xf32, #tpu.memory_space<hbm>>
      tpu.enqueue_indirect_dma source(%dma_start3A_60 : memref<50000x32xf32, #tpu.memory_space<hbm>>) target(%dma_start3A_54 : memref<128x32xf32, #tpu.memory_space<vmem>>) offsets(%dma_start3A_57 : memref<128xi32, #tpu.memory_space<vmem>>) semaphore(%arg16 : memref<!tpu.dma_semaphore, #tpu.memory_space<semaphore_mem>>)
      %dma_start3A_61 = arith.constant 1 : i32
      %dma_start3A_62 = arith.constant 128 : i32
      %dma_start3A_63 = arith.constant 0 : i32
      %dma_start3A_64 = tpu.memref_slice %arg13[%dma_start3A_62, %dma_start3A_63] : memref<256x32xf32, #tpu.memory_space<vmem>> -> memref<128x32xf32, #tpu.memory_space<vmem>>
      %dma_start3A_65 = arith.constant 0 : i32
      %dma_start3A_66 = tpu.memref_slice %arg11[%dma_start3A_61, %dma_start3A_65] : memref<2x128xi32, #tpu.memory_space<vmem>> -> memref<1x128xi32, #tpu.memory_space<vmem>>
      %dma_start3A_67 = tpu.memref_squeeze %dma_start3A_66 : memref<1x128xi32, #tpu.memory_space<vmem>> -> memref<128xi32, #tpu.memory_space<vmem>>
      %dma_start3A_68 = arith.constant 0 : i32
      %dma_start3A_69 = arith.constant 0 : i32
      %dma_start3A_70 = tpu.memref_slice %arg2[%dma_start3A_68, %dma_start3A_69] : memref<50000x32xf32, #tpu.memory_space<hbm>> -> memref<50000x32xf32, #tpu.memory_space<hbm>>
      tpu.enqueue_indirect_dma source(%dma_start3A_70 : memref<50000x32xf32, #tpu.memory_space<hbm>>) target(%dma_start3A_64 : memref<128x32xf32, #tpu.memory_space<vmem>>) offsets(%dma_start3A_67 : memref<128xi32, #tpu.memory_space<vmem>>) semaphore(%arg16 : memref<!tpu.dma_semaphore, #tpu.memory_space<semaphore_mem>>)
      %dma_wait3A = arith.constant 0 : i32
      %dma_wait3A_71 = arith.constant 0 : i32
      %dma_wait3A_72 = arith.constant 0 : i32
      %dma_wait3A_73 = tpu.memref_slice %arg10[%dma_wait3A_71, %dma_wait3A_72] : memref<256x32xf32, #tpu.memory_space<vmem>> -> memref<128x32xf32, #tpu.memory_space<vmem>>
      %dma_wait3A_74 = arith.constant 0 : i32
      %dma_wait3A_75 = tpu.memref_slice %arg8[%dma_wait3A, %dma_wait3A_74] : memref<2x128xi32, #tpu.memory_space<vmem>> -> memref<1x128xi32, #tpu.memory_space<vmem>>
      %dma_wait3A_76 = tpu.memref_squeeze %dma_wait3A_75 : memref<1x128xi32, #tpu.memory_space<vmem>> -> memref<128xi32, #tpu.memory_space<vmem>>
      %dma_wait3A_77 = arith.constant 0 : i32
      %dma_wait3A_78 = arith.constant 0 : i32
      %dma_wait3A_79 = tpu.memref_slice %arg2[%dma_wait3A_77, %dma_wait3A_78] : memref<50000x32xf32, #tpu.memory_space<hbm>> -> memref<50000x32xf32, #tpu.memory_space<hbm>>
      tpu.wait_indirect_dma semaphore(%arg15 : memref<!tpu.dma_semaphore, #tpu.memory_space<semaphore_mem>>) src(%dma_wait3A_79 : memref<50000x32xf32, #tpu.memory_space<hbm>>) dst(%dma_wait3A_73 : memref<128x32xf32, #tpu.memory_space<vmem>>)
      %dma_wait3A_80 = arith.constant 1 : i32
      %dma_wait3A_81 = arith.constant 128 : i32
      %dma_wait3A_82 = arith.constant 0 : i32
      %dma_wait3A_83 = tpu.memref_slice %arg10[%dma_wait3A_81, %dma_wait3A_82] : memref<256x32xf32, #tpu.memory_space<vmem>> -> memref<128x32xf32, #tpu.memory_space<vmem>>
      %dma_wait3A_84 = arith.constant 0 : i32
      %dma_wait3A_85 = tpu.memref_slice %arg8[%dma_wait3A_80, %dma_wait3A_84] : memref<2x128xi32, #tpu.memory_space<vmem>> -> memref<1x128xi32, #tpu.memory_space<vmem>>
      %dma_wait3A_86 = tpu.memref_squeeze %dma_wait3A_85 : memref<1x128xi32, #tpu.memory_space<vmem>> -> memref<128xi32, #tpu.memory_space<vmem>>
      %dma_wait3A_87 = arith.constant 0 : i32
      %dma_wait3A_88 = arith.constant 0 : i32
      %dma_wait3A_89 = tpu.memref_slice %arg2[%dma_wait3A_87, %dma_wait3A_88] : memref<50000x32xf32, #tpu.memory_space<hbm>> -> memref<50000x32xf32, #tpu.memory_space<hbm>>
      tpu.wait_indirect_dma semaphore(%arg15 : memref<!tpu.dma_semaphore, #tpu.memory_space<semaphore_mem>>) src(%dma_wait3A_89 : memref<50000x32xf32, #tpu.memory_space<hbm>>) dst(%dma_wait3A_83 : memref<128x32xf32, #tpu.memory_space<vmem>>)
      %run_scoped3A = arith.constant 0 : i32
      "tpu.region"() ({
        %run_scoped3A_113 = tpu.sem_alloc : memref<!tpu.dma_semaphore, #tpu.memory_space<semaphore_mem>>
        %dma_start3A_114 = arith.constant 0 : i32
        %dma_start3A_115 = arith.constant 0 : i32
        %dma_start3A_116 = tpu.memref_slice %arg10[%dma_start3A_114, %dma_start3A_115] : memref<256x32xf32, #tpu.memory_space<vmem>> -> memref<128x32xf32, #tpu.memory_space<vmem>>
        %dma_start3A_117 = arith.constant 0 : i32
        %dma_start3A_118 = tpu.memref_slice %arg9[%run_scoped3A, %dma_start3A_117] : memref<2x128xi32, #tpu.memory_space<vmem>> -> memref<1x128xi32, #tpu.memory_space<vmem>>
        %dma_start3A_119 = tpu.memref_squeeze %dma_start3A_118 : memref<1x128xi32, #tpu.memory_space<vmem>> -> memref<128xi32, #tpu.memory_space<vmem>>
        %dma_start3A_120 = arith.constant 0 : i32
        %dma_start3A_121 = arith.constant 0 : i32
        %dma_start3A_122 = tpu.memref_slice %arg7[%dma_start3A_120, %dma_start3A_121] : memref<51200x32xf32, #tpu.memory_space<vmem_shared>> -> memref<51200x32xf32, #tpu.memory_space<vmem_shared>>
        tpu.enqueue_indirect_dma source(%dma_start3A_116 : memref<128x32xf32, #tpu.memory_space<vmem>>) target(%dma_start3A_122 : memref<51200x32xf32, #tpu.memory_space<vmem_shared>>) offsets(%dma_start3A_119 : memref<128xi32, #tpu.memory_space<vmem>>) semaphore(%run_scoped3A_113 : memref<!tpu.dma_semaphore, #tpu.memory_space<semaphore_mem>>) {add = true}
        %dma_wait3A_123 = arith.constant 0 : i32
        %dma_wait3A_124 = arith.constant 0 : i32
        %dma_wait3A_125 = tpu.memref_slice %arg10[%dma_wait3A_123, %dma_wait3A_124] : memref<256x32xf32, #tpu.memory_space<vmem>> -> memref<128x32xf32, #tpu.memory_space<vmem>>
        %dma_wait3A_126 = arith.constant 0 : i32
        %dma_wait3A_127 = tpu.memref_slice %arg9[%run_scoped3A, %dma_wait3A_126] : memref<2x128xi32, #tpu.memory_space<vmem>> -> memref<1x128xi32, #tpu.memory_space<vmem>>
        %dma_wait3A_128 = tpu.memref_squeeze %dma_wait3A_127 : memref<1x128xi32, #tpu.memory_space<vmem>> -> memref<128xi32, #tpu.memory_space<vmem>>
        %dma_wait3A_129 = arith.constant 0 : i32
        %dma_wait3A_130 = arith.constant 0 : i32
        %dma_wait3A_131 = tpu.memref_slice %arg7[%dma_wait3A_129, %dma_wait3A_130] : memref<51200x32xf32, #tpu.memory_space<vmem_shared>> -> memref<51200x32xf32, #tpu.memory_space<vmem_shared>>
        tpu.wait_indirect_dma semaphore(%run_scoped3A_113 : memref<!tpu.dma_semaphore, #tpu.memory_space<semaphore_mem>>) src(%dma_wait3A_125 : memref<128x32xf32, #tpu.memory_space<vmem>>) dst(%dma_wait3A_131 : memref<51200x32xf32, #tpu.memory_space<vmem_shared>>)
        tpu.yield
      }) : () -> ()
      %run_scoped3A_90 = arith.constant 1 : i32
      "tpu.region"() ({
        %run_scoped3A_113 = tpu.sem_alloc : memref<!tpu.dma_semaphore, #tpu.memory_space<semaphore_mem>>
        %dma_start3A_114 = arith.constant 128 : i32
        %dma_start3A_115 = arith.constant 0 : i32
        %dma_start3A_116 = tpu.memref_slice %arg10[%dma_start3A_114, %dma_start3A_115] : memref<256x32xf32, #tpu.memory_space<vmem>> -> memref<128x32xf32, #tpu.memory_space<vmem>>
        %dma_start3A_117 = arith.constant 0 : i32
        %dma_start3A_118 = tpu.memref_slice %arg9[%run_scoped3A_90, %dma_start3A_117] : memref<2x128xi32, #tpu.memory_space<vmem>> -> memref<1x128xi32, #tpu.memory_space<vmem>>
        %dma_start3A_119 = tpu.memref_squeeze %dma_start3A_118 : memref<1x128xi32, #tpu.memory_space<vmem>> -> memref<128xi32, #tpu.memory_space<vmem>>
        %dma_start3A_120 = arith.constant 0 : i32
        %dma_start3A_121 = arith.constant 0 : i32
        %dma_start3A_122 = tpu.memref_slice %arg7[%dma_start3A_120, %dma_start3A_121] : memref<51200x32xf32, #tpu.memory_space<vmem_shared>> -> memref<51200x32xf32, #tpu.memory_space<vmem_shared>>
        tpu.enqueue_indirect_dma source(%dma_start3A_116 : memref<128x32xf32, #tpu.memory_space<vmem>>) target(%dma_start3A_122 : memref<51200x32xf32, #tpu.memory_space<vmem_shared>>) offsets(%dma_start3A_119 : memref<128xi32, #tpu.memory_space<vmem>>) semaphore(%run_scoped3A_113 : memref<!tpu.dma_semaphore, #tpu.memory_space<semaphore_mem>>) {add = true}
        %dma_wait3A_123 = arith.constant 128 : i32
        %dma_wait3A_124 = arith.constant 0 : i32
        %dma_wait3A_125 = tpu.memref_slice %arg10[%dma_wait3A_123, %dma_wait3A_124] : memref<256x32xf32, #tpu.memory_space<vmem>> -> memref<128x32xf32, #tpu.memory_space<vmem>>
        %dma_wait3A_126 = arith.constant 0 : i32
        %dma_wait3A_127 = tpu.memref_slice %arg9[%run_scoped3A_90, %dma_wait3A_126] : memref<2x128xi32, #tpu.memory_space<vmem>> -> memref<1x128xi32, #tpu.memory_space<vmem>>
        %dma_wait3A_128 = tpu.memref_squeeze %dma_wait3A_127 : memref<1x128xi32, #tpu.memory_space<vmem>> -> memref<128xi32, #tpu.memory_space<vmem>>
        %dma_wait3A_129 = arith.constant 0 : i32
        %dma_wait3A_130 = arith.constant 0 : i32
        %dma_wait3A_131 = tpu.memref_slice %arg7[%dma_wait3A_129, %dma_wait3A_130] : memref<51200x32xf32, #tpu.memory_space<vmem_shared>> -> memref<51200x32xf32, #tpu.memory_space<vmem_shared>>
        tpu.wait_indirect_dma semaphore(%run_scoped3A_113 : memref<!tpu.dma_semaphore, #tpu.memory_space<semaphore_mem>>) src(%dma_wait3A_125 : memref<128x32xf32, #tpu.memory_space<vmem>>) dst(%dma_wait3A_131 : memref<51200x32xf32, #tpu.memory_space<vmem_shared>>)
        tpu.yield
      }) : () -> ()
      %dma_wait3A_91 = arith.constant 0 : i32
      %dma_wait3A_92 = arith.constant 0 : i32
      %dma_wait3A_93 = arith.constant 0 : i32
      %dma_wait3A_94 = tpu.memref_slice %arg13[%dma_wait3A_92, %dma_wait3A_93] : memref<256x32xf32, #tpu.memory_space<vmem>> -> memref<128x32xf32, #tpu.memory_space<vmem>>
      %dma_wait3A_95 = arith.constant 0 : i32
      %dma_wait3A_96 = tpu.memref_slice %arg11[%dma_wait3A_91, %dma_wait3A_95] : memref<2x128xi32, #tpu.memory_space<vmem>> -> memref<1x128xi32, #tpu.memory_space<vmem>>
      %dma_wait3A_97 = tpu.memref_squeeze %dma_wait3A_96 : memref<1x128xi32, #tpu.memory_space<vmem>> -> memref<128xi32, #tpu.memory_space<vmem>>
      %dma_wait3A_98 = arith.constant 0 : i32
      %dma_wait3A_99 = arith.constant 0 : i32
      %dma_wait3A_100 = tpu.memref_slice %arg2[%dma_wait3A_98, %dma_wait3A_99] : memref<50000x32xf32, #tpu.memory_space<hbm>> -> memref<50000x32xf32, #tpu.memory_space<hbm>>
      tpu.wait_indirect_dma semaphore(%arg16 : memref<!tpu.dma_semaphore, #tpu.memory_space<semaphore_mem>>) src(%dma_wait3A_100 : memref<50000x32xf32, #tpu.memory_space<hbm>>) dst(%dma_wait3A_94 : memref<128x32xf32, #tpu.memory_space<vmem>>)
      %dma_wait3A_101 = arith.constant 1 : i32
      %dma_wait3A_102 = arith.constant 128 : i32
      %dma_wait3A_103 = arith.constant 0 : i32
      %dma_wait3A_104 = tpu.memref_slice %arg13[%dma_wait3A_102, %dma_wait3A_103] : memref<256x32xf32, #tpu.memory_space<vmem>> -> memref<128x32xf32, #tpu.memory_space<vmem>>
      %dma_wait3A_105 = arith.constant 0 : i32
      %dma_wait3A_106 = tpu.memref_slice %arg11[%dma_wait3A_101, %dma_wait3A_105] : memref<2x128xi32, #tpu.memory_space<vmem>> -> memref<1x128xi32, #tpu.memory_space<vmem>>
      %dma_wait3A_107 = tpu.memref_squeeze %dma_wait3A_106 : memref<1x128xi32, #tpu.memory_space<vmem>> -> memref<128xi32, #tpu.memory_space<vmem>>
      %dma_wait3A_108 = arith.constant 0 : i32
      %dma_wait3A_109 = arith.constant 0 : i32
      %dma_wait3A_110 = tpu.memref_slice %arg2[%dma_wait3A_108, %dma_wait3A_109] : memref<50000x32xf32, #tpu.memory_space<hbm>> -> memref<50000x32xf32, #tpu.memory_space<hbm>>
      tpu.wait_indirect_dma semaphore(%arg16 : memref<!tpu.dma_semaphore, #tpu.memory_space<semaphore_mem>>) src(%dma_wait3A_110 : memref<50000x32xf32, #tpu.memory_space<hbm>>) dst(%dma_wait3A_104 : memref<128x32xf32, #tpu.memory_space<vmem>>)
      %run_scoped3A_111 = arith.constant 0 : i32
      "tpu.region"() ({
        %run_scoped3A_113 = tpu.sem_alloc : memref<!tpu.dma_semaphore, #tpu.memory_space<semaphore_mem>>
        %dma_start3A_114 = arith.constant 0 : i32
        %dma_start3A_115 = arith.constant 0 : i32
        %dma_start3A_116 = tpu.memref_slice %arg13[%dma_start3A_114, %dma_start3A_115] : memref<256x32xf32, #tpu.memory_space<vmem>> -> memref<128x32xf32, #tpu.memory_space<vmem>>
        %dma_start3A_117 = arith.constant 0 : i32
        %dma_start3A_118 = tpu.memref_slice %arg12[%run_scoped3A_111, %dma_start3A_117] : memref<2x128xi32, #tpu.memory_space<vmem>> -> memref<1x128xi32, #tpu.memory_space<vmem>>
        %dma_start3A_119 = tpu.memref_squeeze %dma_start3A_118 : memref<1x128xi32, #tpu.memory_space<vmem>> -> memref<128xi32, #tpu.memory_space<vmem>>
        %dma_start3A_120 = arith.constant 0 : i32
        %dma_start3A_121 = arith.constant 0 : i32
        %dma_start3A_122 = tpu.memref_slice %arg7[%dma_start3A_120, %dma_start3A_121] : memref<51200x32xf32, #tpu.memory_space<vmem_shared>> -> memref<51200x32xf32, #tpu.memory_space<vmem_shared>>
        tpu.enqueue_indirect_dma source(%dma_start3A_116 : memref<128x32xf32, #tpu.memory_space<vmem>>) target(%dma_start3A_122 : memref<51200x32xf32, #tpu.memory_space<vmem_shared>>) offsets(%dma_start3A_119 : memref<128xi32, #tpu.memory_space<vmem>>) semaphore(%run_scoped3A_113 : memref<!tpu.dma_semaphore, #tpu.memory_space<semaphore_mem>>) {add = true}
        %dma_wait3A_123 = arith.constant 0 : i32
        %dma_wait3A_124 = arith.constant 0 : i32
        %dma_wait3A_125 = tpu.memref_slice %arg13[%dma_wait3A_123, %dma_wait3A_124] : memref<256x32xf32, #tpu.memory_space<vmem>> -> memref<128x32xf32, #tpu.memory_space<vmem>>
        %dma_wait3A_126 = arith.constant 0 : i32
        %dma_wait3A_127 = tpu.memref_slice %arg12[%run_scoped3A_111, %dma_wait3A_126] : memref<2x128xi32, #tpu.memory_space<vmem>> -> memref<1x128xi32, #tpu.memory_space<vmem>>
        %dma_wait3A_128 = tpu.memref_squeeze %dma_wait3A_127 : memref<1x128xi32, #tpu.memory_space<vmem>> -> memref<128xi32, #tpu.memory_space<vmem>>
        %dma_wait3A_129 = arith.constant 0 : i32
        %dma_wait3A_130 = arith.constant 0 : i32
        %dma_wait3A_131 = tpu.memref_slice %arg7[%dma_wait3A_129, %dma_wait3A_130] : memref<51200x32xf32, #tpu.memory_space<vmem_shared>> -> memref<51200x32xf32, #tpu.memory_space<vmem_shared>>
        tpu.wait_indirect_dma semaphore(%run_scoped3A_113 : memref<!tpu.dma_semaphore, #tpu.memory_space<semaphore_mem>>) src(%dma_wait3A_125 : memref<128x32xf32, #tpu.memory_space<vmem>>) dst(%dma_wait3A_131 : memref<51200x32xf32, #tpu.memory_space<vmem_shared>>)
        tpu.yield
      }) : () -> ()
      %run_scoped3A_112 = arith.constant 1 : i32
      "tpu.region"() ({
        %run_scoped3A_113 = tpu.sem_alloc : memref<!tpu.dma_semaphore, #tpu.memory_space<semaphore_mem>>
        %dma_start3A_114 = arith.constant 128 : i32
        %dma_start3A_115 = arith.constant 0 : i32
        %dma_start3A_116 = tpu.memref_slice %arg13[%dma_start3A_114, %dma_start3A_115] : memref<256x32xf32, #tpu.memory_space<vmem>> -> memref<128x32xf32, #tpu.memory_space<vmem>>
        %dma_start3A_117 = arith.constant 0 : i32
        %dma_start3A_118 = tpu.memref_slice %arg12[%run_scoped3A_112, %dma_start3A_117] : memref<2x128xi32, #tpu.memory_space<vmem>> -> memref<1x128xi32, #tpu.memory_space<vmem>>
        %dma_start3A_119 = tpu.memref_squeeze %dma_start3A_118 : memref<1x128xi32, #tpu.memory_space<vmem>> -> memref<128xi32, #tpu.memory_space<vmem>>
        %dma_start3A_120 = arith.constant 0 : i32
        %dma_start3A_121 = arith.constant 0 : i32
        %dma_start3A_122 = tpu.memref_slice %arg7[%dma_start3A_120, %dma_start3A_121] : memref<51200x32xf32, #tpu.memory_space<vmem_shared>> -> memref<51200x32xf32, #tpu.memory_space<vmem_shared>>
        tpu.enqueue_indirect_dma source(%dma_start3A_116 : memref<128x32xf32, #tpu.memory_space<vmem>>) target(%dma_start3A_122 : memref<51200x32xf32, #tpu.memory_space<vmem_shared>>) offsets(%dma_start3A_119 : memref<128xi32, #tpu.memory_space<vmem>>) semaphore(%run_scoped3A_113 : memref<!tpu.dma_semaphore, #tpu.memory_space<semaphore_mem>>) {add = true}
        %dma_wait3A_123 = arith.constant 128 : i32
        %dma_wait3A_124 = arith.constant 0 : i32
        %dma_wait3A_125 = tpu.memref_slice %arg13[%dma_wait3A_123, %dma_wait3A_124] : memref<256x32xf32, #tpu.memory_space<vmem>> -> memref<128x32xf32, #tpu.memory_space<vmem>>
        %dma_wait3A_126 = arith.constant 0 : i32
        %dma_wait3A_127 = tpu.memref_slice %arg12[%run_scoped3A_112, %dma_wait3A_126] : memref<2x128xi32, #tpu.memory_space<vmem>> -> memref<1x128xi32, #tpu.memory_space<vmem>>
        %dma_wait3A_128 = tpu.memref_squeeze %dma_wait3A_127 : memref<1x128xi32, #tpu.memory_space<vmem>> -> memref<128xi32, #tpu.memory_space<vmem>>
        %dma_wait3A_129 = arith.constant 0 : i32
        %dma_wait3A_130 = arith.constant 0 : i32
        %dma_wait3A_131 = tpu.memref_slice %arg7[%dma_wait3A_129, %dma_wait3A_130] : memref<51200x32xf32, #tpu.memory_space<vmem_shared>> -> memref<51200x32xf32, #tpu.memory_space<vmem_shared>>
        tpu.wait_indirect_dma semaphore(%run_scoped3A_113 : memref<!tpu.dma_semaphore, #tpu.memory_space<semaphore_mem>>) src(%dma_wait3A_125 : memref<128x32xf32, #tpu.memory_space<vmem>>) dst(%dma_wait3A_131 : memref<51200x32xf32, #tpu.memory_space<vmem_shared>>)
        tpu.yield
      }) : () -> ()
    } else {
    }
    %eq3A_14 = arith.constant 1 : i32
    %eq3A_15 = arith.cmpi eq, %arg0, %eq3A_14 : i32
    %convert_element_type3A_16 = arith.extui %eq3A_15 : i1 to i32
    %cond3A_17 = arith.constant 0 : i32
    %cond3A_18 = arith.cmpi ne, %convert_element_type3A_16, %cond3A_17 : i32
    scf.if %cond3A_18 {
      %add3A = arith.constant 0 : i32
      %add3A_20 = arith.addi %mul3A_11, %add3A : i32
      "tpu.region"() ({
        %run_scoped3A_113 = tpu.sem_alloc : memref<!tpu.dma_semaphore, #tpu.memory_space<semaphore_mem>>
        %dma_start3A_114 = arith.constant 0 : i32
        %dma_start3A_115 = tpu.memref_slice %arg4[%add3A_20, %dma_start3A_114] : memref<6272x128xi32, #tpu.memory_space<hbm>> -> memref<2x128xi32, #tpu.memory_space<hbm>>
        %dma_start3A_116 = arith.constant 0 : i32
        %dma_start3A_117 = tpu.memref_slice %arg4[%add3A_20, %dma_start3A_116] : memref<6272x128xi32, #tpu.memory_space<hbm>> -> memref<2x128xi32, #tpu.memory_space<hbm>>
        tpu.enqueue_dma source(%dma_start3A_117 : memref<2x128xi32, #tpu.memory_space<hbm>>) target(%arg8 : memref<2x128xi32, #tpu.memory_space<vmem>>) target_semaphore(%run_scoped3A_113 : memref<!tpu.dma_semaphore, #tpu.memory_space<semaphore_mem>>)
        %dma_wait3A_118 = arith.constant 0 : i32
        %dma_wait3A_119 = tpu.memref_slice %arg4[%add3A_20, %dma_wait3A_118] : memref<6272x128xi32, #tpu.memory_space<hbm>> -> memref<2x128xi32, #tpu.memory_space<hbm>>
        %dma_wait3A_120 = arith.constant 0 : i32
        %dma_wait3A_121 = tpu.memref_slice %arg4[%add3A_20, %dma_wait3A_120] : memref<6272x128xi32, #tpu.memory_space<hbm>> -> memref<2x128xi32, #tpu.memory_space<hbm>>
        tpu.wait_dma2 semaphore(%run_scoped3A_113 : memref<!tpu.dma_semaphore, #tpu.memory_space<semaphore_mem>>) src(%dma_wait3A_121 : memref<2x128xi32, #tpu.memory_space<hbm>>) dst(%arg8 : memref<2x128xi32, #tpu.memory_space<vmem>>)
        tpu.yield
      }) : () -> ()
      %add3A_21 = arith.constant 0 : i32
      %add3A_22 = arith.addi %mul3A_11, %add3A_21 : i32
      "tpu.region"() ({
        %run_scoped3A_113 = tpu.sem_alloc : memref<!tpu.dma_semaphore, #tpu.memory_space<semaphore_mem>>
        %dma_start3A_114 = arith.constant 0 : i32
        %dma_start3A_115 = tpu.memref_slice %arg5[%add3A_22, %dma_start3A_114] : memref<6272x128xi32, #tpu.memory_space<hbm>> -> memref<2x128xi32, #tpu.memory_space<hbm>>
        %dma_start3A_116 = arith.constant 0 : i32
        %dma_start3A_117 = tpu.memref_slice %arg5[%add3A_22, %dma_start3A_116] : memref<6272x128xi32, #tpu.memory_space<hbm>> -> memref<2x128xi32, #tpu.memory_space<hbm>>
        tpu.enqueue_dma source(%dma_start3A_117 : memref<2x128xi32, #tpu.memory_space<hbm>>) target(%arg9 : memref<2x128xi32, #tpu.memory_space<vmem>>) target_semaphore(%run_scoped3A_113 : memref<!tpu.dma_semaphore, #tpu.memory_space<semaphore_mem>>)
        %dma_wait3A_118 = arith.constant 0 : i32
        %dma_wait3A_119 = tpu.memref_slice %arg5[%add3A_22, %dma_wait3A_118] : memref<6272x128xi32, #tpu.memory_space<hbm>> -> memref<2x128xi32, #tpu.memory_space<hbm>>
        %dma_wait3A_120 = arith.constant 0 : i32
        %dma_wait3A_121 = tpu.memref_slice %arg5[%add3A_22, %dma_wait3A_120] : memref<6272x128xi32, #tpu.memory_space<hbm>> -> memref<2x128xi32, #tpu.memory_space<hbm>>
        tpu.wait_dma2 semaphore(%run_scoped3A_113 : memref<!tpu.dma_semaphore, #tpu.memory_space<semaphore_mem>>) src(%dma_wait3A_121 : memref<2x128xi32, #tpu.memory_space<hbm>>) dst(%arg9 : memref<2x128xi32, #tpu.memory_space<vmem>>)
        tpu.yield
      }) : () -> ()
      %dma_start3A = arith.constant 0 : i32
      %dma_start3A_23 = arith.constant 0 : i32
      %dma_start3A_24 = arith.constant 0 : i32
      %dma_start3A_25 = tpu.memref_slice %arg10[%dma_start3A_23, %dma_start3A_24] : memref<256x32xf32, #tpu.memory_space<vmem>> -> memref<128x32xf32, #tpu.memory_space<vmem>>
      %dma_start3A_26 = arith.constant 0 : i32
      %dma_start3A_27 = tpu.memref_slice %arg8[%dma_start3A, %dma_start3A_26] : memref<2x128xi32, #tpu.memory_space<vmem>> -> memref<1x128xi32, #tpu.memory_space<vmem>>
      %dma_start3A_28 = tpu.memref_squeeze %dma_start3A_27 : memref<1x128xi32, #tpu.memory_space<vmem>> -> memref<128xi32, #tpu.memory_space<vmem>>
      %dma_start3A_29 = arith.constant 0 : i32
      %dma_start3A_30 = arith.constant 0 : i32
      %dma_start3A_31 = tpu.memref_slice %arg3[%dma_start3A_29, %dma_start3A_30] : memref<50000x32xf32, #tpu.memory_space<hbm>> -> memref<50000x32xf32, #tpu.memory_space<hbm>>
      tpu.enqueue_indirect_dma source(%dma_start3A_31 : memref<50000x32xf32, #tpu.memory_space<hbm>>) target(%dma_start3A_25 : memref<128x32xf32, #tpu.memory_space<vmem>>) offsets(%dma_start3A_28 : memref<128xi32, #tpu.memory_space<vmem>>) semaphore(%arg15 : memref<!tpu.dma_semaphore, #tpu.memory_space<semaphore_mem>>)
      %dma_start3A_32 = arith.constant 1 : i32
      %dma_start3A_33 = arith.constant 128 : i32
      %dma_start3A_34 = arith.constant 0 : i32
      %dma_start3A_35 = tpu.memref_slice %arg10[%dma_start3A_33, %dma_start3A_34] : memref<256x32xf32, #tpu.memory_space<vmem>> -> memref<128x32xf32, #tpu.memory_space<vmem>>
      %dma_start3A_36 = arith.constant 0 : i32
      %dma_start3A_37 = tpu.memref_slice %arg8[%dma_start3A_32, %dma_start3A_36] : memref<2x128xi32, #tpu.memory_space<vmem>> -> memref<1x128xi32, #tpu.memory_space<vmem>>
      %dma_start3A_38 = tpu.memref_squeeze %dma_start3A_37 : memref<1x128xi32, #tpu.memory_space<vmem>> -> memref<128xi32, #tpu.memory_space<vmem>>
      %dma_start3A_39 = arith.constant 0 : i32
      %dma_start3A_40 = arith.constant 0 : i32
      %dma_start3A_41 = tpu.memref_slice %arg3[%dma_start3A_39, %dma_start3A_40] : memref<50000x32xf32, #tpu.memory_space<hbm>> -> memref<50000x32xf32, #tpu.memory_space<hbm>>
      tpu.enqueue_indirect_dma source(%dma_start3A_41 : memref<50000x32xf32, #tpu.memory_space<hbm>>) target(%dma_start3A_35 : memref<128x32xf32, #tpu.memory_space<vmem>>) offsets(%dma_start3A_38 : memref<128xi32, #tpu.memory_space<vmem>>) semaphore(%arg15 : memref<!tpu.dma_semaphore, #tpu.memory_space<semaphore_mem>>)
      %scan3A_42 = arith.constant 0 : i32
      %scan3A_43 = arith.constant 97 : i32
      %scan3A_44 = arith.addi %scan3A_42, %scan3A_43 : i32
      %scan3A_45 = arith.constant 1 : i32
      scf.for %scan3A_113 = %scan3A_42 to %scan3A_44 step %scan3A_45  : i32 {
        %mul3A_114 = arith.constant 1 : i32
        %mul3A_115 = arith.muli %scan3A_113, %mul3A_114 : i32
        %add3A_116 = arith.constant 0 : i32
        %add3A_117 = arith.addi %add3A_116, %mul3A_115 : i32
        %mul3A_118 = arith.constant 2 : i32
        %mul3A_119 = arith.muli %mul3A_118, %add3A_117 : i32
        %add3A_120 = arith.constant 1 : i32
        %add3A_121 = arith.addi %mul3A_119, %add3A_120 : i32
        %mul3A_122 = arith.constant 2 : i32
        %mul3A_123 = arith.muli %add3A_121, %mul3A_122 : i32
        %add3A_124 = arith.addi %mul3A_11, %mul3A_123 : i32
        "tpu.region"() ({
          %run_scoped3A_220 = tpu.sem_alloc : memref<!tpu.dma_semaphore, #tpu.memory_space<semaphore_mem>>
          %dma_start3A_221 = arith.constant 0 : i32
          %dma_start3A_222 = tpu.memref_slice %arg4[%add3A_124, %dma_start3A_221] : memref<6272x128xi32, #tpu.memory_space<hbm>> -> memref<2x128xi32, #tpu.memory_space<hbm>>
          %dma_start3A_223 = arith.constant 0 : i32
          %dma_start3A_224 = tpu.memref_slice %arg4[%add3A_124, %dma_start3A_223] : memref<6272x128xi32, #tpu.memory_space<hbm>> -> memref<2x128xi32, #tpu.memory_space<hbm>>
          tpu.enqueue_dma source(%dma_start3A_224 : memref<2x128xi32, #tpu.memory_space<hbm>>) target(%arg11 : memref<2x128xi32, #tpu.memory_space<vmem>>) target_semaphore(%run_scoped3A_220 : memref<!tpu.dma_semaphore, #tpu.memory_space<semaphore_mem>>)
          %dma_wait3A_225 = arith.constant 0 : i32
          %dma_wait3A_226 = tpu.memref_slice %arg4[%add3A_124, %dma_wait3A_225] : memref<6272x128xi32, #tpu.memory_space<hbm>> -> memref<2x128xi32, #tpu.memory_space<hbm>>
          %dma_wait3A_227 = arith.constant 0 : i32
          %dma_wait3A_228 = tpu.memref_slice %arg4[%add3A_124, %dma_wait3A_227] : memref<6272x128xi32, #tpu.memory_space<hbm>> -> memref<2x128xi32, #tpu.memory_space<hbm>>
          tpu.wait_dma2 semaphore(%run_scoped3A_220 : memref<!tpu.dma_semaphore, #tpu.memory_space<semaphore_mem>>) src(%dma_wait3A_228 : memref<2x128xi32, #tpu.memory_space<hbm>>) dst(%arg11 : memref<2x128xi32, #tpu.memory_space<vmem>>)
          tpu.yield
        }) : () -> ()
        %mul3A_125 = arith.constant 2 : i32
        %mul3A_126 = arith.muli %add3A_121, %mul3A_125 : i32
        %add3A_127 = arith.addi %mul3A_11, %mul3A_126 : i32
        "tpu.region"() ({
          %run_scoped3A_220 = tpu.sem_alloc : memref<!tpu.dma_semaphore, #tpu.memory_space<semaphore_mem>>
          %dma_start3A_221 = arith.constant 0 : i32
          %dma_start3A_222 = tpu.memref_slice %arg5[%add3A_127, %dma_start3A_221] : memref<6272x128xi32, #tpu.memory_space<hbm>> -> memref<2x128xi32, #tpu.memory_space<hbm>>
          %dma_start3A_223 = arith.constant 0 : i32
          %dma_start3A_224 = tpu.memref_slice %arg5[%add3A_127, %dma_start3A_223] : memref<6272x128xi32, #tpu.memory_space<hbm>> -> memref<2x128xi32, #tpu.memory_space<hbm>>
          tpu.enqueue_dma source(%dma_start3A_224 : memref<2x128xi32, #tpu.memory_space<hbm>>) target(%arg12 : memref<2x128xi32, #tpu.memory_space<vmem>>) target_semaphore(%run_scoped3A_220 : memref<!tpu.dma_semaphore, #tpu.memory_space<semaphore_mem>>)
          %dma_wait3A_225 = arith.constant 0 : i32
          %dma_wait3A_226 = tpu.memref_slice %arg5[%add3A_127, %dma_wait3A_225] : memref<6272x128xi32, #tpu.memory_space<hbm>> -> memref<2x128xi32, #tpu.memory_space<hbm>>
          %dma_wait3A_227 = arith.constant 0 : i32
          %dma_wait3A_228 = tpu.memref_slice %arg5[%add3A_127, %dma_wait3A_227] : memref<6272x128xi32, #tpu.memory_space<hbm>> -> memref<2x128xi32, #tpu.memory_space<hbm>>
          tpu.wait_dma2 semaphore(%run_scoped3A_220 : memref<!tpu.dma_semaphore, #tpu.memory_space<semaphore_mem>>) src(%dma_wait3A_228 : memref<2x128xi32, #tpu.memory_space<hbm>>) dst(%arg12 : memref<2x128xi32, #tpu.memory_space<vmem>>)
          tpu.yield
        }) : () -> ()
        %dma_start3A_128 = arith.constant 0 : i32
        %dma_start3A_129 = arith.constant 0 : i32
        %dma_start3A_130 = arith.constant 0 : i32
        %dma_start3A_131 = tpu.memref_slice %arg13[%dma_start3A_129, %dma_start3A_130] : memref<256x32xf32, #tpu.memory_space<vmem>> -> memref<128x32xf32, #tpu.memory_space<vmem>>
        %dma_start3A_132 = arith.constant 0 : i32
        %dma_start3A_133 = tpu.memref_slice %arg11[%dma_start3A_128, %dma_start3A_132] : memref<2x128xi32, #tpu.memory_space<vmem>> -> memref<1x128xi32, #tpu.memory_space<vmem>>
        %dma_start3A_134 = tpu.memref_squeeze %dma_start3A_133 : memref<1x128xi32, #tpu.memory_space<vmem>> -> memref<128xi32, #tpu.memory_space<vmem>>
        %dma_start3A_135 = arith.constant 0 : i32
        %dma_start3A_136 = arith.constant 0 : i32
        %dma_start3A_137 = tpu.memref_slice %arg3[%dma_start3A_135, %dma_start3A_136] : memref<50000x32xf32, #tpu.memory_space<hbm>> -> memref<50000x32xf32, #tpu.memory_space<hbm>>
        tpu.enqueue_indirect_dma source(%dma_start3A_137 : memref<50000x32xf32, #tpu.memory_space<hbm>>) target(%dma_start3A_131 : memref<128x32xf32, #tpu.memory_space<vmem>>) offsets(%dma_start3A_134 : memref<128xi32, #tpu.memory_space<vmem>>) semaphore(%arg16 : memref<!tpu.dma_semaphore, #tpu.memory_space<semaphore_mem>>)
        %dma_start3A_138 = arith.constant 1 : i32
        %dma_start3A_139 = arith.constant 128 : i32
        %dma_start3A_140 = arith.constant 0 : i32
        %dma_start3A_141 = tpu.memref_slice %arg13[%dma_start3A_139, %dma_start3A_140] : memref<256x32xf32, #tpu.memory_space<vmem>> -> memref<128x32xf32, #tpu.memory_space<vmem>>
        %dma_start3A_142 = arith.constant 0 : i32
        %dma_start3A_143 = tpu.memref_slice %arg11[%dma_start3A_138, %dma_start3A_142] : memref<2x128xi32, #tpu.memory_space<vmem>> -> memref<1x128xi32, #tpu.memory_space<vmem>>
        %dma_start3A_144 = tpu.memref_squeeze %dma_start3A_143 : memref<1x128xi32, #tpu.memory_space<vmem>> -> memref<128xi32, #tpu.memory_space<vmem>>
        %dma_start3A_145 = arith.constant 0 : i32
        %dma_start3A_146 = arith.constant 0 : i32
        %dma_start3A_147 = tpu.memref_slice %arg3[%dma_start3A_145, %dma_start3A_146] : memref<50000x32xf32, #tpu.memory_space<hbm>> -> memref<50000x32xf32, #tpu.memory_space<hbm>>
        tpu.enqueue_indirect_dma source(%dma_start3A_147 : memref<50000x32xf32, #tpu.memory_space<hbm>>) target(%dma_start3A_141 : memref<128x32xf32, #tpu.memory_space<vmem>>) offsets(%dma_start3A_144 : memref<128xi32, #tpu.memory_space<vmem>>) semaphore(%arg16 : memref<!tpu.dma_semaphore, #tpu.memory_space<semaphore_mem>>)
        %dma_wait3A_148 = arith.constant 0 : i32
        %dma_wait3A_149 = arith.constant 0 : i32
        %dma_wait3A_150 = arith.constant 0 : i32
        %dma_wait3A_151 = tpu.memref_slice %arg10[%dma_wait3A_149, %dma_wait3A_150] : memref<256x32xf32, #tpu.memory_space<vmem>> -> memref<128x32xf32, #tpu.memory_space<vmem>>
        %dma_wait3A_152 = arith.constant 0 : i32
        %dma_wait3A_153 = tpu.memref_slice %arg8[%dma_wait3A_148, %dma_wait3A_152] : memref<2x128xi32, #tpu.memory_space<vmem>> -> memref<1x128xi32, #tpu.memory_space<vmem>>
        %dma_wait3A_154 = tpu.memref_squeeze %dma_wait3A_153 : memref<1x128xi32, #tpu.memory_space<vmem>> -> memref<128xi32, #tpu.memory_space<vmem>>
        %dma_wait3A_155 = arith.constant 0 : i32
        %dma_wait3A_156 = arith.constant 0 : i32
        %dma_wait3A_157 = tpu.memref_slice %arg3[%dma_wait3A_155, %dma_wait3A_156] : memref<50000x32xf32, #tpu.memory_space<hbm>> -> memref<50000x32xf32, #tpu.memory_space<hbm>>
        tpu.wait_indirect_dma semaphore(%arg15 : memref<!tpu.dma_semaphore, #tpu.memory_space<semaphore_mem>>) src(%dma_wait3A_157 : memref<50000x32xf32, #tpu.memory_space<hbm>>) dst(%dma_wait3A_151 : memref<128x32xf32, #tpu.memory_space<vmem>>)
        %dma_wait3A_158 = arith.constant 1 : i32
        %dma_wait3A_159 = arith.constant 128 : i32
        %dma_wait3A_160 = arith.constant 0 : i32
        %dma_wait3A_161 = tpu.memref_slice %arg10[%dma_wait3A_159, %dma_wait3A_160] : memref<256x32xf32, #tpu.memory_space<vmem>> -> memref<128x32xf32, #tpu.memory_space<vmem>>
        %dma_wait3A_162 = arith.constant 0 : i32
        %dma_wait3A_163 = tpu.memref_slice %arg8[%dma_wait3A_158, %dma_wait3A_162] : memref<2x128xi32, #tpu.memory_space<vmem>> -> memref<1x128xi32, #tpu.memory_space<vmem>>
        %dma_wait3A_164 = tpu.memref_squeeze %dma_wait3A_163 : memref<1x128xi32, #tpu.memory_space<vmem>> -> memref<128xi32, #tpu.memory_space<vmem>>
        %dma_wait3A_165 = arith.constant 0 : i32
        %dma_wait3A_166 = arith.constant 0 : i32
        %dma_wait3A_167 = tpu.memref_slice %arg3[%dma_wait3A_165, %dma_wait3A_166] : memref<50000x32xf32, #tpu.memory_space<hbm>> -> memref<50000x32xf32, #tpu.memory_space<hbm>>
        tpu.wait_indirect_dma semaphore(%arg15 : memref<!tpu.dma_semaphore, #tpu.memory_space<semaphore_mem>>) src(%dma_wait3A_167 : memref<50000x32xf32, #tpu.memory_space<hbm>>) dst(%dma_wait3A_161 : memref<128x32xf32, #tpu.memory_space<vmem>>)
        %run_scoped3A_168 = arith.constant 0 : i32
        "tpu.region"() ({
          %run_scoped3A_220 = tpu.sem_alloc : memref<!tpu.dma_semaphore, #tpu.memory_space<semaphore_mem>>
          %dma_start3A_221 = arith.constant 0 : i32
          %dma_start3A_222 = arith.constant 0 : i32
          %dma_start3A_223 = tpu.memref_slice %arg10[%dma_start3A_221, %dma_start3A_222] : memref<256x32xf32, #tpu.memory_space<vmem>> -> memref<128x32xf32, #tpu.memory_space<vmem>>
          %dma_start3A_224 = arith.constant 0 : i32
          %dma_start3A_225 = tpu.memref_slice %arg9[%run_scoped3A_168, %dma_start3A_224] : memref<2x128xi32, #tpu.memory_space<vmem>> -> memref<1x128xi32, #tpu.memory_space<vmem>>
          %dma_start3A_226 = tpu.memref_squeeze %dma_start3A_225 : memref<1x128xi32, #tpu.memory_space<vmem>> -> memref<128xi32, #tpu.memory_space<vmem>>
          %dma_start3A_227 = arith.constant 0 : i32
          %dma_start3A_228 = arith.constant 0 : i32
          %dma_start3A_229 = tpu.memref_slice %arg7[%dma_start3A_227, %dma_start3A_228] : memref<51200x32xf32, #tpu.memory_space<vmem_shared>> -> memref<51200x32xf32, #tpu.memory_space<vmem_shared>>
          tpu.enqueue_indirect_dma source(%dma_start3A_223 : memref<128x32xf32, #tpu.memory_space<vmem>>) target(%dma_start3A_229 : memref<51200x32xf32, #tpu.memory_space<vmem_shared>>) offsets(%dma_start3A_226 : memref<128xi32, #tpu.memory_space<vmem>>) semaphore(%run_scoped3A_220 : memref<!tpu.dma_semaphore, #tpu.memory_space<semaphore_mem>>) {add = true}
          %dma_wait3A_230 = arith.constant 0 : i32
          %dma_wait3A_231 = arith.constant 0 : i32
          %dma_wait3A_232 = tpu.memref_slice %arg10[%dma_wait3A_230, %dma_wait3A_231] : memref<256x32xf32, #tpu.memory_space<vmem>> -> memref<128x32xf32, #tpu.memory_space<vmem>>
          %dma_wait3A_233 = arith.constant 0 : i32
          %dma_wait3A_234 = tpu.memref_slice %arg9[%run_scoped3A_168, %dma_wait3A_233] : memref<2x128xi32, #tpu.memory_space<vmem>> -> memref<1x128xi32, #tpu.memory_space<vmem>>
          %dma_wait3A_235 = tpu.memref_squeeze %dma_wait3A_234 : memref<1x128xi32, #tpu.memory_space<vmem>> -> memref<128xi32, #tpu.memory_space<vmem>>
          %dma_wait3A_236 = arith.constant 0 : i32
          %dma_wait3A_237 = arith.constant 0 : i32
          %dma_wait3A_238 = tpu.memref_slice %arg7[%dma_wait3A_236, %dma_wait3A_237] : memref<51200x32xf32, #tpu.memory_space<vmem_shared>> -> memref<51200x32xf32, #tpu.memory_space<vmem_shared>>
          tpu.wait_indirect_dma semaphore(%run_scoped3A_220 : memref<!tpu.dma_semaphore, #tpu.memory_space<semaphore_mem>>) src(%dma_wait3A_232 : memref<128x32xf32, #tpu.memory_space<vmem>>) dst(%dma_wait3A_238 : memref<51200x32xf32, #tpu.memory_space<vmem_shared>>)
          tpu.yield
        }) : () -> ()
        %run_scoped3A_169 = arith.constant 1 : i32
        "tpu.region"() ({
          %run_scoped3A_220 = tpu.sem_alloc : memref<!tpu.dma_semaphore, #tpu.memory_space<semaphore_mem>>
          %dma_start3A_221 = arith.constant 128 : i32
          %dma_start3A_222 = arith.constant 0 : i32
          %dma_start3A_223 = tpu.memref_slice %arg10[%dma_start3A_221, %dma_start3A_222] : memref<256x32xf32, #tpu.memory_space<vmem>> -> memref<128x32xf32, #tpu.memory_space<vmem>>
          %dma_start3A_224 = arith.constant 0 : i32
          %dma_start3A_225 = tpu.memref_slice %arg9[%run_scoped3A_169, %dma_start3A_224] : memref<2x128xi32, #tpu.memory_space<vmem>> -> memref<1x128xi32, #tpu.memory_space<vmem>>
          %dma_start3A_226 = tpu.memref_squeeze %dma_start3A_225 : memref<1x128xi32, #tpu.memory_space<vmem>> -> memref<128xi32, #tpu.memory_space<vmem>>
          %dma_start3A_227 = arith.constant 0 : i32
          %dma_start3A_228 = arith.constant 0 : i32
          %dma_start3A_229 = tpu.memref_slice %arg7[%dma_start3A_227, %dma_start3A_228] : memref<51200x32xf32, #tpu.memory_space<vmem_shared>> -> memref<51200x32xf32, #tpu.memory_space<vmem_shared>>
          tpu.enqueue_indirect_dma source(%dma_start3A_223 : memref<128x32xf32, #tpu.memory_space<vmem>>) target(%dma_start3A_229 : memref<51200x32xf32, #tpu.memory_space<vmem_shared>>) offsets(%dma_start3A_226 : memref<128xi32, #tpu.memory_space<vmem>>) semaphore(%run_scoped3A_220 : memref<!tpu.dma_semaphore, #tpu.memory_space<semaphore_mem>>) {add = true}
          %dma_wait3A_230 = arith.constant 128 : i32
          %dma_wait3A_231 = arith.constant 0 : i32
          %dma_wait3A_232 = tpu.memref_slice %arg10[%dma_wait3A_230, %dma_wait3A_231] : memref<256x32xf32, #tpu.memory_space<vmem>> -> memref<128x32xf32, #tpu.memory_space<vmem>>
          %dma_wait3A_233 = arith.constant 0 : i32
          %dma_wait3A_234 = tpu.memref_slice %arg9[%run_scoped3A_169, %dma_wait3A_233] : memref<2x128xi32, #tpu.memory_space<vmem>> -> memref<1x128xi32, #tpu.memory_space<vmem>>
          %dma_wait3A_235 = tpu.memref_squeeze %dma_wait3A_234 : memref<1x128xi32, #tpu.memory_space<vmem>> -> memref<128xi32, #tpu.memory_space<vmem>>
          %dma_wait3A_236 = arith.constant 0 : i32
          %dma_wait3A_237 = arith.constant 0 : i32
          %dma_wait3A_238 = tpu.memref_slice %arg7[%dma_wait3A_236, %dma_wait3A_237] : memref<51200x32xf32, #tpu.memory_space<vmem_shared>> -> memref<51200x32xf32, #tpu.memory_space<vmem_shared>>
          tpu.wait_indirect_dma semaphore(%run_scoped3A_220 : memref<!tpu.dma_semaphore, #tpu.memory_space<semaphore_mem>>) src(%dma_wait3A_232 : memref<128x32xf32, #tpu.memory_space<vmem>>) dst(%dma_wait3A_238 : memref<51200x32xf32, #tpu.memory_space<vmem_shared>>)
          tpu.yield
        }) : () -> ()
        %add3A_170 = arith.constant 2 : i32
        %add3A_171 = arith.addi %mul3A_119, %add3A_170 : i32
        %mul3A_172 = arith.constant 2 : i32
        %mul3A_173 = arith.muli %add3A_171, %mul3A_172 : i32
        %add3A_174 = arith.addi %mul3A_11, %mul3A_173 : i32
        "tpu.region"() ({
          %run_scoped3A_220 = tpu.sem_alloc : memref<!tpu.dma_semaphore, #tpu.memory_space<semaphore_mem>>
          %dma_start3A_221 = arith.constant 0 : i32
          %dma_start3A_222 = tpu.memref_slice %arg4[%add3A_174, %dma_start3A_221] : memref<6272x128xi32, #tpu.memory_space<hbm>> -> memref<2x128xi32, #tpu.memory_space<hbm>>
          %dma_start3A_223 = arith.constant 0 : i32
          %dma_start3A_224 = tpu.memref_slice %arg4[%add3A_174, %dma_start3A_223] : memref<6272x128xi32, #tpu.memory_space<hbm>> -> memref<2x128xi32, #tpu.memory_space<hbm>>
          tpu.enqueue_dma source(%dma_start3A_224 : memref<2x128xi32, #tpu.memory_space<hbm>>) target(%arg8 : memref<2x128xi32, #tpu.memory_space<vmem>>) target_semaphore(%run_scoped3A_220 : memref<!tpu.dma_semaphore, #tpu.memory_space<semaphore_mem>>)
          %dma_wait3A_225 = arith.constant 0 : i32
          %dma_wait3A_226 = tpu.memref_slice %arg4[%add3A_174, %dma_wait3A_225] : memref<6272x128xi32, #tpu.memory_space<hbm>> -> memref<2x128xi32, #tpu.memory_space<hbm>>
          %dma_wait3A_227 = arith.constant 0 : i32
          %dma_wait3A_228 = tpu.memref_slice %arg4[%add3A_174, %dma_wait3A_227] : memref<6272x128xi32, #tpu.memory_space<hbm>> -> memref<2x128xi32, #tpu.memory_space<hbm>>
          tpu.wait_dma2 semaphore(%run_scoped3A_220 : memref<!tpu.dma_semaphore, #tpu.memory_space<semaphore_mem>>) src(%dma_wait3A_228 : memref<2x128xi32, #tpu.memory_space<hbm>>) dst(%arg8 : memref<2x128xi32, #tpu.memory_space<vmem>>)
          tpu.yield
        }) : () -> ()
        %mul3A_175 = arith.constant 2 : i32
        %mul3A_176 = arith.muli %add3A_171, %mul3A_175 : i32
        %add3A_177 = arith.addi %mul3A_11, %mul3A_176 : i32
        "tpu.region"() ({
          %run_scoped3A_220 = tpu.sem_alloc : memref<!tpu.dma_semaphore, #tpu.memory_space<semaphore_mem>>
          %dma_start3A_221 = arith.constant 0 : i32
          %dma_start3A_222 = tpu.memref_slice %arg5[%add3A_177, %dma_start3A_221] : memref<6272x128xi32, #tpu.memory_space<hbm>> -> memref<2x128xi32, #tpu.memory_space<hbm>>
          %dma_start3A_223 = arith.constant 0 : i32
          %dma_start3A_224 = tpu.memref_slice %arg5[%add3A_177, %dma_start3A_223] : memref<6272x128xi32, #tpu.memory_space<hbm>> -> memref<2x128xi32, #tpu.memory_space<hbm>>
          tpu.enqueue_dma source(%dma_start3A_224 : memref<2x128xi32, #tpu.memory_space<hbm>>) target(%arg9 : memref<2x128xi32, #tpu.memory_space<vmem>>) target_semaphore(%run_scoped3A_220 : memref<!tpu.dma_semaphore, #tpu.memory_space<semaphore_mem>>)
          %dma_wait3A_225 = arith.constant 0 : i32
          %dma_wait3A_226 = tpu.memref_slice %arg5[%add3A_177, %dma_wait3A_225] : memref<6272x128xi32, #tpu.memory_space<hbm>> -> memref<2x128xi32, #tpu.memory_space<hbm>>
          %dma_wait3A_227 = arith.constant 0 : i32
          %dma_wait3A_228 = tpu.memref_slice %arg5[%add3A_177, %dma_wait3A_227] : memref<6272x128xi32, #tpu.memory_space<hbm>> -> memref<2x128xi32, #tpu.memory_space<hbm>>
          tpu.wait_dma2 semaphore(%run_scoped3A_220 : memref<!tpu.dma_semaphore, #tpu.memory_space<semaphore_mem>>) src(%dma_wait3A_228 : memref<2x128xi32, #tpu.memory_space<hbm>>) dst(%arg9 : memref<2x128xi32, #tpu.memory_space<vmem>>)
          tpu.yield
        }) : () -> ()
        %dma_start3A_178 = arith.constant 0 : i32
        %dma_start3A_179 = arith.constant 0 : i32
        %dma_start3A_180 = arith.constant 0 : i32
        %dma_start3A_181 = tpu.memref_slice %arg10[%dma_start3A_179, %dma_start3A_180] : memref<256x32xf32, #tpu.memory_space<vmem>> -> memref<128x32xf32, #tpu.memory_space<vmem>>
        %dma_start3A_182 = arith.constant 0 : i32
        %dma_start3A_183 = tpu.memref_slice %arg8[%dma_start3A_178, %dma_start3A_182] : memref<2x128xi32, #tpu.memory_space<vmem>> -> memref<1x128xi32, #tpu.memory_space<vmem>>
        %dma_start3A_184 = tpu.memref_squeeze %dma_start3A_183 : memref<1x128xi32, #tpu.memory_space<vmem>> -> memref<128xi32, #tpu.memory_space<vmem>>
        %dma_start3A_185 = arith.constant 0 : i32
        %dma_start3A_186 = arith.constant 0 : i32
        %dma_start3A_187 = tpu.memref_slice %arg3[%dma_start3A_185, %dma_start3A_186] : memref<50000x32xf32, #tpu.memory_space<hbm>> -> memref<50000x32xf32, #tpu.memory_space<hbm>>
        tpu.enqueue_indirect_dma source(%dma_start3A_187 : memref<50000x32xf32, #tpu.memory_space<hbm>>) target(%dma_start3A_181 : memref<128x32xf32, #tpu.memory_space<vmem>>) offsets(%dma_start3A_184 : memref<128xi32, #tpu.memory_space<vmem>>) semaphore(%arg15 : memref<!tpu.dma_semaphore, #tpu.memory_space<semaphore_mem>>)
        %dma_start3A_188 = arith.constant 1 : i32
        %dma_start3A_189 = arith.constant 128 : i32
        %dma_start3A_190 = arith.constant 0 : i32
        %dma_start3A_191 = tpu.memref_slice %arg10[%dma_start3A_189, %dma_start3A_190] : memref<256x32xf32, #tpu.memory_space<vmem>> -> memref<128x32xf32, #tpu.memory_space<vmem>>
        %dma_start3A_192 = arith.constant 0 : i32
        %dma_start3A_193 = tpu.memref_slice %arg8[%dma_start3A_188, %dma_start3A_192] : memref<2x128xi32, #tpu.memory_space<vmem>> -> memref<1x128xi32, #tpu.memory_space<vmem>>
        %dma_start3A_194 = tpu.memref_squeeze %dma_start3A_193 : memref<1x128xi32, #tpu.memory_space<vmem>> -> memref<128xi32, #tpu.memory_space<vmem>>
        %dma_start3A_195 = arith.constant 0 : i32
        %dma_start3A_196 = arith.constant 0 : i32
        %dma_start3A_197 = tpu.memref_slice %arg3[%dma_start3A_195, %dma_start3A_196] : memref<50000x32xf32, #tpu.memory_space<hbm>> -> memref<50000x32xf32, #tpu.memory_space<hbm>>
        tpu.enqueue_indirect_dma source(%dma_start3A_197 : memref<50000x32xf32, #tpu.memory_space<hbm>>) target(%dma_start3A_191 : memref<128x32xf32, #tpu.memory_space<vmem>>) offsets(%dma_start3A_194 : memref<128xi32, #tpu.memory_space<vmem>>) semaphore(%arg15 : memref<!tpu.dma_semaphore, #tpu.memory_space<semaphore_mem>>)
        %dma_wait3A_198 = arith.constant 0 : i32
        %dma_wait3A_199 = arith.constant 0 : i32
        %dma_wait3A_200 = arith.constant 0 : i32
        %dma_wait3A_201 = tpu.memref_slice %arg13[%dma_wait3A_199, %dma_wait3A_200] : memref<256x32xf32, #tpu.memory_space<vmem>> -> memref<128x32xf32, #tpu.memory_space<vmem>>
        %dma_wait3A_202 = arith.constant 0 : i32
        %dma_wait3A_203 = tpu.memref_slice %arg11[%dma_wait3A_198, %dma_wait3A_202] : memref<2x128xi32, #tpu.memory_space<vmem>> -> memref<1x128xi32, #tpu.memory_space<vmem>>
        %dma_wait3A_204 = tpu.memref_squeeze %dma_wait3A_203 : memref<1x128xi32, #tpu.memory_space<vmem>> -> memref<128xi32, #tpu.memory_space<vmem>>
        %dma_wait3A_205 = arith.constant 0 : i32
        %dma_wait3A_206 = arith.constant 0 : i32
        %dma_wait3A_207 = tpu.memref_slice %arg3[%dma_wait3A_205, %dma_wait3A_206] : memref<50000x32xf32, #tpu.memory_space<hbm>> -> memref<50000x32xf32, #tpu.memory_space<hbm>>
        tpu.wait_indirect_dma semaphore(%arg16 : memref<!tpu.dma_semaphore, #tpu.memory_space<semaphore_mem>>) src(%dma_wait3A_207 : memref<50000x32xf32, #tpu.memory_space<hbm>>) dst(%dma_wait3A_201 : memref<128x32xf32, #tpu.memory_space<vmem>>)
        %dma_wait3A_208 = arith.constant 1 : i32
        %dma_wait3A_209 = arith.constant 128 : i32
        %dma_wait3A_210 = arith.constant 0 : i32
        %dma_wait3A_211 = tpu.memref_slice %arg13[%dma_wait3A_209, %dma_wait3A_210] : memref<256x32xf32, #tpu.memory_space<vmem>> -> memref<128x32xf32, #tpu.memory_space<vmem>>
        %dma_wait3A_212 = arith.constant 0 : i32
        %dma_wait3A_213 = tpu.memref_slice %arg11[%dma_wait3A_208, %dma_wait3A_212] : memref<2x128xi32, #tpu.memory_space<vmem>> -> memref<1x128xi32, #tpu.memory_space<vmem>>
        %dma_wait3A_214 = tpu.memref_squeeze %dma_wait3A_213 : memref<1x128xi32, #tpu.memory_space<vmem>> -> memref<128xi32, #tpu.memory_space<vmem>>
        %dma_wait3A_215 = arith.constant 0 : i32
        %dma_wait3A_216 = arith.constant 0 : i32
        %dma_wait3A_217 = tpu.memref_slice %arg3[%dma_wait3A_215, %dma_wait3A_216] : memref<50000x32xf32, #tpu.memory_space<hbm>> -> memref<50000x32xf32, #tpu.memory_space<hbm>>
        tpu.wait_indirect_dma semaphore(%arg16 : memref<!tpu.dma_semaphore, #tpu.memory_space<semaphore_mem>>) src(%dma_wait3A_217 : memref<50000x32xf32, #tpu.memory_space<hbm>>) dst(%dma_wait3A_211 : memref<128x32xf32, #tpu.memory_space<vmem>>)
        %run_scoped3A_218 = arith.constant 0 : i32
        "tpu.region"() ({
          %run_scoped3A_220 = tpu.sem_alloc : memref<!tpu.dma_semaphore, #tpu.memory_space<semaphore_mem>>
          %dma_start3A_221 = arith.constant 0 : i32
          %dma_start3A_222 = arith.constant 0 : i32
          %dma_start3A_223 = tpu.memref_slice %arg13[%dma_start3A_221, %dma_start3A_222] : memref<256x32xf32, #tpu.memory_space<vmem>> -> memref<128x32xf32, #tpu.memory_space<vmem>>
          %dma_start3A_224 = arith.constant 0 : i32
          %dma_start3A_225 = tpu.memref_slice %arg12[%run_scoped3A_218, %dma_start3A_224] : memref<2x128xi32, #tpu.memory_space<vmem>> -> memref<1x128xi32, #tpu.memory_space<vmem>>
          %dma_start3A_226 = tpu.memref_squeeze %dma_start3A_225 : memref<1x128xi32, #tpu.memory_space<vmem>> -> memref<128xi32, #tpu.memory_space<vmem>>
          %dma_start3A_227 = arith.constant 0 : i32
          %dma_start3A_228 = arith.constant 0 : i32
          %dma_start3A_229 = tpu.memref_slice %arg7[%dma_start3A_227, %dma_start3A_228] : memref<51200x32xf32, #tpu.memory_space<vmem_shared>> -> memref<51200x32xf32, #tpu.memory_space<vmem_shared>>
          tpu.enqueue_indirect_dma source(%dma_start3A_223 : memref<128x32xf32, #tpu.memory_space<vmem>>) target(%dma_start3A_229 : memref<51200x32xf32, #tpu.memory_space<vmem_shared>>) offsets(%dma_start3A_226 : memref<128xi32, #tpu.memory_space<vmem>>) semaphore(%run_scoped3A_220 : memref<!tpu.dma_semaphore, #tpu.memory_space<semaphore_mem>>) {add = true}
          %dma_wait3A_230 = arith.constant 0 : i32
          %dma_wait3A_231 = arith.constant 0 : i32
          %dma_wait3A_232 = tpu.memref_slice %arg13[%dma_wait3A_230, %dma_wait3A_231] : memref<256x32xf32, #tpu.memory_space<vmem>> -> memref<128x32xf32, #tpu.memory_space<vmem>>
          %dma_wait3A_233 = arith.constant 0 : i32
          %dma_wait3A_234 = tpu.memref_slice %arg12[%run_scoped3A_218, %dma_wait3A_233] : memref<2x128xi32, #tpu.memory_space<vmem>> -> memref<1x128xi32, #tpu.memory_space<vmem>>
          %dma_wait3A_235 = tpu.memref_squeeze %dma_wait3A_234 : memref<1x128xi32, #tpu.memory_space<vmem>> -> memref<128xi32, #tpu.memory_space<vmem>>
          %dma_wait3A_236 = arith.constant 0 : i32
          %dma_wait3A_237 = arith.constant 0 : i32
          %dma_wait3A_238 = tpu.memref_slice %arg7[%dma_wait3A_236, %dma_wait3A_237] : memref<51200x32xf32, #tpu.memory_space<vmem_shared>> -> memref<51200x32xf32, #tpu.memory_space<vmem_shared>>
          tpu.wait_indirect_dma semaphore(%run_scoped3A_220 : memref<!tpu.dma_semaphore, #tpu.memory_space<semaphore_mem>>) src(%dma_wait3A_232 : memref<128x32xf32, #tpu.memory_space<vmem>>) dst(%dma_wait3A_238 : memref<51200x32xf32, #tpu.memory_space<vmem_shared>>)
          tpu.yield
        }) : () -> ()
        %run_scoped3A_219 = arith.constant 1 : i32
        "tpu.region"() ({
          %run_scoped3A_220 = tpu.sem_alloc : memref<!tpu.dma_semaphore, #tpu.memory_space<semaphore_mem>>
          %dma_start3A_221 = arith.constant 128 : i32
          %dma_start3A_222 = arith.constant 0 : i32
          %dma_start3A_223 = tpu.memref_slice %arg13[%dma_start3A_221, %dma_start3A_222] : memref<256x32xf32, #tpu.memory_space<vmem>> -> memref<128x32xf32, #tpu.memory_space<vmem>>
          %dma_start3A_224 = arith.constant 0 : i32
          %dma_start3A_225 = tpu.memref_slice %arg12[%run_scoped3A_219, %dma_start3A_224] : memref<2x128xi32, #tpu.memory_space<vmem>> -> memref<1x128xi32, #tpu.memory_space<vmem>>
          %dma_start3A_226 = tpu.memref_squeeze %dma_start3A_225 : memref<1x128xi32, #tpu.memory_space<vmem>> -> memref<128xi32, #tpu.memory_space<vmem>>
          %dma_start3A_227 = arith.constant 0 : i32
          %dma_start3A_228 = arith.constant 0 : i32
          %dma_start3A_229 = tpu.memref_slice %arg7[%dma_start3A_227, %dma_start3A_228] : memref<51200x32xf32, #tpu.memory_space<vmem_shared>> -> memref<51200x32xf32, #tpu.memory_space<vmem_shared>>
          tpu.enqueue_indirect_dma source(%dma_start3A_223 : memref<128x32xf32, #tpu.memory_space<vmem>>) target(%dma_start3A_229 : memref<51200x32xf32, #tpu.memory_space<vmem_shared>>) offsets(%dma_start3A_226 : memref<128xi32, #tpu.memory_space<vmem>>) semaphore(%run_scoped3A_220 : memref<!tpu.dma_semaphore, #tpu.memory_space<semaphore_mem>>) {add = true}
          %dma_wait3A_230 = arith.constant 128 : i32
          %dma_wait3A_231 = arith.constant 0 : i32
          %dma_wait3A_232 = tpu.memref_slice %arg13[%dma_wait3A_230, %dma_wait3A_231] : memref<256x32xf32, #tpu.memory_space<vmem>> -> memref<128x32xf32, #tpu.memory_space<vmem>>
          %dma_wait3A_233 = arith.constant 0 : i32
          %dma_wait3A_234 = tpu.memref_slice %arg12[%run_scoped3A_219, %dma_wait3A_233] : memref<2x128xi32, #tpu.memory_space<vmem>> -> memref<1x128xi32, #tpu.memory_space<vmem>>
          %dma_wait3A_235 = tpu.memref_squeeze %dma_wait3A_234 : memref<1x128xi32, #tpu.memory_space<vmem>> -> memref<128xi32, #tpu.memory_space<vmem>>
          %dma_wait3A_236 = arith.constant 0 : i32
          %dma_wait3A_237 = arith.constant 0 : i32
          %dma_wait3A_238 = tpu.memref_slice %arg7[%dma_wait3A_236, %dma_wait3A_237] : memref<51200x32xf32, #tpu.memory_space<vmem_shared>> -> memref<51200x32xf32, #tpu.memory_space<vmem_shared>>
          tpu.wait_indirect_dma semaphore(%run_scoped3A_220 : memref<!tpu.dma_semaphore, #tpu.memory_space<semaphore_mem>>) src(%dma_wait3A_232 : memref<128x32xf32, #tpu.memory_space<vmem>>) dst(%dma_wait3A_238 : memref<51200x32xf32, #tpu.memory_space<vmem_shared>>)
          tpu.yield
        }) : () -> ()
      }
      %scan3A_46 = arith.constant 97 : i32
      %add3A_47 = arith.constant 390 : i32
      %add3A_48 = arith.addi %mul3A_11, %add3A_47 : i32
      "tpu.region"() ({
        %run_scoped3A_113 = tpu.sem_alloc : memref<!tpu.dma_semaphore, #tpu.memory_space<semaphore_mem>>
        %dma_start3A_114 = arith.constant 0 : i32
        %dma_start3A_115 = tpu.memref_slice %arg4[%add3A_48, %dma_start3A_114] : memref<6272x128xi32, #tpu.memory_space<hbm>> -> memref<2x128xi32, #tpu.memory_space<hbm>>
        %dma_start3A_116 = arith.constant 0 : i32
        %dma_start3A_117 = tpu.memref_slice %arg4[%add3A_48, %dma_start3A_116] : memref<6272x128xi32, #tpu.memory_space<hbm>> -> memref<2x128xi32, #tpu.memory_space<hbm>>
        tpu.enqueue_dma source(%dma_start3A_117 : memref<2x128xi32, #tpu.memory_space<hbm>>) target(%arg11 : memref<2x128xi32, #tpu.memory_space<vmem>>) target_semaphore(%run_scoped3A_113 : memref<!tpu.dma_semaphore, #tpu.memory_space<semaphore_mem>>)
        %dma_wait3A_118 = arith.constant 0 : i32
        %dma_wait3A_119 = tpu.memref_slice %arg4[%add3A_48, %dma_wait3A_118] : memref<6272x128xi32, #tpu.memory_space<hbm>> -> memref<2x128xi32, #tpu.memory_space<hbm>>
        %dma_wait3A_120 = arith.constant 0 : i32
        %dma_wait3A_121 = tpu.memref_slice %arg4[%add3A_48, %dma_wait3A_120] : memref<6272x128xi32, #tpu.memory_space<hbm>> -> memref<2x128xi32, #tpu.memory_space<hbm>>
        tpu.wait_dma2 semaphore(%run_scoped3A_113 : memref<!tpu.dma_semaphore, #tpu.memory_space<semaphore_mem>>) src(%dma_wait3A_121 : memref<2x128xi32, #tpu.memory_space<hbm>>) dst(%arg11 : memref<2x128xi32, #tpu.memory_space<vmem>>)
        tpu.yield
      }) : () -> ()
      %add3A_49 = arith.constant 390 : i32
      %add3A_50 = arith.addi %mul3A_11, %add3A_49 : i32
      "tpu.region"() ({
        %run_scoped3A_113 = tpu.sem_alloc : memref<!tpu.dma_semaphore, #tpu.memory_space<semaphore_mem>>
        %dma_start3A_114 = arith.constant 0 : i32
        %dma_start3A_115 = tpu.memref_slice %arg5[%add3A_50, %dma_start3A_114] : memref<6272x128xi32, #tpu.memory_space<hbm>> -> memref<2x128xi32, #tpu.memory_space<hbm>>
        %dma_start3A_116 = arith.constant 0 : i32
        %dma_start3A_117 = tpu.memref_slice %arg5[%add3A_50, %dma_start3A_116] : memref<6272x128xi32, #tpu.memory_space<hbm>> -> memref<2x128xi32, #tpu.memory_space<hbm>>
        tpu.enqueue_dma source(%dma_start3A_117 : memref<2x128xi32, #tpu.memory_space<hbm>>) target(%arg12 : memref<2x128xi32, #tpu.memory_space<vmem>>) target_semaphore(%run_scoped3A_113 : memref<!tpu.dma_semaphore, #tpu.memory_space<semaphore_mem>>)
        %dma_wait3A_118 = arith.constant 0 : i32
        %dma_wait3A_119 = tpu.memref_slice %arg5[%add3A_50, %dma_wait3A_118] : memref<6272x128xi32, #tpu.memory_space<hbm>> -> memref<2x128xi32, #tpu.memory_space<hbm>>
        %dma_wait3A_120 = arith.constant 0 : i32
        %dma_wait3A_121 = tpu.memref_slice %arg5[%add3A_50, %dma_wait3A_120] : memref<6272x128xi32, #tpu.memory_space<hbm>> -> memref<2x128xi32, #tpu.memory_space<hbm>>
        tpu.wait_dma2 semaphore(%run_scoped3A_113 : memref<!tpu.dma_semaphore, #tpu.memory_space<semaphore_mem>>) src(%dma_wait3A_121 : memref<2x128xi32, #tpu.memory_space<hbm>>) dst(%arg12 : memref<2x128xi32, #tpu.memory_space<vmem>>)
        tpu.yield
      }) : () -> ()
      %dma_start3A_51 = arith.constant 0 : i32
      %dma_start3A_52 = arith.constant 0 : i32
      %dma_start3A_53 = arith.constant 0 : i32
      %dma_start3A_54 = tpu.memref_slice %arg13[%dma_start3A_52, %dma_start3A_53] : memref<256x32xf32, #tpu.memory_space<vmem>> -> memref<128x32xf32, #tpu.memory_space<vmem>>
      %dma_start3A_55 = arith.constant 0 : i32
      %dma_start3A_56 = tpu.memref_slice %arg11[%dma_start3A_51, %dma_start3A_55] : memref<2x128xi32, #tpu.memory_space<vmem>> -> memref<1x128xi32, #tpu.memory_space<vmem>>
      %dma_start3A_57 = tpu.memref_squeeze %dma_start3A_56 : memref<1x128xi32, #tpu.memory_space<vmem>> -> memref<128xi32, #tpu.memory_space<vmem>>
      %dma_start3A_58 = arith.constant 0 : i32
      %dma_start3A_59 = arith.constant 0 : i32
      %dma_start3A_60 = tpu.memref_slice %arg3[%dma_start3A_58, %dma_start3A_59] : memref<50000x32xf32, #tpu.memory_space<hbm>> -> memref<50000x32xf32, #tpu.memory_space<hbm>>
      tpu.enqueue_indirect_dma source(%dma_start3A_60 : memref<50000x32xf32, #tpu.memory_space<hbm>>) target(%dma_start3A_54 : memref<128x32xf32, #tpu.memory_space<vmem>>) offsets(%dma_start3A_57 : memref<128xi32, #tpu.memory_space<vmem>>) semaphore(%arg16 : memref<!tpu.dma_semaphore, #tpu.memory_space<semaphore_mem>>)
      %dma_start3A_61 = arith.constant 1 : i32
      %dma_start3A_62 = arith.constant 128 : i32
      %dma_start3A_63 = arith.constant 0 : i32
      %dma_start3A_64 = tpu.memref_slice %arg13[%dma_start3A_62, %dma_start3A_63] : memref<256x32xf32, #tpu.memory_space<vmem>> -> memref<128x32xf32, #tpu.memory_space<vmem>>
      %dma_start3A_65 = arith.constant 0 : i32
      %dma_start3A_66 = tpu.memref_slice %arg11[%dma_start3A_61, %dma_start3A_65] : memref<2x128xi32, #tpu.memory_space<vmem>> -> memref<1x128xi32, #tpu.memory_space<vmem>>
      %dma_start3A_67 = tpu.memref_squeeze %dma_start3A_66 : memref<1x128xi32, #tpu.memory_space<vmem>> -> memref<128xi32, #tpu.memory_space<vmem>>
      %dma_start3A_68 = arith.constant 0 : i32
      %dma_start3A_69 = arith.constant 0 : i32
      %dma_start3A_70 = tpu.memref_slice %arg3[%dma_start3A_68, %dma_start3A_69] : memref<50000x32xf32, #tpu.memory_space<hbm>> -> memref<50000x32xf32, #tpu.memory_space<hbm>>
      tpu.enqueue_indirect_dma source(%dma_start3A_70 : memref<50000x32xf32, #tpu.memory_space<hbm>>) target(%dma_start3A_64 : memref<128x32xf32, #tpu.memory_space<vmem>>) offsets(%dma_start3A_67 : memref<128xi32, #tpu.memory_space<vmem>>) semaphore(%arg16 : memref<!tpu.dma_semaphore, #tpu.memory_space<semaphore_mem>>)
      %dma_wait3A = arith.constant 0 : i32
      %dma_wait3A_71 = arith.constant 0 : i32
      %dma_wait3A_72 = arith.constant 0 : i32
      %dma_wait3A_73 = tpu.memref_slice %arg10[%dma_wait3A_71, %dma_wait3A_72] : memref<256x32xf32, #tpu.memory_space<vmem>> -> memref<128x32xf32, #tpu.memory_space<vmem>>
      %dma_wait3A_74 = arith.constant 0 : i32
      %dma_wait3A_75 = tpu.memref_slice %arg8[%dma_wait3A, %dma_wait3A_74] : memref<2x128xi32, #tpu.memory_space<vmem>> -> memref<1x128xi32, #tpu.memory_space<vmem>>
      %dma_wait3A_76 = tpu.memref_squeeze %dma_wait3A_75 : memref<1x128xi32, #tpu.memory_space<vmem>> -> memref<128xi32, #tpu.memory_space<vmem>>
      %dma_wait3A_77 = arith.constant 0 : i32
      %dma_wait3A_78 = arith.constant 0 : i32
      %dma_wait3A_79 = tpu.memref_slice %arg3[%dma_wait3A_77, %dma_wait3A_78] : memref<50000x32xf32, #tpu.memory_space<hbm>> -> memref<50000x32xf32, #tpu.memory_space<hbm>>
      tpu.wait_indirect_dma semaphore(%arg15 : memref<!tpu.dma_semaphore, #tpu.memory_space<semaphore_mem>>) src(%dma_wait3A_79 : memref<50000x32xf32, #tpu.memory_space<hbm>>) dst(%dma_wait3A_73 : memref<128x32xf32, #tpu.memory_space<vmem>>)
      %dma_wait3A_80 = arith.constant 1 : i32
      %dma_wait3A_81 = arith.constant 128 : i32
      %dma_wait3A_82 = arith.constant 0 : i32
      %dma_wait3A_83 = tpu.memref_slice %arg10[%dma_wait3A_81, %dma_wait3A_82] : memref<256x32xf32, #tpu.memory_space<vmem>> -> memref<128x32xf32, #tpu.memory_space<vmem>>
      %dma_wait3A_84 = arith.constant 0 : i32
      %dma_wait3A_85 = tpu.memref_slice %arg8[%dma_wait3A_80, %dma_wait3A_84] : memref<2x128xi32, #tpu.memory_space<vmem>> -> memref<1x128xi32, #tpu.memory_space<vmem>>
      %dma_wait3A_86 = tpu.memref_squeeze %dma_wait3A_85 : memref<1x128xi32, #tpu.memory_space<vmem>> -> memref<128xi32, #tpu.memory_space<vmem>>
      %dma_wait3A_87 = arith.constant 0 : i32
      %dma_wait3A_88 = arith.constant 0 : i32
      %dma_wait3A_89 = tpu.memref_slice %arg3[%dma_wait3A_87, %dma_wait3A_88] : memref<50000x32xf32, #tpu.memory_space<hbm>> -> memref<50000x32xf32, #tpu.memory_space<hbm>>
      tpu.wait_indirect_dma semaphore(%arg15 : memref<!tpu.dma_semaphore, #tpu.memory_space<semaphore_mem>>) src(%dma_wait3A_89 : memref<50000x32xf32, #tpu.memory_space<hbm>>) dst(%dma_wait3A_83 : memref<128x32xf32, #tpu.memory_space<vmem>>)
      %run_scoped3A = arith.constant 0 : i32
      "tpu.region"() ({
        %run_scoped3A_113 = tpu.sem_alloc : memref<!tpu.dma_semaphore, #tpu.memory_space<semaphore_mem>>
        %dma_start3A_114 = arith.constant 0 : i32
        %dma_start3A_115 = arith.constant 0 : i32
        %dma_start3A_116 = tpu.memref_slice %arg10[%dma_start3A_114, %dma_start3A_115] : memref<256x32xf32, #tpu.memory_space<vmem>> -> memref<128x32xf32, #tpu.memory_space<vmem>>
        %dma_start3A_117 = arith.constant 0 : i32
        %dma_start3A_118 = tpu.memref_slice %arg9[%run_scoped3A, %dma_start3A_117] : memref<2x128xi32, #tpu.memory_space<vmem>> -> memref<1x128xi32, #tpu.memory_space<vmem>>
        %dma_start3A_119 = tpu.memref_squeeze %dma_start3A_118 : memref<1x128xi32, #tpu.memory_space<vmem>> -> memref<128xi32, #tpu.memory_space<vmem>>
        %dma_start3A_120 = arith.constant 0 : i32
        %dma_start3A_121 = arith.constant 0 : i32
        %dma_start3A_122 = tpu.memref_slice %arg7[%dma_start3A_120, %dma_start3A_121] : memref<51200x32xf32, #tpu.memory_space<vmem_shared>> -> memref<51200x32xf32, #tpu.memory_space<vmem_shared>>
        tpu.enqueue_indirect_dma source(%dma_start3A_116 : memref<128x32xf32, #tpu.memory_space<vmem>>) target(%dma_start3A_122 : memref<51200x32xf32, #tpu.memory_space<vmem_shared>>) offsets(%dma_start3A_119 : memref<128xi32, #tpu.memory_space<vmem>>) semaphore(%run_scoped3A_113 : memref<!tpu.dma_semaphore, #tpu.memory_space<semaphore_mem>>) {add = true}
        %dma_wait3A_123 = arith.constant 0 : i32
        %dma_wait3A_124 = arith.constant 0 : i32
        %dma_wait3A_125 = tpu.memref_slice %arg10[%dma_wait3A_123, %dma_wait3A_124] : memref<256x32xf32, #tpu.memory_space<vmem>> -> memref<128x32xf32, #tpu.memory_space<vmem>>
        %dma_wait3A_126 = arith.constant 0 : i32
        %dma_wait3A_127 = tpu.memref_slice %arg9[%run_scoped3A, %dma_wait3A_126] : memref<2x128xi32, #tpu.memory_space<vmem>> -> memref<1x128xi32, #tpu.memory_space<vmem>>
        %dma_wait3A_128 = tpu.memref_squeeze %dma_wait3A_127 : memref<1x128xi32, #tpu.memory_space<vmem>> -> memref<128xi32, #tpu.memory_space<vmem>>
        %dma_wait3A_129 = arith.constant 0 : i32
        %dma_wait3A_130 = arith.constant 0 : i32
        %dma_wait3A_131 = tpu.memref_slice %arg7[%dma_wait3A_129, %dma_wait3A_130] : memref<51200x32xf32, #tpu.memory_space<vmem_shared>> -> memref<51200x32xf32, #tpu.memory_space<vmem_shared>>
        tpu.wait_indirect_dma semaphore(%run_scoped3A_113 : memref<!tpu.dma_semaphore, #tpu.memory_space<semaphore_mem>>) src(%dma_wait3A_125 : memref<128x32xf32, #tpu.memory_space<vmem>>) dst(%dma_wait3A_131 : memref<51200x32xf32, #tpu.memory_space<vmem_shared>>)
        tpu.yield
      }) : () -> ()
      %run_scoped3A_90 = arith.constant 1 : i32
      "tpu.region"() ({
        %run_scoped3A_113 = tpu.sem_alloc : memref<!tpu.dma_semaphore, #tpu.memory_space<semaphore_mem>>
        %dma_start3A_114 = arith.constant 128 : i32
        %dma_start3A_115 = arith.constant 0 : i32
        %dma_start3A_116 = tpu.memref_slice %arg10[%dma_start3A_114, %dma_start3A_115] : memref<256x32xf32, #tpu.memory_space<vmem>> -> memref<128x32xf32, #tpu.memory_space<vmem>>
        %dma_start3A_117 = arith.constant 0 : i32
        %dma_start3A_118 = tpu.memref_slice %arg9[%run_scoped3A_90, %dma_start3A_117] : memref<2x128xi32, #tpu.memory_space<vmem>> -> memref<1x128xi32, #tpu.memory_space<vmem>>
        %dma_start3A_119 = tpu.memref_squeeze %dma_start3A_118 : memref<1x128xi32, #tpu.memory_space<vmem>> -> memref<128xi32, #tpu.memory_space<vmem>>
        %dma_start3A_120 = arith.constant 0 : i32
        %dma_start3A_121 = arith.constant 0 : i32
        %dma_start3A_122 = tpu.memref_slice %arg7[%dma_start3A_120, %dma_start3A_121] : memref<51200x32xf32, #tpu.memory_space<vmem_shared>> -> memref<51200x32xf32, #tpu.memory_space<vmem_shared>>
        tpu.enqueue_indirect_dma source(%dma_start3A_116 : memref<128x32xf32, #tpu.memory_space<vmem>>) target(%dma_start3A_122 : memref<51200x32xf32, #tpu.memory_space<vmem_shared>>) offsets(%dma_start3A_119 : memref<128xi32, #tpu.memory_space<vmem>>) semaphore(%run_scoped3A_113 : memref<!tpu.dma_semaphore, #tpu.memory_space<semaphore_mem>>) {add = true}
        %dma_wait3A_123 = arith.constant 128 : i32
        %dma_wait3A_124 = arith.constant 0 : i32
        %dma_wait3A_125 = tpu.memref_slice %arg10[%dma_wait3A_123, %dma_wait3A_124] : memref<256x32xf32, #tpu.memory_space<vmem>> -> memref<128x32xf32, #tpu.memory_space<vmem>>
        %dma_wait3A_126 = arith.constant 0 : i32
        %dma_wait3A_127 = tpu.memref_slice %arg9[%run_scoped3A_90, %dma_wait3A_126] : memref<2x128xi32, #tpu.memory_space<vmem>> -> memref<1x128xi32, #tpu.memory_space<vmem>>
        %dma_wait3A_128 = tpu.memref_squeeze %dma_wait3A_127 : memref<1x128xi32, #tpu.memory_space<vmem>> -> memref<128xi32, #tpu.memory_space<vmem>>
        %dma_wait3A_129 = arith.constant 0 : i32
        %dma_wait3A_130 = arith.constant 0 : i32
        %dma_wait3A_131 = tpu.memref_slice %arg7[%dma_wait3A_129, %dma_wait3A_130] : memref<51200x32xf32, #tpu.memory_space<vmem_shared>> -> memref<51200x32xf32, #tpu.memory_space<vmem_shared>>
        tpu.wait_indirect_dma semaphore(%run_scoped3A_113 : memref<!tpu.dma_semaphore, #tpu.memory_space<semaphore_mem>>) src(%dma_wait3A_125 : memref<128x32xf32, #tpu.memory_space<vmem>>) dst(%dma_wait3A_131 : memref<51200x32xf32, #tpu.memory_space<vmem_shared>>)
        tpu.yield
      }) : () -> ()
      %dma_wait3A_91 = arith.constant 0 : i32
      %dma_wait3A_92 = arith.constant 0 : i32
      %dma_wait3A_93 = arith.constant 0 : i32
      %dma_wait3A_94 = tpu.memref_slice %arg13[%dma_wait3A_92, %dma_wait3A_93] : memref<256x32xf32, #tpu.memory_space<vmem>> -> memref<128x32xf32, #tpu.memory_space<vmem>>
      %dma_wait3A_95 = arith.constant 0 : i32
      %dma_wait3A_96 = tpu.memref_slice %arg11[%dma_wait3A_91, %dma_wait3A_95] : memref<2x128xi32, #tpu.memory_space<vmem>> -> memref<1x128xi32, #tpu.memory_space<vmem>>
      %dma_wait3A_97 = tpu.memref_squeeze %dma_wait3A_96 : memref<1x128xi32, #tpu.memory_space<vmem>> -> memref<128xi32, #tpu.memory_space<vmem>>
      %dma_wait3A_98 = arith.constant 0 : i32
      %dma_wait3A_99 = arith.constant 0 : i32
      %dma_wait3A_100 = tpu.memref_slice %arg3[%dma_wait3A_98, %dma_wait3A_99] : memref<50000x32xf32, #tpu.memory_space<hbm>> -> memref<50000x32xf32, #tpu.memory_space<hbm>>
      tpu.wait_indirect_dma semaphore(%arg16 : memref<!tpu.dma_semaphore, #tpu.memory_space<semaphore_mem>>) src(%dma_wait3A_100 : memref<50000x32xf32, #tpu.memory_space<hbm>>) dst(%dma_wait3A_94 : memref<128x32xf32, #tpu.memory_space<vmem>>)
      %dma_wait3A_101 = arith.constant 1 : i32
      %dma_wait3A_102 = arith.constant 128 : i32
      %dma_wait3A_103 = arith.constant 0 : i32
      %dma_wait3A_104 = tpu.memref_slice %arg13[%dma_wait3A_102, %dma_wait3A_103] : memref<256x32xf32, #tpu.memory_space<vmem>> -> memref<128x32xf32, #tpu.memory_space<vmem>>
      %dma_wait3A_105 = arith.constant 0 : i32
      %dma_wait3A_106 = tpu.memref_slice %arg11[%dma_wait3A_101, %dma_wait3A_105] : memref<2x128xi32, #tpu.memory_space<vmem>> -> memref<1x128xi32, #tpu.memory_space<vmem>>
      %dma_wait3A_107 = tpu.memref_squeeze %dma_wait3A_106 : memref<1x128xi32, #tpu.memory_space<vmem>> -> memref<128xi32, #tpu.memory_space<vmem>>
      %dma_wait3A_108 = arith.constant 0 : i32
      %dma_wait3A_109 = arith.constant 0 : i32
      %dma_wait3A_110 = tpu.memref_slice %arg3[%dma_wait3A_108, %dma_wait3A_109] : memref<50000x32xf32, #tpu.memory_space<hbm>> -> memref<50000x32xf32, #tpu.memory_space<hbm>>
      tpu.wait_indirect_dma semaphore(%arg16 : memref<!tpu.dma_semaphore, #tpu.memory_space<semaphore_mem>>) src(%dma_wait3A_110 : memref<50000x32xf32, #tpu.memory_space<hbm>>) dst(%dma_wait3A_104 : memref<128x32xf32, #tpu.memory_space<vmem>>)
      %run_scoped3A_111 = arith.constant 0 : i32
      "tpu.region"() ({
        %run_scoped3A_113 = tpu.sem_alloc : memref<!tpu.dma_semaphore, #tpu.memory_space<semaphore_mem>>
        %dma_start3A_114 = arith.constant 0 : i32
        %dma_start3A_115 = arith.constant 0 : i32
        %dma_start3A_116 = tpu.memref_slice %arg13[%dma_start3A_114, %dma_start3A_115] : memref<256x32xf32, #tpu.memory_space<vmem>> -> memref<128x32xf32, #tpu.memory_space<vmem>>
        %dma_start3A_117 = arith.constant 0 : i32
        %dma_start3A_118 = tpu.memref_slice %arg12[%run_scoped3A_111, %dma_start3A_117] : memref<2x128xi32, #tpu.memory_space<vmem>> -> memref<1x128xi32, #tpu.memory_space<vmem>>
        %dma_start3A_119 = tpu.memref_squeeze %dma_start3A_118 : memref<1x128xi32, #tpu.memory_space<vmem>> -> memref<128xi32, #tpu.memory_space<vmem>>
        %dma_start3A_120 = arith.constant 0 : i32
        %dma_start3A_121 = arith.constant 0 : i32
        %dma_start3A_122 = tpu.memref_slice %arg7[%dma_start3A_120, %dma_start3A_121] : memref<51200x32xf32, #tpu.memory_space<vmem_shared>> -> memref<51200x32xf32, #tpu.memory_space<vmem_shared>>
        tpu.enqueue_indirect_dma source(%dma_start3A_116 : memref<128x32xf32, #tpu.memory_space<vmem>>) target(%dma_start3A_122 : memref<51200x32xf32, #tpu.memory_space<vmem_shared>>) offsets(%dma_start3A_119 : memref<128xi32, #tpu.memory_space<vmem>>) semaphore(%run_scoped3A_113 : memref<!tpu.dma_semaphore, #tpu.memory_space<semaphore_mem>>) {add = true}
        %dma_wait3A_123 = arith.constant 0 : i32
        %dma_wait3A_124 = arith.constant 0 : i32
        %dma_wait3A_125 = tpu.memref_slice %arg13[%dma_wait3A_123, %dma_wait3A_124] : memref<256x32xf32, #tpu.memory_space<vmem>> -> memref<128x32xf32, #tpu.memory_space<vmem>>
        %dma_wait3A_126 = arith.constant 0 : i32
        %dma_wait3A_127 = tpu.memref_slice %arg12[%run_scoped3A_111, %dma_wait3A_126] : memref<2x128xi32, #tpu.memory_space<vmem>> -> memref<1x128xi32, #tpu.memory_space<vmem>>
        %dma_wait3A_128 = tpu.memref_squeeze %dma_wait3A_127 : memref<1x128xi32, #tpu.memory_space<vmem>> -> memref<128xi32, #tpu.memory_space<vmem>>
        %dma_wait3A_129 = arith.constant 0 : i32
        %dma_wait3A_130 = arith.constant 0 : i32
        %dma_wait3A_131 = tpu.memref_slice %arg7[%dma_wait3A_129, %dma_wait3A_130] : memref<51200x32xf32, #tpu.memory_space<vmem_shared>> -> memref<51200x32xf32, #tpu.memory_space<vmem_shared>>
        tpu.wait_indirect_dma semaphore(%run_scoped3A_113 : memref<!tpu.dma_semaphore, #tpu.memory_space<semaphore_mem>>) src(%dma_wait3A_125 : memref<128x32xf32, #tpu.memory_space<vmem>>) dst(%dma_wait3A_131 : memref<51200x32xf32, #tpu.memory_space<vmem_shared>>)
        tpu.yield
      }) : () -> ()
      %run_scoped3A_112 = arith.constant 1 : i32
      "tpu.region"() ({
        %run_scoped3A_113 = tpu.sem_alloc : memref<!tpu.dma_semaphore, #tpu.memory_space<semaphore_mem>>
        %dma_start3A_114 = arith.constant 128 : i32
        %dma_start3A_115 = arith.constant 0 : i32
        %dma_start3A_116 = tpu.memref_slice %arg13[%dma_start3A_114, %dma_start3A_115] : memref<256x32xf32, #tpu.memory_space<vmem>> -> memref<128x32xf32, #tpu.memory_space<vmem>>
        %dma_start3A_117 = arith.constant 0 : i32
        %dma_start3A_118 = tpu.memref_slice %arg12[%run_scoped3A_112, %dma_start3A_117] : memref<2x128xi32, #tpu.memory_space<vmem>> -> memref<1x128xi32, #tpu.memory_space<vmem>>
        %dma_start3A_119 = tpu.memref_squeeze %dma_start3A_118 : memref<1x128xi32, #tpu.memory_space<vmem>> -> memref<128xi32, #tpu.memory_space<vmem>>
        %dma_start3A_120 = arith.constant 0 : i32
        %dma_start3A_121 = arith.constant 0 : i32
        %dma_start3A_122 = tpu.memref_slice %arg7[%dma_start3A_120, %dma_start3A_121] : memref<51200x32xf32, #tpu.memory_space<vmem_shared>> -> memref<51200x32xf32, #tpu.memory_space<vmem_shared>>
        tpu.enqueue_indirect_dma source(%dma_start3A_116 : memref<128x32xf32, #tpu.memory_space<vmem>>) target(%dma_start3A_122 : memref<51200x32xf32, #tpu.memory_space<vmem_shared>>) offsets(%dma_start3A_119 : memref<128xi32, #tpu.memory_space<vmem>>) semaphore(%run_scoped3A_113 : memref<!tpu.dma_semaphore, #tpu.memory_space<semaphore_mem>>) {add = true}
        %dma_wait3A_123 = arith.constant 128 : i32
        %dma_wait3A_124 = arith.constant 0 : i32
        %dma_wait3A_125 = tpu.memref_slice %arg13[%dma_wait3A_123, %dma_wait3A_124] : memref<256x32xf32, #tpu.memory_space<vmem>> -> memref<128x32xf32, #tpu.memory_space<vmem>>
        %dma_wait3A_126 = arith.constant 0 : i32
        %dma_wait3A_127 = tpu.memref_slice %arg12[%run_scoped3A_112, %dma_wait3A_126] : memref<2x128xi32, #tpu.memory_space<vmem>> -> memref<1x128xi32, #tpu.memory_space<vmem>>
        %dma_wait3A_128 = tpu.memref_squeeze %dma_wait3A_127 : memref<1x128xi32, #tpu.memory_space<vmem>> -> memref<128xi32, #tpu.memory_space<vmem>>
        %dma_wait3A_129 = arith.constant 0 : i32
        %dma_wait3A_130 = arith.constant 0 : i32
        %dma_wait3A_131 = tpu.memref_slice %arg7[%dma_wait3A_129, %dma_wait3A_130] : memref<51200x32xf32, #tpu.memory_space<vmem_shared>> -> memref<51200x32xf32, #tpu.memory_space<vmem_shared>>
        tpu.wait_indirect_dma semaphore(%run_scoped3A_113 : memref<!tpu.dma_semaphore, #tpu.memory_space<semaphore_mem>>) src(%dma_wait3A_125 : memref<128x32xf32, #tpu.memory_space<vmem>>) dst(%dma_wait3A_131 : memref<51200x32xf32, #tpu.memory_space<vmem_shared>>)
        tpu.yield
      }) : () -> ()
    } else {
    }
    %barrier3A_19 = arith.constant 0 : index
    tpu.barrier barrier_id(%barrier3A_19)
    "tpu.region"() ({
      %run_scoped3A = tpu.sem_alloc : memref<!tpu.dma_semaphore, #tpu.memory_space<semaphore_mem>>
      %dma_start3A = arith.constant 0 : i32
      %dma_start3A_20 = tpu.memref_slice %arg6[%arg0, %mul3A_4, %dma_start3A] : memref<2x51200x32xf32, #tpu.memory_space<hbm>> -> memref<1x3200x32xf32, #tpu.memory_space<hbm>>
      %dma_start3A_21 = tpu.memref_squeeze %dma_start3A_20 : memref<1x3200x32xf32, #tpu.memory_space<hbm>> -> memref<3200x32xf32, #tpu.memory_space<hbm>>
      %dma_start3A_22 = arith.constant 0 : i32
      %dma_start3A_23 = tpu.memref_slice %arg7[%mul3A_4, %dma_start3A_22] : memref<51200x32xf32, #tpu.memory_space<vmem_shared>> -> memref<3200x32xf32, #tpu.memory_space<vmem_shared>>
      tpu.enqueue_dma source(%dma_start3A_23 : memref<3200x32xf32, #tpu.memory_space<vmem_shared>>) target(%dma_start3A_21 : memref<3200x32xf32, #tpu.memory_space<hbm>>) target_semaphore(%run_scoped3A : memref<!tpu.dma_semaphore, #tpu.memory_space<semaphore_mem>>)
      %dma_wait3A = arith.constant 0 : i32
      %dma_wait3A_24 = tpu.memref_slice %arg6[%arg0, %mul3A_4, %dma_wait3A] : memref<2x51200x32xf32, #tpu.memory_space<hbm>> -> memref<1x3200x32xf32, #tpu.memory_space<hbm>>
      %dma_wait3A_25 = tpu.memref_squeeze %dma_wait3A_24 : memref<1x3200x32xf32, #tpu.memory_space<hbm>> -> memref<3200x32xf32, #tpu.memory_space<hbm>>
      %dma_wait3A_26 = arith.constant 0 : i32
      %dma_wait3A_27 = tpu.memref_slice %arg7[%mul3A_4, %dma_wait3A_26] : memref<51200x32xf32, #tpu.memory_space<vmem_shared>> -> memref<3200x32xf32, #tpu.memory_space<vmem_shared>>
      tpu.wait_dma2 semaphore(%run_scoped3A : memref<!tpu.dma_semaphore, #tpu.memory_space<semaphore_mem>>) src(%dma_wait3A_27 : memref<3200x32xf32, #tpu.memory_space<vmem_shared>>) dst(%dma_wait3A_25 : memref<3200x32xf32, #tpu.memory_space<hbm>>)
      tpu.yield
    }) : () -> ()
    return
  }
}

</mosaic_0001>

<sc_bundles>
// kernel: kernel.11.cloned.1.call-start
scs
__scs_entry_jumppad:
0x0: {  	(pc) =	sbr.rel $0x88, $3  }
0x1: {  	(tag) =	ssettag $0x0;
	lr =	simm.s32 $0x1  }
0x2: {  	[smem:$0x3F9F] =	sst lr;
	_ =	strace $0xD0000000  }
0x3: {  	_ = 	snop  }
0x4: {  	_ = 	snop  }
0x5: {  	_ = 	snop  }
0x6: {  	_ = 	snop  }
0x7: {  	_ = 	snop  }
__scs_overlays_trampoline_lowered:
0x8: {  	[smem:$0x3FAE] =	sst s0  }
0x9: {  	[smem:$0x3FAF] =	sst s1  }
0xa: {  	[smem:$0x3FB0] =	sst s2  }
0xb: {  	[smem:$0x3FB1] =	sst s3  }
0xc: {  	[smem:$0x3FB2] =	sst s4  }
0xd: {  	[smem:$0x3FB3] =	sst s5  }
0xe: {  	[smem:$0x3FB4] =	sst s6  }
0xf: {  	[smem:$0x3FB5] =	sst s7  }
0x10: {  	[smem:$0x3FB6] =	sst s8  }
0x11: {  	[smem:$0x3FB7] =	sst s9;
	s0 =	simm.s32 @!p0 $0x0  }
0x12: {  	s1 =	sld [smem:$0x3F9D];
	s0 =	simm.s32 @p0 $0x1  }
0x13: {  	[smem:$0x3FB8] =	sst s0;
	s0 =	simm.s32 @!p1 $0x0  }
0x14: {  	s2 =	sld [smem:$0x3F9C];
	s0 =	simm.s32 @p1 $0x1  }
0x15: {  	[smem:$0x3FB9] =	sst s0;
	s0 =	simm.s32 @!p2 $0x0  }
0x16: {  	s3 =	sld [smem:$0x3FDB];
	s0 =	simm.s32 @p2 $0x1  }
0x17: {  	s4 =	simm.s32 $0x1BF5;
	[smem:$0x3FBB] =	sst s0  }
0x18: {  	s0 =	sld [smem:$0x3F9E];
	_ =	swait.ge [sflag:s4], $0x0  }
0x19: {  	s7 =	sld [smem:$0x3F9F]  }
0x1a: {  	s8 =	sadd.s32 $0xFFFFE003, lr  }
0x1b: {  	s9 =	sadd.s32 $0xFFFFFEF7, lr;
	s5 =	simm.s32 $0xFFFFFFFF;
	p2 =	slt.u32 s8, $0xFFFFF086  }
0x1c: {  	p1 =	slt.u32 s9, $0xF7A;
	s5 =	simm.s32 @!p2 $0x0  }
0x1d: {  	s5 =	simm.s32 @p1 $0x1;
	p0 =	seq.s32 s7, s2  }
0x1e: {  	s7 =	smul.u32 @!p0 $0xF7A, s2;
	p2 =	seq.s32 @!p0 s5, $0x0  }
0x1f: {  	s9 =	smul.u32 $0xF7A, s1;
	s8 =	simm.s32 @!p0 $0x1BF5;
	p2 =	por !p2, p0  }
0x20: {  	[sflag:s8] =	ssyncset.s32 @!p0 $0xFFFFF086;
	s6 =	sadd.s32 @!p0 s3, s7;
	s7 =	simm.s32 @!p0 $0x108  }
0x21: {  	s3 =	sadd.s32 s3, s9;
	s6 =	sadd.s32 @!p0 $0x88, s6;
	s7 =	simm.s32 @p2 $0x1082  }
0x22: {  	[simem:s7], [sflag:s8] =	dma.local @!p0 [hbm:s6], $0xF7A  }
0x23: {  	s9 =	sor.u32 $0xD0000000, s2;
	s6 =	simm.s32 $0x108;
	_ =	swait.ge @!p0 [sflag:s8], $0x0  }
0x24: {  	s3 =	sadd.s32 $0x88, s3;
	s6 =	simm.s32 @!p1 $0x1082;
	[sflag:s4] =	ssyncset.s32 $0xFFFFF086  }
0x25: {  	[simem:s6], [sflag:s4] =	dma.local [hbm:s3], $0xF7A  }
0x26: {  	[smem:$0x3F9F] =	sst s1;
	(tag) =	ssettag s2;
	_ =	strace s9  }
0x27: {  	s1 =	sld [smem:$0x3FAF]  }
0x28: {  	s2 =	sld [smem:$0x3FB0]  }
0x29: {  	s4 =	sld [smem:$0x3FB2]  }
0x2a: {  	p0 =	seq.s32 s5, $0x0;
	s5 =	sld [smem:$0x3FB3]  }
0x2b: {  	s6 =	sld [smem:$0x3FB4]  }
0x2c: {  	s7 =	sld [smem:$0x3FB5]  }
0x2d: {  	s3 =	simm.s32 $0x108;
	s8 =	sld [smem:$0x3FB6]  }
0x2e: {  	s3 =	simm.s32 @!p0 $0x1082;
	s9 =	sld [smem:$0x3FB7]  }
0x2f: {  	lr =	sadd.s32 s0, s3;
	s0 =	sld [smem:$0x3FAE]  }
0x30: {  	s3 =	sld [smem:$0x3FB1]  }
0x31: {  	[smem:$0x3FBA] =	sst s10  }
0x32: {  	s10 =	sld [smem:$0x3FB8];
	_ =	sdelay $0x3  }
0x33: {  	p0 =	seq.s32 s10, $0x1;
	s10 =	sld [smem:$0x3FBA];
	_ =	sdelay $0x3  }
0x34: {  	[smem:$0x3FBA] =	sst s10  }
0x35: {  	s10 =	sld [smem:$0x3FB9];
	_ =	sdelay $0x3  }
0x36: {  	p1 =	seq.s32 s10, $0x1;
	s10 =	sld [smem:$0x3FBA];
	_ =	sdelay $0x3  }
0x37: {  	[smem:$0x3FBA] =	sst s10  }
0x38: {  	s10 =	sld [smem:$0x3FBB]  }
0x39: {  	_ = 	snop;
	(pc) =	sbr.ind lr, $3  }
0x3a: {  	_ = 	snop  }
0x3b: {  	_ = 	snop  }
0x3c: {  	p2 =	seq.s32 s10, $0x1;
	s10 =	sld [smem:$0x3FBA]  }
0x3d: {  	_ =	shalt  }
0x3e: {  	_ =	shalt  }
0x3f: {  	_ =	shalt  }
0x40: {  	_ =	shalt  }
0x41: {  	_ =	shalt  }
0x42: {  	_ =	shalt  }
0x43: {  	_ =	shalt  }
0x44: {  	_ =	shalt  }
0x45: {  	_ =	shalt  }
0x46: {  	_ =	shalt  }
0x47: {  	_ =	shalt  }
0x48: {  	_ =	shalt  }
0x49: {  	_ =	shalt  }
0x4a: {  	_ =	shalt  }
0x4b: {  	_ =	shalt  }
0x4c: {  	_ =	shalt  }
0x4d: {  	_ =	shalt  }
0x4e: {  	_ =	shalt  }
0x4f: {  	_ =	shalt  }
0x50: {  	_ =	shalt  }
0x51: {  	_ =	shalt  }
0x52: {  	_ =	shalt  }
0x53: {  	_ =	shalt  }
0x54: {  	_ =	shalt  }
0x55: {  	_ =	shalt  }
0x56: {  	_ =	shalt  }
0x57: {  	_ =	shalt  }
0x58: {  	_ =	shalt  }
0x59: {  	_ =	shalt  }
0x5a: {  	_ =	shalt  }
0x5b: {  	_ =	shalt  }
0x5c: {  	_ =	shalt  }
0x5d: {  	_ =	shalt  }
0x5e: {  	_ =	shalt  }
0x5f: {  	_ =	shalt  }
0x60: {  	_ =	shalt  }
0x61: {  	_ =	shalt  }
0x62: {  	_ =	shalt  }
0x63: {  	_ =	shalt  }
0x64: {  	_ =	shalt  }
0x65: {  	_ =	shalt  }
0x66: {  	_ =	shalt  }
0x67: {  	_ =	shalt  }
0x68: {  	_ =	shalt  }
0x69: {  	_ =	shalt  }
0x6a: {  	_ =	shalt  }
0x6b: {  	_ =	shalt  }
0x6c: {  	_ =	shalt  }
0x6d: {  	_ =	shalt  }
0x6e: {  	_ =	shalt  }
0x6f: {  	_ =	shalt  }
0x70: {  	_ =	shalt  }
0x71: {  	_ =	shalt  }
0x72: {  	_ =	shalt  }
0x73: {  	_ =	shalt  }
0x74: {  	_ =	shalt  }
0x75: {  	_ =	shalt  }
0x76: {  	_ =	shalt  }
0x77: {  	_ =	shalt  }
0x78: {  	_ =	shalt  }
0x79: {  	_ =	shalt  }
0x7a: {  	_ =	shalt  }
0x7b: {  	_ =	shalt  }
0x7c: {  	_ =	shalt  }
0x7d: {  	_ =	shalt  }
0x7e: {  	_ =	shalt  }
0x7f: {  	_ =	shalt  }
0x80: {  	_ =	shalt  }
0x81: {  	_ =	shalt  }
0x82: {  	_ =	shalt  }
0x83: {  	_ =	shalt  }
0x84: {  	_ =	shalt  }
0x85: {  	_ =	shalt  }
0x86: {  	_ =	shalt  }
0x87: {  	_ =	shalt  }
.Lfunc_end0:
.L_simem_size_0:
called_computation.2_lowered:
.L_overlay_start_0:
0x88: {  	s2 =	sld [smem:$0x3FD9]  }
0x89: {  	s3 =	sld [smem:$0x3FFE];
	_ =	sdelay $0x1  }
0x8a: {  	s1 =	srdreg.scid  }
0x8b: {  	s0 =	sand.u32 $0x1, s1  }
0x8c: {  	s17 =	sshll.u32 s0, $0xA;
	s2 =	sadd.s32 s3, s2  }
0x8d: {  	s2 =	sadd.s32 s2, s17  }
0x8e: {  	[smem:$0x3FC6] =	sst s2  }
0x8f: {  	_ = 	snop  }
0x90: {  	s2 =	sld [smem:$0x3FD0];
	(tm) =	ssettm $0x1  }
0x91: {  	s18 =	sld [smem:$0x3FFB];
	_ =	sdelay $0x3  }
0x92: {  	_ =	strace s18  }
0x93: {  	s3 =	sld [smem:$0x3FFC];
	_ =	sdelay $0x3  }
0x94: {  	_ =	strace s3  }
0x95: {  	s3 =	sld [smem:$0x3FFD];
	_ =	sdelay $0x3  }
0x96: {  	_ =	strace s3  }
0x97: {  	_ =	strace $0x8FFFFFFF  }
0x98: {  	s19 =	sld [smem:$0x3FDB];
	_ =	sdelay $0x1  }
0x99: {  	s4 =	simm.s32 $_scs_section_size  }
0x9a: {  	s5 =	simm.s32 $_size__tile_overlayer_lowered;
	s6 =	simm.s32 $_tile_overlayer_lowered  }
0x9b: {  	s22 =	simm.s32 $0x1BFF;
	s21 =	sshll.u32 s6, $0x1;
	s3 =	sadd.s32 s4, s19  }
0x9c: {  	s7 =	simm.s32 $0x0;
	s20 =	sshll.u32 s5, $0x1;
	s5 =	sadd.s32 s21, s3  }
0x9d: {  	[timem:s7], [sflag:s22] =	dma.local [hbm:s5], s20  }
0x9e: {  	_ =	swait.ge [sflag:s22], s20  }
0x9f: {  	s4 =	ssub.s32 $0x0, s20;
	[sflag:s22] =	ssyncset.done $0x0  }
0xa0: {  	[sflag:s22] =	ssyncadd.s32 s4;
	_ =	sdelay $0x1  }
0xa1: {  	s23 =	simm.s32 $0x1B8B  }
0xa2: {  	_ =	swait.ge [sflag:s23], $0x1  }
0xa3: {  	[sflag:s23] =	ssyncset.done $0x0  }
0xa4: {  	s25 =	simm.s32 $0x1B8E;
	s24 =	sld [smem:$0x3FFE];
	[sflag:s23] =	ssyncadd.s32 $0xFFFFFFFF  }
0xa5: {  	s26 =	simm.s32 $execute0_lowered;
	[smem:$0x3FD2] =	sst s25  }
0xa6: {  	s5 =	sshll.u32 s26, $0x1;
	_ =	strace $0x8000004C;
	[dreg:$0x1] =	wrdreg $0xFFFFFFFF  }
0xa7: {  	s28 =	simm.s32 $_size_execute0_lowered;
	s3 =	sadd.s32 s3, s5;
	[dreg:$0x0] =	wrdreg $0x0  }
0xa8: {  	s5 =	sshll.u32 s28, $0x1;
	[dreg:$0x2] =	wrdreg s3  }
0xa9: {  	[dreg:$0x3] =	wrdreg s5  }
0xaa: {  	[dreg:$0x4] =	wrdreg $0xC0  }
0xab: {  	_ =	task [dreg:s7], $0x5FFFF  }
0xac: {  	[dreg:$0x1] =	wrdreg $0xFFFFFFFF  }
0xad: {  	[dreg:$0x0] =	wrdreg $0x60  }
0xae: {  	[dreg:$0x2] =	wrdreg s2  }
0xaf: {  	[dreg:$0x3] =	wrdreg s24  }
0xb0: {  	[dreg:$0x4] =	wrdreg $0x0  }
0xb1: {  	[dreg:$0x5] =	wrdreg $0x9  }
0xb2: {  	_ =	task.clear_ibuf [dreg:s7], $0x6FFFF;
	_ =	strace $0x9000004C  }
0xb3: {  	s29 =	simm.s32 $0x9;
	_ =	strace $0x8000004E  }
0xb4: {  	_ =	swait.ge [sflag:s29], $0x1  }
0xb5: {  	[sflag:s29] =	ssyncadd.s32 $0xFFFFFFFF  }
0xb6: {  	_ =	strace $0x9000004E  }
0xb7: {  	_ =	sfence  }
0xb8: {  	s30 =	sld [smem:$0x0];
	_ =	sdelay $0x2  }
0xb9: {  	s31 =	sshll.u32 s1, $0xD;
	s1 =	sshrl.u32 s1, $0x2  }
0xba: {  	s3 =	sand.u32 $0x4000, s31;
	s1 =	sadd.s32 s1, s30  }
0xbb: {  	s0 =	sor.u32 s3, s0;
	s1 =	sshll.u32 s1, $0x11  }
0xbc: {  	s0 =	sor.u32 s1, s0  }
0xbd: {  	s0 =	sadd.s32 $0x8F2B, s0  }
0xbe: {  	[sflag:s0] =	ssyncadd.remote.s32 $0x1  }
0xbf: {  	_ =	sfence.sel $0xFFFF  }
0xc0: {  	[dreg:$0x0] =	wrdreg $0xFFFFFFFF;
	(pc) =	sbr.abs _section_cstart, $3  }
0xc1: {  	[dreg:$0x1] =	wrdreg $0xFFFFFFFF  }
0xc2: {  	_ =	task.clear_ibuf [dreg:s7], $0x2FFFF;
	_ =	strace $0x9FFFFFFF  }
0xc3: {  	(tm) =	ssettm $0x7FFFFFFF  }
tec
execute0_lowered:
.L_overlay_start_1:
0x0: {  	(tag) =	ssettag $0x1  }
0x1: {  	s1 =	rddreg [dreg:$0x0]  }
0x2: {  	s0 =	rddreg [dreg:$0x1]  }
0x3: {  	s2 =	rddreg [dreg:$0x2]  }
0x4: {  	s3 =	srdreg.scid;
	s4 =	simm.s32 $0x0;
	s14 =	stileid.u32  }
0x5: {  	s15 =	simm.s32 $0x19000;
	s16 =	simm.s32 $0x19100;
	s17 =	simm.s32 $0x80  }
0x6: {  	s18 =	simm.s32 $0x19200;
	s19 =	simm.s32 $0x19080;
	s20 =	simm.s32 $0x1A200  }
0x7: {  	s28 =	simm.s32 $0x1;
	s29 =	simm.s32 $0x19180;
	s9 =	smul.u32 $0x19000, s14  }
0x8: {  	s30 =	simm.s32 $0x2;
	s31 =	simm.s32 $0x1B380;
	s8 =	smul.u32 $0x64000, s14  }
0x9: {  	s3 =	sand.u32 $0x1, s3;
	s5 =	sadd.s32 $0x1D3A00, s0;
	s12 =	smul.u32 $0xC400, s14  }
0xa: {  	[smem:$0x7FF] =	sst s4;
	s10 =	sadd.s32 $0x1BB200, s0;
	s23 =	smul.u32 $0x1880, s14  }
0xb: {  	s11 =	sadd.s32 $0x1BE00, s0;
	s14 =	simm.s32 $0x3;
	s6 =	smul.u32 $0x190000, s3  }
0xc: {  	_ =	strace $0x8000004D;
	s7 =	ssub.s32 $0x2, s3;
	p0 =	seq.s32 s3, $0x1  }
0xd: {  	s21 =	sshrl.u32 s7, $0x1;
	s22 =	sshrl.u32 s8, $0x2;
	s24 =	sshrl.u32 s12, $0x3  }
0xe: {  	s8 =	sadd.s32 s11, s23;
	s25 =	sadd.s32 s9, s2;
	s6 =	sadd.s32 s9, s6  }
0xf: {  	s13 =	ssub.s32 s7, s21;
	s7 =	sadd.s32 s10, s23;
	s3 =	sadd.s32 $0x1860, s24  }
0x10: {  	s21 =	simm.s32 $0x1B200;
	s23 =	simm.s32 $0x1B400;
	s24 =	simm.s32 $0x1B280  }
0x11: {  	s6 =	sshrl.u32 s6, $0x3;
	s10 =	sadd.s32 s10, s3;
	s3 =	sadd.s32 s11, s3  }
.Ltmp0:
0x12: {  	s26 =	smax.u32 s13, $0x1;
	[dreg:$0x4] =	wrdreg s10;
	(pc) =	sbr.rel .LBB2_1-.Ltmp0, $4  }
0x13: {  	s13 =	simm.s32 $0x1D400;
	s0 =	sadd.s32 s6, s0;
	[dreg:$0x5] =	wrdreg s3  }
0x14: {  	s6 =	sadd.s32 s22, s2;
	[dreg:$0x7] =	wrdreg s26;
	s0 =	sadd.s32 $0x3C7A00, s0  }
0x15: {  	s22 =	simm.s32 $0x1B300;
	[dreg:$0x6] =	wrdreg s0;
	s0 =	sshrl.u32 s25, $0x3  }
0x16: {  	v0 =	vimm.f32 $0.0e+00;
	s26 =	simm.s32 $0x1C400;
	[dreg:$0x8] =	wrdreg s0;
	s0 =	simm.s32 $0x0  }
.LBB2_8:
0x17: {  	s9 =	sadd.s32 $0x1860, s10;
	[sflag:s14] =	ssyncadd.s32 $0xFFFFF000  }
0x18: {  	[tilespmem:s21], [sflag:$0x3] =	stream.linear.gather [hbm4b:s9+s4], $0x100, $0x38;
	[tilespmem:$0x1DC00] =	vst v63  }
0x19: {  	_ =	swait.ge [sflag:s14], $0x100  }
0x1a: {  	s3 =	sadd.s32 s3, s8;
	[sflag:s14] =	ssyncset.done $0x0  }
0x1b: {  	s12 =	sadd.s32 $0x1860, s3;
	[sflag:s14] =	ssyncadd.s32 $0xFFFFFF00  }
0x1c: {  	[tilespmem:s22], [sflag:$0x3] =	stream.linear.gather [hbm4b:s12+s4], $0x100, $0x38;
	[tilespmem:$0x1DC00] =	vst v63  }
0x1d: {  	_ =	swait.ge [sflag:s14], $0x100  }
0x1e: {  	[sflag:s14] =	ssyncset.done $0x0  }
0x1f: {  	[sflag:s14] =	ssyncadd.s32 $0xFFFFFF00  }
0x20: {  	[tilespmem:s23], [sflag:$0x2] =	stream.indirect.gather [hbm4b:s1+s17], $0x20, s21, s17, $0xb8;
	[tilespmem:$0x1DC00] =	vst v63  }
0x21: {  	_ = 	snop  }
0x22: {  	[tilespmem:s26], [sflag:$0x2] =	stream.indirect.gather [hbm4b:s1+s17], $0x20, s24, s17, $0xb8;
	[tilespmem:$0x1DC00] =	vst v63  }
0x23: {  	_ =	swait.ge [sflag:s28], $0x1000  }
0x24: {  	[sflag:s28] =	ssyncset.done $0x0  }
0x25: {  	[sflag:s28] =	ssyncadd.s32 $0xFFFFF000  }
0x26: {  	_ =	swait.ge [sflag:s28], $0x1000  }
0x27: {  	[sflag:s28] =	ssyncset.done $0x0  }
0x28: {  	[sflag:s28] =	ssyncadd.s32 $0xFFFFF000  }
0x29: {  	[spmem:s2] =	stream.indirect.scatter.add.f32 [tilespmem:s18], [sflag:$0x3], $0x20, s16, s17, $0xb8;
	[tilespmem:$0x1DC00] =	vst v63  }
0x2a: {  	_ =	swait.ge [sflag:s14], $0x1000  }
0x2b: {  	[sflag:s14] =	ssyncset.done $0x0  }
0x2c: {  	[sflag:s14] =	ssyncadd.s32 $0xFFFFF000  }
0x2d: {  	[spmem:s2] =	stream.indirect.scatter.add.f32 [tilespmem:s20], [sflag:$0x3], $0x20, s29, s17, $0xb8;
	[tilespmem:$0x1DC00] =	vst v63  }
0x2e: {  	_ =	swait.ge [sflag:s14], $0x1000  }
0x2f: {  	[sflag:s14] =	ssyncset.done $0x0  }
0x30: {  	s25 =	sadd.s32 $0x1880, s10;
	[sflag:s14] =	ssyncadd.s32 $0xFFFFF000  }
0x31: {  	[tilespmem:s15], [sflag:$0x3] =	stream.linear.gather [hbm4b:s25+s4], $0x100, $0x38;
	[tilespmem:$0x1DC00] =	vst v63  }
0x32: {  	_ =	swait.ge [sflag:s14], $0x100  }
0x33: {  	[sflag:s14] =	ssyncset.done $0x0  }
0x34: {  	s3 =	sadd.s32 $0x1880, s3;
	[sflag:s14] =	ssyncadd.s32 $0xFFFFFF00  }
0x35: {  	[tilespmem:s16], [sflag:$0x3] =	stream.linear.gather [hbm4b:s3+s4], $0x100, $0x38;
	[tilespmem:$0x1DC00] =	vst v63  }
0x36: {  	_ =	swait.ge [sflag:s14], $0x100  }
0x37: {  	[sflag:s14] =	ssyncset.done $0x0  }
0x38: {  	[sflag:s14] =	ssyncadd.s32 $0xFFFFFF00  }
0x39: {  	[tilespmem:s18], [sflag:$0x1] =	stream.indirect.gather [hbm4b:s1+s17], $0x20, s15, s17, $0xb8;
	[tilespmem:$0x1DC00] =	vst v63  }
0x3a: {  	_ = 	snop  }
0x3b: {  	[tilespmem:s20], [sflag:$0x1] =	stream.indirect.gather [hbm4b:s1+s17], $0x20, s19, s17, $0xb8;
	[tilespmem:$0x1DC00] =	vst v63  }
0x3c: {  	_ =	swait.ge [sflag:s30], $0x1000  }
0x3d: {  	[sflag:s30] =	ssyncset.done $0x0  }
0x3e: {  	[sflag:s30] =	ssyncadd.s32 $0xFFFFF000  }
0x3f: {  	_ =	swait.ge [sflag:s30], $0x1000  }
0x40: {  	[sflag:s30] =	ssyncset.done $0x0  }
0x41: {  	[sflag:s30] =	ssyncadd.s32 $0xFFFFF000  }
0x42: {  	[spmem:s2] =	stream.indirect.scatter.add.f32 [tilespmem:s23], [sflag:$0x3], $0x20, s22, s17, $0xb8;
	[tilespmem:$0x1DC00] =	vst v63  }
0x43: {  	_ =	swait.ge [sflag:s14], $0x1000  }
0x44: {  	[sflag:s14] =	ssyncset.done $0x0  }
0x45: {  	[sflag:s14] =	ssyncadd.s32 $0xFFFFF000  }
0x46: {  	[spmem:s2] =	stream.indirect.scatter.add.f32 [tilespmem:s26], [sflag:$0x3], $0x20, s31, s17, $0xb8;
	[tilespmem:$0x1DC00] =	vst v63  }
0x47: {  	_ =	swait.ge [sflag:s14], $0x1000  }
0x48: {  	[sflag:s14] =	ssyncset.done $0x0  }
0x49: {  	s3 =	smov.u32 s1;
	[sflag:s14] =	ssyncadd.s32 $0xFFFFF000  }
.LBB2_12:
0x4a: {  	s9 =	rddreg [dreg:$0x4]  }
0x4b: {  	[tilespmem:s21], [sflag:$0x3] =	stream.linear.gather [hbm4b:s9+s4], $0x100, $0x38;
	[tilespmem:$0x1DC00] =	vst v63  }
0x4c: {  	_ =	swait.ge [sflag:s14], $0x100  }
0x4d: {  	[sflag:s14] =	ssyncset.done $0x0  }
0x4e: {  	s10 =	rddreg [dreg:$0x5];
	[sflag:s14] =	ssyncadd.s32 $0xFFFFFF00  }
0x4f: {  	[tilespmem:s22], [sflag:$0x3] =	stream.linear.gather [hbm4b:s10+s4], $0x100, $0x38;
	[tilespmem:$0x1DC00] =	vst v63  }
0x50: {  	_ =	swait.ge [sflag:s14], $0x100  }
0x51: {  	[sflag:s14] =	ssyncset.done $0x0  }
0x52: {  	[sflag:s14] =	ssyncadd.s32 $0xFFFFFF00  }
0x53: {  	[tilespmem:s23], [sflag:$0x2] =	stream.indirect.gather [hbm4b:s3+s17], $0x20, s21, s17, $0xb8;
	[tilespmem:$0x1DC00] =	vst v63  }
0x54: {  	_ = 	snop  }
0x55: {  	[tilespmem:s26], [sflag:$0x2] =	stream.indirect.gather [hbm4b:s3+s17], $0x20, s24, s17, $0xb8;
	[tilespmem:$0x1DC00] =	vst v63  }
0x56: {  	_ =	swait.ge [sflag:s28], $0x1000  }
0x57: {  	[sflag:s28] =	ssyncset.done $0x0  }
0x58: {  	[sflag:s28] =	ssyncadd.s32 $0xFFFFF000  }
0x59: {  	_ =	swait.ge [sflag:s28], $0x1000  }
0x5a: {  	[sflag:s28] =	ssyncset.done $0x0  }
0x5b: {  	[sflag:s28] =	ssyncadd.s32 $0xFFFFF000  }
0x5c: {  	[spmem:s2] =	stream.indirect.scatter.add.f32 [tilespmem:s18], [sflag:$0x3], $0x20, s16, s17, $0xb8;
	[tilespmem:$0x1DC00] =	vst v63  }
0x5d: {  	_ =	swait.ge [sflag:s14], $0x1000  }
0x5e: {  	[sflag:s14] =	ssyncset.done $0x0  }
0x5f: {  	[sflag:s14] =	ssyncadd.s32 $0xFFFFF000  }
0x60: {  	[spmem:s2] =	stream.indirect.scatter.add.f32 [tilespmem:s20], [sflag:$0x3], $0x20, s29, s17, $0xb8;
	[tilespmem:$0x1DC00] =	vst v63  }
0x61: {  	_ =	swait.ge [sflag:s14], $0x1000  }
0x62: {  	[sflag:s14] =	ssyncset.done $0x0  }
0x63: {  	[sflag:s14] =	ssyncadd.s32 $0xFFFFF000  }
0x64: {  	_ =	swait.ge [sflag:s30], $0x1000  }
0x65: {  	[sflag:s30] =	ssyncset.done $0x0  }
0x66: {  	[sflag:s30] =	ssyncadd.s32 $0xFFFFF000  }
0x67: {  	_ =	swait.ge [sflag:s30], $0x1000  }
0x68: {  	[sflag:s30] =	ssyncset.done $0x0  }
0x69: {  	[sflag:s30] =	ssyncadd.s32 $0xFFFFF000  }
0x6a: {  	[spmem:s2] =	stream.indirect.scatter.add.f32 [tilespmem:s23], [sflag:$0x3], $0x20, s22, s17, $0xb8;
	[tilespmem:$0x1DC00] =	vst v63  }
0x6b: {  	_ =	swait.ge [sflag:s14], $0x1000  }
0x6c: {  	[sflag:s14] =	ssyncset.done $0x0  }
0x6d: {  	[sflag:s14] =	ssyncadd.s32 $0xFFFFF000  }
0x6e: {  	[spmem:s2] =	stream.indirect.scatter.add.f32 [tilespmem:s26], [sflag:$0x3], $0x20, s31, s17, $0xb8;
	[tilespmem:$0x1DC00] =	vst v63  }
0x6f: {  	_ =	swait.ge [sflag:s14], $0x1000  }
0x70: {  	[sflag:s14] =	ssyncset.done $0x0  }
0x71: {  	[sflag:s14] =	ssyncadd.s32 $0xFFFFF000  }
0x72: {  	s11 =	stileid.u32;
	[bflag:$0x0] =	sbarrier.arrive $0xFFFF  }
0x73: {  	s3 =	sshll.u32 s11, $0x6;
	s12 =	rddreg [dreg:$0x6]  }
0x74: {  	s3 =	sor.u32 $0x1C03, s3;
	s10 =	rddreg [dreg:$0x8]  }
0x75: {  	[hbm:s12], [sflag:s3] =	dma.local [spmem:s10], $0x3200  }
0x76: {  	_ =	swait.ge [sflag:s14], $0x3200  }
0x77: {  	s0 =	sadd.s32 $0x1, s0;
	s25 =	rddreg [dreg:$0x7]  }
0x78: {  	p1 =	sne.s32 s0, s25  }
.Ltmp1:
0x79: {  	_ = 	snop;
	(pc) =	sbr.rel @!p1 .LBB2_13-.Ltmp1, $3  }
0x7a: {  	_ =	sdelay $0x1  }
0x7b: {  	[sflag:s14] =	ssyncset.done $0x0  }
0x7c: {  	[sflag:s14] =	ssyncadd.s32 $0xFFFFCE00  }
.LBB2_1:
0x7d: {  	s3 =	simm.s32 $0x0  }
.LBB2_2:
0x7e: {  	p1 =	sne.s32 s3, $0x1F80  }
.Ltmp2:
0x7f: {  	_ = 	snop;
	(pc) =	sbr.rel @p1 .LBB2_2-.Ltmp2, $4  }
0x80: {  	_ = 	snop  }
0x81: {  	s9 =	sshra.s32 s3, $0x2  }
0x82: {  	[tilespmem:s9+$0x1D400] =	vst v0  }
0x83: {  	s3 =	sadd.s32 $0x80, s3;
	[tilespmem:s9+$0x1D410] =	vst v0  }
0x84: {  	s3 =	sadd.s32 $0x0, s6  }
0x85: {  	[spmem:s3] =	stream.linear.scatter [tilespmem:s13], [sflag:$0x3], $0x800, $0x38;
	[tilespmem:$0x1DC00] =	vst v63  }
0x86: {  	s3 =	simm.s32 $0x2000;
	_ =	swait.ge [sflag:s14], $0x800  }
.LBB2_4:
0x87: {  	s9 =	sshra.s32 s3, $0x2;
	[sflag:s14] =	ssyncset.done $0x0;
	p1 =	sne.s32 s3, $0x62000  }
.Ltmp3:
0x88: {  	s9 =	sadd.s32 s9, s6;
	[sflag:s14] =	ssyncadd.s32 $0xFFFFF800;
	(pc) =	sbr.rel @p1 .LBB2_4-.Ltmp3, $3  }
0x89: {  	[spmem:s9] =	stream.linear.scatter [tilespmem:s13], [sflag:$0x3], $0x800, $0x38;
	[tilespmem:$0x1DC00] =	vst v63  }
0x8a: {  	s3 =	sadd.s32 $0x2000, s3;
	_ =	sdelay $0x1  }
0x8b: {  	_ =	swait.ge [sflag:s14], $0x800  }
0x8c: {  	[sflag:s14] =	ssyncset.done $0x0  }
0x8d: {  	[sflag:s14] =	ssyncadd.s32 $0xFFFFF800  }
0x8e: {  	[bflag:$0x0] =	sbarrier.arrive $0xFFFF  }
0x8f: {  	[tilespmem:s15], [sflag:$0x3] =	stream.linear.gather [hbm4b:s7+s4], $0x100, $0x38;
	[tilespmem:$0x1DC00] =	vst v63  }
0x90: {  	_ =	swait.ge [sflag:s14], $0x100  }
0x91: {  	[sflag:s14] =	ssyncset.done $0x0  }
.Ltmp4:
0x92: {  	[sflag:s14] =	ssyncadd.s32 $0xFFFFFF00;
	(pc) =	sbr.rel @!p0 .LBB2_6-.Ltmp4, $4  }
0x93: {  	[tilespmem:s16], [sflag:$0x3] =	stream.linear.gather [hbm4b:s8+s4], $0x100, $0x38;
	[tilespmem:$0x1DC00] =	vst v63  }
0x94: {  	_ =	swait.ge [sflag:s14], $0x100  }
0x95: {  	[sflag:s14] =	ssyncset.done $0x0  }
0x96: {  	[sflag:s14] =	ssyncadd.s32 $0xFFFFFF00  }
0x97: {  	[tilespmem:s18], [sflag:$0x1] =	stream.indirect.gather [hbm4b:s5+s17], $0x20, s15, s17, $0xb8;
	[tilespmem:$0x1DC00] =	vst v63  }
0x98: {  	s3 =	sadd.s32 $0xFFFFE7C0, s7  }
0x99: {  	[tilespmem:s20], [sflag:$0x1] =	stream.indirect.gather [hbm4b:s5+s17], $0x20, s19, s17, $0xb8;
	[tilespmem:$0x1DC00] =	vst v63  }
0x9a: {  	s9 =	sadd.s32 $0x1860, s3  }
0x9b: {  	[tilespmem:s21], [sflag:$0x3] =	stream.linear.gather [hbm4b:s9+s4], $0x100, $0x38;
	[tilespmem:$0x1DC00] =	vst v63  }
0x9c: {  	_ =	swait.ge [sflag:s14], $0x100  }
0x9d: {  	s12 =	sadd.s32 $0xFFFFE7C0, s8;
	[sflag:s14] =	ssyncset.done $0x0  }
0x9e: {  	s10 =	sadd.s32 $0x1860, s12;
	[sflag:s14] =	ssyncadd.s32 $0xFFFFFF00  }
0x9f: {  	[tilespmem:s22], [sflag:$0x3] =	stream.linear.gather [hbm4b:s10+s4], $0x100, $0x38;
	[tilespmem:$0x1DC00] =	vst v63  }
0xa0: {  	_ =	swait.ge [sflag:s14], $0x100  }
0xa1: {  	[sflag:s14] =	ssyncset.done $0x0  }
0xa2: {  	[sflag:s14] =	ssyncadd.s32 $0xFFFFFF00  }
0xa3: {  	[tilespmem:s23], [sflag:$0x2] =	stream.indirect.gather [hbm4b:s5+s17], $0x20, s21, s17, $0xb8;
	[tilespmem:$0x1DC00] =	vst v63  }
0xa4: {  	_ = 	snop  }
0xa5: {  	[tilespmem:s26], [sflag:$0x2] =	stream.indirect.gather [hbm4b:s5+s17], $0x20, s24, s17, $0xb8;
	[tilespmem:$0x1DC00] =	vst v63  }
0xa6: {  	_ =	swait.ge [sflag:s28], $0x1000  }
0xa7: {  	[sflag:s28] =	ssyncset.done $0x0  }
0xa8: {  	[sflag:s28] =	ssyncadd.s32 $0xFFFFF000  }
0xa9: {  	_ =	swait.ge [sflag:s28], $0x1000  }
0xaa: {  	[sflag:s28] =	ssyncset.done $0x0  }
0xab: {  	[sflag:s28] =	ssyncadd.s32 $0xFFFFF000  }
0xac: {  	[spmem:s2] =	stream.indirect.scatter.add.f32 [tilespmem:s18], [sflag:$0x3], $0x20, s16, s17, $0xb8;
	[tilespmem:$0x1DC00] =	vst v63  }
0xad: {  	_ =	swait.ge [sflag:s14], $0x1000  }
0xae: {  	[sflag:s14] =	ssyncset.done $0x0  }
0xaf: {  	[sflag:s14] =	ssyncadd.s32 $0xFFFFF000  }
0xb0: {  	[spmem:s2] =	stream.indirect.scatter.add.f32 [tilespmem:s20], [sflag:$0x3], $0x20, s29, s17, $0xb8;
	[tilespmem:$0x1DC00] =	vst v63  }
0xb1: {  	_ =	swait.ge [sflag:s14], $0x1000  }
0xb2: {  	[sflag:s14] =	ssyncset.done $0x0  }
0xb3: {  	s3 =	sadd.s32 $0x1880, s3;
	[sflag:s14] =	ssyncadd.s32 $0xFFFFF000  }
0xb4: {  	[tilespmem:s15], [sflag:$0x3] =	stream.linear.gather [hbm4b:s3+s4], $0x100, $0x38;
	[tilespmem:$0x1DC00] =	vst v63  }
0xb5: {  	_ =	swait.ge [sflag:s14], $0x100  }
0xb6: {  	[sflag:s14] =	ssyncset.done $0x0  }
0xb7: {  	s25 =	sadd.s32 $0x1880, s12;
	[sflag:s14] =	ssyncadd.s32 $0xFFFFFF00  }
0xb8: {  	[tilespmem:s16], [sflag:$0x3] =	stream.linear.gather [hbm4b:s25+s4], $0x100, $0x38;
	[tilespmem:$0x1DC00] =	vst v63  }
0xb9: {  	_ =	swait.ge [sflag:s14], $0x100  }
0xba: {  	[sflag:s14] =	ssyncset.done $0x0  }
0xbb: {  	[sflag:s14] =	ssyncadd.s32 $0xFFFFFF00  }
0xbc: {  	[tilespmem:s18], [sflag:$0x1] =	stream.indirect.gather [hbm4b:s5+s17], $0x20, s15, s17, $0xb8;
	[tilespmem:$0x1DC00] =	vst v63  }
0xbd: {  	_ = 	snop  }
0xbe: {  	[tilespmem:s20], [sflag:$0x1] =	stream.indirect.gather [hbm4b:s5+s17], $0x20, s19, s17, $0xb8;
	[tilespmem:$0x1DC00] =	vst v63  }
0xbf: {  	_ =	swait.ge [sflag:s30], $0x1000  }
0xc0: {  	[sflag:s30] =	ssyncset.done $0x0  }
0xc1: {  	[sflag:s30] =	ssyncadd.s32 $0xFFFFF000  }
0xc2: {  	_ =	swait.ge [sflag:s30], $0x1000  }
0xc3: {  	[sflag:s30] =	ssyncset.done $0x0  }
0xc4: {  	[sflag:s30] =	ssyncadd.s32 $0xFFFFF000  }
0xc5: {  	[spmem:s2] =	stream.indirect.scatter.add.f32 [tilespmem:s23], [sflag:$0x3], $0x20, s22, s17, $0xb8;
	[tilespmem:$0x1DC00] =	vst v63  }
0xc6: {  	_ =	swait.ge [sflag:s14], $0x1000  }
0xc7: {  	[sflag:s14] =	ssyncset.done $0x0  }
0xc8: {  	[sflag:s14] =	ssyncadd.s32 $0xFFFFF000  }
0xc9: {  	[spmem:s2] =	stream.indirect.scatter.add.f32 [tilespmem:s26], [sflag:$0x3], $0x20, s31, s17, $0xb8;
	[tilespmem:$0x1DC00] =	vst v63  }
0xca: {  	s11 =	simm.s32 $0xFFFFE840;
	_ =	swait.ge [sflag:s14], $0x1000  }
0xcb: {  	s10 =	sadd.s32 $0xFFFFE800, s7;
	s3 =	simm.s32 $0xFFFFE800;
	[sflag:s14] =	ssyncset.done $0x0  }
.LBB2_10:
0xcc: {  	s12 =	sadd.s32 $0x1860, s10  }
0xcd: {  	[sflag:s14] =	ssyncadd.s32 $0xFFFFF000;
	s25 =	smov.u32 s11;
	s9 =	sadd.s32 $0x40, s11  }
0xce: {  	[tilespmem:s21], [sflag:$0x3] =	stream.linear.gather [hbm4b:s12+s4], $0x100, $0x38;
	[tilespmem:$0x1DC00] =	vst v63  }
0xcf: {  	p1 =	sne.s32 s11, $0xFFFFFFC0;
	_ =	swait.ge [sflag:s14], $0x100  }
0xd0: {  	s11 =	sadd.s32 s3, s8;
	s3 =	smov.u32 s25;
	[sflag:s14] =	ssyncset.done $0x0  }
0xd1: {  	s12 =	sadd.s32 $0x1860, s11;
	[sflag:s14] =	ssyncadd.s32 $0xFFFFFF00  }
0xd2: {  	[tilespmem:s22], [sflag:$0x3] =	stream.linear.gather [hbm4b:s12+s4], $0x100, $0x38;
	[tilespmem:$0x1DC00] =	vst v63  }
0xd3: {  	_ =	swait.ge [sflag:s14], $0x100  }
0xd4: {  	[sflag:s14] =	ssyncset.done $0x0  }
0xd5: {  	[sflag:s14] =	ssyncadd.s32 $0xFFFFFF00  }
0xd6: {  	[tilespmem:s23], [sflag:$0x2] =	stream.indirect.gather [hbm4b:s5+s17], $0x20, s21, s17, $0xb8;
	[tilespmem:$0x1DC00] =	vst v63  }
0xd7: {  	_ = 	snop  }
0xd8: {  	[tilespmem:s26], [sflag:$0x2] =	stream.indirect.gather [hbm4b:s5+s17], $0x20, s24, s17, $0xb8;
	[tilespmem:$0x1DC00] =	vst v63  }
0xd9: {  	_ =	swait.ge [sflag:s28], $0x1000  }
0xda: {  	[sflag:s28] =	ssyncset.done $0x0  }
0xdb: {  	[sflag:s28] =	ssyncadd.s32 $0xFFFFF000  }
0xdc: {  	_ =	swait.ge [sflag:s28], $0x1000  }
0xdd: {  	[sflag:s28] =	ssyncset.done $0x0  }
0xde: {  	[sflag:s28] =	ssyncadd.s32 $0xFFFFF000  }
0xdf: {  	[spmem:s2] =	stream.indirect.scatter.add.f32 [tilespmem:s18], [sflag:$0x3], $0x20, s16, s17, $0xb8;
	[tilespmem:$0x1DC00] =	vst v63  }
0xe0: {  	_ =	swait.ge [sflag:s14], $0x1000  }
0xe1: {  	[sflag:s14] =	ssyncset.done $0x0  }
0xe2: {  	[sflag:s14] =	ssyncadd.s32 $0xFFFFF000  }
0xe3: {  	[spmem:s2] =	stream.indirect.scatter.add.f32 [tilespmem:s20], [sflag:$0x3], $0x20, s29, s17, $0xb8;
	[tilespmem:$0x1DC00] =	vst v63  }
0xe4: {  	_ =	swait.ge [sflag:s14], $0x1000  }
0xe5: {  	[sflag:s14] =	ssyncset.done $0x0  }
0xe6: {  	s10 =	sadd.s32 $0x1880, s10;
	[sflag:s14] =	ssyncadd.s32 $0xFFFFF000  }
0xe7: {  	[tilespmem:s15], [sflag:$0x3] =	stream.linear.gather [hbm4b:s10+s4], $0x100, $0x38;
	[tilespmem:$0x1DC00] =	vst v63  }
0xe8: {  	_ =	swait.ge [sflag:s14], $0x100  }
0xe9: {  	[sflag:s14] =	ssyncset.done $0x0  }
0xea: {  	s10 =	sadd.s32 $0x1880, s11;
	[sflag:s14] =	ssyncadd.s32 $0xFFFFFF00  }
0xeb: {  	[tilespmem:s16], [sflag:$0x3] =	stream.linear.gather [hbm4b:s10+s4], $0x100, $0x38;
	[tilespmem:$0x1DC00] =	vst v63  }
0xec: {  	_ =	swait.ge [sflag:s14], $0x100  }
0xed: {  	[sflag:s14] =	ssyncset.done $0x0  }
0xee: {  	[sflag:s14] =	ssyncadd.s32 $0xFFFFFF00  }
0xef: {  	[tilespmem:s18], [sflag:$0x1] =	stream.indirect.gather [hbm4b:s5+s17], $0x20, s15, s17, $0xb8;
	[tilespmem:$0x1DC00] =	vst v63  }
0xf0: {  	_ = 	snop  }
0xf1: {  	[tilespmem:s20], [sflag:$0x1] =	stream.indirect.gather [hbm4b:s5+s17], $0x20, s19, s17, $0xb8;
	[tilespmem:$0x1DC00] =	vst v63  }
0xf2: {  	_ =	swait.ge [sflag:s30], $0x1000  }
0xf3: {  	[sflag:s30] =	ssyncset.done $0x0  }
0xf4: {  	[sflag:s30] =	ssyncadd.s32 $0xFFFFF000  }
0xf5: {  	_ =	swait.ge [sflag:s30], $0x1000  }
0xf6: {  	[sflag:s30] =	ssyncset.done $0x0  }
0xf7: {  	[sflag:s30] =	ssyncadd.s32 $0xFFFFF000  }
0xf8: {  	[spmem:s2] =	stream.indirect.scatter.add.f32 [tilespmem:s23], [sflag:$0x3], $0x20, s22, s17, $0xb8;
	[tilespmem:$0x1DC00] =	vst v63  }
0xf9: {  	_ =	swait.ge [sflag:s14], $0x1000  }
.Ltmp5:
0xfa: {  	[sflag:s14] =	ssyncset.done $0x0;
	(pc) =	sbr.rel @p1 .LBB2_10-.Ltmp5, $4  }
0xfb: {  	[sflag:s14] =	ssyncadd.s32 $0xFFFFF000  }
0xfc: {  	[spmem:s2] =	stream.indirect.scatter.add.f32 [tilespmem:s26], [sflag:$0x3], $0x20, s31, s17, $0xb8;
	[tilespmem:$0x1DC00] =	vst v63  }
0xfd: {  	_ =	swait.ge [sflag:s14], $0x1000  }
0xfe: {  	s11 =	smov.u32 s9;
	s10 =	sadd.s32 s3, s7;
	[sflag:s14] =	ssyncset.done $0x0  }
0xff: {  	s9 =	sadd.s32 $0x1860, s10;
	[sflag:s14] =	ssyncadd.s32 $0xFFFFF000  }
0x100: {  	[tilespmem:s21], [sflag:$0x3] =	stream.linear.gather [hbm4b:s9+s4], $0x100, $0x38;
	[tilespmem:$0x1DC00] =	vst v63  }
0x101: {  	_ =	swait.ge [sflag:s14], $0x100  }
0x102: {  	s3 =	sadd.s32 s3, s8;
	[sflag:s14] =	ssyncset.done $0x0  }
0x103: {  	s12 =	sadd.s32 $0x1860, s3;
	[sflag:s14] =	ssyncadd.s32 $0xFFFFFF00  }
0x104: {  	[tilespmem:s22], [sflag:$0x3] =	stream.linear.gather [hbm4b:s12+s4], $0x100, $0x38;
	[tilespmem:$0x1DC00] =	vst v63  }
0x105: {  	_ =	swait.ge [sflag:s14], $0x100  }
0x106: {  	[sflag:s14] =	ssyncset.done $0x0  }
0x107: {  	[sflag:s14] =	ssyncadd.s32 $0xFFFFFF00  }
0x108: {  	[tilespmem:s23], [sflag:$0x2] =	stream.indirect.gather [hbm4b:s5+s17], $0x20, s21, s17, $0xb8;
	[tilespmem:$0x1DC00] =	vst v63  }
0x109: {  	_ = 	snop  }
0x10a: {  	[tilespmem:s26], [sflag:$0x2] =	stream.indirect.gather [hbm4b:s5+s17], $0x20, s24, s17, $0xb8;
	[tilespmem:$0x1DC00] =	vst v63  }
0x10b: {  	_ =	swait.ge [sflag:s28], $0x1000  }
0x10c: {  	[sflag:s28] =	ssyncset.done $0x0  }
0x10d: {  	[sflag:s28] =	ssyncadd.s32 $0xFFFFF000  }
0x10e: {  	_ =	swait.ge [sflag:s28], $0x1000  }
0x10f: {  	[sflag:s28] =	ssyncset.done $0x0  }
0x110: {  	[sflag:s28] =	ssyncadd.s32 $0xFFFFF000  }
0x111: {  	[spmem:s2] =	stream.indirect.scatter.add.f32 [tilespmem:s18], [sflag:$0x3], $0x20, s16, s17, $0xb8;
	[tilespmem:$0x1DC00] =	vst v63  }
0x112: {  	_ =	swait.ge [sflag:s14], $0x1000  }
0x113: {  	[sflag:s14] =	ssyncset.done $0x0  }
0x114: {  	[sflag:s14] =	ssyncadd.s32 $0xFFFFF000  }
0x115: {  	[spmem:s2] =	stream.indirect.scatter.add.f32 [tilespmem:s20], [sflag:$0x3], $0x20, s29, s17, $0xb8;
	[tilespmem:$0x1DC00] =	vst v63  }
0x116: {  	_ =	swait.ge [sflag:s14], $0x1000  }
0x117: {  	[sflag:s14] =	ssyncset.done $0x0  }
0x118: {  	s25 =	sadd.s32 $0x1880, s10;
	[sflag:s14] =	ssyncadd.s32 $0xFFFFF000  }
0x119: {  	[tilespmem:s15], [sflag:$0x3] =	stream.linear.gather [hbm4b:s25+s4], $0x100, $0x38;
	[tilespmem:$0x1DC00] =	vst v63  }
0x11a: {  	_ =	swait.ge [sflag:s14], $0x100  }
0x11b: {  	[sflag:s14] =	ssyncset.done $0x0  }
0x11c: {  	s3 =	sadd.s32 $0x1880, s3;
	[sflag:s14] =	ssyncadd.s32 $0xFFFFFF00  }
0x11d: {  	[tilespmem:s16], [sflag:$0x3] =	stream.linear.gather [hbm4b:s3+s4], $0x100, $0x38;
	[tilespmem:$0x1DC00] =	vst v63  }
0x11e: {  	_ =	swait.ge [sflag:s14], $0x100  }
0x11f: {  	[sflag:s14] =	ssyncset.done $0x0  }
0x120: {  	[sflag:s14] =	ssyncadd.s32 $0xFFFFFF00  }
0x121: {  	[tilespmem:s18], [sflag:$0x1] =	stream.indirect.gather [hbm4b:s5+s17], $0x20, s15, s17, $0xb8;
	[tilespmem:$0x1DC00] =	vst v63  }
0x122: {  	_ = 	snop  }
0x123: {  	[tilespmem:s20], [sflag:$0x1] =	stream.indirect.gather [hbm4b:s5+s17], $0x20, s19, s17, $0xb8;
	[tilespmem:$0x1DC00] =	vst v63  }
0x124: {  	_ =	swait.ge [sflag:s30], $0x1000  }
0x125: {  	[sflag:s30] =	ssyncset.done $0x0  }
0x126: {  	[sflag:s30] =	ssyncadd.s32 $0xFFFFF000  }
0x127: {  	_ =	swait.ge [sflag:s30], $0x1000  }
0x128: {  	[sflag:s30] =	ssyncset.done $0x0  }
0x129: {  	[sflag:s30] =	ssyncadd.s32 $0xFFFFF000  }
0x12a: {  	[spmem:s2] =	stream.indirect.scatter.add.f32 [tilespmem:s23], [sflag:$0x3], $0x20, s22, s17, $0xb8;
	[tilespmem:$0x1DC00] =	vst v63  }
0x12b: {  	_ =	swait.ge [sflag:s14], $0x1000  }
0x12c: {  	[sflag:s14] =	ssyncset.done $0x0  }
.Ltmp6:
0x12d: {  	[sflag:s14] =	ssyncadd.s32 $0xFFFFF000;
	(pc) =	sbr.rel .LBB2_12-.Ltmp6, $4  }
0x12e: {  	[spmem:s2] =	stream.indirect.scatter.add.f32 [tilespmem:s26], [sflag:$0x3], $0x20, s31, s17, $0xb8;
	[tilespmem:$0x1DC00] =	vst v63  }
0x12f: {  	_ =	swait.ge [sflag:s14], $0x1000  }
0x130: {  	[sflag:s14] =	ssyncset.done $0x0  }
0x131: {  	s3 =	smov.u32 s5;
	[sflag:s14] =	ssyncadd.s32 $0xFFFFF000  }
.LBB2_6:
0x132: {  	[tilespmem:s18], [sflag:$0x1] =	stream.indirect.gather [hbm4b:s1+s17], $0x20, s15, s17, $0xb8;
	[tilespmem:$0x1DC00] =	vst v63  }
0x133: {  	s3 =	sadd.s32 $0xFFFFE7C0, s7  }
0x134: {  	[tilespmem:s20], [sflag:$0x1] =	stream.indirect.gather [hbm4b:s1+s17], $0x20, s19, s17, $0xb8;
	[tilespmem:$0x1DC00] =	vst v63  }
0x135: {  	s9 =	sadd.s32 $0x1860, s3  }
0x136: {  	[tilespmem:s21], [sflag:$0x3] =	stream.linear.gather [hbm4b:s9+s4], $0x100, $0x38;
	[tilespmem:$0x1DC00] =	vst v63  }
0x137: {  	_ =	swait.ge [sflag:s14], $0x100  }
0x138: {  	s12 =	sadd.s32 $0xFFFFE7C0, s8;
	[sflag:s14] =	ssyncset.done $0x0  }
0x139: {  	s10 =	sadd.s32 $0x1860, s12;
	[sflag:s14] =	ssyncadd.s32 $0xFFFFFF00  }
0x13a: {  	[tilespmem:s22], [sflag:$0x3] =	stream.linear.gather [hbm4b:s10+s4], $0x100, $0x38;
	[tilespmem:$0x1DC00] =	vst v63  }
0x13b: {  	_ =	swait.ge [sflag:s14], $0x100  }
0x13c: {  	[sflag:s14] =	ssyncset.done $0x0  }
0x13d: {  	[sflag:s14] =	ssyncadd.s32 $0xFFFFFF00  }
0x13e: {  	[tilespmem:s23], [sflag:$0x2] =	stream.indirect.gather [hbm4b:s1+s17], $0x20, s21, s17, $0xb8;
	[tilespmem:$0x1DC00] =	vst v63  }
0x13f: {  	_ = 	snop  }
0x140: {  	[tilespmem:s26], [sflag:$0x2] =	stream.indirect.gather [hbm4b:s1+s17], $0x20, s24, s17, $0xb8;
	[tilespmem:$0x1DC00] =	vst v63  }
0x141: {  	_ =	swait.ge [sflag:s28], $0x1000  }
0x142: {  	[sflag:s28] =	ssyncset.done $0x0  }
0x143: {  	[sflag:s28] =	ssyncadd.s32 $0xFFFFF000  }
0x144: {  	_ =	swait.ge [sflag:s28], $0x1000  }
0x145: {  	[sflag:s28] =	ssyncset.done $0x0  }
0x146: {  	[sflag:s28] =	ssyncadd.s32 $0xFFFFF000  }
0x147: {  	[spmem:s2] =	stream.indirect.scatter.add.f32 [tilespmem:s18], [sflag:$0x3], $0x20, s16, s17, $0xb8;
	[tilespmem:$0x1DC00] =	vst v63  }
0x148: {  	_ =	swait.ge [sflag:s14], $0x1000  }
0x149: {  	[sflag:s14] =	ssyncset.done $0x0  }
0x14a: {  	[sflag:s14] =	ssyncadd.s32 $0xFFFFF000  }
0x14b: {  	[spmem:s2] =	stream.indirect.scatter.add.f32 [tilespmem:s20], [sflag:$0x3], $0x20, s29, s17, $0xb8;
	[tilespmem:$0x1DC00] =	vst v63  }
0x14c: {  	_ =	swait.ge [sflag:s14], $0x1000  }
0x14d: {  	[sflag:s14] =	ssyncset.done $0x0  }
0x14e: {  	s3 =	sadd.s32 $0x1880, s3;
	[sflag:s14] =	ssyncadd.s32 $0xFFFFF000  }
0x14f: {  	[tilespmem:s15], [sflag:$0x3] =	stream.linear.gather [hbm4b:s3+s4], $0x100, $0x38;
	[tilespmem:$0x1DC00] =	vst v63  }
0x150: {  	_ =	swait.ge [sflag:s14], $0x100  }
0x151: {  	[sflag:s14] =	ssyncset.done $0x0  }
0x152: {  	s25 =	sadd.s32 $0x1880, s12;
	[sflag:s14] =	ssyncadd.s32 $0xFFFFFF00  }
0x153: {  	[tilespmem:s16], [sflag:$0x3] =	stream.linear.gather [hbm4b:s25+s4], $0x100, $0x38;
	[tilespmem:$0x1DC00] =	vst v63  }
0x154: {  	_ =	swait.ge [sflag:s14], $0x100  }
0x155: {  	[sflag:s14] =	ssyncset.done $0x0  }
0x156: {  	[sflag:s14] =	ssyncadd.s32 $0xFFFFFF00  }
0x157: {  	[tilespmem:s18], [sflag:$0x1] =	stream.indirect.gather [hbm4b:s1+s17], $0x20, s15, s17, $0xb8;
	[tilespmem:$0x1DC00] =	vst v63  }
0x158: {  	_ = 	snop  }
0x159: {  	[tilespmem:s20], [sflag:$0x1] =	stream.indirect.gather [hbm4b:s1+s17], $0x20, s19, s17, $0xb8;
	[tilespmem:$0x1DC00] =	vst v63  }
0x15a: {  	_ =	swait.ge [sflag:s30], $0x1000  }
0x15b: {  	[sflag:s30] =	ssyncset.done $0x0  }
0x15c: {  	[sflag:s30] =	ssyncadd.s32 $0xFFFFF000  }
0x15d: {  	_ =	swait.ge [sflag:s30], $0x1000  }
0x15e: {  	[sflag:s30] =	ssyncset.done $0x0  }
0x15f: {  	[sflag:s30] =	ssyncadd.s32 $0xFFFFF000  }
0x160: {  	[spmem:s2] =	stream.indirect.scatter.add.f32 [tilespmem:s23], [sflag:$0x3], $0x20, s22, s17, $0xb8;
	[tilespmem:$0x1DC00] =	vst v63  }
0x161: {  	_ =	swait.ge [sflag:s14], $0x1000  }
0x162: {  	[sflag:s14] =	ssyncset.done $0x0  }
0x163: {  	[sflag:s14] =	ssyncadd.s32 $0xFFFFF000  }
0x164: {  	[spmem:s2] =	stream.indirect.scatter.add.f32 [tilespmem:s26], [sflag:$0x3], $0x20, s31, s17, $0xb8;
	[tilespmem:$0x1DC00] =	vst v63  }
0x165: {  	s9 =	simm.s32 $0xFFFFE840;
	_ =	swait.ge [sflag:s14], $0x1000  }
0x166: {  	s10 =	sadd.s32 $0xFFFFE800, s7;
	s3 =	simm.s32 $0xFFFFE800;
	[sflag:s14] =	ssyncset.done $0x0  }
.LBB2_7:
0x167: {  	s12 =	sadd.s32 $0x1860, s10  }
0x168: {  	[sflag:s14] =	ssyncadd.s32 $0xFFFFF000;
	s25 =	smov.u32 s9;
	s11 =	sadd.s32 $0x40, s9  }
0x169: {  	[tilespmem:s21], [sflag:$0x3] =	stream.linear.gather [hbm4b:s12+s4], $0x100, $0x38;
	[tilespmem:$0x1DC00] =	vst v63  }
0x16a: {  	p1 =	seq.s32 s9, $0xFFFFFFC0;
	_ =	swait.ge [sflag:s14], $0x100  }
0x16b: {  	s9 =	sadd.s32 s3, s8;
	s3 =	smov.u32 s25;
	[sflag:s14] =	ssyncset.done $0x0  }
0x16c: {  	s12 =	sadd.s32 $0x1860, s9;
	[sflag:s14] =	ssyncadd.s32 $0xFFFFFF00  }
0x16d: {  	[tilespmem:s22], [sflag:$0x3] =	stream.linear.gather [hbm4b:s12+s4], $0x100, $0x38;
	[tilespmem:$0x1DC00] =	vst v63  }
0x16e: {  	_ =	swait.ge [sflag:s14], $0x100  }
0x16f: {  	[sflag:s14] =	ssyncset.done $0x0  }
0x170: {  	[sflag:s14] =	ssyncadd.s32 $0xFFFFFF00  }
0x171: {  	[tilespmem:s23], [sflag:$0x2] =	stream.indirect.gather [hbm4b:s1+s17], $0x20, s21, s17, $0xb8;
	[tilespmem:$0x1DC00] =	vst v63  }
0x172: {  	_ = 	snop  }
0x173: {  	[tilespmem:s26], [sflag:$0x2] =	stream.indirect.gather [hbm4b:s1+s17], $0x20, s24, s17, $0xb8;
	[tilespmem:$0x1DC00] =	vst v63  }
0x174: {  	_ =	swait.ge [sflag:s28], $0x1000  }
0x175: {  	[sflag:s28] =	ssyncset.done $0x0  }
0x176: {  	[sflag:s28] =	ssyncadd.s32 $0xFFFFF000  }
0x177: {  	_ =	swait.ge [sflag:s28], $0x1000  }
0x178: {  	[sflag:s28] =	ssyncset.done $0x0  }
0x179: {  	[sflag:s28] =	ssyncadd.s32 $0xFFFFF000  }
0x17a: {  	[spmem:s2] =	stream.indirect.scatter.add.f32 [tilespmem:s18], [sflag:$0x3], $0x20, s16, s17, $0xb8;
	[tilespmem:$0x1DC00] =	vst v63  }
0x17b: {  	_ =	swait.ge [sflag:s14], $0x1000  }
0x17c: {  	[sflag:s14] =	ssyncset.done $0x0  }
0x17d: {  	[sflag:s14] =	ssyncadd.s32 $0xFFFFF000  }
0x17e: {  	[spmem:s2] =	stream.indirect.scatter.add.f32 [tilespmem:s20], [sflag:$0x3], $0x20, s29, s17, $0xb8;
	[tilespmem:$0x1DC00] =	vst v63  }
0x17f: {  	_ =	swait.ge [sflag:s14], $0x1000  }
0x180: {  	[sflag:s14] =	ssyncset.done $0x0  }
0x181: {  	s10 =	sadd.s32 $0x1880, s10;
	[sflag:s14] =	ssyncadd.s32 $0xFFFFF000  }
0x182: {  	[tilespmem:s15], [sflag:$0x3] =	stream.linear.gather [hbm4b:s10+s4], $0x100, $0x38;
	[tilespmem:$0x1DC00] =	vst v63  }
0x183: {  	_ =	swait.ge [sflag:s14], $0x100  }
0x184: {  	[sflag:s14] =	ssyncset.done $0x0  }
0x185: {  	s9 =	sadd.s32 $0x1880, s9;
	[sflag:s14] =	ssyncadd.s32 $0xFFFFFF00  }
0x186: {  	[tilespmem:s16], [sflag:$0x3] =	stream.linear.gather [hbm4b:s9+s4], $0x100, $0x38;
	[tilespmem:$0x1DC00] =	vst v63  }
0x187: {  	_ =	swait.ge [sflag:s14], $0x100  }
0x188: {  	[sflag:s14] =	ssyncset.done $0x0  }
0x189: {  	[sflag:s14] =	ssyncadd.s32 $0xFFFFFF00  }
0x18a: {  	[tilespmem:s18], [sflag:$0x1] =	stream.indirect.gather [hbm4b:s1+s17], $0x20, s15, s17, $0xb8;
	[tilespmem:$0x1DC00] =	vst v63  }
0x18b: {  	_ = 	snop  }
0x18c: {  	[tilespmem:s20], [sflag:$0x1] =	stream.indirect.gather [hbm4b:s1+s17], $0x20, s19, s17, $0xb8;
	[tilespmem:$0x1DC00] =	vst v63  }
0x18d: {  	_ =	swait.ge [sflag:s30], $0x1000  }
0x18e: {  	[sflag:s30] =	ssyncset.done $0x0  }
0x18f: {  	[sflag:s30] =	ssyncadd.s32 $0xFFFFF000  }
0x190: {  	_ =	swait.ge [sflag:s30], $0x1000  }
0x191: {  	[sflag:s30] =	ssyncset.done $0x0  }
0x192: {  	[sflag:s30] =	ssyncadd.s32 $0xFFFFF000  }
0x193: {  	[spmem:s2] =	stream.indirect.scatter.add.f32 [tilespmem:s23], [sflag:$0x3], $0x20, s22, s17, $0xb8;
	[tilespmem:$0x1DC00] =	vst v63  }
0x194: {  	_ =	swait.ge [sflag:s14], $0x1000  }
.Ltmp7:
0x195: {  	[sflag:s14] =	ssyncset.done $0x0;
	(pc) =	sbr.rel @!p1 .LBB2_7-.Ltmp7, $4  }
0x196: {  	[sflag:s14] =	ssyncadd.s32 $0xFFFFF000  }
0x197: {  	[spmem:s2] =	stream.indirect.scatter.add.f32 [tilespmem:s26], [sflag:$0x3], $0x20, s31, s17, $0xb8;
	[tilespmem:$0x1DC00] =	vst v63  }
0x198: {  	_ =	swait.ge [sflag:s14], $0x1000  }
0x199: {  	s10 =	sadd.s32 s3, s7;
	s9 =	smov.u32 s11;
	[sflag:s14] =	ssyncset.done $0x0  }
.Ltmp8:
0x19a: {  	_ = 	snop;
	(pc) =	sbr.rel .LBB2_8-.Ltmp8, $1  }
0x19b: {  	_ =	sdelay $0x3  }
.LBB2_13:
0x19c: {  	_ =	sfence.sel $0x180000  }
0x19d: {  	[bflag:$0x0] =	sbarrier.arrive $0xFFFF  }
0x19e: {  	_ =	strace $0x9000004D  }
0x19f: {  	s0 =	stileid.u32;
	[bflag:$0x2] =	sbarrier.arrive $0xFFFF  }
0x1a0: {  	p0 =	sne.s32 s0, $0x0;
	s0 =	rddreg [dreg:$0x3]  }
0x1a1: {  	s0 =	sadd.s32 @!p0 $0x100000, s0  }
0x1a2: {  	[sflag:s0] =	ssyncadd.tile.s32 @!p0 $0x1;
	_ =	shalt  }
.Lfunc_end2:
_tile_overlayer_lowered:
.L_overlay_start_2:
0x1a3: {  	(tag) =	ssettag $0x2  }
0x1a4: {  	s0 =	rddreg [dreg:$0x0];
	s2 =	stileid.u32  }
0x1a5: {  	s1 =	rddreg [dreg:$0x1];
	p0 =	sne.s32 s2, $0x0  }
0x1a6: {  	s3 =	rddreg [dreg:$0x2];
	[bflag:$0x3] =	sbarrier.arrive $0xFFFF;
	s2 =	simm.s32 @!p0 $0x1C03  }
0x1a7: {  	[timem:s3], [sflag:s2] =	dma.local @!p0 [hbm:s0], s1  }
0x1a8: {  	s0 =	simm.s32 @!p0 $0x3  }
0x1a9: {  	_ =	swait.ge @!p0 [sflag:s0], s1  }
0x1aa: {  	s1 =	ssub.s32 @!p0 $0x0, s1;
	[sflag:s0] =	ssyncset.done @!p0 $0x0  }
0x1ab: {  	[sflag:s0] =	ssyncadd.s32 @!p0 s1  }
0x1ac: {  	[bflag:$0x3] =	sbarrier.arrive $0xFFFF  }
0x1ad: {  	_ =	shalt  }

// kernel: kernel.5.cloned.1.call-start
scs
__scs_entry_jumppad:
0x0: {  	(pc) =	sbr.rel $0x88, $3  }
0x1: {  	(tag) =	ssettag $0x0;
	lr =	simm.s32 $0x1  }
0x2: {  	[smem:$0x3F9F] =	sst lr;
	_ =	strace $0xD0000000  }
0x3: {  	_ = 	snop  }
0x4: {  	_ = 	snop  }
0x5: {  	_ = 	snop  }
0x6: {  	_ = 	snop  }
0x7: {  	_ = 	snop  }
__scs_overlays_trampoline_lowered:
0x8: {  	[smem:$0x3FAE] =	sst s0  }
0x9: {  	[smem:$0x3FAF] =	sst s1  }
0xa: {  	[smem:$0x3FB0] =	sst s2  }
0xb: {  	[smem:$0x3FB1] =	sst s3  }
0xc: {  	[smem:$0x3FB2] =	sst s4  }
0xd: {  	[smem:$0x3FB3] =	sst s5  }
0xe: {  	[smem:$0x3FB4] =	sst s6  }
0xf: {  	[smem:$0x3FB5] =	sst s7  }
0x10: {  	[smem:$0x3FB6] =	sst s8  }
0x11: {  	[smem:$0x3FB7] =	sst s9;
	s0 =	simm.s32 @!p0 $0x0  }
0x12: {  	s1 =	sld [smem:$0x3F9D];
	s0 =	simm.s32 @p0 $0x1  }
0x13: {  	[smem:$0x3FB8] =	sst s0;
	s0 =	simm.s32 @!p1 $0x0  }
0x14: {  	s2 =	sld [smem:$0x3F9C];
	s0 =	simm.s32 @p1 $0x1  }
0x15: {  	[smem:$0x3FB9] =	sst s0;
	s0 =	simm.s32 @!p2 $0x0  }
0x16: {  	s3 =	sld [smem:$0x3FDB];
	s0 =	simm.s32 @p2 $0x1  }
0x17: {  	s4 =	simm.s32 $0x1BF5;
	[smem:$0x3FBB] =	sst s0  }
0x18: {  	s0 =	sld [smem:$0x3F9E];
	_ =	swait.ge [sflag:s4], $0x0  }
0x19: {  	s7 =	sld [smem:$0x3F9F]  }
0x1a: {  	s8 =	sadd.s32 $0xFFFFE003, lr  }
0x1b: {  	s9 =	sadd.s32 $0xFFFFFEF7, lr;
	s5 =	simm.s32 $0xFFFFFFFF;
	p2 =	slt.u32 s8, $0xFFFFF086  }
0x1c: {  	p1 =	slt.u32 s9, $0xF7A;
	s5 =	simm.s32 @!p2 $0x0  }
0x1d: {  	s5 =	simm.s32 @p1 $0x1;
	p0 =	seq.s32 s7, s2  }
0x1e: {  	s7 =	smul.u32 @!p0 $0xF7A, s2;
	p2 =	seq.s32 @!p0 s5, $0x0  }
0x1f: {  	s9 =	smul.u32 $0xF7A, s1;
	s8 =	simm.s32 @!p0 $0x1BF5;
	p2 =	por !p2, p0  }
0x20: {  	[sflag:s8] =	ssyncset.s32 @!p0 $0xFFFFF086;
	s6 =	sadd.s32 @!p0 s3, s7;
	s7 =	simm.s32 @!p0 $0x108  }
0x21: {  	s3 =	sadd.s32 s3, s9;
	s6 =	sadd.s32 @!p0 $0x88, s6;
	s7 =	simm.s32 @p2 $0x1082  }
0x22: {  	[simem:s7], [sflag:s8] =	dma.local @!p0 [hbm:s6], $0xF7A  }
0x23: {  	s9 =	sor.u32 $0xD0000000, s2;
	s6 =	simm.s32 $0x108;
	_ =	swait.ge @!p0 [sflag:s8], $0x0  }
0x24: {  	s3 =	sadd.s32 $0x88, s3;
	s6 =	simm.s32 @!p1 $0x1082;
	[sflag:s4] =	ssyncset.s32 $0xFFFFF086  }
0x25: {  	[simem:s6], [sflag:s4] =	dma.local [hbm:s3], $0xF7A  }
0x26: {  	[smem:$0x3F9F] =	sst s1;
	(tag) =	ssettag s2;
	_ =	strace s9  }
0x27: {  	s1 =	sld [smem:$0x3FAF]  }
0x28: {  	s2 =	sld [smem:$0x3FB0]  }
0x29: {  	s4 =	sld [smem:$0x3FB2]  }
0x2a: {  	p0 =	seq.s32 s5, $0x0;
	s5 =	sld [smem:$0x3FB3]  }
0x2b: {  	s6 =	sld [smem:$0x3FB4]  }
0x2c: {  	s7 =	sld [smem:$0x3FB5]  }
0x2d: {  	s3 =	simm.s32 $0x108;
	s8 =	sld [smem:$0x3FB6]  }
0x2e: {  	s3 =	simm.s32 @!p0 $0x1082;
	s9 =	sld [smem:$0x3FB7]  }
0x2f: {  	lr =	sadd.s32 s0, s3;
	s0 =	sld [smem:$0x3FAE]  }
0x30: {  	s3 =	sld [smem:$0x3FB1]  }
0x31: {  	[smem:$0x3FBA] =	sst s10  }
0x32: {  	s10 =	sld [smem:$0x3FB8];
	_ =	sdelay $0x3  }
0x33: {  	p0 =	seq.s32 s10, $0x1;
	s10 =	sld [smem:$0x3FBA];
	_ =	sdelay $0x3  }
0x34: {  	[smem:$0x3FBA] =	sst s10  }
0x35: {  	s10 =	sld [smem:$0x3FB9];
	_ =	sdelay $0x3  }
0x36: {  	p1 =	seq.s32 s10, $0x1;
	s10 =	sld [smem:$0x3FBA];
	_ =	sdelay $0x3  }
0x37: {  	[smem:$0x3FBA] =	sst s10  }
0x38: {  	s10 =	sld [smem:$0x3FBB]  }
0x39: {  	_ = 	snop;
	(pc) =	sbr.ind lr, $3  }
0x3a: {  	_ = 	snop  }
0x3b: {  	_ = 	snop  }
0x3c: {  	p2 =	seq.s32 s10, $0x1;
	s10 =	sld [smem:$0x3FBA]  }
0x3d: {  	_ =	shalt  }
0x3e: {  	_ =	shalt  }
0x3f: {  	_ =	shalt  }
0x40: {  	_ =	shalt  }
0x41: {  	_ =	shalt  }
0x42: {  	_ =	shalt  }
0x43: {  	_ =	shalt  }
0x44: {  	_ =	shalt  }
0x45: {  	_ =	shalt  }
0x46: {  	_ =	shalt  }
0x47: {  	_ =	shalt  }
0x48: {  	_ =	shalt  }
0x49: {  	_ =	shalt  }
0x4a: {  	_ =	shalt  }
0x4b: {  	_ =	shalt  }
0x4c: {  	_ =	shalt  }
0x4d: {  	_ =	shalt  }
0x4e: {  	_ =	shalt  }
0x4f: {  	_ =	shalt  }
0x50: {  	_ =	shalt  }
0x51: {  	_ =	shalt  }
0x52: {  	_ =	shalt  }
0x53: {  	_ =	shalt  }
0x54: {  	_ =	shalt  }
0x55: {  	_ =	shalt  }
0x56: {  	_ =	shalt  }
0x57: {  	_ =	shalt  }
0x58: {  	_ =	shalt  }
0x59: {  	_ =	shalt  }
0x5a: {  	_ =	shalt  }
0x5b: {  	_ =	shalt  }
0x5c: {  	_ =	shalt  }
0x5d: {  	_ =	shalt  }
0x5e: {  	_ =	shalt  }
0x5f: {  	_ =	shalt  }
0x60: {  	_ =	shalt  }
0x61: {  	_ =	shalt  }
0x62: {  	_ =	shalt  }
0x63: {  	_ =	shalt  }
0x64: {  	_ =	shalt  }
0x65: {  	_ =	shalt  }
0x66: {  	_ =	shalt  }
0x67: {  	_ =	shalt  }
0x68: {  	_ =	shalt  }
0x69: {  	_ =	shalt  }
0x6a: {  	_ =	shalt  }
0x6b: {  	_ =	shalt  }
0x6c: {  	_ =	shalt  }
0x6d: {  	_ =	shalt  }
0x6e: {  	_ =	shalt  }
0x6f: {  	_ =	shalt  }
0x70: {  	_ =	shalt  }
0x71: {  	_ =	shalt  }
0x72: {  	_ =	shalt  }
0x73: {  	_ =	shalt  }
0x74: {  	_ =	shalt  }
0x75: {  	_ =	shalt  }
0x76: {  	_ =	shalt  }
0x77: {  	_ =	shalt  }
0x78: {  	_ =	shalt  }
0x79: {  	_ =	shalt  }
0x7a: {  	_ =	shalt  }
0x7b: {  	_ =	shalt  }
0x7c: {  	_ =	shalt  }
0x7d: {  	_ =	shalt  }
0x7e: {  	_ =	shalt  }
0x7f: {  	_ =	shalt  }
0x80: {  	_ =	shalt  }
0x81: {  	_ =	shalt  }
0x82: {  	_ =	shalt  }
0x83: {  	_ =	shalt  }
0x84: {  	_ =	shalt  }
0x85: {  	_ =	shalt  }
0x86: {  	_ =	shalt  }
0x87: {  	_ =	shalt  }
.Lfunc_end0:
.L_simem_size_0:
called_computation_lowered:
.L_overlay_start_0:
0x88: {  	s2 =	sld [smem:$0x3FD9]  }
0x89: {  	s3 =	sld [smem:$0x3FFE];
	_ =	sdelay $0x1  }
0x8a: {  	s1 =	srdreg.scid  }
0x8b: {  	s0 =	sand.u32 $0x1, s1  }
0x8c: {  	s17 =	sshll.u32 s0, $0xA;
	s2 =	sadd.s32 s3, s2  }
0x8d: {  	s2 =	sadd.s32 s2, s17  }
0x8e: {  	[smem:$0x3FC6] =	sst s2  }
0x8f: {  	_ = 	snop  }
0x90: {  	s2 =	sld [smem:$0x3FD0];
	(tm) =	ssettm $0x1  }
0x91: {  	s18 =	sld [smem:$0x3FFB];
	_ =	sdelay $0x3  }
0x92: {  	_ =	strace s18  }
0x93: {  	s3 =	sld [smem:$0x3FFC];
	_ =	sdelay $0x3  }
0x94: {  	_ =	strace s3  }
0x95: {  	s3 =	sld [smem:$0x3FFD];
	_ =	sdelay $0x3  }
0x96: {  	_ =	strace s3  }
0x97: {  	_ =	strace $0x8FFFFFFF  }
0x98: {  	s19 =	sld [smem:$0x3FDB];
	_ =	sdelay $0x1  }
0x99: {  	s4 =	simm.s32 $_scs_section_size  }
0x9a: {  	s5 =	simm.s32 $_size__tile_overlayer_lowered;
	s6 =	simm.s32 $_tile_overlayer_lowered  }
0x9b: {  	s22 =	simm.s32 $0x1BFF;
	s21 =	sshll.u32 s6, $0x1;
	s3 =	sadd.s32 s4, s19  }
0x9c: {  	s7 =	simm.s32 $0x0;
	s20 =	sshll.u32 s5, $0x1;
	s5 =	sadd.s32 s21, s3  }
0x9d: {  	[timem:s7], [sflag:s22] =	dma.local [hbm:s5], s20  }
0x9e: {  	_ =	swait.ge [sflag:s22], s20  }
0x9f: {  	s4 =	ssub.s32 $0x0, s20;
	[sflag:s22] =	ssyncset.done $0x0  }
0xa0: {  	[sflag:s22] =	ssyncadd.s32 s4;
	_ =	sdelay $0x1  }
0xa1: {  	s23 =	simm.s32 $0x1B8B  }
0xa2: {  	_ =	swait.ge [sflag:s23], $0x1  }
0xa3: {  	[sflag:s23] =	ssyncset.done $0x0  }
0xa4: {  	s25 =	simm.s32 $0x1B8E;
	s24 =	sld [smem:$0x3FFE];
	[sflag:s23] =	ssyncadd.s32 $0xFFFFFFFF  }
0xa5: {  	s26 =	simm.s32 $execute0_lowered;
	[smem:$0x3FD2] =	sst s25  }
0xa6: {  	s5 =	sshll.u32 s26, $0x1;
	_ =	strace $0x80000046;
	[dreg:$0x1] =	wrdreg $0xFFFFFFFF  }
0xa7: {  	s28 =	simm.s32 $_size_execute0_lowered;
	s3 =	sadd.s32 s3, s5;
	[dreg:$0x0] =	wrdreg $0x0  }
0xa8: {  	s5 =	sshll.u32 s28, $0x1;
	[dreg:$0x2] =	wrdreg s3  }
0xa9: {  	[dreg:$0x3] =	wrdreg s5  }
0xaa: {  	[dreg:$0x4] =	wrdreg $0xC0  }
0xab: {  	_ =	task [dreg:s7], $0x5FFFF  }
0xac: {  	[dreg:$0x1] =	wrdreg $0xFFFFFFFF  }
0xad: {  	[dreg:$0x0] =	wrdreg $0x60  }
0xae: {  	[dreg:$0x2] =	wrdreg s24  }
0xaf: {  	[dreg:$0x3] =	wrdreg s2  }
0xb0: {  	[dreg:$0x4] =	wrdreg $0x0  }
0xb1: {  	[dreg:$0x5] =	wrdreg $0x9  }
0xb2: {  	_ =	task.clear_ibuf [dreg:s7], $0x6FFFF;
	_ =	strace $0x90000046  }
0xb3: {  	s29 =	simm.s32 $0x9;
	_ =	strace $0x80000048  }
0xb4: {  	_ =	swait.ge [sflag:s29], $0x1  }
0xb5: {  	[sflag:s29] =	ssyncadd.s32 $0xFFFFFFFF  }
0xb6: {  	_ =	strace $0x90000048  }
0xb7: {  	_ =	sfence  }
0xb8: {  	s30 =	sld [smem:$0x0];
	_ =	sdelay $0x2  }
0xb9: {  	s31 =	sshll.u32 s1, $0xD;
	s1 =	sshrl.u32 s1, $0x2  }
0xba: {  	s3 =	sand.u32 $0x4000, s31;
	s1 =	sadd.s32 s1, s30  }
0xbb: {  	s0 =	sor.u32 s3, s0;
	s1 =	sshll.u32 s1, $0x11  }
0xbc: {  	s0 =	sor.u32 s1, s0  }
0xbd: {  	s0 =	sadd.s32 $0x8F2B, s0  }
0xbe: {  	[sflag:s0] =	ssyncadd.remote.s32 $0x1  }
0xbf: {  	_ =	sfence.sel $0xFFFF  }
0xc0: {  	[dreg:$0x0] =	wrdreg $0xFFFFFFFF;
	(pc) =	sbr.abs _section_cstart, $3  }
0xc1: {  	[dreg:$0x1] =	wrdreg $0xFFFFFFFF  }
0xc2: {  	_ =	task.clear_ibuf [dreg:s7], $0x2FFFF;
	_ =	strace $0x9FFFFFFF  }
0xc3: {  	(tm) =	ssettm $0x7FFFFFFF  }
tec
execute0_lowered:
.L_overlay_start_1:
0x0: {  	(tag) =	ssettag $0x1  }
0x1: {  	s4 =	rddreg [dreg:$0x0]  }
0x2: {  	s1 =	srdreg.scid;
	s5 =	rddreg [dreg:$0x1]  }
0x3: {  	s0 =	stileid.u32;
	s2 =	rddreg [dreg:$0x2]  }
0x4: {  	s3 =	simm.s32 $0x0;
	s11 =	simm.s32 $0x80;
	s12 =	simm.s32 $0xCA00  }
0x5: {  	s13 =	simm.s32 $0xC880;
	s14 =	simm.s32 $0xC900;
	s7 =	smul.u32 $0xC400, s0  }
0x6: {  	s15 =	simm.s32 $0xC980;
	s18 =	simm.s32 $0x0;
	s28 =	smul.u32 $0xC800, s0  }
0x7: {  	s6 =	sand.u32 $0x1, s1;
	s1 =	rddreg [dreg:$0x3];
	s10 =	smul.u32 $0x32000, s0  }
0x8: {  	[smem:$0x7FF] =	sst s3;
	s16 =	sshll.u32 s0, $0x6;
	s8 =	smul.u32 $0x6200, s6  }
0x9: {  	s9 =	smul.u32 $0xC8000, s6;
	_ =	strace $0x80000047;
	s29 =	ssub.s32 $0x2, s6  }
0xa: {  	s16 =	sor.u32 $0x1C01, s16;
	s31 =	sshrl.u32 s29, $0x1;
	s10 =	sshrl.u32 s10, $0x2  }
0xb: {  	s17 =	sadd.s32 s28, s2;
	s7 =	sadd.s32 s8, s7;
	s30 =	sadd.s32 s28, s9  }
0xc: {  	s9 =	ssub.s32 s29, s31;
	s8 =	simm.s32 $0xD200;
	s7 =	sshrl.u32 s7, $0x3  }
0xd: {  	s17 =	sshrl.u32 s17, $0x3;
	s6 =	sshrl.u32 s30, $0x3;
	s7 =	sadd.s32 s7, s4  }
0xe: {  	s4 =	sadd.s32 s10, s2;
	s5 =	sadd.s32 s5, s6;
	s6 =	smax.u32 s9, $0x1  }
0xf: {  	v0 =	vimm.f32 $0.0e+00;
	v1 =	vimm.f32 $1.000000000e+00;
	s9 =	simm.s32 $0x1;
	s10 =	simm.s32 $0xC800;
	s7 =	sadd.s32 $0x1BE00, s7  }
.LBB2_1:
0x10: {  	s19 =	simm.s32 $0x40;
	s20 =	simm.s32 $0x0  }
.LBB2_2:
0x11: {  	p0 =	sne.s32 s19, $0xFC0;
	[tilespmem:s20+$0xD200] =	vst v0;
	s20 =	smov.u32 s19;
	s19 =	sadd.s32 $0x40, s19  }
.Ltmp0:
0x12: {  	(pc) =	sbr.rel @p0 .LBB2_2-.Ltmp0, $2  }
0x13: {  	_ =	sdelay $0x2  }
0x14: {  	s20 =	sshra.s32 s20, $0x2  }
0x15: {  	[tilespmem:s20+$0xD200] =	vst v0;
	s19 =	simm.s32 $0x40;
	s20 =	simm.s32 $0x0  }
.LBB2_4:
0x16: {  	p0 =	sne.s32 s19, $0x1FC0;
	[tilespmem:s20+$0xCA00] =	vst v1;
	s20 =	smov.u32 s19;
	s19 =	sadd.s32 $0x40, s19  }
.Ltmp1:
0x17: {  	(pc) =	sbr.rel @p0 .LBB2_4-.Ltmp1, $2  }
0x18: {  	_ =	sdelay $0x2  }
0x19: {  	s20 =	sshra.s32 s20, $0x2  }
0x1a: {  	[tilespmem:s20+$0xCA00] =	vst v1;
	s19 =	sadd.s32 $0x0, s4  }
0x1b: {  	[spmem:s19] =	stream.linear.scatter [tilespmem:s8], [sflag:$0x1], $0x400, $0x38;
	[tilespmem:$0xD600] =	vst v63  }
0x1c: {  	s19 =	simm.s32 $0x1000;
	_ =	swait.ge [sflag:s9], $0x400  }
.LBB2_6:
0x1d: {  	s20 =	sshra.s32 s19, $0x2;
	[sflag:s9] =	ssyncset.done $0x0;
	p0 =	sne.s32 s19, $0x31000  }
.Ltmp2:
0x1e: {  	s20 =	sadd.s32 s20, s4;
	[sflag:s9] =	ssyncadd.s32 $0xFFFFFC00;
	(pc) =	sbr.rel @p0 .LBB2_6-.Ltmp2, $3  }
0x1f: {  	[spmem:s20] =	stream.linear.scatter [tilespmem:s8], [sflag:$0x1], $0x400, $0x38;
	[tilespmem:$0xD600] =	vst v63  }
0x20: {  	s19 =	sadd.s32 $0x1000, s19;
	_ =	sdelay $0x1  }
0x21: {  	_ =	swait.ge [sflag:s9], $0x400  }
0x22: {  	[sflag:s9] =	ssyncset.done $0x0  }
0x23: {  	[sflag:s9] =	ssyncadd.s32 $0xFFFFFC00  }
0x24: {  	s19 =	sadd.s32 $0x0, s7;
	[bflag:$0x0] =	sbarrier.arrive $0xFFFF  }
0x25: {  	[tilespmem:s10], [sflag:$0x1] =	stream.linear.gather [hbm4b:s19+s3], $0x200, $0x38;
	[tilespmem:$0xD600] =	vst v63  }
0x26: {  	_ =	swait.ge [sflag:s9], $0x200  }
0x27: {  	[sflag:s9] =	ssyncset.done $0x0  }
0x28: {  	[sflag:s9] =	ssyncadd.s32 $0xFFFFFE00  }
0x29: {  	[spmem:s2] =	stream.indirect.scatter.add.f32 [tilespmem:s12], [sflag:$0x1], $0x10, s10, s11, $0xb8;
	[tilespmem:$0xD600] =	vst v63  }
0x2a: {  	_ =	swait.ge [sflag:s9], $0x800  }
0x2b: {  	[sflag:s9] =	ssyncset.done $0x0  }
0x2c: {  	[sflag:s9] =	ssyncadd.s32 $0xFFFFF800  }
0x2d: {  	[spmem:s2] =	stream.indirect.scatter.add.f32 [tilespmem:s12], [sflag:$0x1], $0x10, s13, s11, $0xb8;
	[tilespmem:$0xD600] =	vst v63  }
0x2e: {  	_ =	swait.ge [sflag:s9], $0x800  }
0x2f: {  	[sflag:s9] =	ssyncset.done $0x0  }
0x30: {  	[sflag:s9] =	ssyncadd.s32 $0xFFFFF800  }
0x31: {  	[spmem:s2] =	stream.indirect.scatter.add.f32 [tilespmem:s12], [sflag:$0x1], $0x10, s14, s11, $0xb8;
	[tilespmem:$0xD600] =	vst v63  }
0x32: {  	_ =	swait.ge [sflag:s9], $0x800  }
0x33: {  	[sflag:s9] =	ssyncset.done $0x0  }
0x34: {  	[sflag:s9] =	ssyncadd.s32 $0xFFFFF800  }
0x35: {  	[spmem:s2] =	stream.indirect.scatter.add.f32 [tilespmem:s12], [sflag:$0x1], $0x10, s15, s11, $0xb8;
	[tilespmem:$0xD600] =	vst v63  }
0x36: {  	_ =	swait.ge [sflag:s9], $0x800  }
0x37: {  	s20 =	simm.s32 $0x80;
	s19 =	simm.s32 $0x40;
	[sflag:s9] =	ssyncset.done $0x0  }
.LBB2_8:
0x38: {  	s21 =	sadd.s32 s19, s7  }
0x39: {  	[sflag:s9] =	ssyncadd.s32 $0xFFFFF800;
	s19 =	smov.u32 s20;
	s22 =	sadd.s32 $0x40, s20  }
0x3a: {  	[tilespmem:s10], [sflag:$0x1] =	stream.linear.gather [hbm4b:s21+s3], $0x200, $0x38;
	[tilespmem:$0xD600] =	vst v63  }
0x3b: {  	p0 =	sne.s32 s20, $0xC00;
	_ =	swait.ge [sflag:s9], $0x200  }
0x3c: {  	[sflag:s9] =	ssyncset.done $0x0  }
0x3d: {  	[sflag:s9] =	ssyncadd.s32 $0xFFFFFE00  }
0x3e: {  	[spmem:s2] =	stream.indirect.scatter.add.f32 [tilespmem:s12], [sflag:$0x1], $0x10, s10, s11, $0xb8;
	[tilespmem:$0xD600] =	vst v63  }
0x3f: {  	_ =	swait.ge [sflag:s9], $0x800  }
0x40: {  	[sflag:s9] =	ssyncset.done $0x0  }
0x41: {  	[sflag:s9] =	ssyncadd.s32 $0xFFFFF800  }
0x42: {  	[spmem:s2] =	stream.indirect.scatter.add.f32 [tilespmem:s12], [sflag:$0x1], $0x10, s13, s11, $0xb8;
	[tilespmem:$0xD600] =	vst v63  }
0x43: {  	_ =	swait.ge [sflag:s9], $0x800  }
0x44: {  	[sflag:s9] =	ssyncset.done $0x0  }
0x45: {  	[sflag:s9] =	ssyncadd.s32 $0xFFFFF800  }
0x46: {  	[spmem:s2] =	stream.indirect.scatter.add.f32 [tilespmem:s12], [sflag:$0x1], $0x10, s14, s11, $0xb8;
	[tilespmem:$0xD600] =	vst v63  }
0x47: {  	_ =	swait.ge [sflag:s9], $0x800  }
.Ltmp3:
0x48: {  	[sflag:s9] =	ssyncset.done $0x0;
	(pc) =	sbr.rel @p0 .LBB2_8-.Ltmp3, $4  }
0x49: {  	[sflag:s9] =	ssyncadd.s32 $0xFFFFF800  }
0x4a: {  	[spmem:s2] =	stream.indirect.scatter.add.f32 [tilespmem:s12], [sflag:$0x1], $0x10, s15, s11, $0xb8;
	[tilespmem:$0xD600] =	vst v63  }
0x4b: {  	_ =	swait.ge [sflag:s9], $0x800  }
0x4c: {  	s20 =	smov.u32 s22;
	[sflag:s9] =	ssyncset.done $0x0  }
0x4d: {  	s19 =	sadd.s32 s19, s7;
	[sflag:s9] =	ssyncadd.s32 $0xFFFFF800  }
0x4e: {  	[tilespmem:s10], [sflag:$0x1] =	stream.linear.gather [hbm4b:s19+s3], $0x200, $0x38;
	[tilespmem:$0xD600] =	vst v63  }
0x4f: {  	_ =	swait.ge [sflag:s9], $0x200  }
0x50: {  	[sflag:s9] =	ssyncset.done $0x0  }
0x51: {  	[sflag:s9] =	ssyncadd.s32 $0xFFFFFE00  }
0x52: {  	[spmem:s2] =	stream.indirect.scatter.add.f32 [tilespmem:s12], [sflag:$0x1], $0x10, s10, s11, $0xb8;
	[tilespmem:$0xD600] =	vst v63  }
0x53: {  	_ =	swait.ge [sflag:s9], $0x800  }
0x54: {  	[sflag:s9] =	ssyncset.done $0x0  }
0x55: {  	[sflag:s9] =	ssyncadd.s32 $0xFFFFF800  }
0x56: {  	[spmem:s2] =	stream.indirect.scatter.add.f32 [tilespmem:s12], [sflag:$0x1], $0x10, s13, s11, $0xb8;
	[tilespmem:$0xD600] =	vst v63  }
0x57: {  	_ =	swait.ge [sflag:s9], $0x800  }
0x58: {  	[sflag:s9] =	ssyncset.done $0x0  }
0x59: {  	[sflag:s9] =	ssyncadd.s32 $0xFFFFF800  }
0x5a: {  	[spmem:s2] =	stream.indirect.scatter.add.f32 [tilespmem:s12], [sflag:$0x1], $0x10, s14, s11, $0xb8;
	[tilespmem:$0xD600] =	vst v63  }
0x5b: {  	_ =	swait.ge [sflag:s9], $0x800  }
0x5c: {  	[sflag:s9] =	ssyncset.done $0x0  }
0x5d: {  	[sflag:s9] =	ssyncadd.s32 $0xFFFFF800  }
0x5e: {  	[spmem:s2] =	stream.indirect.scatter.add.f32 [tilespmem:s12], [sflag:$0x1], $0x10, s15, s11, $0xb8;
	[tilespmem:$0xD600] =	vst v63  }
0x5f: {  	_ =	swait.ge [sflag:s9], $0x800  }
0x60: {  	s18 =	sadd.s32 $0x1, s18;
	[sflag:s9] =	ssyncset.done $0x0  }
0x61: {  	p0 =	sne.s32 s18, s6;
	[sflag:s9] =	ssyncadd.s32 $0xFFFFF800  }
.Ltmp4:
0x62: {  	[bflag:$0x0] =	sbarrier.arrive $0xFFFF;
	(pc) =	sbr.rel @p0 .LBB2_1-.Ltmp4, $4  }
0x63: {  	[hbm:s5], [sflag:s16] =	dma.local [spmem:s17], $0x1900  }
0x64: {  	_ =	swait.ge [sflag:s9], $0x1900  }
0x65: {  	[sflag:s9] =	ssyncset.done $0x0  }
0x66: {  	[sflag:s9] =	ssyncadd.s32 $0xFFFFE700  }
0x67: {  	_ =	sfence.sel $0x180000  }
0x68: {  	[bflag:$0x0] =	sbarrier.arrive $0xFFFF  }
0x69: {  	p0 =	sne.s32 s0, $0x0;
	_ =	strace $0x90000047  }
0x6a: {  	s0 =	sadd.s32 @!p0 $0x100000, s1;
	[bflag:$0x2] =	sbarrier.arrive $0xFFFF  }
0x6b: {  	[sflag:s0] =	ssyncadd.tile.s32 @!p0 $0x1;
	_ =	shalt  }
.Lfunc_end2:
_tile_overlayer_lowered:
.L_overlay_start_2:
0x6c: {  	(tag) =	ssettag $0x2  }
0x6d: {  	s0 =	rddreg [dreg:$0x0];
	s2 =	stileid.u32  }
0x6e: {  	s1 =	rddreg [dreg:$0x1];
	p0 =	sne.s32 s2, $0x0  }
0x6f: {  	s3 =	rddreg [dreg:$0x2];
	[bflag:$0x3] =	sbarrier.arrive $0xFFFF;
	s2 =	simm.s32 @!p0 $0x1C01  }
0x70: {  	[timem:s3], [sflag:s2] =	dma.local @!p0 [hbm:s0], s1  }
0x71: {  	s0 =	simm.s32 @!p0 $0x1  }
0x72: {  	_ =	swait.ge @!p0 [sflag:s0], s1  }
0x73: {  	s1 =	ssub.s32 @!p0 $0x0, s1;
	[sflag:s0] =	ssyncset.done @!p0 $0x0  }
0x74: {  	[sflag:s0] =	ssyncadd.s32 @!p0 s1  }
0x75: {  	[bflag:$0x3] =	sbarrier.arrive $0xFFFF  }
0x76: {  	_ =	shalt  }

// kernel: kernel.8.cloned.1.call-start
scs
__scs_entry_jumppad:
0x0: {  	(pc) =	sbr.rel $0x88, $3  }
0x1: {  	(tag) =	ssettag $0x0;
	lr =	simm.s32 $0x1  }
0x2: {  	[smem:$0x3F9F] =	sst lr;
	_ =	strace $0xD0000000  }
0x3: {  	_ = 	snop  }
0x4: {  	_ = 	snop  }
0x5: {  	_ = 	snop  }
0x6: {  	_ = 	snop  }
0x7: {  	_ = 	snop  }
__scs_overlays_trampoline_lowered:
0x8: {  	[smem:$0x3FAE] =	sst s0  }
0x9: {  	[smem:$0x3FAF] =	sst s1  }
0xa: {  	[smem:$0x3FB0] =	sst s2  }
0xb: {  	[smem:$0x3FB1] =	sst s3  }
0xc: {  	[smem:$0x3FB2] =	sst s4  }
0xd: {  	[smem:$0x3FB3] =	sst s5  }
0xe: {  	[smem:$0x3FB4] =	sst s6  }
0xf: {  	[smem:$0x3FB5] =	sst s7  }
0x10: {  	[smem:$0x3FB6] =	sst s8  }
0x11: {  	[smem:$0x3FB7] =	sst s9;
	s0 =	simm.s32 @!p0 $0x0  }
0x12: {  	s1 =	sld [smem:$0x3F9D];
	s0 =	simm.s32 @p0 $0x1  }
0x13: {  	[smem:$0x3FB8] =	sst s0;
	s0 =	simm.s32 @!p1 $0x0  }
0x14: {  	s2 =	sld [smem:$0x3F9C];
	s0 =	simm.s32 @p1 $0x1  }
0x15: {  	[smem:$0x3FB9] =	sst s0;
	s0 =	simm.s32 @!p2 $0x0  }
0x16: {  	s3 =	sld [smem:$0x3FDB];
	s0 =	simm.s32 @p2 $0x1  }
0x17: {  	s4 =	simm.s32 $0x1BF5;
	[smem:$0x3FBB] =	sst s0  }
0x18: {  	s0 =	sld [smem:$0x3F9E];
	_ =	swait.ge [sflag:s4], $0x0  }
0x19: {  	s7 =	sld [smem:$0x3F9F]  }
0x1a: {  	s8 =	sadd.s32 $0xFFFFE003, lr  }
0x1b: {  	s9 =	sadd.s32 $0xFFFFFEF7, lr;
	s5 =	simm.s32 $0xFFFFFFFF;
	p2 =	slt.u32 s8, $0xFFFFF086  }
0x1c: {  	p1 =	slt.u32 s9, $0xF7A;
	s5 =	simm.s32 @!p2 $0x0  }
0x1d: {  	s5 =	simm.s32 @p1 $0x1;
	p0 =	seq.s32 s7, s2  }
0x1e: {  	s7 =	smul.u32 @!p0 $0xF7A, s2;
	p2 =	seq.s32 @!p0 s5, $0x0  }
0x1f: {  	s9 =	smul.u32 $0xF7A, s1;
	s8 =	simm.s32 @!p0 $0x1BF5;
	p2 =	por !p2, p0  }
0x20: {  	[sflag:s8] =	ssyncset.s32 @!p0 $0xFFFFF086;
	s6 =	sadd.s32 @!p0 s3, s7;
	s7 =	simm.s32 @!p0 $0x108  }
0x21: {  	s3 =	sadd.s32 s3, s9;
	s6 =	sadd.s32 @!p0 $0x88, s6;
	s7 =	simm.s32 @p2 $0x1082  }
0x22: {  	[simem:s7], [sflag:s8] =	dma.local @!p0 [hbm:s6], $0xF7A  }
0x23: {  	s9 =	sor.u32 $0xD0000000, s2;
	s6 =	simm.s32 $0x108;
	_ =	swait.ge @!p0 [sflag:s8], $0x0  }
0x24: {  	s3 =	sadd.s32 $0x88, s3;
	s6 =	simm.s32 @!p1 $0x1082;
	[sflag:s4] =	ssyncset.s32 $0xFFFFF086  }
0x25: {  	[simem:s6], [sflag:s4] =	dma.local [hbm:s3], $0xF7A  }
0x26: {  	[smem:$0x3F9F] =	sst s1;
	(tag) =	ssettag s2;
	_ =	strace s9  }
0x27: {  	s1 =	sld [smem:$0x3FAF]  }
0x28: {  	s2 =	sld [smem:$0x3FB0]  }
0x29: {  	s4 =	sld [smem:$0x3FB2]  }
0x2a: {  	p0 =	seq.s32 s5, $0x0;
	s5 =	sld [smem:$0x3FB3]  }
0x2b: {  	s6 =	sld [smem:$0x3FB4]  }
0x2c: {  	s7 =	sld [smem:$0x3FB5]  }
0x2d: {  	s3 =	simm.s32 $0x108;
	s8 =	sld [smem:$0x3FB6]  }
0x2e: {  	s3 =	simm.s32 @!p0 $0x1082;
	s9 =	sld [smem:$0x3FB7]  }
0x2f: {  	lr =	sadd.s32 s0, s3;
	s0 =	sld [smem:$0x3FAE]  }
0x30: {  	s3 =	sld [smem:$0x3FB1]  }
0x31: {  	[smem:$0x3FBA] =	sst s10  }
0x32: {  	s10 =	sld [smem:$0x3FB8];
	_ =	sdelay $0x3  }
0x33: {  	p0 =	seq.s32 s10, $0x1;
	s10 =	sld [smem:$0x3FBA];
	_ =	sdelay $0x3  }
0x34: {  	[smem:$0x3FBA] =	sst s10  }
0x35: {  	s10 =	sld [smem:$0x3FB9];
	_ =	sdelay $0x3  }
0x36: {  	p1 =	seq.s32 s10, $0x1;
	s10 =	sld [smem:$0x3FBA];
	_ =	sdelay $0x3  }
0x37: {  	[smem:$0x3FBA] =	sst s10  }
0x38: {  	s10 =	sld [smem:$0x3FBB]  }
0x39: {  	_ = 	snop;
	(pc) =	sbr.ind lr, $3  }
0x3a: {  	_ = 	snop  }
0x3b: {  	_ = 	snop  }
0x3c: {  	p2 =	seq.s32 s10, $0x1;
	s10 =	sld [smem:$0x3FBA]  }
0x3d: {  	_ =	shalt  }
0x3e: {  	_ =	shalt  }
0x3f: {  	_ =	shalt  }
0x40: {  	_ =	shalt  }
0x41: {  	_ =	shalt  }
0x42: {  	_ =	shalt  }
0x43: {  	_ =	shalt  }
0x44: {  	_ =	shalt  }
0x45: {  	_ =	shalt  }
0x46: {  	_ =	shalt  }
0x47: {  	_ =	shalt  }
0x48: {  	_ =	shalt  }
0x49: {  	_ =	shalt  }
0x4a: {  	_ =	shalt  }
0x4b: {  	_ =	shalt  }
0x4c: {  	_ =	shalt  }
0x4d: {  	_ =	shalt  }
0x4e: {  	_ =	shalt  }
0x4f: {  	_ =	shalt  }
0x50: {  	_ =	shalt  }
0x51: {  	_ =	shalt  }
0x52: {  	_ =	shalt  }
0x53: {  	_ =	shalt  }
0x54: {  	_ =	shalt  }
0x55: {  	_ =	shalt  }
0x56: {  	_ =	shalt  }
0x57: {  	_ =	shalt  }
0x58: {  	_ =	shalt  }
0x59: {  	_ =	shalt  }
0x5a: {  	_ =	shalt  }
0x5b: {  	_ =	shalt  }
0x5c: {  	_ =	shalt  }
0x5d: {  	_ =	shalt  }
0x5e: {  	_ =	shalt  }
0x5f: {  	_ =	shalt  }
0x60: {  	_ =	shalt  }
0x61: {  	_ =	shalt  }
0x62: {  	_ =	shalt  }
0x63: {  	_ =	shalt  }
0x64: {  	_ =	shalt  }
0x65: {  	_ =	shalt  }
0x66: {  	_ =	shalt  }
0x67: {  	_ =	shalt  }
0x68: {  	_ =	shalt  }
0x69: {  	_ =	shalt  }
0x6a: {  	_ =	shalt  }
0x6b: {  	_ =	shalt  }
0x6c: {  	_ =	shalt  }
0x6d: {  	_ =	shalt  }
0x6e: {  	_ =	shalt  }
0x6f: {  	_ =	shalt  }
0x70: {  	_ =	shalt  }
0x71: {  	_ =	shalt  }
0x72: {  	_ =	shalt  }
0x73: {  	_ =	shalt  }
0x74: {  	_ =	shalt  }
0x75: {  	_ =	shalt  }
0x76: {  	_ =	shalt  }
0x77: {  	_ =	shalt  }
0x78: {  	_ =	shalt  }
0x79: {  	_ =	shalt  }
0x7a: {  	_ =	shalt  }
0x7b: {  	_ =	shalt  }
0x7c: {  	_ =	shalt  }
0x7d: {  	_ =	shalt  }
0x7e: {  	_ =	shalt  }
0x7f: {  	_ =	shalt  }
0x80: {  	_ =	shalt  }
0x81: {  	_ =	shalt  }
0x82: {  	_ =	shalt  }
0x83: {  	_ =	shalt  }
0x84: {  	_ =	shalt  }
0x85: {  	_ =	shalt  }
0x86: {  	_ =	shalt  }
0x87: {  	_ =	shalt  }
.Lfunc_end0:
.L_simem_size_0:
called_computation.1_lowered:
.L_overlay_start_0:
0x88: {  	s2 =	sld [smem:$0x3FD9]  }
0x89: {  	s3 =	sld [smem:$0x3FFE];
	_ =	sdelay $0x1  }
0x8a: {  	s1 =	srdreg.scid  }
0x8b: {  	s0 =	sand.u32 $0x1, s1  }
0x8c: {  	s17 =	sshll.u32 s0, $0xA;
	s2 =	sadd.s32 s3, s2  }
0x8d: {  	s2 =	sadd.s32 s2, s17  }
0x8e: {  	[smem:$0x3FC6] =	sst s2  }
0x8f: {  	_ = 	snop  }
0x90: {  	s2 =	sld [smem:$0x3FD0];
	(tm) =	ssettm $0x1  }
0x91: {  	s18 =	sld [smem:$0x3FFB];
	_ =	sdelay $0x3  }
0x92: {  	_ =	strace s18  }
0x93: {  	s3 =	sld [smem:$0x3FFC];
	_ =	sdelay $0x3  }
0x94: {  	_ =	strace s3  }
0x95: {  	s3 =	sld [smem:$0x3FFD];
	_ =	sdelay $0x3  }
0x96: {  	_ =	strace s3  }
0x97: {  	_ =	strace $0x8FFFFFFF  }
0x98: {  	s19 =	sld [smem:$0x3FDB];
	_ =	sdelay $0x1  }
0x99: {  	s4 =	simm.s32 $_scs_section_size  }
0x9a: {  	s5 =	simm.s32 $_size__tile_overlayer_lowered;
	s6 =	simm.s32 $_tile_overlayer_lowered  }
0x9b: {  	s22 =	simm.s32 $0x1BFF;
	s21 =	sshll.u32 s6, $0x1;
	s3 =	sadd.s32 s4, s19  }
0x9c: {  	s7 =	simm.s32 $0x0;
	s20 =	sshll.u32 s5, $0x1;
	s5 =	sadd.s32 s21, s3  }
0x9d: {  	[timem:s7], [sflag:s22] =	dma.local [hbm:s5], s20  }
0x9e: {  	_ =	swait.ge [sflag:s22], s20  }
0x9f: {  	s4 =	ssub.s32 $0x0, s20;
	[sflag:s22] =	ssyncset.done $0x0  }
0xa0: {  	[sflag:s22] =	ssyncadd.s32 s4;
	_ =	sdelay $0x1  }
0xa1: {  	s23 =	simm.s32 $0x1B8B  }
0xa2: {  	_ =	swait.ge [sflag:s23], $0x1  }
0xa3: {  	[sflag:s23] =	ssyncset.done $0x0  }
0xa4: {  	s25 =	simm.s32 $0x1B8E;
	s24 =	sld [smem:$0x3FFE];
	[sflag:s23] =	ssyncadd.s32 $0xFFFFFFFF  }
0xa5: {  	s26 =	simm.s32 $execute0_lowered;
	[smem:$0x3FD2] =	sst s25  }
0xa6: {  	s5 =	sshll.u32 s26, $0x1;
	_ =	strace $0x80000049;
	[dreg:$0x1] =	wrdreg $0xFFFFFFFF  }
0xa7: {  	s28 =	simm.s32 $_size_execute0_lowered;
	s3 =	sadd.s32 s3, s5;
	[dreg:$0x0] =	wrdreg $0x0  }
0xa8: {  	s5 =	sshll.u32 s28, $0x1;
	[dreg:$0x2] =	wrdreg s3  }
0xa9: {  	[dreg:$0x3] =	wrdreg s5  }
0xaa: {  	[dreg:$0x4] =	wrdreg $0xC0  }
0xab: {  	_ =	task [dreg:s7], $0x5FFFF  }
0xac: {  	[dreg:$0x1] =	wrdreg $0xFFFFFFFF  }
0xad: {  	[dreg:$0x0] =	wrdreg $0x60  }
0xae: {  	[dreg:$0x2] =	wrdreg s2  }
0xaf: {  	[dreg:$0x3] =	wrdreg s24  }
0xb0: {  	[dreg:$0x4] =	wrdreg $0x0  }
0xb1: {  	[dreg:$0x5] =	wrdreg $0x9  }
0xb2: {  	_ =	task.clear_ibuf [dreg:s7], $0x6FFFF;
	_ =	strace $0x90000049  }
0xb3: {  	s29 =	simm.s32 $0x9;
	_ =	strace $0x8000004B  }
0xb4: {  	_ =	swait.ge [sflag:s29], $0x1  }
0xb5: {  	[sflag:s29] =	ssyncadd.s32 $0xFFFFFFFF  }
0xb6: {  	_ =	strace $0x9000004B  }
0xb7: {  	_ =	sfence  }
0xb8: {  	s30 =	sld [smem:$0x0];
	_ =	sdelay $0x2  }
0xb9: {  	s31 =	sshll.u32 s1, $0xD;
	s1 =	sshrl.u32 s1, $0x2  }
0xba: {  	s3 =	sand.u32 $0x4000, s31;
	s1 =	sadd.s32 s1, s30  }
0xbb: {  	s0 =	sor.u32 s3, s0;
	s1 =	sshll.u32 s1, $0x11  }
0xbc: {  	s0 =	sor.u32 s1, s0  }
0xbd: {  	s0 =	sadd.s32 $0x8F2B, s0  }
0xbe: {  	[sflag:s0] =	ssyncadd.remote.s32 $0x1  }
0xbf: {  	_ =	sfence.sel $0xFFFF  }
0xc0: {  	[dreg:$0x0] =	wrdreg $0xFFFFFFFF;
	(pc) =	sbr.abs _section_cstart, $3  }
0xc1: {  	[dreg:$0x1] =	wrdreg $0xFFFFFFFF  }
0xc2: {  	_ =	task.clear_ibuf [dreg:s7], $0x2FFFF;
	_ =	strace $0x9FFFFFFF  }
0xc3: {  	(tm) =	ssettm $0x7FFFFFFF  }
tec
execute0_lowered:
.L_overlay_start_1:
0x0: {  	(tag) =	ssettag $0x1  }
0x1: {  	s1 =	rddreg [dreg:$0x0]  }
0x2: {  	s0 =	rddreg [dreg:$0x1]  }
0x3: {  	s2 =	rddreg [dreg:$0x2]  }
0x4: {  	s3 =	srdreg.scid;
	s4 =	simm.s32 $0x0;
	s14 =	stileid.u32  }
0x5: {  	s15 =	simm.s32 $0x19000;
	s16 =	simm.s32 $0x19100;
	s17 =	simm.s32 $0x80  }
0x6: {  	s18 =	simm.s32 $0x19200;
	s19 =	simm.s32 $0x19080;
	s20 =	simm.s32 $0x1A200  }
0x7: {  	s28 =	simm.s32 $0x1;
	s29 =	simm.s32 $0x19180;
	s9 =	smul.u32 $0x19000, s14  }
0x8: {  	s30 =	simm.s32 $0x2;
	s31 =	simm.s32 $0x1B380;
	s8 =	smul.u32 $0x64000, s14  }
0x9: {  	s3 =	sand.u32 $0x1, s3;
	s5 =	sadd.s32 $0x35A600, s0;
	s12 =	smul.u32 $0xC400, s14  }
0xa: {  	[smem:$0x7FF] =	sst s4;
	s10 =	sadd.s32 $0x1BB200, s0;
	s23 =	smul.u32 $0x1880, s14  }
0xb: {  	s11 =	sadd.s32 $0x1BE00, s0;
	s14 =	simm.s32 $0x3;
	s6 =	smul.u32 $0x190000, s3  }
0xc: {  	_ =	strace $0x8000004A;
	s7 =	ssub.s32 $0x2, s3;
	p0 =	seq.s32 s3, $0x1  }
0xd: {  	s21 =	sshrl.u32 s7, $0x1;
	s22 =	sshrl.u32 s8, $0x2;
	s24 =	sshrl.u32 s12, $0x3  }
0xe: {  	s8 =	sadd.s32 s11, s23;
	s25 =	sadd.s32 s9, s2;
	s6 =	sadd.s32 s9, s6  }
0xf: {  	s13 =	ssub.s32 s7, s21;
	s7 =	sadd.s32 s10, s23;
	s3 =	sadd.s32 $0x1860, s24  }
0x10: {  	s21 =	simm.s32 $0x1B200;
	s23 =	simm.s32 $0x1B400;
	s24 =	simm.s32 $0x1B280  }
0x11: {  	s6 =	sshrl.u32 s6, $0x3;
	s10 =	sadd.s32 s10, s3;
	s3 =	sadd.s32 s11, s3  }
.Ltmp0:
0x12: {  	s26 =	smax.u32 s13, $0x1;
	[dreg:$0x4] =	wrdreg s10;
	(pc) =	sbr.rel .LBB2_1-.Ltmp0, $4  }
0x13: {  	s13 =	simm.s32 $0x1D400;
	s0 =	sadd.s32 s6, s0;
	[dreg:$0x5] =	wrdreg s3  }
0x14: {  	s6 =	sadd.s32 s22, s2;
	[dreg:$0x7] =	wrdreg s26;
	s0 =	sadd.s32 $0x1D3A00, s0  }
0x15: {  	s22 =	simm.s32 $0x1B300;
	[dreg:$0x6] =	wrdreg s0;
	s0 =	sshrl.u32 s25, $0x3  }
0x16: {  	v0 =	vimm.f32 $0.0e+00;
	s26 =	simm.s32 $0x1C400;
	[dreg:$0x8] =	wrdreg s0;
	s0 =	simm.s32 $0x0  }
.LBB2_8:
0x17: {  	s9 =	sadd.s32 $0x1860, s10;
	[sflag:s14] =	ssyncadd.s32 $0xFFFFF000  }
0x18: {  	[tilespmem:s21], [sflag:$0x3] =	stream.linear.gather [hbm4b:s9+s4], $0x100, $0x38;
	[tilespmem:$0x1DC00] =	vst v63  }
0x19: {  	_ =	swait.ge [sflag:s14], $0x100  }
0x1a: {  	s3 =	sadd.s32 s3, s8;
	[sflag:s14] =	ssyncset.done $0x0  }
0x1b: {  	s12 =	sadd.s32 $0x1860, s3;
	[sflag:s14] =	ssyncadd.s32 $0xFFFFFF00  }
0x1c: {  	[tilespmem:s22], [sflag:$0x3] =	stream.linear.gather [hbm4b:s12+s4], $0x100, $0x38;
	[tilespmem:$0x1DC00] =	vst v63  }
0x1d: {  	_ =	swait.ge [sflag:s14], $0x100  }
0x1e: {  	[sflag:s14] =	ssyncset.done $0x0  }
0x1f: {  	[sflag:s14] =	ssyncadd.s32 $0xFFFFFF00  }
0x20: {  	[tilespmem:s23], [sflag:$0x2] =	stream.indirect.gather [hbm4b:s1+s17], $0x20, s21, s17, $0xb8;
	[tilespmem:$0x1DC00] =	vst v63  }
0x21: {  	_ = 	snop  }
0x22: {  	[tilespmem:s26], [sflag:$0x2] =	stream.indirect.gather [hbm4b:s1+s17], $0x20, s24, s17, $0xb8;
	[tilespmem:$0x1DC00] =	vst v63  }
0x23: {  	_ =	swait.ge [sflag:s28], $0x1000  }
0x24: {  	[sflag:s28] =	ssyncset.done $0x0  }
0x25: {  	[sflag:s28] =	ssyncadd.s32 $0xFFFFF000  }
0x26: {  	_ =	swait.ge [sflag:s28], $0x1000  }
0x27: {  	[sflag:s28] =	ssyncset.done $0x0  }
0x28: {  	[sflag:s28] =	ssyncadd.s32 $0xFFFFF000  }
0x29: {  	[spmem:s2] =	stream.indirect.scatter.add.f32 [tilespmem:s18], [sflag:$0x3], $0x20, s16, s17, $0xb8;
	[tilespmem:$0x1DC00] =	vst v63  }
0x2a: {  	_ =	swait.ge [sflag:s14], $0x1000  }
0x2b: {  	[sflag:s14] =	ssyncset.done $0x0  }
0x2c: {  	[sflag:s14] =	ssyncadd.s32 $0xFFFFF000  }
0x2d: {  	[spmem:s2] =	stream.indirect.scatter.add.f32 [tilespmem:s20], [sflag:$0x3], $0x20, s29, s17, $0xb8;
	[tilespmem:$0x1DC00] =	vst v63  }
0x2e: {  	_ =	swait.ge [sflag:s14], $0x1000  }
0x2f: {  	[sflag:s14] =	ssyncset.done $0x0  }
0x30: {  	s25 =	sadd.s32 $0x1880, s10;
	[sflag:s14] =	ssyncadd.s32 $0xFFFFF000  }
0x31: {  	[tilespmem:s15], [sflag:$0x3] =	stream.linear.gather [hbm4b:s25+s4], $0x100, $0x38;
	[tilespmem:$0x1DC00] =	vst v63  }
0x32: {  	_ =	swait.ge [sflag:s14], $0x100  }
0x33: {  	[sflag:s14] =	ssyncset.done $0x0  }
0x34: {  	s3 =	sadd.s32 $0x1880, s3;
	[sflag:s14] =	ssyncadd.s32 $0xFFFFFF00  }
0x35: {  	[tilespmem:s16], [sflag:$0x3] =	stream.linear.gather [hbm4b:s3+s4], $0x100, $0x38;
	[tilespmem:$0x1DC00] =	vst v63  }
0x36: {  	_ =	swait.ge [sflag:s14], $0x100  }
0x37: {  	[sflag:s14] =	ssyncset.done $0x0  }
0x38: {  	[sflag:s14] =	ssyncadd.s32 $0xFFFFFF00  }
0x39: {  	[tilespmem:s18], [sflag:$0x1] =	stream.indirect.gather [hbm4b:s1+s17], $0x20, s15, s17, $0xb8;
	[tilespmem:$0x1DC00] =	vst v63  }
0x3a: {  	_ = 	snop  }
0x3b: {  	[tilespmem:s20], [sflag:$0x1] =	stream.indirect.gather [hbm4b:s1+s17], $0x20, s19, s17, $0xb8;
	[tilespmem:$0x1DC00] =	vst v63  }
0x3c: {  	_ =	swait.ge [sflag:s30], $0x1000  }
0x3d: {  	[sflag:s30] =	ssyncset.done $0x0  }
0x3e: {  	[sflag:s30] =	ssyncadd.s32 $0xFFFFF000  }
0x3f: {  	_ =	swait.ge [sflag:s30], $0x1000  }
0x40: {  	[sflag:s30] =	ssyncset.done $0x0  }
0x41: {  	[sflag:s30] =	ssyncadd.s32 $0xFFFFF000  }
0x42: {  	[spmem:s2] =	stream.indirect.scatter.add.f32 [tilespmem:s23], [sflag:$0x3], $0x20, s22, s17, $0xb8;
	[tilespmem:$0x1DC00] =	vst v63  }
0x43: {  	_ =	swait.ge [sflag:s14], $0x1000  }
0x44: {  	[sflag:s14] =	ssyncset.done $0x0  }
0x45: {  	[sflag:s14] =	ssyncadd.s32 $0xFFFFF000  }
0x46: {  	[spmem:s2] =	stream.indirect.scatter.add.f32 [tilespmem:s26], [sflag:$0x3], $0x20, s31, s17, $0xb8;
	[tilespmem:$0x1DC00] =	vst v63  }
0x47: {  	_ =	swait.ge [sflag:s14], $0x1000  }
0x48: {  	[sflag:s14] =	ssyncset.done $0x0  }
0x49: {  	s3 =	smov.u32 s1;
	[sflag:s14] =	ssyncadd.s32 $0xFFFFF000  }
.LBB2_12:
0x4a: {  	s9 =	rddreg [dreg:$0x4]  }
0x4b: {  	[tilespmem:s21], [sflag:$0x3] =	stream.linear.gather [hbm4b:s9+s4], $0x100, $0x38;
	[tilespmem:$0x1DC00] =	vst v63  }
0x4c: {  	_ =	swait.ge [sflag:s14], $0x100  }
0x4d: {  	[sflag:s14] =	ssyncset.done $0x0  }
0x4e: {  	s10 =	rddreg [dreg:$0x5];
	[sflag:s14] =	ssyncadd.s32 $0xFFFFFF00  }
0x4f: {  	[tilespmem:s22], [sflag:$0x3] =	stream.linear.gather [hbm4b:s10+s4], $0x100, $0x38;
	[tilespmem:$0x1DC00] =	vst v63  }
0x50: {  	_ =	swait.ge [sflag:s14], $0x100  }
0x51: {  	[sflag:s14] =	ssyncset.done $0x0  }
0x52: {  	[sflag:s14] =	ssyncadd.s32 $0xFFFFFF00  }
0x53: {  	[tilespmem:s23], [sflag:$0x2] =	stream.indirect.gather [hbm4b:s3+s17], $0x20, s21, s17, $0xb8;
	[tilespmem:$0x1DC00] =	vst v63  }
0x54: {  	_ = 	snop  }
0x55: {  	[tilespmem:s26], [sflag:$0x2] =	stream.indirect.gather [hbm4b:s3+s17], $0x20, s24, s17, $0xb8;
	[tilespmem:$0x1DC00] =	vst v63  }
0x56: {  	_ =	swait.ge [sflag:s28], $0x1000  }
0x57: {  	[sflag:s28] =	ssyncset.done $0x0  }
0x58: {  	[sflag:s28] =	ssyncadd.s32 $0xFFFFF000  }
0x59: {  	_ =	swait.ge [sflag:s28], $0x1000  }
0x5a: {  	[sflag:s28] =	ssyncset.done $0x0  }
0x5b: {  	[sflag:s28] =	ssyncadd.s32 $0xFFFFF000  }
0x5c: {  	[spmem:s2] =	stream.indirect.scatter.add.f32 [tilespmem:s18], [sflag:$0x3], $0x20, s16, s17, $0xb8;
	[tilespmem:$0x1DC00] =	vst v63  }
0x5d: {  	_ =	swait.ge [sflag:s14], $0x1000  }
0x5e: {  	[sflag:s14] =	ssyncset.done $0x0  }
0x5f: {  	[sflag:s14] =	ssyncadd.s32 $0xFFFFF000  }
0x60: {  	[spmem:s2] =	stream.indirect.scatter.add.f32 [tilespmem:s20], [sflag:$0x3], $0x20, s29, s17, $0xb8;
	[tilespmem:$0x1DC00] =	vst v63  }
0x61: {  	_ =	swait.ge [sflag:s14], $0x1000  }
0x62: {  	[sflag:s14] =	ssyncset.done $0x0  }
0x63: {  	[sflag:s14] =	ssyncadd.s32 $0xFFFFF000  }
0x64: {  	_ =	swait.ge [sflag:s30], $0x1000  }
0x65: {  	[sflag:s30] =	ssyncset.done $0x0  }
0x66: {  	[sflag:s30] =	ssyncadd.s32 $0xFFFFF000  }
0x67: {  	_ =	swait.ge [sflag:s30], $0x1000  }
0x68: {  	[sflag:s30] =	ssyncset.done $0x0  }
0x69: {  	[sflag:s30] =	ssyncadd.s32 $0xFFFFF000  }
0x6a: {  	[spmem:s2] =	stream.indirect.scatter.add.f32 [tilespmem:s23], [sflag:$0x3], $0x20, s22, s17, $0xb8;
	[tilespmem:$0x1DC00] =	vst v63  }
0x6b: {  	_ =	swait.ge [sflag:s14], $0x1000  }
0x6c: {  	[sflag:s14] =	ssyncset.done $0x0  }
0x6d: {  	[sflag:s14] =	ssyncadd.s32 $0xFFFFF000  }
0x6e: {  	[spmem:s2] =	stream.indirect.scatter.add.f32 [tilespmem:s26], [sflag:$0x3], $0x20, s31, s17, $0xb8;
	[tilespmem:$0x1DC00] =	vst v63  }
0x6f: {  	_ =	swait.ge [sflag:s14], $0x1000  }
0x70: {  	[sflag:s14] =	ssyncset.done $0x0  }
0x71: {  	[sflag:s14] =	ssyncadd.s32 $0xFFFFF000  }
0x72: {  	s11 =	stileid.u32;
	[bflag:$0x0] =	sbarrier.arrive $0xFFFF  }
0x73: {  	s3 =	sshll.u32 s11, $0x6;
	s12 =	rddreg [dreg:$0x6]  }
0x74: {  	s3 =	sor.u32 $0x1C03, s3;
	s10 =	rddreg [dreg:$0x8]  }
0x75: {  	[hbm:s12], [sflag:s3] =	dma.local [spmem:s10], $0x3200  }
0x76: {  	_ =	swait.ge [sflag:s14], $0x3200  }
0x77: {  	s0 =	sadd.s32 $0x1, s0;
	s25 =	rddreg [dreg:$0x7]  }
0x78: {  	p1 =	sne.s32 s0, s25  }
.Ltmp1:
0x79: {  	_ = 	snop;
	(pc) =	sbr.rel @!p1 .LBB2_13-.Ltmp1, $3  }
0x7a: {  	_ =	sdelay $0x1  }
0x7b: {  	[sflag:s14] =	ssyncset.done $0x0  }
0x7c: {  	[sflag:s14] =	ssyncadd.s32 $0xFFFFCE00  }
.LBB2_1:
0x7d: {  	s3 =	simm.s32 $0x0  }
.LBB2_2:
0x7e: {  	p1 =	sne.s32 s3, $0x1F80  }
.Ltmp2:
0x7f: {  	_ = 	snop;
	(pc) =	sbr.rel @p1 .LBB2_2-.Ltmp2, $4  }
0x80: {  	_ = 	snop  }
0x81: {  	s9 =	sshra.s32 s3, $0x2  }
0x82: {  	[tilespmem:s9+$0x1D400] =	vst v0  }
0x83: {  	s3 =	sadd.s32 $0x80, s3;
	[tilespmem:s9+$0x1D410] =	vst v0  }
0x84: {  	s3 =	sadd.s32 $0x0, s6  }
0x85: {  	[spmem:s3] =	stream.linear.scatter [tilespmem:s13], [sflag:$0x3], $0x800, $0x38;
	[tilespmem:$0x1DC00] =	vst v63  }
0x86: {  	s3 =	simm.s32 $0x2000;
	_ =	swait.ge [sflag:s14], $0x800  }
.LBB2_4:
0x87: {  	s9 =	sshra.s32 s3, $0x2;
	[sflag:s14] =	ssyncset.done $0x0;
	p1 =	sne.s32 s3, $0x62000  }
.Ltmp3:
0x88: {  	s9 =	sadd.s32 s9, s6;
	[sflag:s14] =	ssyncadd.s32 $0xFFFFF800;
	(pc) =	sbr.rel @p1 .LBB2_4-.Ltmp3, $3  }
0x89: {  	[spmem:s9] =	stream.linear.scatter [tilespmem:s13], [sflag:$0x3], $0x800, $0x38;
	[tilespmem:$0x1DC00] =	vst v63  }
0x8a: {  	s3 =	sadd.s32 $0x2000, s3;
	_ =	sdelay $0x1  }
0x8b: {  	_ =	swait.ge [sflag:s14], $0x800  }
0x8c: {  	[sflag:s14] =	ssyncset.done $0x0  }
0x8d: {  	[sflag:s14] =	ssyncadd.s32 $0xFFFFF800  }
0x8e: {  	[bflag:$0x0] =	sbarrier.arrive $0xFFFF  }
0x8f: {  	[tilespmem:s15], [sflag:$0x3] =	stream.linear.gather [hbm4b:s7+s4], $0x100, $0x38;
	[tilespmem:$0x1DC00] =	vst v63  }
0x90: {  	_ =	swait.ge [sflag:s14], $0x100  }
0x91: {  	[sflag:s14] =	ssyncset.done $0x0  }
.Ltmp4:
0x92: {  	[sflag:s14] =	ssyncadd.s32 $0xFFFFFF00;
	(pc) =	sbr.rel @!p0 .LBB2_6-.Ltmp4, $4  }
0x93: {  	[tilespmem:s16], [sflag:$0x3] =	stream.linear.gather [hbm4b:s8+s4], $0x100, $0x38;
	[tilespmem:$0x1DC00] =	vst v63  }
0x94: {  	_ =	swait.ge [sflag:s14], $0x100  }
0x95: {  	[sflag:s14] =	ssyncset.done $0x0  }
0x96: {  	[sflag:s14] =	ssyncadd.s32 $0xFFFFFF00  }
0x97: {  	[tilespmem:s18], [sflag:$0x1] =	stream.indirect.gather [hbm4b:s5+s17], $0x20, s15, s17, $0xb8;
	[tilespmem:$0x1DC00] =	vst v63  }
0x98: {  	s3 =	sadd.s32 $0xFFFFE7C0, s7  }
0x99: {  	[tilespmem:s20], [sflag:$0x1] =	stream.indirect.gather [hbm4b:s5+s17], $0x20, s19, s17, $0xb8;
	[tilespmem:$0x1DC00] =	vst v63  }
0x9a: {  	s9 =	sadd.s32 $0x1860, s3  }
0x9b: {  	[tilespmem:s21], [sflag:$0x3] =	stream.linear.gather [hbm4b:s9+s4], $0x100, $0x38;
	[tilespmem:$0x1DC00] =	vst v63  }
0x9c: {  	_ =	swait.ge [sflag:s14], $0x100  }
0x9d: {  	s12 =	sadd.s32 $0xFFFFE7C0, s8;
	[sflag:s14] =	ssyncset.done $0x0  }
0x9e: {  	s10 =	sadd.s32 $0x1860, s12;
	[sflag:s14] =	ssyncadd.s32 $0xFFFFFF00  }
0x9f: {  	[tilespmem:s22], [sflag:$0x3] =	stream.linear.gather [hbm4b:s10+s4], $0x100, $0x38;
	[tilespmem:$0x1DC00] =	vst v63  }
0xa0: {  	_ =	swait.ge [sflag:s14], $0x100  }
0xa1: {  	[sflag:s14] =	ssyncset.done $0x0  }
0xa2: {  	[sflag:s14] =	ssyncadd.s32 $0xFFFFFF00  }
0xa3: {  	[tilespmem:s23], [sflag:$0x2] =	stream.indirect.gather [hbm4b:s5+s17], $0x20, s21, s17, $0xb8;
	[tilespmem:$0x1DC00] =	vst v63  }
0xa4: {  	_ = 	snop  }
0xa5: {  	[tilespmem:s26], [sflag:$0x2] =	stream.indirect.gather [hbm4b:s5+s17], $0x20, s24, s17, $0xb8;
	[tilespmem:$0x1DC00] =	vst v63  }
0xa6: {  	_ =	swait.ge [sflag:s28], $0x1000  }
0xa7: {  	[sflag:s28] =	ssyncset.done $0x0  }
0xa8: {  	[sflag:s28] =	ssyncadd.s32 $0xFFFFF000  }
0xa9: {  	_ =	swait.ge [sflag:s28], $0x1000  }
0xaa: {  	[sflag:s28] =	ssyncset.done $0x0  }
0xab: {  	[sflag:s28] =	ssyncadd.s32 $0xFFFFF000  }
0xac: {  	[spmem:s2] =	stream.indirect.scatter.add.f32 [tilespmem:s18], [sflag:$0x3], $0x20, s16, s17, $0xb8;
	[tilespmem:$0x1DC00] =	vst v63  }
0xad: {  	_ =	swait.ge [sflag:s14], $0x1000  }
0xae: {  	[sflag:s14] =	ssyncset.done $0x0  }
0xaf: {  	[sflag:s14] =	ssyncadd.s32 $0xFFFFF000  }
0xb0: {  	[spmem:s2] =	stream.indirect.scatter.add.f32 [tilespmem:s20], [sflag:$0x3], $0x20, s29, s17, $0xb8;
	[tilespmem:$0x1DC00] =	vst v63  }
0xb1: {  	_ =	swait.ge [sflag:s14], $0x1000  }
0xb2: {  	[sflag:s14] =	ssyncset.done $0x0  }
0xb3: {  	s3 =	sadd.s32 $0x1880, s3;
	[sflag:s14] =	ssyncadd.s32 $0xFFFFF000  }
0xb4: {  	[tilespmem:s15], [sflag:$0x3] =	stream.linear.gather [hbm4b:s3+s4], $0x100, $0x38;
	[tilespmem:$0x1DC00] =	vst v63  }
0xb5: {  	_ =	swait.ge [sflag:s14], $0x100  }
0xb6: {  	[sflag:s14] =	ssyncset.done $0x0  }
0xb7: {  	s25 =	sadd.s32 $0x1880, s12;
	[sflag:s14] =	ssyncadd.s32 $0xFFFFFF00  }
0xb8: {  	[tilespmem:s16], [sflag:$0x3] =	stream.linear.gather [hbm4b:s25+s4], $0x100, $0x38;
	[tilespmem:$0x1DC00] =	vst v63  }
0xb9: {  	_ =	swait.ge [sflag:s14], $0x100  }
0xba: {  	[sflag:s14] =	ssyncset.done $0x0  }
0xbb: {  	[sflag:s14] =	ssyncadd.s32 $0xFFFFFF00  }
0xbc: {  	[tilespmem:s18], [sflag:$0x1] =	stream.indirect.gather [hbm4b:s5+s17], $0x20, s15, s17, $0xb8;
	[tilespmem:$0x1DC00] =	vst v63  }
0xbd: {  	_ = 	snop  }
0xbe: {  	[tilespmem:s20], [sflag:$0x1] =	stream.indirect.gather [hbm4b:s5+s17], $0x20, s19, s17, $0xb8;
	[tilespmem:$0x1DC00] =	vst v63  }
0xbf: {  	_ =	swait.ge [sflag:s30], $0x1000  }
0xc0: {  	[sflag:s30] =	ssyncset.done $0x0  }
0xc1: {  	[sflag:s30] =	ssyncadd.s32 $0xFFFFF000  }
0xc2: {  	_ =	swait.ge [sflag:s30], $0x1000  }
0xc3: {  	[sflag:s30] =	ssyncset.done $0x0  }
0xc4: {  	[sflag:s30] =	ssyncadd.s32 $0xFFFFF000  }
0xc5: {  	[spmem:s2] =	stream.indirect.scatter.add.f32 [tilespmem:s23], [sflag:$0x3], $0x20, s22, s17, $0xb8;
	[tilespmem:$0x1DC00] =	vst v63  }
0xc6: {  	_ =	swait.ge [sflag:s14], $0x1000  }
0xc7: {  	[sflag:s14] =	ssyncset.done $0x0  }
0xc8: {  	[sflag:s14] =	ssyncadd.s32 $0xFFFFF000  }
0xc9: {  	[spmem:s2] =	stream.indirect.scatter.add.f32 [tilespmem:s26], [sflag:$0x3], $0x20, s31, s17, $0xb8;
	[tilespmem:$0x1DC00] =	vst v63  }
0xca: {  	s11 =	simm.s32 $0xFFFFE840;
	_ =	swait.ge [sflag:s14], $0x1000  }
0xcb: {  	s10 =	sadd.s32 $0xFFFFE800, s7;
	s3 =	simm.s32 $0xFFFFE800;
	[sflag:s14] =	ssyncset.done $0x0  }
.LBB2_10:
0xcc: {  	s12 =	sadd.s32 $0x1860, s10  }
0xcd: {  	[sflag:s14] =	ssyncadd.s32 $0xFFFFF000;
	s25 =	smov.u32 s11;
	s9 =	sadd.s32 $0x40, s11  }
0xce: {  	[tilespmem:s21], [sflag:$0x3] =	stream.linear.gather [hbm4b:s12+s4], $0x100, $0x38;
	[tilespmem:$0x1DC00] =	vst v63  }
0xcf: {  	p1 =	sne.s32 s11, $0xFFFFFFC0;
	_ =	swait.ge [sflag:s14], $0x100  }
0xd0: {  	s11 =	sadd.s32 s3, s8;
	s3 =	smov.u32 s25;
	[sflag:s14] =	ssyncset.done $0x0  }
0xd1: {  	s12 =	sadd.s32 $0x1860, s11;
	[sflag:s14] =	ssyncadd.s32 $0xFFFFFF00  }
0xd2: {  	[tilespmem:s22], [sflag:$0x3] =	stream.linear.gather [hbm4b:s12+s4], $0x100, $0x38;
	[tilespmem:$0x1DC00] =	vst v63  }
0xd3: {  	_ =	swait.ge [sflag:s14], $0x100  }
0xd4: {  	[sflag:s14] =	ssyncset.done $0x0  }
0xd5: {  	[sflag:s14] =	ssyncadd.s32 $0xFFFFFF00  }
0xd6: {  	[tilespmem:s23], [sflag:$0x2] =	stream.indirect.gather [hbm4b:s5+s17], $0x20, s21, s17, $0xb8;
	[tilespmem:$0x1DC00] =	vst v63  }
0xd7: {  	_ = 	snop  }
0xd8: {  	[tilespmem:s26], [sflag:$0x2] =	stream.indirect.gather [hbm4b:s5+s17], $0x20, s24, s17, $0xb8;
	[tilespmem:$0x1DC00] =	vst v63  }
0xd9: {  	_ =	swait.ge [sflag:s28], $0x1000  }
0xda: {  	[sflag:s28] =	ssyncset.done $0x0  }
0xdb: {  	[sflag:s28] =	ssyncadd.s32 $0xFFFFF000  }
0xdc: {  	_ =	swait.ge [sflag:s28], $0x1000  }
0xdd: {  	[sflag:s28] =	ssyncset.done $0x0  }
0xde: {  	[sflag:s28] =	ssyncadd.s32 $0xFFFFF000  }
0xdf: {  	[spmem:s2] =	stream.indirect.scatter.add.f32 [tilespmem:s18], [sflag:$0x3], $0x20, s16, s17, $0xb8;
	[tilespmem:$0x1DC00] =	vst v63  }
0xe0: {  	_ =	swait.ge [sflag:s14], $0x1000  }
0xe1: {  	[sflag:s14] =	ssyncset.done $0x0  }
0xe2: {  	[sflag:s14] =	ssyncadd.s32 $0xFFFFF000  }
0xe3: {  	[spmem:s2] =	stream.indirect.scatter.add.f32 [tilespmem:s20], [sflag:$0x3], $0x20, s29, s17, $0xb8;
	[tilespmem:$0x1DC00] =	vst v63  }
0xe4: {  	_ =	swait.ge [sflag:s14], $0x1000  }
0xe5: {  	[sflag:s14] =	ssyncset.done $0x0  }
0xe6: {  	s10 =	sadd.s32 $0x1880, s10;
	[sflag:s14] =	ssyncadd.s32 $0xFFFFF000  }
0xe7: {  	[tilespmem:s15], [sflag:$0x3] =	stream.linear.gather [hbm4b:s10+s4], $0x100, $0x38;
	[tilespmem:$0x1DC00] =	vst v63  }
0xe8: {  	_ =	swait.ge [sflag:s14], $0x100  }
0xe9: {  	[sflag:s14] =	ssyncset.done $0x0  }
0xea: {  	s10 =	sadd.s32 $0x1880, s11;
	[sflag:s14] =	ssyncadd.s32 $0xFFFFFF00  }
0xeb: {  	[tilespmem:s16], [sflag:$0x3] =	stream.linear.gather [hbm4b:s10+s4], $0x100, $0x38;
	[tilespmem:$0x1DC00] =	vst v63  }
0xec: {  	_ =	swait.ge [sflag:s14], $0x100  }
0xed: {  	[sflag:s14] =	ssyncset.done $0x0  }
0xee: {  	[sflag:s14] =	ssyncadd.s32 $0xFFFFFF00  }
0xef: {  	[tilespmem:s18], [sflag:$0x1] =	stream.indirect.gather [hbm4b:s5+s17], $0x20, s15, s17, $0xb8;
	[tilespmem:$0x1DC00] =	vst v63  }
0xf0: {  	_ = 	snop  }
0xf1: {  	[tilespmem:s20], [sflag:$0x1] =	stream.indirect.gather [hbm4b:s5+s17], $0x20, s19, s17, $0xb8;
	[tilespmem:$0x1DC00] =	vst v63  }
0xf2: {  	_ =	swait.ge [sflag:s30], $0x1000  }
0xf3: {  	[sflag:s30] =	ssyncset.done $0x0  }
0xf4: {  	[sflag:s30] =	ssyncadd.s32 $0xFFFFF000  }
0xf5: {  	_ =	swait.ge [sflag:s30], $0x1000  }
0xf6: {  	[sflag:s30] =	ssyncset.done $0x0  }
0xf7: {  	[sflag:s30] =	ssyncadd.s32 $0xFFFFF000  }
0xf8: {  	[spmem:s2] =	stream.indirect.scatter.add.f32 [tilespmem:s23], [sflag:$0x3], $0x20, s22, s17, $0xb8;
	[tilespmem:$0x1DC00] =	vst v63  }
0xf9: {  	_ =	swait.ge [sflag:s14], $0x1000  }
.Ltmp5:
0xfa: {  	[sflag:s14] =	ssyncset.done $0x0;
	(pc) =	sbr.rel @p1 .LBB2_10-.Ltmp5, $4  }
0xfb: {  	[sflag:s14] =	ssyncadd.s32 $0xFFFFF000  }
0xfc: {  	[spmem:s2] =	stream.indirect.scatter.add.f32 [tilespmem:s26], [sflag:$0x3], $0x20, s31, s17, $0xb8;
	[tilespmem:$0x1DC00] =	vst v63  }
0xfd: {  	_ =	swait.ge [sflag:s14], $0x1000  }
0xfe: {  	s11 =	smov.u32 s9;
	s10 =	sadd.s32 s3, s7;
	[sflag:s14] =	ssyncset.done $0x0  }
0xff: {  	s9 =	sadd.s32 $0x1860, s10;
	[sflag:s14] =	ssyncadd.s32 $0xFFFFF000  }
0x100: {  	[tilespmem:s21], [sflag:$0x3] =	stream.linear.gather [hbm4b:s9+s4], $0x100, $0x38;
	[tilespmem:$0x1DC00] =	vst v63  }
0x101: {  	_ =	swait.ge [sflag:s14], $0x100  }
0x102: {  	s3 =	sadd.s32 s3, s8;
	[sflag:s14] =	ssyncset.done $0x0  }
0x103: {  	s12 =	sadd.s32 $0x1860, s3;
	[sflag:s14] =	ssyncadd.s32 $0xFFFFFF00  }
0x104: {  	[tilespmem:s22], [sflag:$0x3] =	stream.linear.gather [hbm4b:s12+s4], $0x100, $0x38;
	[tilespmem:$0x1DC00] =	vst v63  }
0x105: {  	_ =	swait.ge [sflag:s14], $0x100  }
0x106: {  	[sflag:s14] =	ssyncset.done $0x0  }
0x107: {  	[sflag:s14] =	ssyncadd.s32 $0xFFFFFF00  }
0x108: {  	[tilespmem:s23], [sflag:$0x2] =	stream.indirect.gather [hbm4b:s5+s17], $0x20, s21, s17, $0xb8;
	[tilespmem:$0x1DC00] =	vst v63  }
0x109: {  	_ = 	snop  }
0x10a: {  	[tilespmem:s26], [sflag:$0x2] =	stream.indirect.gather [hbm4b:s5+s17], $0x20, s24, s17, $0xb8;
	[tilespmem:$0x1DC00] =	vst v63  }
0x10b: {  	_ =	swait.ge [sflag:s28], $0x1000  }
0x10c: {  	[sflag:s28] =	ssyncset.done $0x0  }
0x10d: {  	[sflag:s28] =	ssyncadd.s32 $0xFFFFF000  }
0x10e: {  	_ =	swait.ge [sflag:s28], $0x1000  }
0x10f: {  	[sflag:s28] =	ssyncset.done $0x0  }
0x110: {  	[sflag:s28] =	ssyncadd.s32 $0xFFFFF000  }
0x111: {  	[spmem:s2] =	stream.indirect.scatter.add.f32 [tilespmem:s18], [sflag:$0x3], $0x20, s16, s17, $0xb8;
	[tilespmem:$0x1DC00] =	vst v63  }
0x112: {  	_ =	swait.ge [sflag:s14], $0x1000  }
0x113: {  	[sflag:s14] =	ssyncset.done $0x0  }
0x114: {  	[sflag:s14] =	ssyncadd.s32 $0xFFFFF000  }
0x115: {  	[spmem:s2] =	stream.indirect.scatter.add.f32 [tilespmem:s20], [sflag:$0x3], $0x20, s29, s17, $0xb8;
	[tilespmem:$0x1DC00] =	vst v63  }
0x116: {  	_ =	swait.ge [sflag:s14], $0x1000  }
0x117: {  	[sflag:s14] =	ssyncset.done $0x0  }
0x118: {  	s25 =	sadd.s32 $0x1880, s10;
	[sflag:s14] =	ssyncadd.s32 $0xFFFFF000  }
0x119: {  	[tilespmem:s15], [sflag:$0x3] =	stream.linear.gather [hbm4b:s25+s4], $0x100, $0x38;
	[tilespmem:$0x1DC00] =	vst v63  }
0x11a: {  	_ =	swait.ge [sflag:s14], $0x100  }
0x11b: {  	[sflag:s14] =	ssyncset.done $0x0  }
0x11c: {  	s3 =	sadd.s32 $0x1880, s3;
	[sflag:s14] =	ssyncadd.s32 $0xFFFFFF00  }
0x11d: {  	[tilespmem:s16], [sflag:$0x3] =	stream.linear.gather [hbm4b:s3+s4], $0x100, $0x38;
	[tilespmem:$0x1DC00] =	vst v63  }
0x11e: {  	_ =	swait.ge [sflag:s14], $0x100  }
0x11f: {  	[sflag:s14] =	ssyncset.done $0x0  }
0x120: {  	[sflag:s14] =	ssyncadd.s32 $0xFFFFFF00  }
0x121: {  	[tilespmem:s18], [sflag:$0x1] =	stream.indirect.gather [hbm4b:s5+s17], $0x20, s15, s17, $0xb8;
	[tilespmem:$0x1DC00] =	vst v63  }
0x122: {  	_ = 	snop  }
0x123: {  	[tilespmem:s20], [sflag:$0x1] =	stream.indirect.gather [hbm4b:s5+s17], $0x20, s19, s17, $0xb8;
	[tilespmem:$0x1DC00] =	vst v63  }
0x124: {  	_ =	swait.ge [sflag:s30], $0x1000  }
0x125: {  	[sflag:s30] =	ssyncset.done $0x0  }
0x126: {  	[sflag:s30] =	ssyncadd.s32 $0xFFFFF000  }
0x127: {  	_ =	swait.ge [sflag:s30], $0x1000  }
0x128: {  	[sflag:s30] =	ssyncset.done $0x0  }
0x129: {  	[sflag:s30] =	ssyncadd.s32 $0xFFFFF000  }
0x12a: {  	[spmem:s2] =	stream.indirect.scatter.add.f32 [tilespmem:s23], [sflag:$0x3], $0x20, s22, s17, $0xb8;
	[tilespmem:$0x1DC00] =	vst v63  }
0x12b: {  	_ =	swait.ge [sflag:s14], $0x1000  }
0x12c: {  	[sflag:s14] =	ssyncset.done $0x0  }
.Ltmp6:
0x12d: {  	[sflag:s14] =	ssyncadd.s32 $0xFFFFF000;
	(pc) =	sbr.rel .LBB2_12-.Ltmp6, $4  }
0x12e: {  	[spmem:s2] =	stream.indirect.scatter.add.f32 [tilespmem:s26], [sflag:$0x3], $0x20, s31, s17, $0xb8;
	[tilespmem:$0x1DC00] =	vst v63  }
0x12f: {  	_ =	swait.ge [sflag:s14], $0x1000  }
0x130: {  	[sflag:s14] =	ssyncset.done $0x0  }
0x131: {  	s3 =	smov.u32 s5;
	[sflag:s14] =	ssyncadd.s32 $0xFFFFF000  }
.LBB2_6:
0x132: {  	[tilespmem:s18], [sflag:$0x1] =	stream.indirect.gather [hbm4b:s1+s17], $0x20, s15, s17, $0xb8;
	[tilespmem:$0x1DC00] =	vst v63  }
0x133: {  	s3 =	sadd.s32 $0xFFFFE7C0, s7  }
0x134: {  	[tilespmem:s20], [sflag:$0x1] =	stream.indirect.gather [hbm4b:s1+s17], $0x20, s19, s17, $0xb8;
	[tilespmem:$0x1DC00] =	vst v63  }
0x135: {  	s9 =	sadd.s32 $0x1860, s3  }
0x136: {  	[tilespmem:s21], [sflag:$0x3] =	stream.linear.gather [hbm4b:s9+s4], $0x100, $0x38;
	[tilespmem:$0x1DC00] =	vst v63  }
0x137: {  	_ =	swait.ge [sflag:s14], $0x100  }
0x138: {  	s12 =	sadd.s32 $0xFFFFE7C0, s8;
	[sflag:s14] =	ssyncset.done $0x0  }
0x139: {  	s10 =	sadd.s32 $0x1860, s12;
	[sflag:s14] =	ssyncadd.s32 $0xFFFFFF00  }
0x13a: {  	[tilespmem:s22], [sflag:$0x3] =	stream.linear.gather [hbm4b:s10+s4], $0x100, $0x38;
	[tilespmem:$0x1DC00] =	vst v63  }
0x13b: {  	_ =	swait.ge [sflag:s14], $0x100  }
0x13c: {  	[sflag:s14] =	ssyncset.done $0x0  }
0x13d: {  	[sflag:s14] =	ssyncadd.s32 $0xFFFFFF00  }
0x13e: {  	[tilespmem:s23], [sflag:$0x2] =	stream.indirect.gather [hbm4b:s1+s17], $0x20, s21, s17, $0xb8;
	[tilespmem:$0x1DC00] =	vst v63  }
0x13f: {  	_ = 	snop  }
0x140: {  	[tilespmem:s26], [sflag:$0x2] =	stream.indirect.gather [hbm4b:s1+s17], $0x20, s24, s17, $0xb8;
	[tilespmem:$0x1DC00] =	vst v63  }
0x141: {  	_ =	swait.ge [sflag:s28], $0x1000  }
0x142: {  	[sflag:s28] =	ssyncset.done $0x0  }
0x143: {  	[sflag:s28] =	ssyncadd.s32 $0xFFFFF000  }
0x144: {  	_ =	swait.ge [sflag:s28], $0x1000  }
0x145: {  	[sflag:s28] =	ssyncset.done $0x0  }
0x146: {  	[sflag:s28] =	ssyncadd.s32 $0xFFFFF000  }
0x147: {  	[spmem:s2] =	stream.indirect.scatter.add.f32 [tilespmem:s18], [sflag:$0x3], $0x20, s16, s17, $0xb8;
	[tilespmem:$0x1DC00] =	vst v63  }
0x148: {  	_ =	swait.ge [sflag:s14], $0x1000  }
0x149: {  	[sflag:s14] =	ssyncset.done $0x0  }
0x14a: {  	[sflag:s14] =	ssyncadd.s32 $0xFFFFF000  }
0x14b: {  	[spmem:s2] =	stream.indirect.scatter.add.f32 [tilespmem:s20], [sflag:$0x3], $0x20, s29, s17, $0xb8;
	[tilespmem:$0x1DC00] =	vst v63  }
0x14c: {  	_ =	swait.ge [sflag:s14], $0x1000  }
0x14d: {  	[sflag:s14] =	ssyncset.done $0x0  }
0x14e: {  	s3 =	sadd.s32 $0x1880, s3;
	[sflag:s14] =	ssyncadd.s32 $0xFFFFF000  }
0x14f: {  	[tilespmem:s15], [sflag:$0x3] =	stream.linear.gather [hbm4b:s3+s4], $0x100, $0x38;
	[tilespmem:$0x1DC00] =	vst v63  }
0x150: {  	_ =	swait.ge [sflag:s14], $0x100  }
0x151: {  	[sflag:s14] =	ssyncset.done $0x0  }
0x152: {  	s25 =	sadd.s32 $0x1880, s12;
	[sflag:s14] =	ssyncadd.s32 $0xFFFFFF00  }
0x153: {  	[tilespmem:s16], [sflag:$0x3] =	stream.linear.gather [hbm4b:s25+s4], $0x100, $0x38;
	[tilespmem:$0x1DC00] =	vst v63  }
0x154: {  	_ =	swait.ge [sflag:s14], $0x100  }
0x155: {  	[sflag:s14] =	ssyncset.done $0x0  }
0x156: {  	[sflag:s14] =	ssyncadd.s32 $0xFFFFFF00  }
0x157: {  	[tilespmem:s18], [sflag:$0x1] =	stream.indirect.gather [hbm4b:s1+s17], $0x20, s15, s17, $0xb8;
	[tilespmem:$0x1DC00] =	vst v63  }
0x158: {  	_ = 	snop  }
0x159: {  	[tilespmem:s20], [sflag:$0x1] =	stream.indirect.gather [hbm4b:s1+s17], $0x20, s19, s17, $0xb8;
	[tilespmem:$0x1DC00] =	vst v63  }
0x15a: {  	_ =	swait.ge [sflag:s30], $0x1000  }
0x15b: {  	[sflag:s30] =	ssyncset.done $0x0  }
0x15c: {  	[sflag:s30] =	ssyncadd.s32 $0xFFFFF000  }
0x15d: {  	_ =	swait.ge [sflag:s30], $0x1000  }
0x15e: {  	[sflag:s30] =	ssyncset.done $0x0  }
0x15f: {  	[sflag:s30] =	ssyncadd.s32 $0xFFFFF000  }
0x160: {  	[spmem:s2] =	stream.indirect.scatter.add.f32 [tilespmem:s23], [sflag:$0x3], $0x20, s22, s17, $0xb8;
	[tilespmem:$0x1DC00] =	vst v63  }
0x161: {  	_ =	swait.ge [sflag:s14], $0x1000  }
0x162: {  	[sflag:s14] =	ssyncset.done $0x0  }
0x163: {  	[sflag:s14] =	ssyncadd.s32 $0xFFFFF000  }
0x164: {  	[spmem:s2] =	stream.indirect.scatter.add.f32 [tilespmem:s26], [sflag:$0x3], $0x20, s31, s17, $0xb8;
	[tilespmem:$0x1DC00] =	vst v63  }
0x165: {  	s9 =	simm.s32 $0xFFFFE840;
	_ =	swait.ge [sflag:s14], $0x1000  }
0x166: {  	s10 =	sadd.s32 $0xFFFFE800, s7;
	s3 =	simm.s32 $0xFFFFE800;
	[sflag:s14] =	ssyncset.done $0x0  }
.LBB2_7:
0x167: {  	s12 =	sadd.s32 $0x1860, s10  }
0x168: {  	[sflag:s14] =	ssyncadd.s32 $0xFFFFF000;
	s25 =	smov.u32 s9;
	s11 =	sadd.s32 $0x40, s9  }
0x169: {  	[tilespmem:s21], [sflag:$0x3] =	stream.linear.gather [hbm4b:s12+s4], $0x100, $0x38;
	[tilespmem:$0x1DC00] =	vst v63  }
0x16a: {  	p1 =	seq.s32 s9, $0xFFFFFFC0;
	_ =	swait.ge [sflag:s14], $0x100  }
0x16b: {  	s9 =	sadd.s32 s3, s8;
	s3 =	smov.u32 s25;
	[sflag:s14] =	ssyncset.done $0x0  }
0x16c: {  	s12 =	sadd.s32 $0x1860, s9;
	[sflag:s14] =	ssyncadd.s32 $0xFFFFFF00  }
0x16d: {  	[tilespmem:s22], [sflag:$0x3] =	stream.linear.gather [hbm4b:s12+s4], $0x100, $0x38;
	[tilespmem:$0x1DC00] =	vst v63  }
0x16e: {  	_ =	swait.ge [sflag:s14], $0x100  }
0x16f: {  	[sflag:s14] =	ssyncset.done $0x0  }
0x170: {  	[sflag:s14] =	ssyncadd.s32 $0xFFFFFF00  }
0x171: {  	[tilespmem:s23], [sflag:$0x2] =	stream.indirect.gather [hbm4b:s1+s17], $0x20, s21, s17, $0xb8;
	[tilespmem:$0x1DC00] =	vst v63  }
0x172: {  	_ = 	snop  }
0x173: {  	[tilespmem:s26], [sflag:$0x2] =	stream.indirect.gather [hbm4b:s1+s17], $0x20, s24, s17, $0xb8;
	[tilespmem:$0x1DC00] =	vst v63  }
0x174: {  	_ =	swait.ge [sflag:s28], $0x1000  }
0x175: {  	[sflag:s28] =	ssyncset.done $0x0  }
0x176: {  	[sflag:s28] =	ssyncadd.s32 $0xFFFFF000  }
0x177: {  	_ =	swait.ge [sflag:s28], $0x1000  }
0x178: {  	[sflag:s28] =	ssyncset.done $0x0  }
0x179: {  	[sflag:s28] =	ssyncadd.s32 $0xFFFFF000  }
0x17a: {  	[spmem:s2] =	stream.indirect.scatter.add.f32 [tilespmem:s18], [sflag:$0x3], $0x20, s16, s17, $0xb8;
	[tilespmem:$0x1DC00] =	vst v63  }
0x17b: {  	_ =	swait.ge [sflag:s14], $0x1000  }
0x17c: {  	[sflag:s14] =	ssyncset.done $0x0  }
0x17d: {  	[sflag:s14] =	ssyncadd.s32 $0xFFFFF000  }
0x17e: {  	[spmem:s2] =	stream.indirect.scatter.add.f32 [tilespmem:s20], [sflag:$0x3], $0x20, s29, s17, $0xb8;
	[tilespmem:$0x1DC00] =	vst v63  }
0x17f: {  	_ =	swait.ge [sflag:s14], $0x1000  }
0x180: {  	[sflag:s14] =	ssyncset.done $0x0  }
0x181: {  	s10 =	sadd.s32 $0x1880, s10;
	[sflag:s14] =	ssyncadd.s32 $0xFFFFF000  }
0x182: {  	[tilespmem:s15], [sflag:$0x3] =	stream.linear.gather [hbm4b:s10+s4], $0x100, $0x38;
	[tilespmem:$0x1DC00] =	vst v63  }
0x183: {  	_ =	swait.ge [sflag:s14], $0x100  }
0x184: {  	[sflag:s14] =	ssyncset.done $0x0  }
0x185: {  	s9 =	sadd.s32 $0x1880, s9;
	[sflag:s14] =	ssyncadd.s32 $0xFFFFFF00  }
0x186: {  	[tilespmem:s16], [sflag:$0x3] =	stream.linear.gather [hbm4b:s9+s4], $0x100, $0x38;
	[tilespmem:$0x1DC00] =	vst v63  }
0x187: {  	_ =	swait.ge [sflag:s14], $0x100  }
0x188: {  	[sflag:s14] =	ssyncset.done $0x0  }
0x189: {  	[sflag:s14] =	ssyncadd.s32 $0xFFFFFF00  }
0x18a: {  	[tilespmem:s18], [sflag:$0x1] =	stream.indirect.gather [hbm4b:s1+s17], $0x20, s15, s17, $0xb8;
	[tilespmem:$0x1DC00] =	vst v63  }
0x18b: {  	_ = 	snop  }
0x18c: {  	[tilespmem:s20], [sflag:$0x1] =	stream.indirect.gather [hbm4b:s1+s17], $0x20, s19, s17, $0xb8;
	[tilespmem:$0x1DC00] =	vst v63  }
0x18d: {  	_ =	swait.ge [sflag:s30], $0x1000  }
0x18e: {  	[sflag:s30] =	ssyncset.done $0x0  }
0x18f: {  	[sflag:s30] =	ssyncadd.s32 $0xFFFFF000  }
0x190: {  	_ =	swait.ge [sflag:s30], $0x1000  }
0x191: {  	[sflag:s30] =	ssyncset.done $0x0  }
0x192: {  	[sflag:s30] =	ssyncadd.s32 $0xFFFFF000  }
0x193: {  	[spmem:s2] =	stream.indirect.scatter.add.f32 [tilespmem:s23], [sflag:$0x3], $0x20, s22, s17, $0xb8;
	[tilespmem:$0x1DC00] =	vst v63  }
0x194: {  	_ =	swait.ge [sflag:s14], $0x1000  }
.Ltmp7:
0x195: {  	[sflag:s14] =	ssyncset.done $0x0;
	(pc) =	sbr.rel @!p1 .LBB2_7-.Ltmp7, $4  }
0x196: {  	[sflag:s14] =	ssyncadd.s32 $0xFFFFF000  }
0x197: {  	[spmem:s2] =	stream.indirect.scatter.add.f32 [tilespmem:s26], [sflag:$0x3], $0x20, s31, s17, $0xb8;
	[tilespmem:$0x1DC00] =	vst v63  }
0x198: {  	_ =	swait.ge [sflag:s14], $0x1000  }
0x199: {  	s10 =	sadd.s32 s3, s7;
	s9 =	smov.u32 s11;
	[sflag:s14] =	ssyncset.done $0x0  }
.Ltmp8:
0x19a: {  	_ = 	snop;
	(pc) =	sbr.rel .LBB2_8-.Ltmp8, $1  }
0x19b: {  	_ =	sdelay $0x3  }
.LBB2_13:
0x19c: {  	_ =	sfence.sel $0x180000  }
0x19d: {  	[bflag:$0x0] =	sbarrier.arrive $0xFFFF  }
0x19e: {  	_ =	strace $0x9000004A  }
0x19f: {  	s0 =	stileid.u32;
	[bflag:$0x2] =	sbarrier.arrive $0xFFFF  }
0x1a0: {  	p0 =	sne.s32 s0, $0x0;
	s0 =	rddreg [dreg:$0x3]  }
0x1a1: {  	s0 =	sadd.s32 @!p0 $0x100000, s0  }
0x1a2: {  	[sflag:s0] =	ssyncadd.tile.s32 @!p0 $0x1;
	_ =	shalt  }
.Lfunc_end2:
_tile_overlayer_lowered:
.L_overlay_start_2:
0x1a3: {  	(tag) =	ssettag $0x2  }
0x1a4: {  	s0 =	rddreg [dreg:$0x0];
	s2 =	stileid.u32  }
0x1a5: {  	s1 =	rddreg [dreg:$0x1];
	p0 =	sne.s32 s2, $0x0  }
0x1a6: {  	s3 =	rddreg [dreg:$0x2];
	[bflag:$0x3] =	sbarrier.arrive $0xFFFF;
	s2 =	simm.s32 @!p0 $0x1C03  }
0x1a7: {  	[timem:s3], [sflag:s2] =	dma.local @!p0 [hbm:s0], s1  }
0x1a8: {  	s0 =	simm.s32 @!p0 $0x3  }
0x1a9: {  	_ =	swait.ge @!p0 [sflag:s0], s1  }
0x1aa: {  	s1 =	ssub.s32 @!p0 $0x0, s1;
	[sflag:s0] =	ssyncset.done @!p0 $0x0  }
0x1ab: {  	[sflag:s0] =	ssyncadd.s32 @!p0 s1  }
0x1ac: {  	[bflag:$0x3] =	sbarrier.arrive $0xFFFF  }
0x1ad: {  	_ =	shalt  }

</sc_bundles>
